<compile_context>
chip_gen: v7x
topology: tpu7x:2x2x1
jax: 0.10.2.dev20260603
libtpu: 0.0.44.dev20260713+nightly
codegen_flags: <defaults>
</compile_context>

<pallas_src>
import functools

import jax
import jax.numpy as jnp
from jax import lax
from jax.experimental import pallas as pl
from jax.experimental.pallas import tpu as pltpu
from jax.experimental.pallas import tpu_sc as plsc

VOCAB = 1000000
EMBED = 64
OUT = 4
OUTP = 16
SEQ = 200
BATCH = 4096

NC = 2
NS = 16
NW = NC * NS
BPW = BATCH // NW
RING = 8
LEAD = 6
INV_SEQ = 1.0 / SEQ

VB = 32768

_mesh = plsc.VectorSubcoreMesh(
    core_axis_name="c", subcore_axis_name="s", num_cores=NC, num_subcores=NS
)


NSTEP = (VOCAB + VB - 1) // VB
VB8 = VB // 8


def _proj_body(tcm_ref, w_ref, b_ref, o_ref):
    pt = lax.dot_general(
        w_ref[...], tcm_ref[...],
        dimension_numbers=(((0,), (0,)), ((), ())),
        preferred_element_type=jnp.float32,
    )
    cat = jnp.concatenate(
        [pt[:, a * VB8:(a + 1) * VB8] for a in range(8)], axis=0
    )
    o_ref[...] = cat.T * INV_SEQ + b_ref[...]


_proj = pl.pallas_call(
    _proj_body,
    grid=(NSTEP,),
    in_specs=[
        pl.BlockSpec((EMBED, VB), lambda i: (0, i)),
        pl.BlockSpec((EMBED, OUTP), lambda i: (0, 0)),
        pl.BlockSpec((1, 8 * OUTP), lambda i: (0, 0)),
    ],
    out_specs=pl.BlockSpec((VB8, 8 * OUTP), lambda i: (i, 0)),
    out_shape=jax.ShapeDtypeStruct((NSTEP * VB8, 8 * OUTP), jnp.float32),
)


@functools.partial(
    pl.kernel,
    out_type=jax.ShapeDtypeStruct((BATCH, OUTP), jnp.float32),
    mesh=_mesh,
    scratch_types=[
        pltpu.VMEM((SEQ, BPW), jnp.int32),
        pltpu.VMEM((RING, BPW, OUTP), jnp.float32),
        pltpu.VMEM((BPW, OUTP), jnp.float32),
        pltpu.SemaphoreType.DMA((RING,)),
    ],
    compiler_params=pltpu.CompilerParams(use_tc_tiling_on_sc=False),
)
def _pool_kernel(text_hbm, proj_hbm, out_hbm, idx_v, rows_v,
                 pooled_v, gsem):
    wid = lax.axis_index("s") * NC + lax.axis_index("c")
    bbase = wid * BPW

    pltpu.sync_copy(text_hbm.at[:, pl.ds(bbase, BPW)], idx_v)
    zeros = jnp.zeros((16,), jnp.float32)

    def zbody(j, c):
        for u in range(4):
            pooled_v[4 * j + u, :] = zeros
        return c

    lax.fori_loop(0, BPW // 4, zbody, 0)

    def transform_row(s):
        for g in range(BPW // 16):
            v = idx_v[s, pl.ds(16 * g, 16)]
            t = (v & -VB) + ((v & (VB8 - 1)) << 3) + ((v >> 12) & 7)
            idx_v[s, pl.ds(16 * g, 16)] = t

    def gather(s, k):
        pltpu.async_copy(proj_hbm.at[idx_v.at[s]], rows_v.at[k], gsem.at[k])

    def gather_wait(k):
        pltpu.make_async_copy(
            proj_hbm.at[idx_v.at[0]], rows_v.at[k], gsem.at[k]
        ).wait()

    def accumulate(k):
        def jbody(j, c):
            for u in range(8):
                r = 8 * j + u
                plsc.addupdate(pooled_v.at[r], rows_v[k, r, :])
            return c

        lax.fori_loop(0, BPW // 8, jbody, 0)

    for k in range(LEAD):
        transform_row(k)
        gather(k, k)

    def body(i, carry):
        for k in range(RING):
            s = RING * i + k
            gather_wait(k)
            kp = (k + LEAD) % RING

            @pl.when(s + LEAD < SEQ)
            def _():
                transform_row(s + LEAD)
                gather(s + LEAD, kp)

            accumulate(k)

        return carry

    lax.fori_loop(0, SEQ // RING, body, 0)

    pltpu.sync_copy(pooled_v, out_hbm.at[pl.ds(bbase, BPW)])


def kernel(text, emb_table, fc_w, fc_b):
    w_pad = jnp.pad(fc_w, ((0, 0), (0, OUTP - OUT)))
    b_pad = jnp.tile(
        jnp.pad(fc_b, (0, OUTP - OUT)) * INV_SEQ, 8
    ).reshape(1, 8 * OUTP)
    packed = _proj(emb_table.T, w_pad, b_pad)
    projected = packed.reshape(NSTEP * VB8 * 8, OUTP)
    return _pool_kernel(text.astype(jnp.int32), projected)[:, :OUT]

# --- scband reference (transcript-rebuilt; emitter-appended) ---
"""Pipeline reference for scband-text-classification-model-56143812493602 (READ-ONLY COPY).

The authoritative reference and input builder live on the scoring server;
editing this copy changes nothing except your own understanding.
"""

import jax, jax.numpy as jnp
import numpy as np

VOCAB = 1000000
EMBED = 64
OUT = 4
SEQ = 200
BATCH = 4096


def setup_inputs(seed: int = 0) -> dict:
    key = jax.random.key(seed)
    k1, k2, k3, k4 = jax.random.split(key, 4)
    text = jax.random.randint(k1, (SEQ, BATCH), 0, VOCAB, dtype=jnp.int64 if jax.config.jax_enable_x64 else jnp.int32)
    emb_table = jax.random.normal(k2, (VOCAB, EMBED), dtype=jnp.float32) * 0.02
    fc_w = jax.random.normal(k3, (EMBED, OUT), dtype=jnp.float32) * (1.0 / np.sqrt(EMBED))
    fc_b = jax.random.normal(k4, (OUT,), dtype=jnp.float32) * 0.01
    return {"text": text, "emb_table": emb_table, "fc_w": fc_w, "fc_b": fc_b}


def reference(text, emb_table, fc_w, fc_b):
    # embedding lookup: [seq, batch] -> [seq, batch, embed]
    embedded = jnp.take(emb_table, text, axis=0)
    # permute(1, 0, 2): [batch, seq, embed]
    embedded = jnp.transpose(embedded, (1, 0, 2))
    # avg_pool2d over (seq, 1) == mean over seq dim -> [batch, embed]
    pooled = jnp.mean(embedded, axis=1)
    # linear layer
    return pooled @ fc_w + fc_b

if __name__ == "__main__":
    import jax
    _d = setup_inputs()
    print(jax.jit(kernel)(*tuple(_d.values())))

</pallas_src>

<mosaic_0001>
#map = affine_map<(d0, d1) -> (0, 0)>
module attributes {stable_mosaic.version = 14 : i64} {
  func.func @_pool_kernel(%arg0: i32, %arg1: i32, %arg2: memref<200x4096xi32, #tpu.memory_space<hbm>>, %arg3: memref<1015808x16xf32, #tpu.memory_space<hbm>>, %arg4: memref<4096x16xf32, #tpu.memory_space<hbm>>, %arg5: memref<200x128xi32, #tpu.memory_space<vmem>>, %arg6: memref<8x128x16xf32, #tpu.memory_space<vmem>>, %arg7: memref<128x16xf32, #tpu.memory_space<vmem>>, %arg8: memref<8x!tpu.dma_semaphore, #tpu.memory_space<semaphore_mem>>) attributes {dimension_semantics = [#tpu.dimension_semantics<core_parallel>, #tpu.dimension_semantics<subcore_parallel>], iteration_bounds = array<i64: 2, 16>, scalar_prefetch = 0 : i64, scratch_operands = 4 : i64, tpu.core_type = #tpu.core_type<sc_vector_subcore>, window_params = [{transform_indices = #map}, {transform_indices = #map}, {transform_indices = #map}]} {
    %mul3A = arith.constant 2 : i32
    %mul3A_0 = arith.muli %arg1, %mul3A : i32
    %add3A = arith.addi %mul3A_0, %arg0 : i32
    %mul3A_1 = arith.constant 128 : i32
    %mul3A_2 = arith.muli %add3A, %mul3A_1 : i32
    "tpu.region"() ({
      %run_scoped3A = tpu.sem_alloc : memref<!tpu.dma_semaphore, #tpu.memory_space<semaphore_mem>>
      %dma_start3A_1443 = arith.constant 0 : i32
      %dma_start3A_1444 = tpu.memref_slice %arg2[%dma_start3A_1443, %mul3A_2] : memref<200x4096xi32, #tpu.memory_space<hbm>> -> memref<200x128xi32, #tpu.memory_space<hbm>>
      %dma_start3A_1445 = arith.constant 0 : i32
      %dma_start3A_1446 = tpu.memref_slice %arg2[%dma_start3A_1445, %mul3A_2] : memref<200x4096xi32, #tpu.memory_space<hbm>> -> memref<200x128xi32, #tpu.memory_space<hbm>>
      tpu.enqueue_dma source(%dma_start3A_1446 : memref<200x128xi32, #tpu.memory_space<hbm>>) target(%arg5 : memref<200x128xi32, #tpu.memory_space<vmem>>) target_semaphore(%run_scoped3A : memref<!tpu.dma_semaphore, #tpu.memory_space<semaphore_mem>>)
      %dma_wait3A = arith.constant 0 : i32
      %dma_wait3A_1447 = tpu.memref_slice %arg2[%dma_wait3A, %mul3A_2] : memref<200x4096xi32, #tpu.memory_space<hbm>> -> memref<200x128xi32, #tpu.memory_space<hbm>>
      %dma_wait3A_1448 = arith.constant 0 : i32
      %dma_wait3A_1449 = tpu.memref_slice %arg2[%dma_wait3A_1448, %mul3A_2] : memref<200x4096xi32, #tpu.memory_space<hbm>> -> memref<200x128xi32, #tpu.memory_space<hbm>>
      tpu.wait_dma2 semaphore(%run_scoped3A : memref<!tpu.dma_semaphore, #tpu.memory_space<semaphore_mem>>) src(%dma_wait3A_1449 : memref<200x128xi32, #tpu.memory_space<hbm>>) dst(%arg5 : memref<200x128xi32, #tpu.memory_space<vmem>>)
      tpu.yield
    }) : () -> ()
    %broadcast_in_dim3A = arith.constant 0.000000e+00 : f32
    %broadcast_in_dim3A_3 = vector.broadcast %broadcast_in_dim3A : f32 to vector<16xf32>
    %scan3A = arith.constant 0 : i32
    %scan3A_4 = arith.constant 0 : i32
    %scan3A_5 = arith.constant 32 : i32
    %scan3A_6 = arith.addi %scan3A_4, %scan3A_5 : i32
    %scan3A_7 = arith.constant 1 : i32
    scf.for %scan3A_1443 = %scan3A_4 to %scan3A_6 step %scan3A_7  : i32 {
      %mul3A_1444 = arith.constant 4 : i32
      %mul3A_1445 = arith.muli %mul3A_1444, %scan3A_1443 : i32
      %add3A_1446 = arith.constant 0 : i32
      %add3A_1447 = arith.addi %mul3A_1445, %add3A_1446 : i32
      %swap3A_1448 = arith.index_cast %add3A_1447 : i32 to index
      %swap3A_1449 = arith.constant 0 : index
      %swap3A_1450 = tpu.vector_load %arg7[%swap3A_1448, %swap3A_1449] {strides = array<i32>} : memref<128x16xf32, #tpu.memory_space<vmem>>, vector<1x16xf32>,
      %swap3A_1451 = vector.shape_cast %swap3A_1450 : vector<1x16xf32> to vector<16xf32>
      %swap3A_1452 = vector.shape_cast %broadcast_in_dim3A_3 : vector<16xf32> to vector<1x16xf32>
      tpu.vector_store %arg7[%swap3A_1448, %swap3A_1449], %swap3A_1452 {strides = array<i32>} : memref<128x16xf32, #tpu.memory_space<vmem>>, vector<1x16xf32>,
      %mul3A_1453 = arith.constant 4 : i32
      %mul3A_1454 = arith.muli %mul3A_1453, %scan3A_1443 : i32
      %add3A_1455 = arith.constant 1 : i32
      %add3A_1456 = arith.addi %mul3A_1454, %add3A_1455 : i32
      %swap3A_1457 = arith.index_cast %add3A_1456 : i32 to index
      %swap3A_1458 = arith.constant 0 : index
      %swap3A_1459 = tpu.vector_load %arg7[%swap3A_1457, %swap3A_1458] {strides = array<i32>} : memref<128x16xf32, #tpu.memory_space<vmem>>, vector<1x16xf32>,
      %swap3A_1460 = vector.shape_cast %swap3A_1459 : vector<1x16xf32> to vector<16xf32>
      %swap3A_1461 = vector.shape_cast %broadcast_in_dim3A_3 : vector<16xf32> to vector<1x16xf32>
      tpu.vector_store %arg7[%swap3A_1457, %swap3A_1458], %swap3A_1461 {strides = array<i32>} : memref<128x16xf32, #tpu.memory_space<vmem>>, vector<1x16xf32>,
      %mul3A_1462 = arith.constant 4 : i32
      %mul3A_1463 = arith.muli %mul3A_1462, %scan3A_1443 : i32
      %add3A_1464 = arith.constant 2 : i32
      %add3A_1465 = arith.addi %mul3A_1463, %add3A_1464 : i32
      %swap3A_1466 = arith.index_cast %add3A_1465 : i32 to index
      %swap3A_1467 = arith.constant 0 : index
      %swap3A_1468 = tpu.vector_load %arg7[%swap3A_1466, %swap3A_1467] {strides = array<i32>} : memref<128x16xf32, #tpu.memory_space<vmem>>, vector<1x16xf32>,
      %swap3A_1469 = vector.shape_cast %swap3A_1468 : vector<1x16xf32> to vector<16xf32>
      %swap3A_1470 = vector.shape_cast %broadcast_in_dim3A_3 : vector<16xf32> to vector<1x16xf32>
      tpu.vector_store %arg7[%swap3A_1466, %swap3A_1467], %swap3A_1470 {strides = array<i32>} : memref<128x16xf32, #tpu.memory_space<vmem>>, vector<1x16xf32>,
      %mul3A_1471 = arith.constant 4 : i32
      %mul3A_1472 = arith.muli %mul3A_1471, %scan3A_1443 : i32
      %add3A_1473 = arith.constant 3 : i32
      %add3A_1474 = arith.addi %mul3A_1472, %add3A_1473 : i32
      %swap3A_1475 = arith.index_cast %add3A_1474 : i32 to index
      %swap3A_1476 = arith.constant 0 : index
      %swap3A_1477 = tpu.vector_load %arg7[%swap3A_1475, %swap3A_1476] {strides = array<i32>} : memref<128x16xf32, #tpu.memory_space<vmem>>, vector<1x16xf32>,
      %swap3A_1478 = vector.shape_cast %swap3A_1477 : vector<1x16xf32> to vector<16xf32>
      %swap3A_1479 = vector.shape_cast %broadcast_in_dim3A_3 : vector<16xf32> to vector<1x16xf32>
      tpu.vector_store %arg7[%swap3A_1475, %swap3A_1476], %swap3A_1479 {strides = array<i32>} : memref<128x16xf32, #tpu.memory_space<vmem>>, vector<1x16xf32>,
    }
    %scan3A_8 = arith.constant 32 : i32
    %get3A = arith.constant 0 : i32
    %get3A_9 = arith.index_cast %get3A : i32 to index
    %get3A_10 = arith.constant 0 : index
    %get3A_11 = tpu.vector_load %arg5[%get3A_9, %get3A_10] {strides = array<i32>} : memref<200x128xi32, #tpu.memory_space<vmem>>, vector<1x16xi32>,
    %get3A_12 = vector.shape_cast %get3A_11 : vector<1x16xi32> to vector<16xi32>
    %and3A = arith.constant -32768 : i32
    %and3A_13 = vector.broadcast %and3A : i32 to vector<16xi32>
    %and3A_14 = arith.andi %get3A_12, %and3A_13 : vector<16xi32>
    %and3A_15 = arith.constant 4095 : i32
    %and3A_16 = vector.broadcast %and3A_15 : i32 to vector<16xi32>
    %and3A_17 = arith.andi %get3A_12, %and3A_16 : vector<16xi32>
    %shift_left3A = arith.constant 3 : i32
    %shift_left3A_18 = vector.broadcast %shift_left3A : i32 to vector<16xi32>
    %shift_left3A_19 = arith.shli %and3A_17, %shift_left3A_18 : vector<16xi32>
    %add3A_20 = arith.addi %and3A_14, %shift_left3A_19 : vector<16xi32>
    %shift_right_arithmetic3A = arith.constant 12 : i32
    %shift_right_arithmetic3A_21 = vector.broadcast %shift_right_arithmetic3A : i32 to vector<16xi32>
    %shift_right_arithmetic3A_22 = arith.shrsi %get3A_12, %shift_right_arithmetic3A_21 : vector<16xi32>
    %and3A_23 = arith.constant 7 : i32
    %and3A_24 = vector.broadcast %and3A_23 : i32 to vector<16xi32>
    %and3A_25 = arith.andi %shift_right_arithmetic3A_22, %and3A_24 : vector<16xi32>
    %add3A_26 = arith.addi %add3A_20, %and3A_25 : vector<16xi32>
    %swap3A = arith.constant 0 : i32
    %swap3A_27 = arith.index_cast %swap3A : i32 to index
    %swap3A_28 = arith.constant 0 : index
    %swap3A_29 = tpu.vector_load %arg5[%swap3A_27, %swap3A_28] {strides = array<i32>} : memref<200x128xi32, #tpu.memory_space<vmem>>, vector<1x16xi32>,
    %swap3A_30 = vector.shape_cast %swap3A_29 : vector<1x16xi32> to vector<16xi32>
    %swap3A_31 = vector.shape_cast %add3A_26 : vector<16xi32> to vector<1x16xi32>
    tpu.vector_store %arg5[%swap3A_27, %swap3A_28], %swap3A_31 {strides = array<i32>} : memref<200x128xi32, #tpu.memory_space<vmem>>, vector<1x16xi32>,
    %get3A_32 = arith.constant 0 : i32
    %get3A_33 = arith.index_cast %get3A_32 : i32 to index
    %get3A_34 = arith.constant 16 : index
    %get3A_35 = tpu.vector_load %arg5[%get3A_33, %get3A_34] {strides = array<i32>} : memref<200x128xi32, #tpu.memory_space<vmem>>, vector<1x16xi32>,
    %get3A_36 = vector.shape_cast %get3A_35 : vector<1x16xi32> to vector<16xi32>
    %and3A_37 = arith.constant -32768 : i32
    %and3A_38 = vector.broadcast %and3A_37 : i32 to vector<16xi32>
    %and3A_39 = arith.andi %get3A_36, %and3A_38 : vector<16xi32>
    %and3A_40 = arith.constant 4095 : i32
    %and3A_41 = vector.broadcast %and3A_40 : i32 to vector<16xi32>
    %and3A_42 = arith.andi %get3A_36, %and3A_41 : vector<16xi32>
    %shift_left3A_43 = arith.constant 3 : i32
    %shift_left3A_44 = vector.broadcast %shift_left3A_43 : i32 to vector<16xi32>
    %shift_left3A_45 = arith.shli %and3A_42, %shift_left3A_44 : vector<16xi32>
    %add3A_46 = arith.addi %and3A_39, %shift_left3A_45 : vector<16xi32>
    %shift_right_arithmetic3A_47 = arith.constant 12 : i32
    %shift_right_arithmetic3A_48 = vector.broadcast %shift_right_arithmetic3A_47 : i32 to vector<16xi32>
    %shift_right_arithmetic3A_49 = arith.shrsi %get3A_36, %shift_right_arithmetic3A_48 : vector<16xi32>
    %and3A_50 = arith.constant 7 : i32
    %and3A_51 = vector.broadcast %and3A_50 : i32 to vector<16xi32>
    %and3A_52 = arith.andi %shift_right_arithmetic3A_49, %and3A_51 : vector<16xi32>
    %add3A_53 = arith.addi %add3A_46, %and3A_52 : vector<16xi32>
    %swap3A_54 = arith.constant 0 : i32
    %swap3A_55 = arith.index_cast %swap3A_54 : i32 to index
    %swap3A_56 = arith.constant 16 : index
    %swap3A_57 = tpu.vector_load %arg5[%swap3A_55, %swap3A_56] {strides = array<i32>} : memref<200x128xi32, #tpu.memory_space<vmem>>, vector<1x16xi32>,
    %swap3A_58 = vector.shape_cast %swap3A_57 : vector<1x16xi32> to vector<16xi32>
    %swap3A_59 = vector.shape_cast %add3A_53 : vector<16xi32> to vector<1x16xi32>
    tpu.vector_store %arg5[%swap3A_55, %swap3A_56], %swap3A_59 {strides = array<i32>} : memref<200x128xi32, #tpu.memory_space<vmem>>, vector<1x16xi32>,
    %get3A_60 = arith.constant 0 : i32
    %get3A_61 = arith.index_cast %get3A_60 : i32 to index
    %get3A_62 = arith.constant 32 : index
    %get3A_63 = tpu.vector_load %arg5[%get3A_61, %get3A_62] {strides = array<i32>} : memref<200x128xi32, #tpu.memory_space<vmem>>, vector<1x16xi32>,
    %get3A_64 = vector.shape_cast %get3A_63 : vector<1x16xi32> to vector<16xi32>
    %and3A_65 = arith.constant -32768 : i32
    %and3A_66 = vector.broadcast %and3A_65 : i32 to vector<16xi32>
    %and3A_67 = arith.andi %get3A_64, %and3A_66 : vector<16xi32>
    %and3A_68 = arith.constant 4095 : i32
    %and3A_69 = vector.broadcast %and3A_68 : i32 to vector<16xi32>
    %and3A_70 = arith.andi %get3A_64, %and3A_69 : vector<16xi32>
    %shift_left3A_71 = arith.constant 3 : i32
    %shift_left3A_72 = vector.broadcast %shift_left3A_71 : i32 to vector<16xi32>
    %shift_left3A_73 = arith.shli %and3A_70, %shift_left3A_72 : vector<16xi32>
    %add3A_74 = arith.addi %and3A_67, %shift_left3A_73 : vector<16xi32>
    %shift_right_arithmetic3A_75 = arith.constant 12 : i32
    %shift_right_arithmetic3A_76 = vector.broadcast %shift_right_arithmetic3A_75 : i32 to vector<16xi32>
    %shift_right_arithmetic3A_77 = arith.shrsi %get3A_64, %shift_right_arithmetic3A_76 : vector<16xi32>
    %and3A_78 = arith.constant 7 : i32
    %and3A_79 = vector.broadcast %and3A_78 : i32 to vector<16xi32>
    %and3A_80 = arith.andi %shift_right_arithmetic3A_77, %and3A_79 : vector<16xi32>
    %add3A_81 = arith.addi %add3A_74, %and3A_80 : vector<16xi32>
    %swap3A_82 = arith.constant 0 : i32
    %swap3A_83 = arith.index_cast %swap3A_82 : i32 to index
    %swap3A_84 = arith.constant 32 : index
    %swap3A_85 = tpu.vector_load %arg5[%swap3A_83, %swap3A_84] {strides = array<i32>} : memref<200x128xi32, #tpu.memory_space<vmem>>, vector<1x16xi32>,
    %swap3A_86 = vector.shape_cast %swap3A_85 : vector<1x16xi32> to vector<16xi32>
    %swap3A_87 = vector.shape_cast %add3A_81 : vector<16xi32> to vector<1x16xi32>
    tpu.vector_store %arg5[%swap3A_83, %swap3A_84], %swap3A_87 {strides = array<i32>} : memref<200x128xi32, #tpu.memory_space<vmem>>, vector<1x16xi32>,
    %get3A_88 = arith.constant 0 : i32
    %get3A_89 = arith.index_cast %get3A_88 : i32 to index
    %get3A_90 = arith.constant 48 : index
    %get3A_91 = tpu.vector_load %arg5[%get3A_89, %get3A_90] {strides = array<i32>} : memref<200x128xi32, #tpu.memory_space<vmem>>, vector<1x16xi32>,
    %get3A_92 = vector.shape_cast %get3A_91 : vector<1x16xi32> to vector<16xi32>
    %and3A_93 = arith.constant -32768 : i32
    %and3A_94 = vector.broadcast %and3A_93 : i32 to vector<16xi32>
    %and3A_95 = arith.andi %get3A_92, %and3A_94 : vector<16xi32>
    %and3A_96 = arith.constant 4095 : i32
    %and3A_97 = vector.broadcast %and3A_96 : i32 to vector<16xi32>
    %and3A_98 = arith.andi %get3A_92, %and3A_97 : vector<16xi32>
    %shift_left3A_99 = arith.constant 3 : i32
    %shift_left3A_100 = vector.broadcast %shift_left3A_99 : i32 to vector<16xi32>
    %shift_left3A_101 = arith.shli %and3A_98, %shift_left3A_100 : vector<16xi32>
    %add3A_102 = arith.addi %and3A_95, %shift_left3A_101 : vector<16xi32>
    %shift_right_arithmetic3A_103 = arith.constant 12 : i32
    %shift_right_arithmetic3A_104 = vector.broadcast %shift_right_arithmetic3A_103 : i32 to vector<16xi32>
    %shift_right_arithmetic3A_105 = arith.shrsi %get3A_92, %shift_right_arithmetic3A_104 : vector<16xi32>
    %and3A_106 = arith.constant 7 : i32
    %and3A_107 = vector.broadcast %and3A_106 : i32 to vector<16xi32>
    %and3A_108 = arith.andi %shift_right_arithmetic3A_105, %and3A_107 : vector<16xi32>
    %add3A_109 = arith.addi %add3A_102, %and3A_108 : vector<16xi32>
    %swap3A_110 = arith.constant 0 : i32
    %swap3A_111 = arith.index_cast %swap3A_110 : i32 to index
    %swap3A_112 = arith.constant 48 : index
    %swap3A_113 = tpu.vector_load %arg5[%swap3A_111, %swap3A_112] {strides = array<i32>} : memref<200x128xi32, #tpu.memory_space<vmem>>, vector<1x16xi32>,
    %swap3A_114 = vector.shape_cast %swap3A_113 : vector<1x16xi32> to vector<16xi32>
    %swap3A_115 = vector.shape_cast %add3A_109 : vector<16xi32> to vector<1x16xi32>
    tpu.vector_store %arg5[%swap3A_111, %swap3A_112], %swap3A_115 {strides = array<i32>} : memref<200x128xi32, #tpu.memory_space<vmem>>, vector<1x16xi32>,
    %get3A_116 = arith.constant 0 : i32
    %get3A_117 = arith.index_cast %get3A_116 : i32 to index
    %get3A_118 = arith.constant 64 : index
    %get3A_119 = tpu.vector_load %arg5[%get3A_117, %get3A_118] {strides = array<i32>} : memref<200x128xi32, #tpu.memory_space<vmem>>, vector<1x16xi32>,
    %get3A_120 = vector.shape_cast %get3A_119 : vector<1x16xi32> to vector<16xi32>
    %and3A_121 = arith.constant -32768 : i32
    %and3A_122 = vector.broadcast %and3A_121 : i32 to vector<16xi32>
    %and3A_123 = arith.andi %get3A_120, %and3A_122 : vector<16xi32>
    %and3A_124 = arith.constant 4095 : i32
    %and3A_125 = vector.broadcast %and3A_124 : i32 to vector<16xi32>
    %and3A_126 = arith.andi %get3A_120, %and3A_125 : vector<16xi32>
    %shift_left3A_127 = arith.constant 3 : i32
    %shift_left3A_128 = vector.broadcast %shift_left3A_127 : i32 to vector<16xi32>
    %shift_left3A_129 = arith.shli %and3A_126, %shift_left3A_128 : vector<16xi32>
    %add3A_130 = arith.addi %and3A_123, %shift_left3A_129 : vector<16xi32>
    %shift_right_arithmetic3A_131 = arith.constant 12 : i32
    %shift_right_arithmetic3A_132 = vector.broadcast %shift_right_arithmetic3A_131 : i32 to vector<16xi32>
    %shift_right_arithmetic3A_133 = arith.shrsi %get3A_120, %shift_right_arithmetic3A_132 : vector<16xi32>
    %and3A_134 = arith.constant 7 : i32
    %and3A_135 = vector.broadcast %and3A_134 : i32 to vector<16xi32>
    %and3A_136 = arith.andi %shift_right_arithmetic3A_133, %and3A_135 : vector<16xi32>
    %add3A_137 = arith.addi %add3A_130, %and3A_136 : vector<16xi32>
    %swap3A_138 = arith.constant 0 : i32
    %swap3A_139 = arith.index_cast %swap3A_138 : i32 to index
    %swap3A_140 = arith.constant 64 : index
    %swap3A_141 = tpu.vector_load %arg5[%swap3A_139, %swap3A_140] {strides = array<i32>} : memref<200x128xi32, #tpu.memory_space<vmem>>, vector<1x16xi32>,
    %swap3A_142 = vector.shape_cast %swap3A_141 : vector<1x16xi32> to vector<16xi32>
    %swap3A_143 = vector.shape_cast %add3A_137 : vector<16xi32> to vector<1x16xi32>
    tpu.vector_store %arg5[%swap3A_139, %swap3A_140], %swap3A_143 {strides = array<i32>} : memref<200x128xi32, #tpu.memory_space<vmem>>, vector<1x16xi32>,
    %get3A_144 = arith.constant 0 : i32
    %get3A_145 = arith.index_cast %get3A_144 : i32 to index
    %get3A_146 = arith.constant 80 : index
    %get3A_147 = tpu.vector_load %arg5[%get3A_145, %get3A_146] {strides = array<i32>} : memref<200x128xi32, #tpu.memory_space<vmem>>, vector<1x16xi32>,
    %get3A_148 = vector.shape_cast %get3A_147 : vector<1x16xi32> to vector<16xi32>
    %and3A_149 = arith.constant -32768 : i32
    %and3A_150 = vector.broadcast %and3A_149 : i32 to vector<16xi32>
    %and3A_151 = arith.andi %get3A_148, %and3A_150 : vector<16xi32>
    %and3A_152 = arith.constant 4095 : i32
    %and3A_153 = vector.broadcast %and3A_152 : i32 to vector<16xi32>
    %and3A_154 = arith.andi %get3A_148, %and3A_153 : vector<16xi32>
    %shift_left3A_155 = arith.constant 3 : i32
    %shift_left3A_156 = vector.broadcast %shift_left3A_155 : i32 to vector<16xi32>
    %shift_left3A_157 = arith.shli %and3A_154, %shift_left3A_156 : vector<16xi32>
    %add3A_158 = arith.addi %and3A_151, %shift_left3A_157 : vector<16xi32>
    %shift_right_arithmetic3A_159 = arith.constant 12 : i32
    %shift_right_arithmetic3A_160 = vector.broadcast %shift_right_arithmetic3A_159 : i32 to vector<16xi32>
    %shift_right_arithmetic3A_161 = arith.shrsi %get3A_148, %shift_right_arithmetic3A_160 : vector<16xi32>
    %and3A_162 = arith.constant 7 : i32
    %and3A_163 = vector.broadcast %and3A_162 : i32 to vector<16xi32>
    %and3A_164 = arith.andi %shift_right_arithmetic3A_161, %and3A_163 : vector<16xi32>
    %add3A_165 = arith.addi %add3A_158, %and3A_164 : vector<16xi32>
    %swap3A_166 = arith.constant 0 : i32
    %swap3A_167 = arith.index_cast %swap3A_166 : i32 to index
    %swap3A_168 = arith.constant 80 : index
    %swap3A_169 = tpu.vector_load %arg5[%swap3A_167, %swap3A_168] {strides = array<i32>} : memref<200x128xi32, #tpu.memory_space<vmem>>, vector<1x16xi32>,
    %swap3A_170 = vector.shape_cast %swap3A_169 : vector<1x16xi32> to vector<16xi32>
    %swap3A_171 = vector.shape_cast %add3A_165 : vector<16xi32> to vector<1x16xi32>
    tpu.vector_store %arg5[%swap3A_167, %swap3A_168], %swap3A_171 {strides = array<i32>} : memref<200x128xi32, #tpu.memory_space<vmem>>, vector<1x16xi32>,
    %get3A_172 = arith.constant 0 : i32
    %get3A_173 = arith.index_cast %get3A_172 : i32 to index
    %get3A_174 = arith.constant 96 : index
    %get3A_175 = tpu.vector_load %arg5[%get3A_173, %get3A_174] {strides = array<i32>} : memref<200x128xi32, #tpu.memory_space<vmem>>, vector<1x16xi32>,
    %get3A_176 = vector.shape_cast %get3A_175 : vector<1x16xi32> to vector<16xi32>
    %and3A_177 = arith.constant -32768 : i32
    %and3A_178 = vector.broadcast %and3A_177 : i32 to vector<16xi32>
    %and3A_179 = arith.andi %get3A_176, %and3A_178 : vector<16xi32>
    %and3A_180 = arith.constant 4095 : i32
    %and3A_181 = vector.broadcast %and3A_180 : i32 to vector<16xi32>
    %and3A_182 = arith.andi %get3A_176, %and3A_181 : vector<16xi32>
    %shift_left3A_183 = arith.constant 3 : i32
    %shift_left3A_184 = vector.broadcast %shift_left3A_183 : i32 to vector<16xi32>
    %shift_left3A_185 = arith.shli %and3A_182, %shift_left3A_184 : vector<16xi32>
    %add3A_186 = arith.addi %and3A_179, %shift_left3A_185 : vector<16xi32>
    %shift_right_arithmetic3A_187 = arith.constant 12 : i32
    %shift_right_arithmetic3A_188 = vector.broadcast %shift_right_arithmetic3A_187 : i32 to vector<16xi32>
    %shift_right_arithmetic3A_189 = arith.shrsi %get3A_176, %shift_right_arithmetic3A_188 : vector<16xi32>
    %and3A_190 = arith.constant 7 : i32
    %and3A_191 = vector.broadcast %and3A_190 : i32 to vector<16xi32>
    %and3A_192 = arith.andi %shift_right_arithmetic3A_189, %and3A_191 : vector<16xi32>
    %add3A_193 = arith.addi %add3A_186, %and3A_192 : vector<16xi32>
    %swap3A_194 = arith.constant 0 : i32
    %swap3A_195 = arith.index_cast %swap3A_194 : i32 to index
    %swap3A_196 = arith.constant 96 : index
    %swap3A_197 = tpu.vector_load %arg5[%swap3A_195, %swap3A_196] {strides = array<i32>} : memref<200x128xi32, #tpu.memory_space<vmem>>, vector<1x16xi32>,
    %swap3A_198 = vector.shape_cast %swap3A_197 : vector<1x16xi32> to vector<16xi32>
    %swap3A_199 = vector.shape_cast %add3A_193 : vector<16xi32> to vector<1x16xi32>
    tpu.vector_store %arg5[%swap3A_195, %swap3A_196], %swap3A_199 {strides = array<i32>} : memref<200x128xi32, #tpu.memory_space<vmem>>, vector<1x16xi32>,
    %get3A_200 = arith.constant 0 : i32
    %get3A_201 = arith.index_cast %get3A_200 : i32 to index
    %get3A_202 = arith.constant 112 : index
    %get3A_203 = tpu.vector_load %arg5[%get3A_201, %get3A_202] {strides = array<i32>} : memref<200x128xi32, #tpu.memory_space<vmem>>, vector<1x16xi32>,
    %get3A_204 = vector.shape_cast %get3A_203 : vector<1x16xi32> to vector<16xi32>
    %and3A_205 = arith.constant -32768 : i32
    %and3A_206 = vector.broadcast %and3A_205 : i32 to vector<16xi32>
    %and3A_207 = arith.andi %get3A_204, %and3A_206 : vector<16xi32>
    %and3A_208 = arith.constant 4095 : i32
    %and3A_209 = vector.broadcast %and3A_208 : i32 to vector<16xi32>
    %and3A_210 = arith.andi %get3A_204, %and3A_209 : vector<16xi32>
    %shift_left3A_211 = arith.constant 3 : i32
    %shift_left3A_212 = vector.broadcast %shift_left3A_211 : i32 to vector<16xi32>
    %shift_left3A_213 = arith.shli %and3A_210, %shift_left3A_212 : vector<16xi32>
    %add3A_214 = arith.addi %and3A_207, %shift_left3A_213 : vector<16xi32>
    %shift_right_arithmetic3A_215 = arith.constant 12 : i32
    %shift_right_arithmetic3A_216 = vector.broadcast %shift_right_arithmetic3A_215 : i32 to vector<16xi32>
    %shift_right_arithmetic3A_217 = arith.shrsi %get3A_204, %shift_right_arithmetic3A_216 : vector<16xi32>
    %and3A_218 = arith.constant 7 : i32
    %and3A_219 = vector.broadcast %and3A_218 : i32 to vector<16xi32>
    %and3A_220 = arith.andi %shift_right_arithmetic3A_217, %and3A_219 : vector<16xi32>
    %add3A_221 = arith.addi %add3A_214, %and3A_220 : vector<16xi32>
    %swap3A_222 = arith.constant 0 : i32
    %swap3A_223 = arith.index_cast %swap3A_222 : i32 to index
    %swap3A_224 = arith.constant 112 : index
    %swap3A_225 = tpu.vector_load %arg5[%swap3A_223, %swap3A_224] {strides = array<i32>} : memref<200x128xi32, #tpu.memory_space<vmem>>, vector<1x16xi32>,
    %swap3A_226 = vector.shape_cast %swap3A_225 : vector<1x16xi32> to vector<16xi32>
    %swap3A_227 = vector.shape_cast %add3A_221 : vector<16xi32> to vector<1x16xi32>
    tpu.vector_store %arg5[%swap3A_223, %swap3A_224], %swap3A_227 {strides = array<i32>} : memref<200x128xi32, #tpu.memory_space<vmem>>, vector<1x16xi32>,
    %dma_start3A = arith.constant 0 : i32
    %dma_start3A_228 = arith.constant 0 : i32
    %dma_start3A_229 = arith.constant 0 : i32
    %dma_start3A_230 = arith.constant 0 : i32
    %dma_start3A_231 = arith.constant 0 : i32
    %dma_start3A_232 = tpu.memref_slice %arg6[%dma_start3A_228, %dma_start3A_230, %dma_start3A_231] : memref<8x128x16xf32, #tpu.memory_space<vmem>> -> memref<1x128x16xf32, #tpu.memory_space<vmem>>
    %dma_start3A_233 = tpu.memref_squeeze %dma_start3A_232 : memref<1x128x16xf32, #tpu.memory_space<vmem>> -> memref<128x16xf32, #tpu.memory_space<vmem>>
    %dma_start3A_234 = arith.constant 0 : i32
    %dma_start3A_235 = tpu.memref_slice %arg5[%dma_start3A, %dma_start3A_234] : memref<200x128xi32, #tpu.memory_space<vmem>> -> memref<1x128xi32, #tpu.memory_space<vmem>>
    %dma_start3A_236 = tpu.memref_squeeze %dma_start3A_235 : memref<1x128xi32, #tpu.memory_space<vmem>> -> memref<128xi32, #tpu.memory_space<vmem>>
    %dma_start3A_237 = arith.constant 0 : i32
    %dma_start3A_238 = arith.constant 0 : i32
    %dma_start3A_239 = tpu.memref_slice %arg3[%dma_start3A_237, %dma_start3A_238] : memref<1015808x16xf32, #tpu.memory_space<hbm>> -> memref<1015808x16xf32, #tpu.memory_space<hbm>>
    %dma_start3A_240 = tpu.memref_slice %arg8[%dma_start3A_229] : memref<8x!tpu.dma_semaphore, #tpu.memory_space<semaphore_mem>> -> memref<1x!tpu.dma_semaphore, #tpu.memory_space<semaphore_mem>>
    %dma_start3A_241 = tpu.memref_squeeze %dma_start3A_240 : memref<1x!tpu.dma_semaphore, #tpu.memory_space<semaphore_mem>> -> memref<!tpu.dma_semaphore, #tpu.memory_space<semaphore_mem>>
    tpu.enqueue_indirect_dma source(%dma_start3A_239 : memref<1015808x16xf32, #tpu.memory_space<hbm>>) target(%dma_start3A_233 : memref<128x16xf32, #tpu.memory_space<vmem>>) offsets(%dma_start3A_236 : memref<128xi32, #tpu.memory_space<vmem>>) semaphore(%dma_start3A_241 : memref<!tpu.dma_semaphore, #tpu.memory_space<semaphore_mem>>)
    %get3A_242 = arith.constant 1 : i32
    %get3A_243 = arith.index_cast %get3A_242 : i32 to index
    %get3A_244 = arith.constant 0 : index
    %get3A_245 = tpu.vector_load %arg5[%get3A_243, %get3A_244] {strides = array<i32>} : memref<200x128xi32, #tpu.memory_space<vmem>>, vector<1x16xi32>,
    %get3A_246 = vector.shape_cast %get3A_245 : vector<1x16xi32> to vector<16xi32>
    %and3A_247 = arith.constant -32768 : i32
    %and3A_248 = vector.broadcast %and3A_247 : i32 to vector<16xi32>
    %and3A_249 = arith.andi %get3A_246, %and3A_248 : vector<16xi32>
    %and3A_250 = arith.constant 4095 : i32
    %and3A_251 = vector.broadcast %and3A_250 : i32 to vector<16xi32>
    %and3A_252 = arith.andi %get3A_246, %and3A_251 : vector<16xi32>
    %shift_left3A_253 = arith.constant 3 : i32
    %shift_left3A_254 = vector.broadcast %shift_left3A_253 : i32 to vector<16xi32>
    %shift_left3A_255 = arith.shli %and3A_252, %shift_left3A_254 : vector<16xi32>
    %add3A_256 = arith.addi %and3A_249, %shift_left3A_255 : vector<16xi32>
    %shift_right_arithmetic3A_257 = arith.constant 12 : i32
    %shift_right_arithmetic3A_258 = vector.broadcast %shift_right_arithmetic3A_257 : i32 to vector<16xi32>
    %shift_right_arithmetic3A_259 = arith.shrsi %get3A_246, %shift_right_arithmetic3A_258 : vector<16xi32>
    %and3A_260 = arith.constant 7 : i32
    %and3A_261 = vector.broadcast %and3A_260 : i32 to vector<16xi32>
    %and3A_262 = arith.andi %shift_right_arithmetic3A_259, %and3A_261 : vector<16xi32>
    %add3A_263 = arith.addi %add3A_256, %and3A_262 : vector<16xi32>
    %swap3A_264 = arith.constant 1 : i32
    %swap3A_265 = arith.index_cast %swap3A_264 : i32 to index
    %swap3A_266 = arith.constant 0 : index
    %swap3A_267 = tpu.vector_load %arg5[%swap3A_265, %swap3A_266] {strides = array<i32>} : memref<200x128xi32, #tpu.memory_space<vmem>>, vector<1x16xi32>,
    %swap3A_268 = vector.shape_cast %swap3A_267 : vector<1x16xi32> to vector<16xi32>
    %swap3A_269 = vector.shape_cast %add3A_263 : vector<16xi32> to vector<1x16xi32>
    tpu.vector_store %arg5[%swap3A_265, %swap3A_266], %swap3A_269 {strides = array<i32>} : memref<200x128xi32, #tpu.memory_space<vmem>>, vector<1x16xi32>,
    %get3A_270 = arith.constant 1 : i32
    %get3A_271 = arith.index_cast %get3A_270 : i32 to index
    %get3A_272 = arith.constant 16 : index
    %get3A_273 = tpu.vector_load %arg5[%get3A_271, %get3A_272] {strides = array<i32>} : memref<200x128xi32, #tpu.memory_space<vmem>>, vector<1x16xi32>,
    %get3A_274 = vector.shape_cast %get3A_273 : vector<1x16xi32> to vector<16xi32>
    %and3A_275 = arith.constant -32768 : i32
    %and3A_276 = vector.broadcast %and3A_275 : i32 to vector<16xi32>
    %and3A_277 = arith.andi %get3A_274, %and3A_276 : vector<16xi32>
    %and3A_278 = arith.constant 4095 : i32
    %and3A_279 = vector.broadcast %and3A_278 : i32 to vector<16xi32>
    %and3A_280 = arith.andi %get3A_274, %and3A_279 : vector<16xi32>
    %shift_left3A_281 = arith.constant 3 : i32
    %shift_left3A_282 = vector.broadcast %shift_left3A_281 : i32 to vector<16xi32>
    %shift_left3A_283 = arith.shli %and3A_280, %shift_left3A_282 : vector<16xi32>
    %add3A_284 = arith.addi %and3A_277, %shift_left3A_283 : vector<16xi32>
    %shift_right_arithmetic3A_285 = arith.constant 12 : i32
    %shift_right_arithmetic3A_286 = vector.broadcast %shift_right_arithmetic3A_285 : i32 to vector<16xi32>
    %shift_right_arithmetic3A_287 = arith.shrsi %get3A_274, %shift_right_arithmetic3A_286 : vector<16xi32>
    %and3A_288 = arith.constant 7 : i32
    %and3A_289 = vector.broadcast %and3A_288 : i32 to vector<16xi32>
    %and3A_290 = arith.andi %shift_right_arithmetic3A_287, %and3A_289 : vector<16xi32>
    %add3A_291 = arith.addi %add3A_284, %and3A_290 : vector<16xi32>
    %swap3A_292 = arith.constant 1 : i32
    %swap3A_293 = arith.index_cast %swap3A_292 : i32 to index
    %swap3A_294 = arith.constant 16 : index
    %swap3A_295 = tpu.vector_load %arg5[%swap3A_293, %swap3A_294] {strides = array<i32>} : memref<200x128xi32, #tpu.memory_space<vmem>>, vector<1x16xi32>,
    %swap3A_296 = vector.shape_cast %swap3A_295 : vector<1x16xi32> to vector<16xi32>
    %swap3A_297 = vector.shape_cast %add3A_291 : vector<16xi32> to vector<1x16xi32>
    tpu.vector_store %arg5[%swap3A_293, %swap3A_294], %swap3A_297 {strides = array<i32>} : memref<200x128xi32, #tpu.memory_space<vmem>>, vector<1x16xi32>,
    %get3A_298 = arith.constant 1 : i32
    %get3A_299 = arith.index_cast %get3A_298 : i32 to index
    %get3A_300 = arith.constant 32 : index
    %get3A_301 = tpu.vector_load %arg5[%get3A_299, %get3A_300] {strides = array<i32>} : memref<200x128xi32, #tpu.memory_space<vmem>>, vector<1x16xi32>,
    %get3A_302 = vector.shape_cast %get3A_301 : vector<1x16xi32> to vector<16xi32>
    %and3A_303 = arith.constant -32768 : i32
    %and3A_304 = vector.broadcast %and3A_303 : i32 to vector<16xi32>
    %and3A_305 = arith.andi %get3A_302, %and3A_304 : vector<16xi32>
    %and3A_306 = arith.constant 4095 : i32
    %and3A_307 = vector.broadcast %and3A_306 : i32 to vector<16xi32>
    %and3A_308 = arith.andi %get3A_302, %and3A_307 : vector<16xi32>
    %shift_left3A_309 = arith.constant 3 : i32
    %shift_left3A_310 = vector.broadcast %shift_left3A_309 : i32 to vector<16xi32>
    %shift_left3A_311 = arith.shli %and3A_308, %shift_left3A_310 : vector<16xi32>
    %add3A_312 = arith.addi %and3A_305, %shift_left3A_311 : vector<16xi32>
    %shift_right_arithmetic3A_313 = arith.constant 12 : i32
    %shift_right_arithmetic3A_314 = vector.broadcast %shift_right_arithmetic3A_313 : i32 to vector<16xi32>
    %shift_right_arithmetic3A_315 = arith.shrsi %get3A_302, %shift_right_arithmetic3A_314 : vector<16xi32>
    %and3A_316 = arith.constant 7 : i32
    %and3A_317 = vector.broadcast %and3A_316 : i32 to vector<16xi32>
    %and3A_318 = arith.andi %shift_right_arithmetic3A_315, %and3A_317 : vector<16xi32>
    %add3A_319 = arith.addi %add3A_312, %and3A_318 : vector<16xi32>
    %swap3A_320 = arith.constant 1 : i32
    %swap3A_321 = arith.index_cast %swap3A_320 : i32 to index
    %swap3A_322 = arith.constant 32 : index
    %swap3A_323 = tpu.vector_load %arg5[%swap3A_321, %swap3A_322] {strides = array<i32>} : memref<200x128xi32, #tpu.memory_space<vmem>>, vector<1x16xi32>,
    %swap3A_324 = vector.shape_cast %swap3A_323 : vector<1x16xi32> to vector<16xi32>
    %swap3A_325 = vector.shape_cast %add3A_319 : vector<16xi32> to vector<1x16xi32>
    tpu.vector_store %arg5[%swap3A_321, %swap3A_322], %swap3A_325 {strides = array<i32>} : memref<200x128xi32, #tpu.memory_space<vmem>>, vector<1x16xi32>,
    %get3A_326 = arith.constant 1 : i32
    %get3A_327 = arith.index_cast %get3A_326 : i32 to index
    %get3A_328 = arith.constant 48 : index
    %get3A_329 = tpu.vector_load %arg5[%get3A_327, %get3A_328] {strides = array<i32>} : memref<200x128xi32, #tpu.memory_space<vmem>>, vector<1x16xi32>,
    %get3A_330 = vector.shape_cast %get3A_329 : vector<1x16xi32> to vector<16xi32>
    %and3A_331 = arith.constant -32768 : i32
    %and3A_332 = vector.broadcast %and3A_331 : i32 to vector<16xi32>
    %and3A_333 = arith.andi %get3A_330, %and3A_332 : vector<16xi32>
    %and3A_334 = arith.constant 4095 : i32
    %and3A_335 = vector.broadcast %and3A_334 : i32 to vector<16xi32>
    %and3A_336 = arith.andi %get3A_330, %and3A_335 : vector<16xi32>
    %shift_left3A_337 = arith.constant 3 : i32
    %shift_left3A_338 = vector.broadcast %shift_left3A_337 : i32 to vector<16xi32>
    %shift_left3A_339 = arith.shli %and3A_336, %shift_left3A_338 : vector<16xi32>
    %add3A_340 = arith.addi %and3A_333, %shift_left3A_339 : vector<16xi32>
    %shift_right_arithmetic3A_341 = arith.constant 12 : i32
    %shift_right_arithmetic3A_342 = vector.broadcast %shift_right_arithmetic3A_341 : i32 to vector<16xi32>
    %shift_right_arithmetic3A_343 = arith.shrsi %get3A_330, %shift_right_arithmetic3A_342 : vector<16xi32>
    %and3A_344 = arith.constant 7 : i32
    %and3A_345 = vector.broadcast %and3A_344 : i32 to vector<16xi32>
    %and3A_346 = arith.andi %shift_right_arithmetic3A_343, %and3A_345 : vector<16xi32>
    %add3A_347 = arith.addi %add3A_340, %and3A_346 : vector<16xi32>
    %swap3A_348 = arith.constant 1 : i32
    %swap3A_349 = arith.index_cast %swap3A_348 : i32 to index
    %swap3A_350 = arith.constant 48 : index
    %swap3A_351 = tpu.vector_load %arg5[%swap3A_349, %swap3A_350] {strides = array<i32>} : memref<200x128xi32, #tpu.memory_space<vmem>>, vector<1x16xi32>,
    %swap3A_352 = vector.shape_cast %swap3A_351 : vector<1x16xi32> to vector<16xi32>
    %swap3A_353 = vector.shape_cast %add3A_347 : vector<16xi32> to vector<1x16xi32>
    tpu.vector_store %arg5[%swap3A_349, %swap3A_350], %swap3A_353 {strides = array<i32>} : memref<200x128xi32, #tpu.memory_space<vmem>>, vector<1x16xi32>,
    %get3A_354 = arith.constant 1 : i32
    %get3A_355 = arith.index_cast %get3A_354 : i32 to index
    %get3A_356 = arith.constant 64 : index
    %get3A_357 = tpu.vector_load %arg5[%get3A_355, %get3A_356] {strides = array<i32>} : memref<200x128xi32, #tpu.memory_space<vmem>>, vector<1x16xi32>,
    %get3A_358 = vector.shape_cast %get3A_357 : vector<1x16xi32> to vector<16xi32>
    %and3A_359 = arith.constant -32768 : i32
    %and3A_360 = vector.broadcast %and3A_359 : i32 to vector<16xi32>
    %and3A_361 = arith.andi %get3A_358, %and3A_360 : vector<16xi32>
    %and3A_362 = arith.constant 4095 : i32
    %and3A_363 = vector.broadcast %and3A_362 : i32 to vector<16xi32>
    %and3A_364 = arith.andi %get3A_358, %and3A_363 : vector<16xi32>
    %shift_left3A_365 = arith.constant 3 : i32
    %shift_left3A_366 = vector.broadcast %shift_left3A_365 : i32 to vector<16xi32>
    %shift_left3A_367 = arith.shli %and3A_364, %shift_left3A_366 : vector<16xi32>
    %add3A_368 = arith.addi %and3A_361, %shift_left3A_367 : vector<16xi32>
    %shift_right_arithmetic3A_369 = arith.constant 12 : i32
    %shift_right_arithmetic3A_370 = vector.broadcast %shift_right_arithmetic3A_369 : i32 to vector<16xi32>
    %shift_right_arithmetic3A_371 = arith.shrsi %get3A_358, %shift_right_arithmetic3A_370 : vector<16xi32>
    %and3A_372 = arith.constant 7 : i32
    %and3A_373 = vector.broadcast %and3A_372 : i32 to vector<16xi32>
    %and3A_374 = arith.andi %shift_right_arithmetic3A_371, %and3A_373 : vector<16xi32>
    %add3A_375 = arith.addi %add3A_368, %and3A_374 : vector<16xi32>
    %swap3A_376 = arith.constant 1 : i32
    %swap3A_377 = arith.index_cast %swap3A_376 : i32 to index
    %swap3A_378 = arith.constant 64 : index
    %swap3A_379 = tpu.vector_load %arg5[%swap3A_377, %swap3A_378] {strides = array<i32>} : memref<200x128xi32, #tpu.memory_space<vmem>>, vector<1x16xi32>,
    %swap3A_380 = vector.shape_cast %swap3A_379 : vector<1x16xi32> to vector<16xi32>
    %swap3A_381 = vector.shape_cast %add3A_375 : vector<16xi32> to vector<1x16xi32>
    tpu.vector_store %arg5[%swap3A_377, %swap3A_378], %swap3A_381 {strides = array<i32>} : memref<200x128xi32, #tpu.memory_space<vmem>>, vector<1x16xi32>,
    %get3A_382 = arith.constant 1 : i32
    %get3A_383 = arith.index_cast %get3A_382 : i32 to index
    %get3A_384 = arith.constant 80 : index
    %get3A_385 = tpu.vector_load %arg5[%get3A_383, %get3A_384] {strides = array<i32>} : memref<200x128xi32, #tpu.memory_space<vmem>>, vector<1x16xi32>,
    %get3A_386 = vector.shape_cast %get3A_385 : vector<1x16xi32> to vector<16xi32>
    %and3A_387 = arith.constant -32768 : i32
    %and3A_388 = vector.broadcast %and3A_387 : i32 to vector<16xi32>
    %and3A_389 = arith.andi %get3A_386, %and3A_388 : vector<16xi32>
    %and3A_390 = arith.constant 4095 : i32
    %and3A_391 = vector.broadcast %and3A_390 : i32 to vector<16xi32>
    %and3A_392 = arith.andi %get3A_386, %and3A_391 : vector<16xi32>
    %shift_left3A_393 = arith.constant 3 : i32
    %shift_left3A_394 = vector.broadcast %shift_left3A_393 : i32 to vector<16xi32>
    %shift_left3A_395 = arith.shli %and3A_392, %shift_left3A_394 : vector<16xi32>
    %add3A_396 = arith.addi %and3A_389, %shift_left3A_395 : vector<16xi32>
    %shift_right_arithmetic3A_397 = arith.constant 12 : i32
    %shift_right_arithmetic3A_398 = vector.broadcast %shift_right_arithmetic3A_397 : i32 to vector<16xi32>
    %shift_right_arithmetic3A_399 = arith.shrsi %get3A_386, %shift_right_arithmetic3A_398 : vector<16xi32>
    %and3A_400 = arith.constant 7 : i32
    %and3A_401 = vector.broadcast %and3A_400 : i32 to vector<16xi32>
    %and3A_402 = arith.andi %shift_right_arithmetic3A_399, %and3A_401 : vector<16xi32>
    %add3A_403 = arith.addi %add3A_396, %and3A_402 : vector<16xi32>
    %swap3A_404 = arith.constant 1 : i32
    %swap3A_405 = arith.index_cast %swap3A_404 : i32 to index
    %swap3A_406 = arith.constant 80 : index
    %swap3A_407 = tpu.vector_load %arg5[%swap3A_405, %swap3A_406] {strides = array<i32>} : memref<200x128xi32, #tpu.memory_space<vmem>>, vector<1x16xi32>,
    %swap3A_408 = vector.shape_cast %swap3A_407 : vector<1x16xi32> to vector<16xi32>
    %swap3A_409 = vector.shape_cast %add3A_403 : vector<16xi32> to vector<1x16xi32>
    tpu.vector_store %arg5[%swap3A_405, %swap3A_406], %swap3A_409 {strides = array<i32>} : memref<200x128xi32, #tpu.memory_space<vmem>>, vector<1x16xi32>,
    %get3A_410 = arith.constant 1 : i32
    %get3A_411 = arith.index_cast %get3A_410 : i32 to index
    %get3A_412 = arith.constant 96 : index
    %get3A_413 = tpu.vector_load %arg5[%get3A_411, %get3A_412] {strides = array<i32>} : memref<200x128xi32, #tpu.memory_space<vmem>>, vector<1x16xi32>,
    %get3A_414 = vector.shape_cast %get3A_413 : vector<1x16xi32> to vector<16xi32>
    %and3A_415 = arith.constant -32768 : i32
    %and3A_416 = vector.broadcast %and3A_415 : i32 to vector<16xi32>
    %and3A_417 = arith.andi %get3A_414, %and3A_416 : vector<16xi32>
    %and3A_418 = arith.constant 4095 : i32
    %and3A_419 = vector.broadcast %and3A_418 : i32 to vector<16xi32>
    %and3A_420 = arith.andi %get3A_414, %and3A_419 : vector<16xi32>
    %shift_left3A_421 = arith.constant 3 : i32
    %shift_left3A_422 = vector.broadcast %shift_left3A_421 : i32 to vector<16xi32>
    %shift_left3A_423 = arith.shli %and3A_420, %shift_left3A_422 : vector<16xi32>
    %add3A_424 = arith.addi %and3A_417, %shift_left3A_423 : vector<16xi32>
    %shift_right_arithmetic3A_425 = arith.constant 12 : i32
    %shift_right_arithmetic3A_426 = vector.broadcast %shift_right_arithmetic3A_425 : i32 to vector<16xi32>
    %shift_right_arithmetic3A_427 = arith.shrsi %get3A_414, %shift_right_arithmetic3A_426 : vector<16xi32>
    %and3A_428 = arith.constant 7 : i32
    %and3A_429 = vector.broadcast %and3A_428 : i32 to vector<16xi32>
    %and3A_430 = arith.andi %shift_right_arithmetic3A_427, %and3A_429 : vector<16xi32>
    %add3A_431 = arith.addi %add3A_424, %and3A_430 : vector<16xi32>
    %swap3A_432 = arith.constant 1 : i32
    %swap3A_433 = arith.index_cast %swap3A_432 : i32 to index
    %swap3A_434 = arith.constant 96 : index
    %swap3A_435 = tpu.vector_load %arg5[%swap3A_433, %swap3A_434] {strides = array<i32>} : memref<200x128xi32, #tpu.memory_space<vmem>>, vector<1x16xi32>,
    %swap3A_436 = vector.shape_cast %swap3A_435 : vector<1x16xi32> to vector<16xi32>
    %swap3A_437 = vector.shape_cast %add3A_431 : vector<16xi32> to vector<1x16xi32>
    tpu.vector_store %arg5[%swap3A_433, %swap3A_434], %swap3A_437 {strides = array<i32>} : memref<200x128xi32, #tpu.memory_space<vmem>>, vector<1x16xi32>,
    %get3A_438 = arith.constant 1 : i32
    %get3A_439 = arith.index_cast %get3A_438 : i32 to index
    %get3A_440 = arith.constant 112 : index
    %get3A_441 = tpu.vector_load %arg5[%get3A_439, %get3A_440] {strides = array<i32>} : memref<200x128xi32, #tpu.memory_space<vmem>>, vector<1x16xi32>,
    %get3A_442 = vector.shape_cast %get3A_441 : vector<1x16xi32> to vector<16xi32>
    %and3A_443 = arith.constant -32768 : i32
    %and3A_444 = vector.broadcast %and3A_443 : i32 to vector<16xi32>
    %and3A_445 = arith.andi %get3A_442, %and3A_444 : vector<16xi32>
    %and3A_446 = arith.constant 4095 : i32
    %and3A_447 = vector.broadcast %and3A_446 : i32 to vector<16xi32>
    %and3A_448 = arith.andi %get3A_442, %and3A_447 : vector<16xi32>
    %shift_left3A_449 = arith.constant 3 : i32
    %shift_left3A_450 = vector.broadcast %shift_left3A_449 : i32 to vector<16xi32>
    %shift_left3A_451 = arith.shli %and3A_448, %shift_left3A_450 : vector<16xi32>
    %add3A_452 = arith.addi %and3A_445, %shift_left3A_451 : vector<16xi32>
    %shift_right_arithmetic3A_453 = arith.constant 12 : i32
    %shift_right_arithmetic3A_454 = vector.broadcast %shift_right_arithmetic3A_453 : i32 to vector<16xi32>
    %shift_right_arithmetic3A_455 = arith.shrsi %get3A_442, %shift_right_arithmetic3A_454 : vector<16xi32>
    %and3A_456 = arith.constant 7 : i32
    %and3A_457 = vector.broadcast %and3A_456 : i32 to vector<16xi32>
    %and3A_458 = arith.andi %shift_right_arithmetic3A_455, %and3A_457 : vector<16xi32>
    %add3A_459 = arith.addi %add3A_452, %and3A_458 : vector<16xi32>
    %swap3A_460 = arith.constant 1 : i32
    %swap3A_461 = arith.index_cast %swap3A_460 : i32 to index
    %swap3A_462 = arith.constant 112 : index
    %swap3A_463 = tpu.vector_load %arg5[%swap3A_461, %swap3A_462] {strides = array<i32>} : memref<200x128xi32, #tpu.memory_space<vmem>>, vector<1x16xi32>,
    %swap3A_464 = vector.shape_cast %swap3A_463 : vector<1x16xi32> to vector<16xi32>
    %swap3A_465 = vector.shape_cast %add3A_459 : vector<16xi32> to vector<1x16xi32>
    tpu.vector_store %arg5[%swap3A_461, %swap3A_462], %swap3A_465 {strides = array<i32>} : memref<200x128xi32, #tpu.memory_space<vmem>>, vector<1x16xi32>,
    %dma_start3A_466 = arith.constant 1 : i32
    %dma_start3A_467 = arith.constant 1 : i32
    %dma_start3A_468 = arith.constant 1 : i32
    %dma_start3A_469 = arith.constant 0 : i32
    %dma_start3A_470 = arith.constant 0 : i32
    %dma_start3A_471 = tpu.memref_slice %arg6[%dma_start3A_467, %dma_start3A_469, %dma_start3A_470] : memref<8x128x16xf32, #tpu.memory_space<vmem>> -> memref<1x128x16xf32, #tpu.memory_space<vmem>>
    %dma_start3A_472 = tpu.memref_squeeze %dma_start3A_471 : memref<1x128x16xf32, #tpu.memory_space<vmem>> -> memref<128x16xf32, #tpu.memory_space<vmem>>
    %dma_start3A_473 = arith.constant 0 : i32
    %dma_start3A_474 = tpu.memref_slice %arg5[%dma_start3A_466, %dma_start3A_473] : memref<200x128xi32, #tpu.memory_space<vmem>> -> memref<1x128xi32, #tpu.memory_space<vmem>>
    %dma_start3A_475 = tpu.memref_squeeze %dma_start3A_474 : memref<1x128xi32, #tpu.memory_space<vmem>> -> memref<128xi32, #tpu.memory_space<vmem>>
    %dma_start3A_476 = arith.constant 0 : i32
    %dma_start3A_477 = arith.constant 0 : i32
    %dma_start3A_478 = tpu.memref_slice %arg3[%dma_start3A_476, %dma_start3A_477] : memref<1015808x16xf32, #tpu.memory_space<hbm>> -> memref<1015808x16xf32, #tpu.memory_space<hbm>>
    %dma_start3A_479 = tpu.memref_slice %arg8[%dma_start3A_468] : memref<8x!tpu.dma_semaphore, #tpu.memory_space<semaphore_mem>> -> memref<1x!tpu.dma_semaphore, #tpu.memory_space<semaphore_mem>>
    %dma_start3A_480 = tpu.memref_squeeze %dma_start3A_479 : memref<1x!tpu.dma_semaphore, #tpu.memory_space<semaphore_mem>> -> memref<!tpu.dma_semaphore, #tpu.memory_space<semaphore_mem>>
    tpu.enqueue_indirect_dma source(%dma_start3A_478 : memref<1015808x16xf32, #tpu.memory_space<hbm>>) target(%dma_start3A_472 : memref<128x16xf32, #tpu.memory_space<vmem>>) offsets(%dma_start3A_475 : memref<128xi32, #tpu.memory_space<vmem>>) semaphore(%dma_start3A_480 : memref<!tpu.dma_semaphore, #tpu.memory_space<semaphore_mem>>)
    %get3A_481 = arith.constant 2 : i32
    %get3A_482 = arith.index_cast %get3A_481 : i32 to index
    %get3A_483 = arith.constant 0 : index
    %get3A_484 = tpu.vector_load %arg5[%get3A_482, %get3A_483] {strides = array<i32>} : memref<200x128xi32, #tpu.memory_space<vmem>>, vector<1x16xi32>,
    %get3A_485 = vector.shape_cast %get3A_484 : vector<1x16xi32> to vector<16xi32>
    %and3A_486 = arith.constant -32768 : i32
    %and3A_487 = vector.broadcast %and3A_486 : i32 to vector<16xi32>
    %and3A_488 = arith.andi %get3A_485, %and3A_487 : vector<16xi32>
    %and3A_489 = arith.constant 4095 : i32
    %and3A_490 = vector.broadcast %and3A_489 : i32 to vector<16xi32>
    %and3A_491 = arith.andi %get3A_485, %and3A_490 : vector<16xi32>
    %shift_left3A_492 = arith.constant 3 : i32
    %shift_left3A_493 = vector.broadcast %shift_left3A_492 : i32 to vector<16xi32>
    %shift_left3A_494 = arith.shli %and3A_491, %shift_left3A_493 : vector<16xi32>
    %add3A_495 = arith.addi %and3A_488, %shift_left3A_494 : vector<16xi32>
    %shift_right_arithmetic3A_496 = arith.constant 12 : i32
    %shift_right_arithmetic3A_497 = vector.broadcast %shift_right_arithmetic3A_496 : i32 to vector<16xi32>
    %shift_right_arithmetic3A_498 = arith.shrsi %get3A_485, %shift_right_arithmetic3A_497 : vector<16xi32>
    %and3A_499 = arith.constant 7 : i32
    %and3A_500 = vector.broadcast %and3A_499 : i32 to vector<16xi32>
    %and3A_501 = arith.andi %shift_right_arithmetic3A_498, %and3A_500 : vector<16xi32>
    %add3A_502 = arith.addi %add3A_495, %and3A_501 : vector<16xi32>
    %swap3A_503 = arith.constant 2 : i32
    %swap3A_504 = arith.index_cast %swap3A_503 : i32 to index
    %swap3A_505 = arith.constant 0 : index
    %swap3A_506 = tpu.vector_load %arg5[%swap3A_504, %swap3A_505] {strides = array<i32>} : memref<200x128xi32, #tpu.memory_space<vmem>>, vector<1x16xi32>,
    %swap3A_507 = vector.shape_cast %swap3A_506 : vector<1x16xi32> to vector<16xi32>
    %swap3A_508 = vector.shape_cast %add3A_502 : vector<16xi32> to vector<1x16xi32>
    tpu.vector_store %arg5[%swap3A_504, %swap3A_505], %swap3A_508 {strides = array<i32>} : memref<200x128xi32, #tpu.memory_space<vmem>>, vector<1x16xi32>,
    %get3A_509 = arith.constant 2 : i32
    %get3A_510 = arith.index_cast %get3A_509 : i32 to index
    %get3A_511 = arith.constant 16 : index
    %get3A_512 = tpu.vector_load %arg5[%get3A_510, %get3A_511] {strides = array<i32>} : memref<200x128xi32, #tpu.memory_space<vmem>>, vector<1x16xi32>,
    %get3A_513 = vector.shape_cast %get3A_512 : vector<1x16xi32> to vector<16xi32>
    %and3A_514 = arith.constant -32768 : i32
    %and3A_515 = vector.broadcast %and3A_514 : i32 to vector<16xi32>
    %and3A_516 = arith.andi %get3A_513, %and3A_515 : vector<16xi32>
    %and3A_517 = arith.constant 4095 : i32
    %and3A_518 = vector.broadcast %and3A_517 : i32 to vector<16xi32>
    %and3A_519 = arith.andi %get3A_513, %and3A_518 : vector<16xi32>
    %shift_left3A_520 = arith.constant 3 : i32
    %shift_left3A_521 = vector.broadcast %shift_left3A_520 : i32 to vector<16xi32>
    %shift_left3A_522 = arith.shli %and3A_519, %shift_left3A_521 : vector<16xi32>
    %add3A_523 = arith.addi %and3A_516, %shift_left3A_522 : vector<16xi32>
    %shift_right_arithmetic3A_524 = arith.constant 12 : i32
    %shift_right_arithmetic3A_525 = vector.broadcast %shift_right_arithmetic3A_524 : i32 to vector<16xi32>
    %shift_right_arithmetic3A_526 = arith.shrsi %get3A_513, %shift_right_arithmetic3A_525 : vector<16xi32>
    %and3A_527 = arith.constant 7 : i32
    %and3A_528 = vector.broadcast %and3A_527 : i32 to vector<16xi32>
    %and3A_529 = arith.andi %shift_right_arithmetic3A_526, %and3A_528 : vector<16xi32>
    %add3A_530 = arith.addi %add3A_523, %and3A_529 : vector<16xi32>
    %swap3A_531 = arith.constant 2 : i32
    %swap3A_532 = arith.index_cast %swap3A_531 : i32 to index
    %swap3A_533 = arith.constant 16 : index
    %swap3A_534 = tpu.vector_load %arg5[%swap3A_532, %swap3A_533] {strides = array<i32>} : memref<200x128xi32, #tpu.memory_space<vmem>>, vector<1x16xi32>,
    %swap3A_535 = vector.shape_cast %swap3A_534 : vector<1x16xi32> to vector<16xi32>
    %swap3A_536 = vector.shape_cast %add3A_530 : vector<16xi32> to vector<1x16xi32>
    tpu.vector_store %arg5[%swap3A_532, %swap3A_533], %swap3A_536 {strides = array<i32>} : memref<200x128xi32, #tpu.memory_space<vmem>>, vector<1x16xi32>,
    %get3A_537 = arith.constant 2 : i32
    %get3A_538 = arith.index_cast %get3A_537 : i32 to index
    %get3A_539 = arith.constant 32 : index
    %get3A_540 = tpu.vector_load %arg5[%get3A_538, %get3A_539] {strides = array<i32>} : memref<200x128xi32, #tpu.memory_space<vmem>>, vector<1x16xi32>,
    %get3A_541 = vector.shape_cast %get3A_540 : vector<1x16xi32> to vector<16xi32>
    %and3A_542 = arith.constant -32768 : i32
    %and3A_543 = vector.broadcast %and3A_542 : i32 to vector<16xi32>
    %and3A_544 = arith.andi %get3A_541, %and3A_543 : vector<16xi32>
    %and3A_545 = arith.constant 4095 : i32
    %and3A_546 = vector.broadcast %and3A_545 : i32 to vector<16xi32>
    %and3A_547 = arith.andi %get3A_541, %and3A_546 : vector<16xi32>
    %shift_left3A_548 = arith.constant 3 : i32
    %shift_left3A_549 = vector.broadcast %shift_left3A_548 : i32 to vector<16xi32>
    %shift_left3A_550 = arith.shli %and3A_547, %shift_left3A_549 : vector<16xi32>
    %add3A_551 = arith.addi %and3A_544, %shift_left3A_550 : vector<16xi32>
    %shift_right_arithmetic3A_552 = arith.constant 12 : i32
    %shift_right_arithmetic3A_553 = vector.broadcast %shift_right_arithmetic3A_552 : i32 to vector<16xi32>
    %shift_right_arithmetic3A_554 = arith.shrsi %get3A_541, %shift_right_arithmetic3A_553 : vector<16xi32>
    %and3A_555 = arith.constant 7 : i32
    %and3A_556 = vector.broadcast %and3A_555 : i32 to vector<16xi32>
    %and3A_557 = arith.andi %shift_right_arithmetic3A_554, %and3A_556 : vector<16xi32>
    %add3A_558 = arith.addi %add3A_551, %and3A_557 : vector<16xi32>
    %swap3A_559 = arith.constant 2 : i32
    %swap3A_560 = arith.index_cast %swap3A_559 : i32 to index
    %swap3A_561 = arith.constant 32 : index
    %swap3A_562 = tpu.vector_load %arg5[%swap3A_560, %swap3A_561] {strides = array<i32>} : memref<200x128xi32, #tpu.memory_space<vmem>>, vector<1x16xi32>,
    %swap3A_563 = vector.shape_cast %swap3A_562 : vector<1x16xi32> to vector<16xi32>
    %swap3A_564 = vector.shape_cast %add3A_558 : vector<16xi32> to vector<1x16xi32>
    tpu.vector_store %arg5[%swap3A_560, %swap3A_561], %swap3A_564 {strides = array<i32>} : memref<200x128xi32, #tpu.memory_space<vmem>>, vector<1x16xi32>,
    %get3A_565 = arith.constant 2 : i32
    %get3A_566 = arith.index_cast %get3A_565 : i32 to index
    %get3A_567 = arith.constant 48 : index
    %get3A_568 = tpu.vector_load %arg5[%get3A_566, %get3A_567] {strides = array<i32>} : memref<200x128xi32, #tpu.memory_space<vmem>>, vector<1x16xi32>,
    %get3A_569 = vector.shape_cast %get3A_568 : vector<1x16xi32> to vector<16xi32>
    %and3A_570 = arith.constant -32768 : i32
    %and3A_571 = vector.broadcast %and3A_570 : i32 to vector<16xi32>
    %and3A_572 = arith.andi %get3A_569, %and3A_571 : vector<16xi32>
    %and3A_573 = arith.constant 4095 : i32
    %and3A_574 = vector.broadcast %and3A_573 : i32 to vector<16xi32>
    %and3A_575 = arith.andi %get3A_569, %and3A_574 : vector<16xi32>
    %shift_left3A_576 = arith.constant 3 : i32
    %shift_left3A_577 = vector.broadcast %shift_left3A_576 : i32 to vector<16xi32>
    %shift_left3A_578 = arith.shli %and3A_575, %shift_left3A_577 : vector<16xi32>
    %add3A_579 = arith.addi %and3A_572, %shift_left3A_578 : vector<16xi32>
    %shift_right_arithmetic3A_580 = arith.constant 12 : i32
    %shift_right_arithmetic3A_581 = vector.broadcast %shift_right_arithmetic3A_580 : i32 to vector<16xi32>
    %shift_right_arithmetic3A_582 = arith.shrsi %get3A_569, %shift_right_arithmetic3A_581 : vector<16xi32>
    %and3A_583 = arith.constant 7 : i32
    %and3A_584 = vector.broadcast %and3A_583 : i32 to vector<16xi32>
    %and3A_585 = arith.andi %shift_right_arithmetic3A_582, %and3A_584 : vector<16xi32>
    %add3A_586 = arith.addi %add3A_579, %and3A_585 : vector<16xi32>
    %swap3A_587 = arith.constant 2 : i32
    %swap3A_588 = arith.index_cast %swap3A_587 : i32 to index
    %swap3A_589 = arith.constant 48 : index
    %swap3A_590 = tpu.vector_load %arg5[%swap3A_588, %swap3A_589] {strides = array<i32>} : memref<200x128xi32, #tpu.memory_space<vmem>>, vector<1x16xi32>,
    %swap3A_591 = vector.shape_cast %swap3A_590 : vector<1x16xi32> to vector<16xi32>
    %swap3A_592 = vector.shape_cast %add3A_586 : vector<16xi32> to vector<1x16xi32>
    tpu.vector_store %arg5[%swap3A_588, %swap3A_589], %swap3A_592 {strides = array<i32>} : memref<200x128xi32, #tpu.memory_space<vmem>>, vector<1x16xi32>,
    %get3A_593 = arith.constant 2 : i32
    %get3A_594 = arith.index_cast %get3A_593 : i32 to index
    %get3A_595 = arith.constant 64 : index
    %get3A_596 = tpu.vector_load %arg5[%get3A_594, %get3A_595] {strides = array<i32>} : memref<200x128xi32, #tpu.memory_space<vmem>>, vector<1x16xi32>,
    %get3A_597 = vector.shape_cast %get3A_596 : vector<1x16xi32> to vector<16xi32>
    %and3A_598 = arith.constant -32768 : i32
    %and3A_599 = vector.broadcast %and3A_598 : i32 to vector<16xi32>
    %and3A_600 = arith.andi %get3A_597, %and3A_599 : vector<16xi32>
    %and3A_601 = arith.constant 4095 : i32
    %and3A_602 = vector.broadcast %and3A_601 : i32 to vector<16xi32>
    %and3A_603 = arith.andi %get3A_597, %and3A_602 : vector<16xi32>
    %shift_left3A_604 = arith.constant 3 : i32
    %shift_left3A_605 = vector.broadcast %shift_left3A_604 : i32 to vector<16xi32>
    %shift_left3A_606 = arith.shli %and3A_603, %shift_left3A_605 : vector<16xi32>
    %add3A_607 = arith.addi %and3A_600, %shift_left3A_606 : vector<16xi32>
    %shift_right_arithmetic3A_608 = arith.constant 12 : i32
    %shift_right_arithmetic3A_609 = vector.broadcast %shift_right_arithmetic3A_608 : i32 to vector<16xi32>
    %shift_right_arithmetic3A_610 = arith.shrsi %get3A_597, %shift_right_arithmetic3A_609 : vector<16xi32>
    %and3A_611 = arith.constant 7 : i32
    %and3A_612 = vector.broadcast %and3A_611 : i32 to vector<16xi32>
    %and3A_613 = arith.andi %shift_right_arithmetic3A_610, %and3A_612 : vector<16xi32>
    %add3A_614 = arith.addi %add3A_607, %and3A_613 : vector<16xi32>
    %swap3A_615 = arith.constant 2 : i32
    %swap3A_616 = arith.index_cast %swap3A_615 : i32 to index
    %swap3A_617 = arith.constant 64 : index
    %swap3A_618 = tpu.vector_load %arg5[%swap3A_616, %swap3A_617] {strides = array<i32>} : memref<200x128xi32, #tpu.memory_space<vmem>>, vector<1x16xi32>,
    %swap3A_619 = vector.shape_cast %swap3A_618 : vector<1x16xi32> to vector<16xi32>
    %swap3A_620 = vector.shape_cast %add3A_614 : vector<16xi32> to vector<1x16xi32>
    tpu.vector_store %arg5[%swap3A_616, %swap3A_617], %swap3A_620 {strides = array<i32>} : memref<200x128xi32, #tpu.memory_space<vmem>>, vector<1x16xi32>,
    %get3A_621 = arith.constant 2 : i32
    %get3A_622 = arith.index_cast %get3A_621 : i32 to index
    %get3A_623 = arith.constant 80 : index
    %get3A_624 = tpu.vector_load %arg5[%get3A_622, %get3A_623] {strides = array<i32>} : memref<200x128xi32, #tpu.memory_space<vmem>>, vector<1x16xi32>,
    %get3A_625 = vector.shape_cast %get3A_624 : vector<1x16xi32> to vector<16xi32>
    %and3A_626 = arith.constant -32768 : i32
    %and3A_627 = vector.broadcast %and3A_626 : i32 to vector<16xi32>
    %and3A_628 = arith.andi %get3A_625, %and3A_627 : vector<16xi32>
    %and3A_629 = arith.constant 4095 : i32
    %and3A_630 = vector.broadcast %and3A_629 : i32 to vector<16xi32>
    %and3A_631 = arith.andi %get3A_625, %and3A_630 : vector<16xi32>
    %shift_left3A_632 = arith.constant 3 : i32
    %shift_left3A_633 = vector.broadcast %shift_left3A_632 : i32 to vector<16xi32>
    %shift_left3A_634 = arith.shli %and3A_631, %shift_left3A_633 : vector<16xi32>
    %add3A_635 = arith.addi %and3A_628, %shift_left3A_634 : vector<16xi32>
    %shift_right_arithmetic3A_636 = arith.constant 12 : i32
    %shift_right_arithmetic3A_637 = vector.broadcast %shift_right_arithmetic3A_636 : i32 to vector<16xi32>
    %shift_right_arithmetic3A_638 = arith.shrsi %get3A_625, %shift_right_arithmetic3A_637 : vector<16xi32>
    %and3A_639 = arith.constant 7 : i32
    %and3A_640 = vector.broadcast %and3A_639 : i32 to vector<16xi32>
    %and3A_641 = arith.andi %shift_right_arithmetic3A_638, %and3A_640 : vector<16xi32>
    %add3A_642 = arith.addi %add3A_635, %and3A_641 : vector<16xi32>
    %swap3A_643 = arith.constant 2 : i32
    %swap3A_644 = arith.index_cast %swap3A_643 : i32 to index
    %swap3A_645 = arith.constant 80 : index
    %swap3A_646 = tpu.vector_load %arg5[%swap3A_644, %swap3A_645] {strides = array<i32>} : memref<200x128xi32, #tpu.memory_space<vmem>>, vector<1x16xi32>,
    %swap3A_647 = vector.shape_cast %swap3A_646 : vector<1x16xi32> to vector<16xi32>
    %swap3A_648 = vector.shape_cast %add3A_642 : vector<16xi32> to vector<1x16xi32>
    tpu.vector_store %arg5[%swap3A_644, %swap3A_645], %swap3A_648 {strides = array<i32>} : memref<200x128xi32, #tpu.memory_space<vmem>>, vector<1x16xi32>,
    %get3A_649 = arith.constant 2 : i32
    %get3A_650 = arith.index_cast %get3A_649 : i32 to index
    %get3A_651 = arith.constant 96 : index
    %get3A_652 = tpu.vector_load %arg5[%get3A_650, %get3A_651] {strides = array<i32>} : memref<200x128xi32, #tpu.memory_space<vmem>>, vector<1x16xi32>,
    %get3A_653 = vector.shape_cast %get3A_652 : vector<1x16xi32> to vector<16xi32>
    %and3A_654 = arith.constant -32768 : i32
    %and3A_655 = vector.broadcast %and3A_654 : i32 to vector<16xi32>
    %and3A_656 = arith.andi %get3A_653, %and3A_655 : vector<16xi32>
    %and3A_657 = arith.constant 4095 : i32
    %and3A_658 = vector.broadcast %and3A_657 : i32 to vector<16xi32>
    %and3A_659 = arith.andi %get3A_653, %and3A_658 : vector<16xi32>
    %shift_left3A_660 = arith.constant 3 : i32
    %shift_left3A_661 = vector.broadcast %shift_left3A_660 : i32 to vector<16xi32>
    %shift_left3A_662 = arith.shli %and3A_659, %shift_left3A_661 : vector<16xi32>
    %add3A_663 = arith.addi %and3A_656, %shift_left3A_662 : vector<16xi32>
    %shift_right_arithmetic3A_664 = arith.constant 12 : i32
    %shift_right_arithmetic3A_665 = vector.broadcast %shift_right_arithmetic3A_664 : i32 to vector<16xi32>
    %shift_right_arithmetic3A_666 = arith.shrsi %get3A_653, %shift_right_arithmetic3A_665 : vector<16xi32>
    %and3A_667 = arith.constant 7 : i32
    %and3A_668 = vector.broadcast %and3A_667 : i32 to vector<16xi32>
    %and3A_669 = arith.andi %shift_right_arithmetic3A_666, %and3A_668 : vector<16xi32>
    %add3A_670 = arith.addi %add3A_663, %and3A_669 : vector<16xi32>
    %swap3A_671 = arith.constant 2 : i32
    %swap3A_672 = arith.index_cast %swap3A_671 : i32 to index
    %swap3A_673 = arith.constant 96 : index
    %swap3A_674 = tpu.vector_load %arg5[%swap3A_672, %swap3A_673] {strides = array<i32>} : memref<200x128xi32, #tpu.memory_space<vmem>>, vector<1x16xi32>,
    %swap3A_675 = vector.shape_cast %swap3A_674 : vector<1x16xi32> to vector<16xi32>
    %swap3A_676 = vector.shape_cast %add3A_670 : vector<16xi32> to vector<1x16xi32>
    tpu.vector_store %arg5[%swap3A_672, %swap3A_673], %swap3A_676 {strides = array<i32>} : memref<200x128xi32, #tpu.memory_space<vmem>>, vector<1x16xi32>,
    %get3A_677 = arith.constant 2 : i32
    %get3A_678 = arith.index_cast %get3A_677 : i32 to index
    %get3A_679 = arith.constant 112 : index
    %get3A_680 = tpu.vector_load %arg5[%get3A_678, %get3A_679] {strides = array<i32>} : memref<200x128xi32, #tpu.memory_space<vmem>>, vector<1x16xi32>,
    %get3A_681 = vector.shape_cast %get3A_680 : vector<1x16xi32> to vector<16xi32>
    %and3A_682 = arith.constant -32768 : i32
    %and3A_683 = vector.broadcast %and3A_682 : i32 to vector<16xi32>
    %and3A_684 = arith.andi %get3A_681, %and3A_683 : vector<16xi32>
    %and3A_685 = arith.constant 4095 : i32
    %and3A_686 = vector.broadcast %and3A_685 : i32 to vector<16xi32>
    %and3A_687 = arith.andi %get3A_681, %and3A_686 : vector<16xi32>
    %shift_left3A_688 = arith.constant 3 : i32
    %shift_left3A_689 = vector.broadcast %shift_left3A_688 : i32 to vector<16xi32>
    %shift_left3A_690 = arith.shli %and3A_687, %shift_left3A_689 : vector<16xi32>
    %add3A_691 = arith.addi %and3A_684, %shift_left3A_690 : vector<16xi32>
    %shift_right_arithmetic3A_692 = arith.constant 12 : i32
    %shift_right_arithmetic3A_693 = vector.broadcast %shift_right_arithmetic3A_692 : i32 to vector<16xi32>
    %shift_right_arithmetic3A_694 = arith.shrsi %get3A_681, %shift_right_arithmetic3A_693 : vector<16xi32>
    %and3A_695 = arith.constant 7 : i32
    %and3A_696 = vector.broadcast %and3A_695 : i32 to vector<16xi32>
    %and3A_697 = arith.andi %shift_right_arithmetic3A_694, %and3A_696 : vector<16xi32>
    %add3A_698 = arith.addi %add3A_691, %and3A_697 : vector<16xi32>
    %swap3A_699 = arith.constant 2 : i32
    %swap3A_700 = arith.index_cast %swap3A_699 : i32 to index
    %swap3A_701 = arith.constant 112 : index
    %swap3A_702 = tpu.vector_load %arg5[%swap3A_700, %swap3A_701] {strides = array<i32>} : memref<200x128xi32, #tpu.memory_space<vmem>>, vector<1x16xi32>,
    %swap3A_703 = vector.shape_cast %swap3A_702 : vector<1x16xi32> to vector<16xi32>
    %swap3A_704 = vector.shape_cast %add3A_698 : vector<16xi32> to vector<1x16xi32>
    tpu.vector_store %arg5[%swap3A_700, %swap3A_701], %swap3A_704 {strides = array<i32>} : memref<200x128xi32, #tpu.memory_space<vmem>>, vector<1x16xi32>,
    %dma_start3A_705 = arith.constant 2 : i32
    %dma_start3A_706 = arith.constant 2 : i32
    %dma_start3A_707 = arith.constant 2 : i32
    %dma_start3A_708 = arith.constant 0 : i32
    %dma_start3A_709 = arith.constant 0 : i32
    %dma_start3A_710 = tpu.memref_slice %arg6[%dma_start3A_706, %dma_start3A_708, %dma_start3A_709] : memref<8x128x16xf32, #tpu.memory_space<vmem>> -> memref<1x128x16xf32, #tpu.memory_space<vmem>>
    %dma_start3A_711 = tpu.memref_squeeze %dma_start3A_710 : memref<1x128x16xf32, #tpu.memory_space<vmem>> -> memref<128x16xf32, #tpu.memory_space<vmem>>
    %dma_start3A_712 = arith.constant 0 : i32
    %dma_start3A_713 = tpu.memref_slice %arg5[%dma_start3A_705, %dma_start3A_712] : memref<200x128xi32, #tpu.memory_space<vmem>> -> memref<1x128xi32, #tpu.memory_space<vmem>>
    %dma_start3A_714 = tpu.memref_squeeze %dma_start3A_713 : memref<1x128xi32, #tpu.memory_space<vmem>> -> memref<128xi32, #tpu.memory_space<vmem>>
    %dma_start3A_715 = arith.constant 0 : i32
    %dma_start3A_716 = arith.constant 0 : i32
    %dma_start3A_717 = tpu.memref_slice %arg3[%dma_start3A_715, %dma_start3A_716] : memref<1015808x16xf32, #tpu.memory_space<hbm>> -> memref<1015808x16xf32, #tpu.memory_space<hbm>>
    %dma_start3A_718 = tpu.memref_slice %arg8[%dma_start3A_707] : memref<8x!tpu.dma_semaphore, #tpu.memory_space<semaphore_mem>> -> memref<1x!tpu.dma_semaphore, #tpu.memory_space<semaphore_mem>>
    %dma_start3A_719 = tpu.memref_squeeze %dma_start3A_718 : memref<1x!tpu.dma_semaphore, #tpu.memory_space<semaphore_mem>> -> memref<!tpu.dma_semaphore, #tpu.memory_space<semaphore_mem>>
    tpu.enqueue_indirect_dma source(%dma_start3A_717 : memref<1015808x16xf32, #tpu.memory_space<hbm>>) target(%dma_start3A_711 : memref<128x16xf32, #tpu.memory_space<vmem>>) offsets(%dma_start3A_714 : memref<128xi32, #tpu.memory_space<vmem>>) semaphore(%dma_start3A_719 : memref<!tpu.dma_semaphore, #tpu.memory_space<semaphore_mem>>)
    %get3A_720 = arith.constant 3 : i32
    %get3A_721 = arith.index_cast %get3A_720 : i32 to index
    %get3A_722 = arith.constant 0 : index
    %get3A_723 = tpu.vector_load %arg5[%get3A_721, %get3A_722] {strides = array<i32>} : memref<200x128xi32, #tpu.memory_space<vmem>>, vector<1x16xi32>,
    %get3A_724 = vector.shape_cast %get3A_723 : vector<1x16xi32> to vector<16xi32>
    %and3A_725 = arith.constant -32768 : i32
    %and3A_726 = vector.broadcast %and3A_725 : i32 to vector<16xi32>
    %and3A_727 = arith.andi %get3A_724, %and3A_726 : vector<16xi32>
    %and3A_728 = arith.constant 4095 : i32
    %and3A_729 = vector.broadcast %and3A_728 : i32 to vector<16xi32>
    %and3A_730 = arith.andi %get3A_724, %and3A_729 : vector<16xi32>
    %shift_left3A_731 = arith.constant 3 : i32
    %shift_left3A_732 = vector.broadcast %shift_left3A_731 : i32 to vector<16xi32>
    %shift_left3A_733 = arith.shli %and3A_730, %shift_left3A_732 : vector<16xi32>
    %add3A_734 = arith.addi %and3A_727, %shift_left3A_733 : vector<16xi32>
    %shift_right_arithmetic3A_735 = arith.constant 12 : i32
    %shift_right_arithmetic3A_736 = vector.broadcast %shift_right_arithmetic3A_735 : i32 to vector<16xi32>
    %shift_right_arithmetic3A_737 = arith.shrsi %get3A_724, %shift_right_arithmetic3A_736 : vector<16xi32>
    %and3A_738 = arith.constant 7 : i32
    %and3A_739 = vector.broadcast %and3A_738 : i32 to vector<16xi32>
    %and3A_740 = arith.andi %shift_right_arithmetic3A_737, %and3A_739 : vector<16xi32>
    %add3A_741 = arith.addi %add3A_734, %and3A_740 : vector<16xi32>
    %swap3A_742 = arith.constant 3 : i32
    %swap3A_743 = arith.index_cast %swap3A_742 : i32 to index
    %swap3A_744 = arith.constant 0 : index
    %swap3A_745 = tpu.vector_load %arg5[%swap3A_743, %swap3A_744] {strides = array<i32>} : memref<200x128xi32, #tpu.memory_space<vmem>>, vector<1x16xi32>,
    %swap3A_746 = vector.shape_cast %swap3A_745 : vector<1x16xi32> to vector<16xi32>
    %swap3A_747 = vector.shape_cast %add3A_741 : vector<16xi32> to vector<1x16xi32>
    tpu.vector_store %arg5[%swap3A_743, %swap3A_744], %swap3A_747 {strides = array<i32>} : memref<200x128xi32, #tpu.memory_space<vmem>>, vector<1x16xi32>,
    %get3A_748 = arith.constant 3 : i32
    %get3A_749 = arith.index_cast %get3A_748 : i32 to index
    %get3A_750 = arith.constant 16 : index
    %get3A_751 = tpu.vector_load %arg5[%get3A_749, %get3A_750] {strides = array<i32>} : memref<200x128xi32, #tpu.memory_space<vmem>>, vector<1x16xi32>,
    %get3A_752 = vector.shape_cast %get3A_751 : vector<1x16xi32> to vector<16xi32>
    %and3A_753 = arith.constant -32768 : i32
    %and3A_754 = vector.broadcast %and3A_753 : i32 to vector<16xi32>
    %and3A_755 = arith.andi %get3A_752, %and3A_754 : vector<16xi32>
    %and3A_756 = arith.constant 4095 : i32
    %and3A_757 = vector.broadcast %and3A_756 : i32 to vector<16xi32>
    %and3A_758 = arith.andi %get3A_752, %and3A_757 : vector<16xi32>
    %shift_left3A_759 = arith.constant 3 : i32
    %shift_left3A_760 = vector.broadcast %shift_left3A_759 : i32 to vector<16xi32>
    %shift_left3A_761 = arith.shli %and3A_758, %shift_left3A_760 : vector<16xi32>
    %add3A_762 = arith.addi %and3A_755, %shift_left3A_761 : vector<16xi32>
    %shift_right_arithmetic3A_763 = arith.constant 12 : i32
    %shift_right_arithmetic3A_764 = vector.broadcast %shift_right_arithmetic3A_763 : i32 to vector<16xi32>
    %shift_right_arithmetic3A_765 = arith.shrsi %get3A_752, %shift_right_arithmetic3A_764 : vector<16xi32>
    %and3A_766 = arith.constant 7 : i32
    %and3A_767 = vector.broadcast %and3A_766 : i32 to vector<16xi32>
    %and3A_768 = arith.andi %shift_right_arithmetic3A_765, %and3A_767 : vector<16xi32>
    %add3A_769 = arith.addi %add3A_762, %and3A_768 : vector<16xi32>
    %swap3A_770 = arith.constant 3 : i32
    %swap3A_771 = arith.index_cast %swap3A_770 : i32 to index
    %swap3A_772 = arith.constant 16 : index
    %swap3A_773 = tpu.vector_load %arg5[%swap3A_771, %swap3A_772] {strides = array<i32>} : memref<200x128xi32, #tpu.memory_space<vmem>>, vector<1x16xi32>,
    %swap3A_774 = vector.shape_cast %swap3A_773 : vector<1x16xi32> to vector<16xi32>
    %swap3A_775 = vector.shape_cast %add3A_769 : vector<16xi32> to vector<1x16xi32>
    tpu.vector_store %arg5[%swap3A_771, %swap3A_772], %swap3A_775 {strides = array<i32>} : memref<200x128xi32, #tpu.memory_space<vmem>>, vector<1x16xi32>,
    %get3A_776 = arith.constant 3 : i32
    %get3A_777 = arith.index_cast %get3A_776 : i32 to index
    %get3A_778 = arith.constant 32 : index
    %get3A_779 = tpu.vector_load %arg5[%get3A_777, %get3A_778] {strides = array<i32>} : memref<200x128xi32, #tpu.memory_space<vmem>>, vector<1x16xi32>,
    %get3A_780 = vector.shape_cast %get3A_779 : vector<1x16xi32> to vector<16xi32>
    %and3A_781 = arith.constant -32768 : i32
    %and3A_782 = vector.broadcast %and3A_781 : i32 to vector<16xi32>
    %and3A_783 = arith.andi %get3A_780, %and3A_782 : vector<16xi32>
    %and3A_784 = arith.constant 4095 : i32
    %and3A_785 = vector.broadcast %and3A_784 : i32 to vector<16xi32>
    %and3A_786 = arith.andi %get3A_780, %and3A_785 : vector<16xi32>
    %shift_left3A_787 = arith.constant 3 : i32
    %shift_left3A_788 = vector.broadcast %shift_left3A_787 : i32 to vector<16xi32>
    %shift_left3A_789 = arith.shli %and3A_786, %shift_left3A_788 : vector<16xi32>
    %add3A_790 = arith.addi %and3A_783, %shift_left3A_789 : vector<16xi32>
    %shift_right_arithmetic3A_791 = arith.constant 12 : i32
    %shift_right_arithmetic3A_792 = vector.broadcast %shift_right_arithmetic3A_791 : i32 to vector<16xi32>
    %shift_right_arithmetic3A_793 = arith.shrsi %get3A_780, %shift_right_arithmetic3A_792 : vector<16xi32>
    %and3A_794 = arith.constant 7 : i32
    %and3A_795 = vector.broadcast %and3A_794 : i32 to vector<16xi32>
    %and3A_796 = arith.andi %shift_right_arithmetic3A_793, %and3A_795 : vector<16xi32>
    %add3A_797 = arith.addi %add3A_790, %and3A_796 : vector<16xi32>
    %swap3A_798 = arith.constant 3 : i32
    %swap3A_799 = arith.index_cast %swap3A_798 : i32 to index
    %swap3A_800 = arith.constant 32 : index
    %swap3A_801 = tpu.vector_load %arg5[%swap3A_799, %swap3A_800] {strides = array<i32>} : memref<200x128xi32, #tpu.memory_space<vmem>>, vector<1x16xi32>,
    %swap3A_802 = vector.shape_cast %swap3A_801 : vector<1x16xi32> to vector<16xi32>
    %swap3A_803 = vector.shape_cast %add3A_797 : vector<16xi32> to vector<1x16xi32>
    tpu.vector_store %arg5[%swap3A_799, %swap3A_800], %swap3A_803 {strides = array<i32>} : memref<200x128xi32, #tpu.memory_space<vmem>>, vector<1x16xi32>,
    %get3A_804 = arith.constant 3 : i32
    %get3A_805 = arith.index_cast %get3A_804 : i32 to index
    %get3A_806 = arith.constant 48 : index
    %get3A_807 = tpu.vector_load %arg5[%get3A_805, %get3A_806] {strides = array<i32>} : memref<200x128xi32, #tpu.memory_space<vmem>>, vector<1x16xi32>,
    %get3A_808 = vector.shape_cast %get3A_807 : vector<1x16xi32> to vector<16xi32>
    %and3A_809 = arith.constant -32768 : i32
    %and3A_810 = vector.broadcast %and3A_809 : i32 to vector<16xi32>
    %and3A_811 = arith.andi %get3A_808, %and3A_810 : vector<16xi32>
    %and3A_812 = arith.constant 4095 : i32
    %and3A_813 = vector.broadcast %and3A_812 : i32 to vector<16xi32>
    %and3A_814 = arith.andi %get3A_808, %and3A_813 : vector<16xi32>
    %shift_left3A_815 = arith.constant 3 : i32
    %shift_left3A_816 = vector.broadcast %shift_left3A_815 : i32 to vector<16xi32>
    %shift_left3A_817 = arith.shli %and3A_814, %shift_left3A_816 : vector<16xi32>
    %add3A_818 = arith.addi %and3A_811, %shift_left3A_817 : vector<16xi32>
    %shift_right_arithmetic3A_819 = arith.constant 12 : i32
    %shift_right_arithmetic3A_820 = vector.broadcast %shift_right_arithmetic3A_819 : i32 to vector<16xi32>
    %shift_right_arithmetic3A_821 = arith.shrsi %get3A_808, %shift_right_arithmetic3A_820 : vector<16xi32>
    %and3A_822 = arith.constant 7 : i32
    %and3A_823 = vector.broadcast %and3A_822 : i32 to vector<16xi32>
    %and3A_824 = arith.andi %shift_right_arithmetic3A_821, %and3A_823 : vector<16xi32>
    %add3A_825 = arith.addi %add3A_818, %and3A_824 : vector<16xi32>
    %swap3A_826 = arith.constant 3 : i32
    %swap3A_827 = arith.index_cast %swap3A_826 : i32 to index
    %swap3A_828 = arith.constant 48 : index
    %swap3A_829 = tpu.vector_load %arg5[%swap3A_827, %swap3A_828] {strides = array<i32>} : memref<200x128xi32, #tpu.memory_space<vmem>>, vector<1x16xi32>,
    %swap3A_830 = vector.shape_cast %swap3A_829 : vector<1x16xi32> to vector<16xi32>
    %swap3A_831 = vector.shape_cast %add3A_825 : vector<16xi32> to vector<1x16xi32>
    tpu.vector_store %arg5[%swap3A_827, %swap3A_828], %swap3A_831 {strides = array<i32>} : memref<200x128xi32, #tpu.memory_space<vmem>>, vector<1x16xi32>,
    %get3A_832 = arith.constant 3 : i32
    %get3A_833 = arith.index_cast %get3A_832 : i32 to index
    %get3A_834 = arith.constant 64 : index
    %get3A_835 = tpu.vector_load %arg5[%get3A_833, %get3A_834] {strides = array<i32>} : memref<200x128xi32, #tpu.memory_space<vmem>>, vector<1x16xi32>,
    %get3A_836 = vector.shape_cast %get3A_835 : vector<1x16xi32> to vector<16xi32>
    %and3A_837 = arith.constant -32768 : i32
    %and3A_838 = vector.broadcast %and3A_837 : i32 to vector<16xi32>
    %and3A_839 = arith.andi %get3A_836, %and3A_838 : vector<16xi32>
    %and3A_840 = arith.constant 4095 : i32
    %and3A_841 = vector.broadcast %and3A_840 : i32 to vector<16xi32>
    %and3A_842 = arith.andi %get3A_836, %and3A_841 : vector<16xi32>
    %shift_left3A_843 = arith.constant 3 : i32
    %shift_left3A_844 = vector.broadcast %shift_left3A_843 : i32 to vector<16xi32>
    %shift_left3A_845 = arith.shli %and3A_842, %shift_left3A_844 : vector<16xi32>
    %add3A_846 = arith.addi %and3A_839, %shift_left3A_845 : vector<16xi32>
    %shift_right_arithmetic3A_847 = arith.constant 12 : i32
    %shift_right_arithmetic3A_848 = vector.broadcast %shift_right_arithmetic3A_847 : i32 to vector<16xi32>
    %shift_right_arithmetic3A_849 = arith.shrsi %get3A_836, %shift_right_arithmetic3A_848 : vector<16xi32>
    %and3A_850 = arith.constant 7 : i32
    %and3A_851 = vector.broadcast %and3A_850 : i32 to vector<16xi32>
    %and3A_852 = arith.andi %shift_right_arithmetic3A_849, %and3A_851 : vector<16xi32>
    %add3A_853 = arith.addi %add3A_846, %and3A_852 : vector<16xi32>
    %swap3A_854 = arith.constant 3 : i32
    %swap3A_855 = arith.index_cast %swap3A_854 : i32 to index
    %swap3A_856 = arith.constant 64 : index
    %swap3A_857 = tpu.vector_load %arg5[%swap3A_855, %swap3A_856] {strides = array<i32>} : memref<200x128xi32, #tpu.memory_space<vmem>>, vector<1x16xi32>,
    %swap3A_858 = vector.shape_cast %swap3A_857 : vector<1x16xi32> to vector<16xi32>
    %swap3A_859 = vector.shape_cast %add3A_853 : vector<16xi32> to vector<1x16xi32>
    tpu.vector_store %arg5[%swap3A_855, %swap3A_856], %swap3A_859 {strides = array<i32>} : memref<200x128xi32, #tpu.memory_space<vmem>>, vector<1x16xi32>,
    %get3A_860 = arith.constant 3 : i32
    %get3A_861 = arith.index_cast %get3A_860 : i32 to index
    %get3A_862 = arith.constant 80 : index
    %get3A_863 = tpu.vector_load %arg5[%get3A_861, %get3A_862] {strides = array<i32>} : memref<200x128xi32, #tpu.memory_space<vmem>>, vector<1x16xi32>,
    %get3A_864 = vector.shape_cast %get3A_863 : vector<1x16xi32> to vector<16xi32>
    %and3A_865 = arith.constant -32768 : i32
    %and3A_866 = vector.broadcast %and3A_865 : i32 to vector<16xi32>
    %and3A_867 = arith.andi %get3A_864, %and3A_866 : vector<16xi32>
    %and3A_868 = arith.constant 4095 : i32
    %and3A_869 = vector.broadcast %and3A_868 : i32 to vector<16xi32>
    %and3A_870 = arith.andi %get3A_864, %and3A_869 : vector<16xi32>
    %shift_left3A_871 = arith.constant 3 : i32
    %shift_left3A_872 = vector.broadcast %shift_left3A_871 : i32 to vector<16xi32>
    %shift_left3A_873 = arith.shli %and3A_870, %shift_left3A_872 : vector<16xi32>
    %add3A_874 = arith.addi %and3A_867, %shift_left3A_873 : vector<16xi32>
    %shift_right_arithmetic3A_875 = arith.constant 12 : i32
    %shift_right_arithmetic3A_876 = vector.broadcast %shift_right_arithmetic3A_875 : i32 to vector<16xi32>
    %shift_right_arithmetic3A_877 = arith.shrsi %get3A_864, %shift_right_arithmetic3A_876 : vector<16xi32>
    %and3A_878 = arith.constant 7 : i32
    %and3A_879 = vector.broadcast %and3A_878 : i32 to vector<16xi32>
    %and3A_880 = arith.andi %shift_right_arithmetic3A_877, %and3A_879 : vector<16xi32>
    %add3A_881 = arith.addi %add3A_874, %and3A_880 : vector<16xi32>
    %swap3A_882 = arith.constant 3 : i32
    %swap3A_883 = arith.index_cast %swap3A_882 : i32 to index
    %swap3A_884 = arith.constant 80 : index
    %swap3A_885 = tpu.vector_load %arg5[%swap3A_883, %swap3A_884] {strides = array<i32>} : memref<200x128xi32, #tpu.memory_space<vmem>>, vector<1x16xi32>,
    %swap3A_886 = vector.shape_cast %swap3A_885 : vector<1x16xi32> to vector<16xi32>
    %swap3A_887 = vector.shape_cast %add3A_881 : vector<16xi32> to vector<1x16xi32>
    tpu.vector_store %arg5[%swap3A_883, %swap3A_884], %swap3A_887 {strides = array<i32>} : memref<200x128xi32, #tpu.memory_space<vmem>>, vector<1x16xi32>,
    %get3A_888 = arith.constant 3 : i32
    %get3A_889 = arith.index_cast %get3A_888 : i32 to index
    %get3A_890 = arith.constant 96 : index
    %get3A_891 = tpu.vector_load %arg5[%get3A_889, %get3A_890] {strides = array<i32>} : memref<200x128xi32, #tpu.memory_space<vmem>>, vector<1x16xi32>,
    %get3A_892 = vector.shape_cast %get3A_891 : vector<1x16xi32> to vector<16xi32>
    %and3A_893 = arith.constant -32768 : i32
    %and3A_894 = vector.broadcast %and3A_893 : i32 to vector<16xi32>
    %and3A_895 = arith.andi %get3A_892, %and3A_894 : vector<16xi32>
    %and3A_896 = arith.constant 4095 : i32
    %and3A_897 = vector.broadcast %and3A_896 : i32 to vector<16xi32>
    %and3A_898 = arith.andi %get3A_892, %and3A_897 : vector<16xi32>
    %shift_left3A_899 = arith.constant 3 : i32
    %shift_left3A_900 = vector.broadcast %shift_left3A_899 : i32 to vector<16xi32>
    %shift_left3A_901 = arith.shli %and3A_898, %shift_left3A_900 : vector<16xi32>
    %add3A_902 = arith.addi %and3A_895, %shift_left3A_901 : vector<16xi32>
    %shift_right_arithmetic3A_903 = arith.constant 12 : i32
    %shift_right_arithmetic3A_904 = vector.broadcast %shift_right_arithmetic3A_903 : i32 to vector<16xi32>
    %shift_right_arithmetic3A_905 = arith.shrsi %get3A_892, %shift_right_arithmetic3A_904 : vector<16xi32>
    %and3A_906 = arith.constant 7 : i32
    %and3A_907 = vector.broadcast %and3A_906 : i32 to vector<16xi32>
    %and3A_908 = arith.andi %shift_right_arithmetic3A_905, %and3A_907 : vector<16xi32>
    %add3A_909 = arith.addi %add3A_902, %and3A_908 : vector<16xi32>
    %swap3A_910 = arith.constant 3 : i32
    %swap3A_911 = arith.index_cast %swap3A_910 : i32 to index
    %swap3A_912 = arith.constant 96 : index
    %swap3A_913 = tpu.vector_load %arg5[%swap3A_911, %swap3A_912] {strides = array<i32>} : memref<200x128xi32, #tpu.memory_space<vmem>>, vector<1x16xi32>,
    %swap3A_914 = vector.shape_cast %swap3A_913 : vector<1x16xi32> to vector<16xi32>
    %swap3A_915 = vector.shape_cast %add3A_909 : vector<16xi32> to vector<1x16xi32>
    tpu.vector_store %arg5[%swap3A_911, %swap3A_912], %swap3A_915 {strides = array<i32>} : memref<200x128xi32, #tpu.memory_space<vmem>>, vector<1x16xi32>,
    %get3A_916 = arith.constant 3 : i32
    %get3A_917 = arith.index_cast %get3A_916 : i32 to index
    %get3A_918 = arith.constant 112 : index
    %get3A_919 = tpu.vector_load %arg5[%get3A_917, %get3A_918] {strides = array<i32>} : memref<200x128xi32, #tpu.memory_space<vmem>>, vector<1x16xi32>,
    %get3A_920 = vector.shape_cast %get3A_919 : vector<1x16xi32> to vector<16xi32>
    %and3A_921 = arith.constant -32768 : i32
    %and3A_922 = vector.broadcast %and3A_921 : i32 to vector<16xi32>
    %and3A_923 = arith.andi %get3A_920, %and3A_922 : vector<16xi32>
    %and3A_924 = arith.constant 4095 : i32
    %and3A_925 = vector.broadcast %and3A_924 : i32 to vector<16xi32>
    %and3A_926 = arith.andi %get3A_920, %and3A_925 : vector<16xi32>
    %shift_left3A_927 = arith.constant 3 : i32
    %shift_left3A_928 = vector.broadcast %shift_left3A_927 : i32 to vector<16xi32>
    %shift_left3A_929 = arith.shli %and3A_926, %shift_left3A_928 : vector<16xi32>
    %add3A_930 = arith.addi %and3A_923, %shift_left3A_929 : vector<16xi32>
    %shift_right_arithmetic3A_931 = arith.constant 12 : i32
    %shift_right_arithmetic3A_932 = vector.broadcast %shift_right_arithmetic3A_931 : i32 to vector<16xi32>
    %shift_right_arithmetic3A_933 = arith.shrsi %get3A_920, %shift_right_arithmetic3A_932 : vector<16xi32>
    %and3A_934 = arith.constant 7 : i32
    %and3A_935 = vector.broadcast %and3A_934 : i32 to vector<16xi32>
    %and3A_936 = arith.andi %shift_right_arithmetic3A_933, %and3A_935 : vector<16xi32>
    %add3A_937 = arith.addi %add3A_930, %and3A_936 : vector<16xi32>
    %swap3A_938 = arith.constant 3 : i32
    %swap3A_939 = arith.index_cast %swap3A_938 : i32 to index
    %swap3A_940 = arith.constant 112 : index
    %swap3A_941 = tpu.vector_load %arg5[%swap3A_939, %swap3A_940] {strides = array<i32>} : memref<200x128xi32, #tpu.memory_space<vmem>>, vector<1x16xi32>,
    %swap3A_942 = vector.shape_cast %swap3A_941 : vector<1x16xi32> to vector<16xi32>
    %swap3A_943 = vector.shape_cast %add3A_937 : vector<16xi32> to vector<1x16xi32>
    tpu.vector_store %arg5[%swap3A_939, %swap3A_940], %swap3A_943 {strides = array<i32>} : memref<200x128xi32, #tpu.memory_space<vmem>>, vector<1x16xi32>,
    %dma_start3A_944 = arith.constant 3 : i32
    %dma_start3A_945 = arith.constant 3 : i32
    %dma_start3A_946 = arith.constant 3 : i32
    %dma_start3A_947 = arith.constant 0 : i32
    %dma_start3A_948 = arith.constant 0 : i32
    %dma_start3A_949 = tpu.memref_slice %arg6[%dma_start3A_945, %dma_start3A_947, %dma_start3A_948] : memref<8x128x16xf32, #tpu.memory_space<vmem>> -> memref<1x128x16xf32, #tpu.memory_space<vmem>>
    %dma_start3A_950 = tpu.memref_squeeze %dma_start3A_949 : memref<1x128x16xf32, #tpu.memory_space<vmem>> -> memref<128x16xf32, #tpu.memory_space<vmem>>
    %dma_start3A_951 = arith.constant 0 : i32
    %dma_start3A_952 = tpu.memref_slice %arg5[%dma_start3A_944, %dma_start3A_951] : memref<200x128xi32, #tpu.memory_space<vmem>> -> memref<1x128xi32, #tpu.memory_space<vmem>>
    %dma_start3A_953 = tpu.memref_squeeze %dma_start3A_952 : memref<1x128xi32, #tpu.memory_space<vmem>> -> memref<128xi32, #tpu.memory_space<vmem>>
    %dma_start3A_954 = arith.constant 0 : i32
    %dma_start3A_955 = arith.constant 0 : i32
    %dma_start3A_956 = tpu.memref_slice %arg3[%dma_start3A_954, %dma_start3A_955] : memref<1015808x16xf32, #tpu.memory_space<hbm>> -> memref<1015808x16xf32, #tpu.memory_space<hbm>>
    %dma_start3A_957 = tpu.memref_slice %arg8[%dma_start3A_946] : memref<8x!tpu.dma_semaphore, #tpu.memory_space<semaphore_mem>> -> memref<1x!tpu.dma_semaphore, #tpu.memory_space<semaphore_mem>>
    %dma_start3A_958 = tpu.memref_squeeze %dma_start3A_957 : memref<1x!tpu.dma_semaphore, #tpu.memory_space<semaphore_mem>> -> memref<!tpu.dma_semaphore, #tpu.memory_space<semaphore_mem>>
    tpu.enqueue_indirect_dma source(%dma_start3A_956 : memref<1015808x16xf32, #tpu.memory_space<hbm>>) target(%dma_start3A_950 : memref<128x16xf32, #tpu.memory_space<vmem>>) offsets(%dma_start3A_953 : memref<128xi32, #tpu.memory_space<vmem>>) semaphore(%dma_start3A_958 : memref<!tpu.dma_semaphore, #tpu.memory_space<semaphore_mem>>)
    %get3A_959 = arith.constant 4 : i32
    %get3A_960 = arith.index_cast %get3A_959 : i32 to index
    %get3A_961 = arith.constant 0 : index
    %get3A_962 = tpu.vector_load %arg5[%get3A_960, %get3A_961] {strides = array<i32>} : memref<200x128xi32, #tpu.memory_space<vmem>>, vector<1x16xi32>,
    %get3A_963 = vector.shape_cast %get3A_962 : vector<1x16xi32> to vector<16xi32>
    %and3A_964 = arith.constant -32768 : i32
    %and3A_965 = vector.broadcast %and3A_964 : i32 to vector<16xi32>
    %and3A_966 = arith.andi %get3A_963, %and3A_965 : vector<16xi32>
    %and3A_967 = arith.constant 4095 : i32
    %and3A_968 = vector.broadcast %and3A_967 : i32 to vector<16xi32>
    %and3A_969 = arith.andi %get3A_963, %and3A_968 : vector<16xi32>
    %shift_left3A_970 = arith.constant 3 : i32
    %shift_left3A_971 = vector.broadcast %shift_left3A_970 : i32 to vector<16xi32>
    %shift_left3A_972 = arith.shli %and3A_969, %shift_left3A_971 : vector<16xi32>
    %add3A_973 = arith.addi %and3A_966, %shift_left3A_972 : vector<16xi32>
    %shift_right_arithmetic3A_974 = arith.constant 12 : i32
    %shift_right_arithmetic3A_975 = vector.broadcast %shift_right_arithmetic3A_974 : i32 to vector<16xi32>
    %shift_right_arithmetic3A_976 = arith.shrsi %get3A_963, %shift_right_arithmetic3A_975 : vector<16xi32>
    %and3A_977 = arith.constant 7 : i32
    %and3A_978 = vector.broadcast %and3A_977 : i32 to vector<16xi32>
    %and3A_979 = arith.andi %shift_right_arithmetic3A_976, %and3A_978 : vector<16xi32>
    %add3A_980 = arith.addi %add3A_973, %and3A_979 : vector<16xi32>
    %swap3A_981 = arith.constant 4 : i32
    %swap3A_982 = arith.index_cast %swap3A_981 : i32 to index
    %swap3A_983 = arith.constant 0 : index
    %swap3A_984 = tpu.vector_load %arg5[%swap3A_982, %swap3A_983] {strides = array<i32>} : memref<200x128xi32, #tpu.memory_space<vmem>>, vector<1x16xi32>,
    %swap3A_985 = vector.shape_cast %swap3A_984 : vector<1x16xi32> to vector<16xi32>
    %swap3A_986 = vector.shape_cast %add3A_980 : vector<16xi32> to vector<1x16xi32>
    tpu.vector_store %arg5[%swap3A_982, %swap3A_983], %swap3A_986 {strides = array<i32>} : memref<200x128xi32, #tpu.memory_space<vmem>>, vector<1x16xi32>,
    %get3A_987 = arith.constant 4 : i32
    %get3A_988 = arith.index_cast %get3A_987 : i32 to index
    %get3A_989 = arith.constant 16 : index
    %get3A_990 = tpu.vector_load %arg5[%get3A_988, %get3A_989] {strides = array<i32>} : memref<200x128xi32, #tpu.memory_space<vmem>>, vector<1x16xi32>,
    %get3A_991 = vector.shape_cast %get3A_990 : vector<1x16xi32> to vector<16xi32>
    %and3A_992 = arith.constant -32768 : i32
    %and3A_993 = vector.broadcast %and3A_992 : i32 to vector<16xi32>
    %and3A_994 = arith.andi %get3A_991, %and3A_993 : vector<16xi32>
    %and3A_995 = arith.constant 4095 : i32
    %and3A_996 = vector.broadcast %and3A_995 : i32 to vector<16xi32>
    %and3A_997 = arith.andi %get3A_991, %and3A_996 : vector<16xi32>
    %shift_left3A_998 = arith.constant 3 : i32
    %shift_left3A_999 = vector.broadcast %shift_left3A_998 : i32 to vector<16xi32>
    %shift_left3A_1000 = arith.shli %and3A_997, %shift_left3A_999 : vector<16xi32>
    %add3A_1001 = arith.addi %and3A_994, %shift_left3A_1000 : vector<16xi32>
    %shift_right_arithmetic3A_1002 = arith.constant 12 : i32
    %shift_right_arithmetic3A_1003 = vector.broadcast %shift_right_arithmetic3A_1002 : i32 to vector<16xi32>
    %shift_right_arithmetic3A_1004 = arith.shrsi %get3A_991, %shift_right_arithmetic3A_1003 : vector<16xi32>
    %and3A_1005 = arith.constant 7 : i32
    %and3A_1006 = vector.broadcast %and3A_1005 : i32 to vector<16xi32>
    %and3A_1007 = arith.andi %shift_right_arithmetic3A_1004, %and3A_1006 : vector<16xi32>
    %add3A_1008 = arith.addi %add3A_1001, %and3A_1007 : vector<16xi32>
    %swap3A_1009 = arith.constant 4 : i32
    %swap3A_1010 = arith.index_cast %swap3A_1009 : i32 to index
    %swap3A_1011 = arith.constant 16 : index
    %swap3A_1012 = tpu.vector_load %arg5[%swap3A_1010, %swap3A_1011] {strides = array<i32>} : memref<200x128xi32, #tpu.memory_space<vmem>>, vector<1x16xi32>,
    %swap3A_1013 = vector.shape_cast %swap3A_1012 : vector<1x16xi32> to vector<16xi32>
    %swap3A_1014 = vector.shape_cast %add3A_1008 : vector<16xi32> to vector<1x16xi32>
    tpu.vector_store %arg5[%swap3A_1010, %swap3A_1011], %swap3A_1014 {strides = array<i32>} : memref<200x128xi32, #tpu.memory_space<vmem>>, vector<1x16xi32>,
    %get3A_1015 = arith.constant 4 : i32
    %get3A_1016 = arith.index_cast %get3A_1015 : i32 to index
    %get3A_1017 = arith.constant 32 : index
    %get3A_1018 = tpu.vector_load %arg5[%get3A_1016, %get3A_1017] {strides = array<i32>} : memref<200x128xi32, #tpu.memory_space<vmem>>, vector<1x16xi32>,
    %get3A_1019 = vector.shape_cast %get3A_1018 : vector<1x16xi32> to vector<16xi32>
    %and3A_1020 = arith.constant -32768 : i32
    %and3A_1021 = vector.broadcast %and3A_1020 : i32 to vector<16xi32>
    %and3A_1022 = arith.andi %get3A_1019, %and3A_1021 : vector<16xi32>
    %and3A_1023 = arith.constant 4095 : i32
    %and3A_1024 = vector.broadcast %and3A_1023 : i32 to vector<16xi32>
    %and3A_1025 = arith.andi %get3A_1019, %and3A_1024 : vector<16xi32>
    %shift_left3A_1026 = arith.constant 3 : i32
    %shift_left3A_1027 = vector.broadcast %shift_left3A_1026 : i32 to vector<16xi32>
    %shift_left3A_1028 = arith.shli %and3A_1025, %shift_left3A_1027 : vector<16xi32>
    %add3A_1029 = arith.addi %and3A_1022, %shift_left3A_1028 : vector<16xi32>
    %shift_right_arithmetic3A_1030 = arith.constant 12 : i32
    %shift_right_arithmetic3A_1031 = vector.broadcast %shift_right_arithmetic3A_1030 : i32 to vector<16xi32>
    %shift_right_arithmetic3A_1032 = arith.shrsi %get3A_1019, %shift_right_arithmetic3A_1031 : vector<16xi32>
    %and3A_1033 = arith.constant 7 : i32
    %and3A_1034 = vector.broadcast %and3A_1033 : i32 to vector<16xi32>
    %and3A_1035 = arith.andi %shift_right_arithmetic3A_1032, %and3A_1034 : vector<16xi32>
    %add3A_1036 = arith.addi %add3A_1029, %and3A_1035 : vector<16xi32>
    %swap3A_1037 = arith.constant 4 : i32
    %swap3A_1038 = arith.index_cast %swap3A_1037 : i32 to index
    %swap3A_1039 = arith.constant 32 : index
    %swap3A_1040 = tpu.vector_load %arg5[%swap3A_1038, %swap3A_1039] {strides = array<i32>} : memref<200x128xi32, #tpu.memory_space<vmem>>, vector<1x16xi32>,
    %swap3A_1041 = vector.shape_cast %swap3A_1040 : vector<1x16xi32> to vector<16xi32>
    %swap3A_1042 = vector.shape_cast %add3A_1036 : vector<16xi32> to vector<1x16xi32>
    tpu.vector_store %arg5[%swap3A_1038, %swap3A_1039], %swap3A_1042 {strides = array<i32>} : memref<200x128xi32, #tpu.memory_space<vmem>>, vector<1x16xi32>,
    %get3A_1043 = arith.constant 4 : i32
    %get3A_1044 = arith.index_cast %get3A_1043 : i32 to index
    %get3A_1045 = arith.constant 48 : index
    %get3A_1046 = tpu.vector_load %arg5[%get3A_1044, %get3A_1045] {strides = array<i32>} : memref<200x128xi32, #tpu.memory_space<vmem>>, vector<1x16xi32>,
    %get3A_1047 = vector.shape_cast %get3A_1046 : vector<1x16xi32> to vector<16xi32>
    %and3A_1048 = arith.constant -32768 : i32
    %and3A_1049 = vector.broadcast %and3A_1048 : i32 to vector<16xi32>
    %and3A_1050 = arith.andi %get3A_1047, %and3A_1049 : vector<16xi32>
    %and3A_1051 = arith.constant 4095 : i32
    %and3A_1052 = vector.broadcast %and3A_1051 : i32 to vector<16xi32>
    %and3A_1053 = arith.andi %get3A_1047, %and3A_1052 : vector<16xi32>
    %shift_left3A_1054 = arith.constant 3 : i32
    %shift_left3A_1055 = vector.broadcast %shift_left3A_1054 : i32 to vector<16xi32>
    %shift_left3A_1056 = arith.shli %and3A_1053, %shift_left3A_1055 : vector<16xi32>
    %add3A_1057 = arith.addi %and3A_1050, %shift_left3A_1056 : vector<16xi32>
    %shift_right_arithmetic3A_1058 = arith.constant 12 : i32
    %shift_right_arithmetic3A_1059 = vector.broadcast %shift_right_arithmetic3A_1058 : i32 to vector<16xi32>
    %shift_right_arithmetic3A_1060 = arith.shrsi %get3A_1047, %shift_right_arithmetic3A_1059 : vector<16xi32>
    %and3A_1061 = arith.constant 7 : i32
    %and3A_1062 = vector.broadcast %and3A_1061 : i32 to vector<16xi32>
    %and3A_1063 = arith.andi %shift_right_arithmetic3A_1060, %and3A_1062 : vector<16xi32>
    %add3A_1064 = arith.addi %add3A_1057, %and3A_1063 : vector<16xi32>
    %swap3A_1065 = arith.constant 4 : i32
    %swap3A_1066 = arith.index_cast %swap3A_1065 : i32 to index
    %swap3A_1067 = arith.constant 48 : index
    %swap3A_1068 = tpu.vector_load %arg5[%swap3A_1066, %swap3A_1067] {strides = array<i32>} : memref<200x128xi32, #tpu.memory_space<vmem>>, vector<1x16xi32>,
    %swap3A_1069 = vector.shape_cast %swap3A_1068 : vector<1x16xi32> to vector<16xi32>
    %swap3A_1070 = vector.shape_cast %add3A_1064 : vector<16xi32> to vector<1x16xi32>
    tpu.vector_store %arg5[%swap3A_1066, %swap3A_1067], %swap3A_1070 {strides = array<i32>} : memref<200x128xi32, #tpu.memory_space<vmem>>, vector<1x16xi32>,
    %get3A_1071 = arith.constant 4 : i32
    %get3A_1072 = arith.index_cast %get3A_1071 : i32 to index
    %get3A_1073 = arith.constant 64 : index
    %get3A_1074 = tpu.vector_load %arg5[%get3A_1072, %get3A_1073] {strides = array<i32>} : memref<200x128xi32, #tpu.memory_space<vmem>>, vector<1x16xi32>,
    %get3A_1075 = vector.shape_cast %get3A_1074 : vector<1x16xi32> to vector<16xi32>
    %and3A_1076 = arith.constant -32768 : i32
    %and3A_1077 = vector.broadcast %and3A_1076 : i32 to vector<16xi32>
    %and3A_1078 = arith.andi %get3A_1075, %and3A_1077 : vector<16xi32>
    %and3A_1079 = arith.constant 4095 : i32
    %and3A_1080 = vector.broadcast %and3A_1079 : i32 to vector<16xi32>
    %and3A_1081 = arith.andi %get3A_1075, %and3A_1080 : vector<16xi32>
    %shift_left3A_1082 = arith.constant 3 : i32
    %shift_left3A_1083 = vector.broadcast %shift_left3A_1082 : i32 to vector<16xi32>
    %shift_left3A_1084 = arith.shli %and3A_1081, %shift_left3A_1083 : vector<16xi32>
    %add3A_1085 = arith.addi %and3A_1078, %shift_left3A_1084 : vector<16xi32>
    %shift_right_arithmetic3A_1086 = arith.constant 12 : i32
    %shift_right_arithmetic3A_1087 = vector.broadcast %shift_right_arithmetic3A_1086 : i32 to vector<16xi32>
    %shift_right_arithmetic3A_1088 = arith.shrsi %get3A_1075, %shift_right_arithmetic3A_1087 : vector<16xi32>
    %and3A_1089 = arith.constant 7 : i32
    %and3A_1090 = vector.broadcast %and3A_1089 : i32 to vector<16xi32>
    %and3A_1091 = arith.andi %shift_right_arithmetic3A_1088, %and3A_1090 : vector<16xi32>
    %add3A_1092 = arith.addi %add3A_1085, %and3A_1091 : vector<16xi32>
    %swap3A_1093 = arith.constant 4 : i32
    %swap3A_1094 = arith.index_cast %swap3A_1093 : i32 to index
    %swap3A_1095 = arith.constant 64 : index
    %swap3A_1096 = tpu.vector_load %arg5[%swap3A_1094, %swap3A_1095] {strides = array<i32>} : memref<200x128xi32, #tpu.memory_space<vmem>>, vector<1x16xi32>,
    %swap3A_1097 = vector.shape_cast %swap3A_1096 : vector<1x16xi32> to vector<16xi32>
    %swap3A_1098 = vector.shape_cast %add3A_1092 : vector<16xi32> to vector<1x16xi32>
    tpu.vector_store %arg5[%swap3A_1094, %swap3A_1095], %swap3A_1098 {strides = array<i32>} : memref<200x128xi32, #tpu.memory_space<vmem>>, vector<1x16xi32>,
    %get3A_1099 = arith.constant 4 : i32
    %get3A_1100 = arith.index_cast %get3A_1099 : i32 to index
    %get3A_1101 = arith.constant 80 : index
    %get3A_1102 = tpu.vector_load %arg5[%get3A_1100, %get3A_1101] {strides = array<i32>} : memref<200x128xi32, #tpu.memory_space<vmem>>, vector<1x16xi32>,
    %get3A_1103 = vector.shape_cast %get3A_1102 : vector<1x16xi32> to vector<16xi32>
    %and3A_1104 = arith.constant -32768 : i32
    %and3A_1105 = vector.broadcast %and3A_1104 : i32 to vector<16xi32>
    %and3A_1106 = arith.andi %get3A_1103, %and3A_1105 : vector<16xi32>
    %and3A_1107 = arith.constant 4095 : i32
    %and3A_1108 = vector.broadcast %and3A_1107 : i32 to vector<16xi32>
    %and3A_1109 = arith.andi %get3A_1103, %and3A_1108 : vector<16xi32>
    %shift_left3A_1110 = arith.constant 3 : i32
    %shift_left3A_1111 = vector.broadcast %shift_left3A_1110 : i32 to vector<16xi32>
    %shift_left3A_1112 = arith.shli %and3A_1109, %shift_left3A_1111 : vector<16xi32>
    %add3A_1113 = arith.addi %and3A_1106, %shift_left3A_1112 : vector<16xi32>
    %shift_right_arithmetic3A_1114 = arith.constant 12 : i32
    %shift_right_arithmetic3A_1115 = vector.broadcast %shift_right_arithmetic3A_1114 : i32 to vector<16xi32>
    %shift_right_arithmetic3A_1116 = arith.shrsi %get3A_1103, %shift_right_arithmetic3A_1115 : vector<16xi32>
    %and3A_1117 = arith.constant 7 : i32
    %and3A_1118 = vector.broadcast %and3A_1117 : i32 to vector<16xi32>
    %and3A_1119 = arith.andi %shift_right_arithmetic3A_1116, %and3A_1118 : vector<16xi32>
    %add3A_1120 = arith.addi %add3A_1113, %and3A_1119 : vector<16xi32>
    %swap3A_1121 = arith.constant 4 : i32
    %swap3A_1122 = arith.index_cast %swap3A_1121 : i32 to index
    %swap3A_1123 = arith.constant 80 : index
    %swap3A_1124 = tpu.vector_load %arg5[%swap3A_1122, %swap3A_1123] {strides = array<i32>} : memref<200x128xi32, #tpu.memory_space<vmem>>, vector<1x16xi32>,
    %swap3A_1125 = vector.shape_cast %swap3A_1124 : vector<1x16xi32> to vector<16xi32>
    %swap3A_1126 = vector.shape_cast %add3A_1120 : vector<16xi32> to vector<1x16xi32>
    tpu.vector_store %arg5[%swap3A_1122, %swap3A_1123], %swap3A_1126 {strides = array<i32>} : memref<200x128xi32, #tpu.memory_space<vmem>>, vector<1x16xi32>,
    %get3A_1127 = arith.constant 4 : i32
    %get3A_1128 = arith.index_cast %get3A_1127 : i32 to index
    %get3A_1129 = arith.constant 96 : index
    %get3A_1130 = tpu.vector_load %arg5[%get3A_1128, %get3A_1129] {strides = array<i32>} : memref<200x128xi32, #tpu.memory_space<vmem>>, vector<1x16xi32>,
    %get3A_1131 = vector.shape_cast %get3A_1130 : vector<1x16xi32> to vector<16xi32>
    %and3A_1132 = arith.constant -32768 : i32
    %and3A_1133 = vector.broadcast %and3A_1132 : i32 to vector<16xi32>
    %and3A_1134 = arith.andi %get3A_1131, %and3A_1133 : vector<16xi32>
    %and3A_1135 = arith.constant 4095 : i32
    %and3A_1136 = vector.broadcast %and3A_1135 : i32 to vector<16xi32>
    %and3A_1137 = arith.andi %get3A_1131, %and3A_1136 : vector<16xi32>
    %shift_left3A_1138 = arith.constant 3 : i32
    %shift_left3A_1139 = vector.broadcast %shift_left3A_1138 : i32 to vector<16xi32>
    %shift_left3A_1140 = arith.shli %and3A_1137, %shift_left3A_1139 : vector<16xi32>
    %add3A_1141 = arith.addi %and3A_1134, %shift_left3A_1140 : vector<16xi32>
    %shift_right_arithmetic3A_1142 = arith.constant 12 : i32
    %shift_right_arithmetic3A_1143 = vector.broadcast %shift_right_arithmetic3A_1142 : i32 to vector<16xi32>
    %shift_right_arithmetic3A_1144 = arith.shrsi %get3A_1131, %shift_right_arithmetic3A_1143 : vector<16xi32>
    %and3A_1145 = arith.constant 7 : i32
    %and3A_1146 = vector.broadcast %and3A_1145 : i32 to vector<16xi32>
    %and3A_1147 = arith.andi %shift_right_arithmetic3A_1144, %and3A_1146 : vector<16xi32>
    %add3A_1148 = arith.addi %add3A_1141, %and3A_1147 : vector<16xi32>
    %swap3A_1149 = arith.constant 4 : i32
    %swap3A_1150 = arith.index_cast %swap3A_1149 : i32 to index
    %swap3A_1151 = arith.constant 96 : index
    %swap3A_1152 = tpu.vector_load %arg5[%swap3A_1150, %swap3A_1151] {strides = array<i32>} : memref<200x128xi32, #tpu.memory_space<vmem>>, vector<1x16xi32>,
    %swap3A_1153 = vector.shape_cast %swap3A_1152 : vector<1x16xi32> to vector<16xi32>
    %swap3A_1154 = vector.shape_cast %add3A_1148 : vector<16xi32> to vector<1x16xi32>
    tpu.vector_store %arg5[%swap3A_1150, %swap3A_1151], %swap3A_1154 {strides = array<i32>} : memref<200x128xi32, #tpu.memory_space<vmem>>, vector<1x16xi32>,
    %get3A_1155 = arith.constant 4 : i32
    %get3A_1156 = arith.index_cast %get3A_1155 : i32 to index
    %get3A_1157 = arith.constant 112 : index
    %get3A_1158 = tpu.vector_load %arg5[%get3A_1156, %get3A_1157] {strides = array<i32>} : memref<200x128xi32, #tpu.memory_space<vmem>>, vector<1x16xi32>,
    %get3A_1159 = vector.shape_cast %get3A_1158 : vector<1x16xi32> to vector<16xi32>
    %and3A_1160 = arith.constant -32768 : i32
    %and3A_1161 = vector.broadcast %and3A_1160 : i32 to vector<16xi32>
    %and3A_1162 = arith.andi %get3A_1159, %and3A_1161 : vector<16xi32>
    %and3A_1163 = arith.constant 4095 : i32
    %and3A_1164 = vector.broadcast %and3A_1163 : i32 to vector<16xi32>
    %and3A_1165 = arith.andi %get3A_1159, %and3A_1164 : vector<16xi32>
    %shift_left3A_1166 = arith.constant 3 : i32
    %shift_left3A_1167 = vector.broadcast %shift_left3A_1166 : i32 to vector<16xi32>
    %shift_left3A_1168 = arith.shli %and3A_1165, %shift_left3A_1167 : vector<16xi32>
    %add3A_1169 = arith.addi %and3A_1162, %shift_left3A_1168 : vector<16xi32>
    %shift_right_arithmetic3A_1170 = arith.constant 12 : i32
    %shift_right_arithmetic3A_1171 = vector.broadcast %shift_right_arithmetic3A_1170 : i32 to vector<16xi32>
    %shift_right_arithmetic3A_1172 = arith.shrsi %get3A_1159, %shift_right_arithmetic3A_1171 : vector<16xi32>
    %and3A_1173 = arith.constant 7 : i32
    %and3A_1174 = vector.broadcast %and3A_1173 : i32 to vector<16xi32>
    %and3A_1175 = arith.andi %shift_right_arithmetic3A_1172, %and3A_1174 : vector<16xi32>
    %add3A_1176 = arith.addi %add3A_1169, %and3A_1175 : vector<16xi32>
    %swap3A_1177 = arith.constant 4 : i32
    %swap3A_1178 = arith.index_cast %swap3A_1177 : i32 to index
    %swap3A_1179 = arith.constant 112 : index
    %swap3A_1180 = tpu.vector_load %arg5[%swap3A_1178, %swap3A_1179] {strides = array<i32>} : memref<200x128xi32, #tpu.memory_space<vmem>>, vector<1x16xi32>,
    %swap3A_1181 = vector.shape_cast %swap3A_1180 : vector<1x16xi32> to vector<16xi32>
    %swap3A_1182 = vector.shape_cast %add3A_1176 : vector<16xi32> to vector<1x16xi32>
    tpu.vector_store %arg5[%swap3A_1178, %swap3A_1179], %swap3A_1182 {strides = array<i32>} : memref<200x128xi32, #tpu.memory_space<vmem>>, vector<1x16xi32>,
    %dma_start3A_1183 = arith.constant 4 : i32
    %dma_start3A_1184 = arith.constant 4 : i32
    %dma_start3A_1185 = arith.constant 4 : i32
    %dma_start3A_1186 = arith.constant 0 : i32
    %dma_start3A_1187 = arith.constant 0 : i32
    %dma_start3A_1188 = tpu.memref_slice %arg6[%dma_start3A_1184, %dma_start3A_1186, %dma_start3A_1187] : memref<8x128x16xf32, #tpu.memory_space<vmem>> -> memref<1x128x16xf32, #tpu.memory_space<vmem>>
    %dma_start3A_1189 = tpu.memref_squeeze %dma_start3A_1188 : memref<1x128x16xf32, #tpu.memory_space<vmem>> -> memref<128x16xf32, #tpu.memory_space<vmem>>
    %dma_start3A_1190 = arith.constant 0 : i32
    %dma_start3A_1191 = tpu.memref_slice %arg5[%dma_start3A_1183, %dma_start3A_1190] : memref<200x128xi32, #tpu.memory_space<vmem>> -> memref<1x128xi32, #tpu.memory_space<vmem>>
    %dma_start3A_1192 = tpu.memref_squeeze %dma_start3A_1191 : memref<1x128xi32, #tpu.memory_space<vmem>> -> memref<128xi32, #tpu.memory_space<vmem>>
    %dma_start3A_1193 = arith.constant 0 : i32
    %dma_start3A_1194 = arith.constant 0 : i32
    %dma_start3A_1195 = tpu.memref_slice %arg3[%dma_start3A_1193, %dma_start3A_1194] : memref<1015808x16xf32, #tpu.memory_space<hbm>> -> memref<1015808x16xf32, #tpu.memory_space<hbm>>
    %dma_start3A_1196 = tpu.memref_slice %arg8[%dma_start3A_1185] : memref<8x!tpu.dma_semaphore, #tpu.memory_space<semaphore_mem>> -> memref<1x!tpu.dma_semaphore, #tpu.memory_space<semaphore_mem>>
    %dma_start3A_1197 = tpu.memref_squeeze %dma_start3A_1196 : memref<1x!tpu.dma_semaphore, #tpu.memory_space<semaphore_mem>> -> memref<!tpu.dma_semaphore, #tpu.memory_space<semaphore_mem>>
    tpu.enqueue_indirect_dma source(%dma_start3A_1195 : memref<1015808x16xf32, #tpu.memory_space<hbm>>) target(%dma_start3A_1189 : memref<128x16xf32, #tpu.memory_space<vmem>>) offsets(%dma_start3A_1192 : memref<128xi32, #tpu.memory_space<vmem>>) semaphore(%dma_start3A_1197 : memref<!tpu.dma_semaphore, #tpu.memory_space<semaphore_mem>>)
    %get3A_1198 = arith.constant 5 : i32
    %get3A_1199 = arith.index_cast %get3A_1198 : i32 to index
    %get3A_1200 = arith.constant 0 : index
    %get3A_1201 = tpu.vector_load %arg5[%get3A_1199, %get3A_1200] {strides = array<i32>} : memref<200x128xi32, #tpu.memory_space<vmem>>, vector<1x16xi32>,
    %get3A_1202 = vector.shape_cast %get3A_1201 : vector<1x16xi32> to vector<16xi32>
    %and3A_1203 = arith.constant -32768 : i32
    %and3A_1204 = vector.broadcast %and3A_1203 : i32 to vector<16xi32>
    %and3A_1205 = arith.andi %get3A_1202, %and3A_1204 : vector<16xi32>
    %and3A_1206 = arith.constant 4095 : i32
    %and3A_1207 = vector.broadcast %and3A_1206 : i32 to vector<16xi32>
    %and3A_1208 = arith.andi %get3A_1202, %and3A_1207 : vector<16xi32>
    %shift_left3A_1209 = arith.constant 3 : i32
    %shift_left3A_1210 = vector.broadcast %shift_left3A_1209 : i32 to vector<16xi32>
    %shift_left3A_1211 = arith.shli %and3A_1208, %shift_left3A_1210 : vector<16xi32>
    %add3A_1212 = arith.addi %and3A_1205, %shift_left3A_1211 : vector<16xi32>
    %shift_right_arithmetic3A_1213 = arith.constant 12 : i32
    %shift_right_arithmetic3A_1214 = vector.broadcast %shift_right_arithmetic3A_1213 : i32 to vector<16xi32>
    %shift_right_arithmetic3A_1215 = arith.shrsi %get3A_1202, %shift_right_arithmetic3A_1214 : vector<16xi32>
    %and3A_1216 = arith.constant 7 : i32
    %and3A_1217 = vector.broadcast %and3A_1216 : i32 to vector<16xi32>
    %and3A_1218 = arith.andi %shift_right_arithmetic3A_1215, %and3A_1217 : vector<16xi32>
    %add3A_1219 = arith.addi %add3A_1212, %and3A_1218 : vector<16xi32>
    %swap3A_1220 = arith.constant 5 : i32
    %swap3A_1221 = arith.index_cast %swap3A_1220 : i32 to index
    %swap3A_1222 = arith.constant 0 : index
    %swap3A_1223 = tpu.vector_load %arg5[%swap3A_1221, %swap3A_1222] {strides = array<i32>} : memref<200x128xi32, #tpu.memory_space<vmem>>, vector<1x16xi32>,
    %swap3A_1224 = vector.shape_cast %swap3A_1223 : vector<1x16xi32> to vector<16xi32>
    %swap3A_1225 = vector.shape_cast %add3A_1219 : vector<16xi32> to vector<1x16xi32>
    tpu.vector_store %arg5[%swap3A_1221, %swap3A_1222], %swap3A_1225 {strides = array<i32>} : memref<200x128xi32, #tpu.memory_space<vmem>>, vector<1x16xi32>,
    %get3A_1226 = arith.constant 5 : i32
    %get3A_1227 = arith.index_cast %get3A_1226 : i32 to index
    %get3A_1228 = arith.constant 16 : index
    %get3A_1229 = tpu.vector_load %arg5[%get3A_1227, %get3A_1228] {strides = array<i32>} : memref<200x128xi32, #tpu.memory_space<vmem>>, vector<1x16xi32>,
    %get3A_1230 = vector.shape_cast %get3A_1229 : vector<1x16xi32> to vector<16xi32>
    %and3A_1231 = arith.constant -32768 : i32
    %and3A_1232 = vector.broadcast %and3A_1231 : i32 to vector<16xi32>
    %and3A_1233 = arith.andi %get3A_1230, %and3A_1232 : vector<16xi32>
    %and3A_1234 = arith.constant 4095 : i32
    %and3A_1235 = vector.broadcast %and3A_1234 : i32 to vector<16xi32>
    %and3A_1236 = arith.andi %get3A_1230, %and3A_1235 : vector<16xi32>
    %shift_left3A_1237 = arith.constant 3 : i32
    %shift_left3A_1238 = vector.broadcast %shift_left3A_1237 : i32 to vector<16xi32>
    %shift_left3A_1239 = arith.shli %and3A_1236, %shift_left3A_1238 : vector<16xi32>
    %add3A_1240 = arith.addi %and3A_1233, %shift_left3A_1239 : vector<16xi32>
    %shift_right_arithmetic3A_1241 = arith.constant 12 : i32
    %shift_right_arithmetic3A_1242 = vector.broadcast %shift_right_arithmetic3A_1241 : i32 to vector<16xi32>
    %shift_right_arithmetic3A_1243 = arith.shrsi %get3A_1230, %shift_right_arithmetic3A_1242 : vector<16xi32>
    %and3A_1244 = arith.constant 7 : i32
    %and3A_1245 = vector.broadcast %and3A_1244 : i32 to vector<16xi32>
    %and3A_1246 = arith.andi %shift_right_arithmetic3A_1243, %and3A_1245 : vector<16xi32>
    %add3A_1247 = arith.addi %add3A_1240, %and3A_1246 : vector<16xi32>
    %swap3A_1248 = arith.constant 5 : i32
    %swap3A_1249 = arith.index_cast %swap3A_1248 : i32 to index
    %swap3A_1250 = arith.constant 16 : index
    %swap3A_1251 = tpu.vector_load %arg5[%swap3A_1249, %swap3A_1250] {strides = array<i32>} : memref<200x128xi32, #tpu.memory_space<vmem>>, vector<1x16xi32>,
    %swap3A_1252 = vector.shape_cast %swap3A_1251 : vector<1x16xi32> to vector<16xi32>
    %swap3A_1253 = vector.shape_cast %add3A_1247 : vector<16xi32> to vector<1x16xi32>
    tpu.vector_store %arg5[%swap3A_1249, %swap3A_1250], %swap3A_1253 {strides = array<i32>} : memref<200x128xi32, #tpu.memory_space<vmem>>, vector<1x16xi32>,
    %get3A_1254 = arith.constant 5 : i32
    %get3A_1255 = arith.index_cast %get3A_1254 : i32 to index
    %get3A_1256 = arith.constant 32 : index
    %get3A_1257 = tpu.vector_load %arg5[%get3A_1255, %get3A_1256] {strides = array<i32>} : memref<200x128xi32, #tpu.memory_space<vmem>>, vector<1x16xi32>,
    %get3A_1258 = vector.shape_cast %get3A_1257 : vector<1x16xi32> to vector<16xi32>
    %and3A_1259 = arith.constant -32768 : i32
    %and3A_1260 = vector.broadcast %and3A_1259 : i32 to vector<16xi32>
    %and3A_1261 = arith.andi %get3A_1258, %and3A_1260 : vector<16xi32>
    %and3A_1262 = arith.constant 4095 : i32
    %and3A_1263 = vector.broadcast %and3A_1262 : i32 to vector<16xi32>
    %and3A_1264 = arith.andi %get3A_1258, %and3A_1263 : vector<16xi32>
    %shift_left3A_1265 = arith.constant 3 : i32
    %shift_left3A_1266 = vector.broadcast %shift_left3A_1265 : i32 to vector<16xi32>
    %shift_left3A_1267 = arith.shli %and3A_1264, %shift_left3A_1266 : vector<16xi32>
    %add3A_1268 = arith.addi %and3A_1261, %shift_left3A_1267 : vector<16xi32>
    %shift_right_arithmetic3A_1269 = arith.constant 12 : i32
    %shift_right_arithmetic3A_1270 = vector.broadcast %shift_right_arithmetic3A_1269 : i32 to vector<16xi32>
    %shift_right_arithmetic3A_1271 = arith.shrsi %get3A_1258, %shift_right_arithmetic3A_1270 : vector<16xi32>
    %and3A_1272 = arith.constant 7 : i32
    %and3A_1273 = vector.broadcast %and3A_1272 : i32 to vector<16xi32>
    %and3A_1274 = arith.andi %shift_right_arithmetic3A_1271, %and3A_1273 : vector<16xi32>
    %add3A_1275 = arith.addi %add3A_1268, %and3A_1274 : vector<16xi32>
    %swap3A_1276 = arith.constant 5 : i32
    %swap3A_1277 = arith.index_cast %swap3A_1276 : i32 to index
    %swap3A_1278 = arith.constant 32 : index
    %swap3A_1279 = tpu.vector_load %arg5[%swap3A_1277, %swap3A_1278] {strides = array<i32>} : memref<200x128xi32, #tpu.memory_space<vmem>>, vector<1x16xi32>,
    %swap3A_1280 = vector.shape_cast %swap3A_1279 : vector<1x16xi32> to vector<16xi32>
    %swap3A_1281 = vector.shape_cast %add3A_1275 : vector<16xi32> to vector<1x16xi32>
    tpu.vector_store %arg5[%swap3A_1277, %swap3A_1278], %swap3A_1281 {strides = array<i32>} : memref<200x128xi32, #tpu.memory_space<vmem>>, vector<1x16xi32>,
    %get3A_1282 = arith.constant 5 : i32
    %get3A_1283 = arith.index_cast %get3A_1282 : i32 to index
    %get3A_1284 = arith.constant 48 : index
    %get3A_1285 = tpu.vector_load %arg5[%get3A_1283, %get3A_1284] {strides = array<i32>} : memref<200x128xi32, #tpu.memory_space<vmem>>, vector<1x16xi32>,
    %get3A_1286 = vector.shape_cast %get3A_1285 : vector<1x16xi32> to vector<16xi32>
    %and3A_1287 = arith.constant -32768 : i32
    %and3A_1288 = vector.broadcast %and3A_1287 : i32 to vector<16xi32>
    %and3A_1289 = arith.andi %get3A_1286, %and3A_1288 : vector<16xi32>
    %and3A_1290 = arith.constant 4095 : i32
    %and3A_1291 = vector.broadcast %and3A_1290 : i32 to vector<16xi32>
    %and3A_1292 = arith.andi %get3A_1286, %and3A_1291 : vector<16xi32>
    %shift_left3A_1293 = arith.constant 3 : i32
    %shift_left3A_1294 = vector.broadcast %shift_left3A_1293 : i32 to vector<16xi32>
    %shift_left3A_1295 = arith.shli %and3A_1292, %shift_left3A_1294 : vector<16xi32>
    %add3A_1296 = arith.addi %and3A_1289, %shift_left3A_1295 : vector<16xi32>
    %shift_right_arithmetic3A_1297 = arith.constant 12 : i32
    %shift_right_arithmetic3A_1298 = vector.broadcast %shift_right_arithmetic3A_1297 : i32 to vector<16xi32>
    %shift_right_arithmetic3A_1299 = arith.shrsi %get3A_1286, %shift_right_arithmetic3A_1298 : vector<16xi32>
    %and3A_1300 = arith.constant 7 : i32
    %and3A_1301 = vector.broadcast %and3A_1300 : i32 to vector<16xi32>
    %and3A_1302 = arith.andi %shift_right_arithmetic3A_1299, %and3A_1301 : vector<16xi32>
    %add3A_1303 = arith.addi %add3A_1296, %and3A_1302 : vector<16xi32>
    %swap3A_1304 = arith.constant 5 : i32
    %swap3A_1305 = arith.index_cast %swap3A_1304 : i32 to index
    %swap3A_1306 = arith.constant 48 : index
    %swap3A_1307 = tpu.vector_load %arg5[%swap3A_1305, %swap3A_1306] {strides = array<i32>} : memref<200x128xi32, #tpu.memory_space<vmem>>, vector<1x16xi32>,
    %swap3A_1308 = vector.shape_cast %swap3A_1307 : vector<1x16xi32> to vector<16xi32>
    %swap3A_1309 = vector.shape_cast %add3A_1303 : vector<16xi32> to vector<1x16xi32>
    tpu.vector_store %arg5[%swap3A_1305, %swap3A_1306], %swap3A_1309 {strides = array<i32>} : memref<200x128xi32, #tpu.memory_space<vmem>>, vector<1x16xi32>,
    %get3A_1310 = arith.constant 5 : i32
    %get3A_1311 = arith.index_cast %get3A_1310 : i32 to index
    %get3A_1312 = arith.constant 64 : index
    %get3A_1313 = tpu.vector_load %arg5[%get3A_1311, %get3A_1312] {strides = array<i32>} : memref<200x128xi32, #tpu.memory_space<vmem>>, vector<1x16xi32>,
    %get3A_1314 = vector.shape_cast %get3A_1313 : vector<1x16xi32> to vector<16xi32>
    %and3A_1315 = arith.constant -32768 : i32
    %and3A_1316 = vector.broadcast %and3A_1315 : i32 to vector<16xi32>
    %and3A_1317 = arith.andi %get3A_1314, %and3A_1316 : vector<16xi32>
    %and3A_1318 = arith.constant 4095 : i32
    %and3A_1319 = vector.broadcast %and3A_1318 : i32 to vector<16xi32>
    %and3A_1320 = arith.andi %get3A_1314, %and3A_1319 : vector<16xi32>
    %shift_left3A_1321 = arith.constant 3 : i32
    %shift_left3A_1322 = vector.broadcast %shift_left3A_1321 : i32 to vector<16xi32>
    %shift_left3A_1323 = arith.shli %and3A_1320, %shift_left3A_1322 : vector<16xi32>
    %add3A_1324 = arith.addi %and3A_1317, %shift_left3A_1323 : vector<16xi32>
    %shift_right_arithmetic3A_1325 = arith.constant 12 : i32
    %shift_right_arithmetic3A_1326 = vector.broadcast %shift_right_arithmetic3A_1325 : i32 to vector<16xi32>
    %shift_right_arithmetic3A_1327 = arith.shrsi %get3A_1314, %shift_right_arithmetic3A_1326 : vector<16xi32>
    %and3A_1328 = arith.constant 7 : i32
    %and3A_1329 = vector.broadcast %and3A_1328 : i32 to vector<16xi32>
    %and3A_1330 = arith.andi %shift_right_arithmetic3A_1327, %and3A_1329 : vector<16xi32>
    %add3A_1331 = arith.addi %add3A_1324, %and3A_1330 : vector<16xi32>
    %swap3A_1332 = arith.constant 5 : i32
    %swap3A_1333 = arith.index_cast %swap3A_1332 : i32 to index
    %swap3A_1334 = arith.constant 64 : index
    %swap3A_1335 = tpu.vector_load %arg5[%swap3A_1333, %swap3A_1334] {strides = array<i32>} : memref<200x128xi32, #tpu.memory_space<vmem>>, vector<1x16xi32>,
    %swap3A_1336 = vector.shape_cast %swap3A_1335 : vector<1x16xi32> to vector<16xi32>
    %swap3A_1337 = vector.shape_cast %add3A_1331 : vector<16xi32> to vector<1x16xi32>
    tpu.vector_store %arg5[%swap3A_1333, %swap3A_1334], %swap3A_1337 {strides = array<i32>} : memref<200x128xi32, #tpu.memory_space<vmem>>, vector<1x16xi32>,
    %get3A_1338 = arith.constant 5 : i32
    %get3A_1339 = arith.index_cast %get3A_1338 : i32 to index
    %get3A_1340 = arith.constant 80 : index
    %get3A_1341 = tpu.vector_load %arg5[%get3A_1339, %get3A_1340] {strides = array<i32>} : memref<200x128xi32, #tpu.memory_space<vmem>>, vector<1x16xi32>,
    %get3A_1342 = vector.shape_cast %get3A_1341 : vector<1x16xi32> to vector<16xi32>
    %and3A_1343 = arith.constant -32768 : i32
    %and3A_1344 = vector.broadcast %and3A_1343 : i32 to vector<16xi32>
    %and3A_1345 = arith.andi %get3A_1342, %and3A_1344 : vector<16xi32>
    %and3A_1346 = arith.constant 4095 : i32
    %and3A_1347 = vector.broadcast %and3A_1346 : i32 to vector<16xi32>
    %and3A_1348 = arith.andi %get3A_1342, %and3A_1347 : vector<16xi32>
    %shift_left3A_1349 = arith.constant 3 : i32
    %shift_left3A_1350 = vector.broadcast %shift_left3A_1349 : i32 to vector<16xi32>
    %shift_left3A_1351 = arith.shli %and3A_1348, %shift_left3A_1350 : vector<16xi32>
    %add3A_1352 = arith.addi %and3A_1345, %shift_left3A_1351 : vector<16xi32>
    %shift_right_arithmetic3A_1353 = arith.constant 12 : i32
    %shift_right_arithmetic3A_1354 = vector.broadcast %shift_right_arithmetic3A_1353 : i32 to vector<16xi32>
    %shift_right_arithmetic3A_1355 = arith.shrsi %get3A_1342, %shift_right_arithmetic3A_1354 : vector<16xi32>
    %and3A_1356 = arith.constant 7 : i32
    %and3A_1357 = vector.broadcast %and3A_1356 : i32 to vector<16xi32>
    %and3A_1358 = arith.andi %shift_right_arithmetic3A_1355, %and3A_1357 : vector<16xi32>
    %add3A_1359 = arith.addi %add3A_1352, %and3A_1358 : vector<16xi32>
    %swap3A_1360 = arith.constant 5 : i32
    %swap3A_1361 = arith.index_cast %swap3A_1360 : i32 to index
    %swap3A_1362 = arith.constant 80 : index
    %swap3A_1363 = tpu.vector_load %arg5[%swap3A_1361, %swap3A_1362] {strides = array<i32>} : memref<200x128xi32, #tpu.memory_space<vmem>>, vector<1x16xi32>,
    %swap3A_1364 = vector.shape_cast %swap3A_1363 : vector<1x16xi32> to vector<16xi32>
    %swap3A_1365 = vector.shape_cast %add3A_1359 : vector<16xi32> to vector<1x16xi32>
    tpu.vector_store %arg5[%swap3A_1361, %swap3A_1362], %swap3A_1365 {strides = array<i32>} : memref<200x128xi32, #tpu.memory_space<vmem>>, vector<1x16xi32>,
    %get3A_1366 = arith.constant 5 : i32
    %get3A_1367 = arith.index_cast %get3A_1366 : i32 to index
    %get3A_1368 = arith.constant 96 : index
    %get3A_1369 = tpu.vector_load %arg5[%get3A_1367, %get3A_1368] {strides = array<i32>} : memref<200x128xi32, #tpu.memory_space<vmem>>, vector<1x16xi32>,
    %get3A_1370 = vector.shape_cast %get3A_1369 : vector<1x16xi32> to vector<16xi32>
    %and3A_1371 = arith.constant -32768 : i32
    %and3A_1372 = vector.broadcast %and3A_1371 : i32 to vector<16xi32>
    %and3A_1373 = arith.andi %get3A_1370, %and3A_1372 : vector<16xi32>
    %and3A_1374 = arith.constant 4095 : i32
    %and3A_1375 = vector.broadcast %and3A_1374 : i32 to vector<16xi32>
    %and3A_1376 = arith.andi %get3A_1370, %and3A_1375 : vector<16xi32>
    %shift_left3A_1377 = arith.constant 3 : i32
    %shift_left3A_1378 = vector.broadcast %shift_left3A_1377 : i32 to vector<16xi32>
    %shift_left3A_1379 = arith.shli %and3A_1376, %shift_left3A_1378 : vector<16xi32>
    %add3A_1380 = arith.addi %and3A_1373, %shift_left3A_1379 : vector<16xi32>
    %shift_right_arithmetic3A_1381 = arith.constant 12 : i32
    %shift_right_arithmetic3A_1382 = vector.broadcast %shift_right_arithmetic3A_1381 : i32 to vector<16xi32>
    %shift_right_arithmetic3A_1383 = arith.shrsi %get3A_1370, %shift_right_arithmetic3A_1382 : vector<16xi32>
    %and3A_1384 = arith.constant 7 : i32
    %and3A_1385 = vector.broadcast %and3A_1384 : i32 to vector<16xi32>
    %and3A_1386 = arith.andi %shift_right_arithmetic3A_1383, %and3A_1385 : vector<16xi32>
    %add3A_1387 = arith.addi %add3A_1380, %and3A_1386 : vector<16xi32>
    %swap3A_1388 = arith.constant 5 : i32
    %swap3A_1389 = arith.index_cast %swap3A_1388 : i32 to index
    %swap3A_1390 = arith.constant 96 : index
    %swap3A_1391 = tpu.vector_load %arg5[%swap3A_1389, %swap3A_1390] {strides = array<i32>} : memref<200x128xi32, #tpu.memory_space<vmem>>, vector<1x16xi32>,
    %swap3A_1392 = vector.shape_cast %swap3A_1391 : vector<1x16xi32> to vector<16xi32>
    %swap3A_1393 = vector.shape_cast %add3A_1387 : vector<16xi32> to vector<1x16xi32>
    tpu.vector_store %arg5[%swap3A_1389, %swap3A_1390], %swap3A_1393 {strides = array<i32>} : memref<200x128xi32, #tpu.memory_space<vmem>>, vector<1x16xi32>,
    %get3A_1394 = arith.constant 5 : i32
    %get3A_1395 = arith.index_cast %get3A_1394 : i32 to index
    %get3A_1396 = arith.constant 112 : index
    %get3A_1397 = tpu.vector_load %arg5[%get3A_1395, %get3A_1396] {strides = array<i32>} : memref<200x128xi32, #tpu.memory_space<vmem>>, vector<1x16xi32>,
    %get3A_1398 = vector.shape_cast %get3A_1397 : vector<1x16xi32> to vector<16xi32>
    %and3A_1399 = arith.constant -32768 : i32
    %and3A_1400 = vector.broadcast %and3A_1399 : i32 to vector<16xi32>
    %and3A_1401 = arith.andi %get3A_1398, %and3A_1400 : vector<16xi32>
    %and3A_1402 = arith.constant 4095 : i32
    %and3A_1403 = vector.broadcast %and3A_1402 : i32 to vector<16xi32>
    %and3A_1404 = arith.andi %get3A_1398, %and3A_1403 : vector<16xi32>
    %shift_left3A_1405 = arith.constant 3 : i32
    %shift_left3A_1406 = vector.broadcast %shift_left3A_1405 : i32 to vector<16xi32>
    %shift_left3A_1407 = arith.shli %and3A_1404, %shift_left3A_1406 : vector<16xi32>
    %add3A_1408 = arith.addi %and3A_1401, %shift_left3A_1407 : vector<16xi32>
    %shift_right_arithmetic3A_1409 = arith.constant 12 : i32
    %shift_right_arithmetic3A_1410 = vector.broadcast %shift_right_arithmetic3A_1409 : i32 to vector<16xi32>
    %shift_right_arithmetic3A_1411 = arith.shrsi %get3A_1398, %shift_right_arithmetic3A_1410 : vector<16xi32>
    %and3A_1412 = arith.constant 7 : i32
    %and3A_1413 = vector.broadcast %and3A_1412 : i32 to vector<16xi32>
    %and3A_1414 = arith.andi %shift_right_arithmetic3A_1411, %and3A_1413 : vector<16xi32>
    %add3A_1415 = arith.addi %add3A_1408, %and3A_1414 : vector<16xi32>
    %swap3A_1416 = arith.constant 5 : i32
    %swap3A_1417 = arith.index_cast %swap3A_1416 : i32 to index
    %swap3A_1418 = arith.constant 112 : index
    %swap3A_1419 = tpu.vector_load %arg5[%swap3A_1417, %swap3A_1418] {strides = array<i32>} : memref<200x128xi32, #tpu.memory_space<vmem>>, vector<1x16xi32>,
    %swap3A_1420 = vector.shape_cast %swap3A_1419 : vector<1x16xi32> to vector<16xi32>
    %swap3A_1421 = vector.shape_cast %add3A_1415 : vector<16xi32> to vector<1x16xi32>
    tpu.vector_store %arg5[%swap3A_1417, %swap3A_1418], %swap3A_1421 {strides = array<i32>} : memref<200x128xi32, #tpu.memory_space<vmem>>, vector<1x16xi32>,
    %dma_start3A_1422 = arith.constant 5 : i32
    %dma_start3A_1423 = arith.constant 5 : i32
    %dma_start3A_1424 = arith.constant 5 : i32
    %dma_start3A_1425 = arith.constant 0 : i32
    %dma_start3A_1426 = arith.constant 0 : i32
    %dma_start3A_1427 = tpu.memref_slice %arg6[%dma_start3A_1423, %dma_start3A_1425, %dma_start3A_1426] : memref<8x128x16xf32, #tpu.memory_space<vmem>> -> memref<1x128x16xf32, #tpu.memory_space<vmem>>
    %dma_start3A_1428 = tpu.memref_squeeze %dma_start3A_1427 : memref<1x128x16xf32, #tpu.memory_space<vmem>> -> memref<128x16xf32, #tpu.memory_space<vmem>>
    %dma_start3A_1429 = arith.constant 0 : i32
    %dma_start3A_1430 = tpu.memref_slice %arg5[%dma_start3A_1422, %dma_start3A_1429] : memref<200x128xi32, #tpu.memory_space<vmem>> -> memref<1x128xi32, #tpu.memory_space<vmem>>
    %dma_start3A_1431 = tpu.memref_squeeze %dma_start3A_1430 : memref<1x128xi32, #tpu.memory_space<vmem>> -> memref<128xi32, #tpu.memory_space<vmem>>
    %dma_start3A_1432 = arith.constant 0 : i32
    %dma_start3A_1433 = arith.constant 0 : i32
    %dma_start3A_1434 = tpu.memref_slice %arg3[%dma_start3A_1432, %dma_start3A_1433] : memref<1015808x16xf32, #tpu.memory_space<hbm>> -> memref<1015808x16xf32, #tpu.memory_space<hbm>>
    %dma_start3A_1435 = tpu.memref_slice %arg8[%dma_start3A_1424] : memref<8x!tpu.dma_semaphore, #tpu.memory_space<semaphore_mem>> -> memref<1x!tpu.dma_semaphore, #tpu.memory_space<semaphore_mem>>
    %dma_start3A_1436 = tpu.memref_squeeze %dma_start3A_1435 : memref<1x!tpu.dma_semaphore, #tpu.memory_space<semaphore_mem>> -> memref<!tpu.dma_semaphore, #tpu.memory_space<semaphore_mem>>
    tpu.enqueue_indirect_dma source(%dma_start3A_1434 : memref<1015808x16xf32, #tpu.memory_space<hbm>>) target(%dma_start3A_1428 : memref<128x16xf32, #tpu.memory_space<vmem>>) offsets(%dma_start3A_1431 : memref<128xi32, #tpu.memory_space<vmem>>) semaphore(%dma_start3A_1436 : memref<!tpu.dma_semaphore, #tpu.memory_space<semaphore_mem>>)
    %scan3A_1437 = arith.constant 0 : i32
    %scan3A_1438 = arith.constant 0 : i32
    %scan3A_1439 = arith.constant 25 : i32
    %scan3A_1440 = arith.addi %scan3A_1438, %scan3A_1439 : i32
    %scan3A_1441 = arith.constant 1 : i32
    scf.for %scan3A_1443 = %scan3A_1438 to %scan3A_1440 step %scan3A_1441  : i32 {
      %mul3A_1444 = arith.constant 8 : i32
      %mul3A_1445 = arith.muli %mul3A_1444, %scan3A_1443 : i32
      %add3A_1446 = arith.constant 0 : i32
      %add3A_1447 = arith.addi %mul3A_1445, %add3A_1446 : i32
      %dma_wait3A = arith.constant 0 : i32
      %dma_wait3A_1448 = arith.constant 0 : i32
      %dma_wait3A_1449 = arith.constant 0 : i32
      %dma_wait3A_1450 = arith.constant 0 : i32
      %dma_wait3A_1451 = arith.constant 0 : i32
      %dma_wait3A_1452 = tpu.memref_slice %arg6[%dma_wait3A_1448, %dma_wait3A_1450, %dma_wait3A_1451] : memref<8x128x16xf32, #tpu.memory_space<vmem>> -> memref<1x128x16xf32, #tpu.memory_space<vmem>>
      %dma_wait3A_1453 = tpu.memref_squeeze %dma_wait3A_1452 : memref<1x128x16xf32, #tpu.memory_space<vmem>> -> memref<128x16xf32, #tpu.memory_space<vmem>>
      %dma_wait3A_1454 = arith.constant 0 : i32
      %dma_wait3A_1455 = tpu.memref_slice %arg5[%dma_wait3A, %dma_wait3A_1454] : memref<200x128xi32, #tpu.memory_space<vmem>> -> memref<1x128xi32, #tpu.memory_space<vmem>>
      %dma_wait3A_1456 = tpu.memref_squeeze %dma_wait3A_1455 : memref<1x128xi32, #tpu.memory_space<vmem>> -> memref<128xi32, #tpu.memory_space<vmem>>
      %dma_wait3A_1457 = arith.constant 0 : i32
      %dma_wait3A_1458 = arith.constant 0 : i32
      %dma_wait3A_1459 = tpu.memref_slice %arg3[%dma_wait3A_1457, %dma_wait3A_1458] : memref<1015808x16xf32, #tpu.memory_space<hbm>> -> memref<1015808x16xf32, #tpu.memory_space<hbm>>
      %dma_wait3A_1460 = tpu.memref_slice %arg8[%dma_wait3A_1449] : memref<8x!tpu.dma_semaphore, #tpu.memory_space<semaphore_mem>> -> memref<1x!tpu.dma_semaphore, #tpu.memory_space<semaphore_mem>>
      %dma_wait3A_1461 = tpu.memref_squeeze %dma_wait3A_1460 : memref<1x!tpu.dma_semaphore, #tpu.memory_space<semaphore_mem>> -> memref<!tpu.dma_semaphore, #tpu.memory_space<semaphore_mem>>
      tpu.wait_indirect_dma semaphore(%dma_wait3A_1461 : memref<!tpu.dma_semaphore, #tpu.memory_space<semaphore_mem>>) src(%dma_wait3A_1459 : memref<1015808x16xf32, #tpu.memory_space<hbm>>) dst(%dma_wait3A_1453 : memref<128x16xf32, #tpu.memory_space<vmem>>)
      %add3A_1462 = arith.constant 6 : i32
      %add3A_1463 = arith.addi %add3A_1447, %add3A_1462 : i32
      %lt3A = arith.constant 200 : i32
      %lt3A_1464 = arith.cmpi slt, %add3A_1463, %lt3A : i32
      %convert_element_type3A = arith.extui %lt3A_1464 : i1 to i32
      %cond3A = arith.constant 0 : i32
      %cond3A_1465 = arith.cmpi ne, %convert_element_type3A, %cond3A : i32
      scf.if %cond3A_1465 {
        %add3A_1696 = arith.constant 6 : i32
        %add3A_1697 = arith.addi %add3A_1447, %add3A_1696 : i32
        %get3A_1698 = arith.index_cast %add3A_1697 : i32 to index
        %get3A_1699 = arith.constant 0 : index
        %get3A_1700 = tpu.vector_load %arg5[%get3A_1698, %get3A_1699] {strides = array<i32>} : memref<200x128xi32, #tpu.memory_space<vmem>>, vector<1x16xi32>,
        %get3A_1701 = vector.shape_cast %get3A_1700 : vector<1x16xi32> to vector<16xi32>
        %and3A_1702 = arith.constant -32768 : i32
        %and3A_1703 = vector.broadcast %and3A_1702 : i32 to vector<16xi32>
        %and3A_1704 = arith.andi %get3A_1701, %and3A_1703 : vector<16xi32>
        %and3A_1705 = arith.constant 4095 : i32
        %and3A_1706 = vector.broadcast %and3A_1705 : i32 to vector<16xi32>
        %and3A_1707 = arith.andi %get3A_1701, %and3A_1706 : vector<16xi32>
        %shift_left3A_1708 = arith.constant 3 : i32
        %shift_left3A_1709 = vector.broadcast %shift_left3A_1708 : i32 to vector<16xi32>
        %shift_left3A_1710 = arith.shli %and3A_1707, %shift_left3A_1709 : vector<16xi32>
        %add3A_1711 = arith.addi %and3A_1704, %shift_left3A_1710 : vector<16xi32>
        %shift_right_arithmetic3A_1712 = arith.constant 12 : i32
        %shift_right_arithmetic3A_1713 = vector.broadcast %shift_right_arithmetic3A_1712 : i32 to vector<16xi32>
        %shift_right_arithmetic3A_1714 = arith.shrsi %get3A_1701, %shift_right_arithmetic3A_1713 : vector<16xi32>
        %and3A_1715 = arith.constant 7 : i32
        %and3A_1716 = vector.broadcast %and3A_1715 : i32 to vector<16xi32>
        %and3A_1717 = arith.andi %shift_right_arithmetic3A_1714, %and3A_1716 : vector<16xi32>
        %add3A_1718 = arith.addi %add3A_1711, %and3A_1717 : vector<16xi32>
        %swap3A_1719 = arith.index_cast %add3A_1697 : i32 to index
        %swap3A_1720 = arith.constant 0 : index
        %swap3A_1721 = tpu.vector_load %arg5[%swap3A_1719, %swap3A_1720] {strides = array<i32>} : memref<200x128xi32, #tpu.memory_space<vmem>>, vector<1x16xi32>,
        %swap3A_1722 = vector.shape_cast %swap3A_1721 : vector<1x16xi32> to vector<16xi32>
        %swap3A_1723 = vector.shape_cast %add3A_1718 : vector<16xi32> to vector<1x16xi32>
        tpu.vector_store %arg5[%swap3A_1719, %swap3A_1720], %swap3A_1723 {strides = array<i32>} : memref<200x128xi32, #tpu.memory_space<vmem>>, vector<1x16xi32>,
        %get3A_1724 = arith.index_cast %add3A_1697 : i32 to index
        %get3A_1725 = arith.constant 16 : index
        %get3A_1726 = tpu.vector_load %arg5[%get3A_1724, %get3A_1725] {strides = array<i32>} : memref<200x128xi32, #tpu.memory_space<vmem>>, vector<1x16xi32>,
        %get3A_1727 = vector.shape_cast %get3A_1726 : vector<1x16xi32> to vector<16xi32>
        %and3A_1728 = arith.constant -32768 : i32
        %and3A_1729 = vector.broadcast %and3A_1728 : i32 to vector<16xi32>
        %and3A_1730 = arith.andi %get3A_1727, %and3A_1729 : vector<16xi32>
        %and3A_1731 = arith.constant 4095 : i32
        %and3A_1732 = vector.broadcast %and3A_1731 : i32 to vector<16xi32>
        %and3A_1733 = arith.andi %get3A_1727, %and3A_1732 : vector<16xi32>
        %shift_left3A_1734 = arith.constant 3 : i32
        %shift_left3A_1735 = vector.broadcast %shift_left3A_1734 : i32 to vector<16xi32>
        %shift_left3A_1736 = arith.shli %and3A_1733, %shift_left3A_1735 : vector<16xi32>
        %add3A_1737 = arith.addi %and3A_1730, %shift_left3A_1736 : vector<16xi32>
        %shift_right_arithmetic3A_1738 = arith.constant 12 : i32
        %shift_right_arithmetic3A_1739 = vector.broadcast %shift_right_arithmetic3A_1738 : i32 to vector<16xi32>
        %shift_right_arithmetic3A_1740 = arith.shrsi %get3A_1727, %shift_right_arithmetic3A_1739 : vector<16xi32>
        %and3A_1741 = arith.constant 7 : i32
        %and3A_1742 = vector.broadcast %and3A_1741 : i32 to vector<16xi32>
        %and3A_1743 = arith.andi %shift_right_arithmetic3A_1740, %and3A_1742 : vector<16xi32>
        %add3A_1744 = arith.addi %add3A_1737, %and3A_1743 : vector<16xi32>
        %swap3A_1745 = arith.index_cast %add3A_1697 : i32 to index
        %swap3A_1746 = arith.constant 16 : index
        %swap3A_1747 = tpu.vector_load %arg5[%swap3A_1745, %swap3A_1746] {strides = array<i32>} : memref<200x128xi32, #tpu.memory_space<vmem>>, vector<1x16xi32>,
        %swap3A_1748 = vector.shape_cast %swap3A_1747 : vector<1x16xi32> to vector<16xi32>
        %swap3A_1749 = vector.shape_cast %add3A_1744 : vector<16xi32> to vector<1x16xi32>
        tpu.vector_store %arg5[%swap3A_1745, %swap3A_1746], %swap3A_1749 {strides = array<i32>} : memref<200x128xi32, #tpu.memory_space<vmem>>, vector<1x16xi32>,
        %get3A_1750 = arith.index_cast %add3A_1697 : i32 to index
        %get3A_1751 = arith.constant 32 : index
        %get3A_1752 = tpu.vector_load %arg5[%get3A_1750, %get3A_1751] {strides = array<i32>} : memref<200x128xi32, #tpu.memory_space<vmem>>, vector<1x16xi32>,
        %get3A_1753 = vector.shape_cast %get3A_1752 : vector<1x16xi32> to vector<16xi32>
        %and3A_1754 = arith.constant -32768 : i32
        %and3A_1755 = vector.broadcast %and3A_1754 : i32 to vector<16xi32>
        %and3A_1756 = arith.andi %get3A_1753, %and3A_1755 : vector<16xi32>
        %and3A_1757 = arith.constant 4095 : i32
        %and3A_1758 = vector.broadcast %and3A_1757 : i32 to vector<16xi32>
        %and3A_1759 = arith.andi %get3A_1753, %and3A_1758 : vector<16xi32>
        %shift_left3A_1760 = arith.constant 3 : i32
        %shift_left3A_1761 = vector.broadcast %shift_left3A_1760 : i32 to vector<16xi32>
        %shift_left3A_1762 = arith.shli %and3A_1759, %shift_left3A_1761 : vector<16xi32>
        %add3A_1763 = arith.addi %and3A_1756, %shift_left3A_1762 : vector<16xi32>
        %shift_right_arithmetic3A_1764 = arith.constant 12 : i32
        %shift_right_arithmetic3A_1765 = vector.broadcast %shift_right_arithmetic3A_1764 : i32 to vector<16xi32>
        %shift_right_arithmetic3A_1766 = arith.shrsi %get3A_1753, %shift_right_arithmetic3A_1765 : vector<16xi32>
        %and3A_1767 = arith.constant 7 : i32
        %and3A_1768 = vector.broadcast %and3A_1767 : i32 to vector<16xi32>
        %and3A_1769 = arith.andi %shift_right_arithmetic3A_1766, %and3A_1768 : vector<16xi32>
        %add3A_1770 = arith.addi %add3A_1763, %and3A_1769 : vector<16xi32>
        %swap3A_1771 = arith.index_cast %add3A_1697 : i32 to index
        %swap3A_1772 = arith.constant 32 : index
        %swap3A_1773 = tpu.vector_load %arg5[%swap3A_1771, %swap3A_1772] {strides = array<i32>} : memref<200x128xi32, #tpu.memory_space<vmem>>, vector<1x16xi32>,
        %swap3A_1774 = vector.shape_cast %swap3A_1773 : vector<1x16xi32> to vector<16xi32>
        %swap3A_1775 = vector.shape_cast %add3A_1770 : vector<16xi32> to vector<1x16xi32>
        tpu.vector_store %arg5[%swap3A_1771, %swap3A_1772], %swap3A_1775 {strides = array<i32>} : memref<200x128xi32, #tpu.memory_space<vmem>>, vector<1x16xi32>,
        %get3A_1776 = arith.index_cast %add3A_1697 : i32 to index
        %get3A_1777 = arith.constant 48 : index
        %get3A_1778 = tpu.vector_load %arg5[%get3A_1776, %get3A_1777] {strides = array<i32>} : memref<200x128xi32, #tpu.memory_space<vmem>>, vector<1x16xi32>,
        %get3A_1779 = vector.shape_cast %get3A_1778 : vector<1x16xi32> to vector<16xi32>
        %and3A_1780 = arith.constant -32768 : i32
        %and3A_1781 = vector.broadcast %and3A_1780 : i32 to vector<16xi32>
        %and3A_1782 = arith.andi %get3A_1779, %and3A_1781 : vector<16xi32>
        %and3A_1783 = arith.constant 4095 : i32
        %and3A_1784 = vector.broadcast %and3A_1783 : i32 to vector<16xi32>
        %and3A_1785 = arith.andi %get3A_1779, %and3A_1784 : vector<16xi32>
        %shift_left3A_1786 = arith.constant 3 : i32
        %shift_left3A_1787 = vector.broadcast %shift_left3A_1786 : i32 to vector<16xi32>
        %shift_left3A_1788 = arith.shli %and3A_1785, %shift_left3A_1787 : vector<16xi32>
        %add3A_1789 = arith.addi %and3A_1782, %shift_left3A_1788 : vector<16xi32>
        %shift_right_arithmetic3A_1790 = arith.constant 12 : i32
        %shift_right_arithmetic3A_1791 = vector.broadcast %shift_right_arithmetic3A_1790 : i32 to vector<16xi32>
        %shift_right_arithmetic3A_1792 = arith.shrsi %get3A_1779, %shift_right_arithmetic3A_1791 : vector<16xi32>
        %and3A_1793 = arith.constant 7 : i32
        %and3A_1794 = vector.broadcast %and3A_1793 : i32 to vector<16xi32>
        %and3A_1795 = arith.andi %shift_right_arithmetic3A_1792, %and3A_1794 : vector<16xi32>
        %add3A_1796 = arith.addi %add3A_1789, %and3A_1795 : vector<16xi32>
        %swap3A_1797 = arith.index_cast %add3A_1697 : i32 to index
        %swap3A_1798 = arith.constant 48 : index
        %swap3A_1799 = tpu.vector_load %arg5[%swap3A_1797, %swap3A_1798] {strides = array<i32>} : memref<200x128xi32, #tpu.memory_space<vmem>>, vector<1x16xi32>,
        %swap3A_1800 = vector.shape_cast %swap3A_1799 : vector<1x16xi32> to vector<16xi32>
        %swap3A_1801 = vector.shape_cast %add3A_1796 : vector<16xi32> to vector<1x16xi32>
        tpu.vector_store %arg5[%swap3A_1797, %swap3A_1798], %swap3A_1801 {strides = array<i32>} : memref<200x128xi32, #tpu.memory_space<vmem>>, vector<1x16xi32>,
        %get3A_1802 = arith.index_cast %add3A_1697 : i32 to index
        %get3A_1803 = arith.constant 64 : index
        %get3A_1804 = tpu.vector_load %arg5[%get3A_1802, %get3A_1803] {strides = array<i32>} : memref<200x128xi32, #tpu.memory_space<vmem>>, vector<1x16xi32>,
        %get3A_1805 = vector.shape_cast %get3A_1804 : vector<1x16xi32> to vector<16xi32>
        %and3A_1806 = arith.constant -32768 : i32
        %and3A_1807 = vector.broadcast %and3A_1806 : i32 to vector<16xi32>
        %and3A_1808 = arith.andi %get3A_1805, %and3A_1807 : vector<16xi32>
        %and3A_1809 = arith.constant 4095 : i32
        %and3A_1810 = vector.broadcast %and3A_1809 : i32 to vector<16xi32>
        %and3A_1811 = arith.andi %get3A_1805, %and3A_1810 : vector<16xi32>
        %shift_left3A_1812 = arith.constant 3 : i32
        %shift_left3A_1813 = vector.broadcast %shift_left3A_1812 : i32 to vector<16xi32>
        %shift_left3A_1814 = arith.shli %and3A_1811, %shift_left3A_1813 : vector<16xi32>
        %add3A_1815 = arith.addi %and3A_1808, %shift_left3A_1814 : vector<16xi32>
        %shift_right_arithmetic3A_1816 = arith.constant 12 : i32
        %shift_right_arithmetic3A_1817 = vector.broadcast %shift_right_arithmetic3A_1816 : i32 to vector<16xi32>
        %shift_right_arithmetic3A_1818 = arith.shrsi %get3A_1805, %shift_right_arithmetic3A_1817 : vector<16xi32>
        %and3A_1819 = arith.constant 7 : i32
        %and3A_1820 = vector.broadcast %and3A_1819 : i32 to vector<16xi32>
        %and3A_1821 = arith.andi %shift_right_arithmetic3A_1818, %and3A_1820 : vector<16xi32>
        %add3A_1822 = arith.addi %add3A_1815, %and3A_1821 : vector<16xi32>
        %swap3A_1823 = arith.index_cast %add3A_1697 : i32 to index
        %swap3A_1824 = arith.constant 64 : index
        %swap3A_1825 = tpu.vector_load %arg5[%swap3A_1823, %swap3A_1824] {strides = array<i32>} : memref<200x128xi32, #tpu.memory_space<vmem>>, vector<1x16xi32>,
        %swap3A_1826 = vector.shape_cast %swap3A_1825 : vector<1x16xi32> to vector<16xi32>
        %swap3A_1827 = vector.shape_cast %add3A_1822 : vector<16xi32> to vector<1x16xi32>
        tpu.vector_store %arg5[%swap3A_1823, %swap3A_1824], %swap3A_1827 {strides = array<i32>} : memref<200x128xi32, #tpu.memory_space<vmem>>, vector<1x16xi32>,
        %get3A_1828 = arith.index_cast %add3A_1697 : i32 to index
        %get3A_1829 = arith.constant 80 : index
        %get3A_1830 = tpu.vector_load %arg5[%get3A_1828, %get3A_1829] {strides = array<i32>} : memref<200x128xi32, #tpu.memory_space<vmem>>, vector<1x16xi32>,
        %get3A_1831 = vector.shape_cast %get3A_1830 : vector<1x16xi32> to vector<16xi32>
        %and3A_1832 = arith.constant -32768 : i32
        %and3A_1833 = vector.broadcast %and3A_1832 : i32 to vector<16xi32>
        %and3A_1834 = arith.andi %get3A_1831, %and3A_1833 : vector<16xi32>
        %and3A_1835 = arith.constant 4095 : i32
        %and3A_1836 = vector.broadcast %and3A_1835 : i32 to vector<16xi32>
        %and3A_1837 = arith.andi %get3A_1831, %and3A_1836 : vector<16xi32>
        %shift_left3A_1838 = arith.constant 3 : i32
        %shift_left3A_1839 = vector.broadcast %shift_left3A_1838 : i32 to vector<16xi32>
        %shift_left3A_1840 = arith.shli %and3A_1837, %shift_left3A_1839 : vector<16xi32>
        %add3A_1841 = arith.addi %and3A_1834, %shift_left3A_1840 : vector<16xi32>
        %shift_right_arithmetic3A_1842 = arith.constant 12 : i32
        %shift_right_arithmetic3A_1843 = vector.broadcast %shift_right_arithmetic3A_1842 : i32 to vector<16xi32>
        %shift_right_arithmetic3A_1844 = arith.shrsi %get3A_1831, %shift_right_arithmetic3A_1843 : vector<16xi32>
        %and3A_1845 = arith.constant 7 : i32
        %and3A_1846 = vector.broadcast %and3A_1845 : i32 to vector<16xi32>
        %and3A_1847 = arith.andi %shift_right_arithmetic3A_1844, %and3A_1846 : vector<16xi32>
        %add3A_1848 = arith.addi %add3A_1841, %and3A_1847 : vector<16xi32>
        %swap3A_1849 = arith.index_cast %add3A_1697 : i32 to index
        %swap3A_1850 = arith.constant 80 : index
        %swap3A_1851 = tpu.vector_load %arg5[%swap3A_1849, %swap3A_1850] {strides = array<i32>} : memref<200x128xi32, #tpu.memory_space<vmem>>, vector<1x16xi32>,
        %swap3A_1852 = vector.shape_cast %swap3A_1851 : vector<1x16xi32> to vector<16xi32>
        %swap3A_1853 = vector.shape_cast %add3A_1848 : vector<16xi32> to vector<1x16xi32>
        tpu.vector_store %arg5[%swap3A_1849, %swap3A_1850], %swap3A_1853 {strides = array<i32>} : memref<200x128xi32, #tpu.memory_space<vmem>>, vector<1x16xi32>,
        %get3A_1854 = arith.index_cast %add3A_1697 : i32 to index
        %get3A_1855 = arith.constant 96 : index
        %get3A_1856 = tpu.vector_load %arg5[%get3A_1854, %get3A_1855] {strides = array<i32>} : memref<200x128xi32, #tpu.memory_space<vmem>>, vector<1x16xi32>,
        %get3A_1857 = vector.shape_cast %get3A_1856 : vector<1x16xi32> to vector<16xi32>
        %and3A_1858 = arith.constant -32768 : i32
        %and3A_1859 = vector.broadcast %and3A_1858 : i32 to vector<16xi32>
        %and3A_1860 = arith.andi %get3A_1857, %and3A_1859 : vector<16xi32>
        %and3A_1861 = arith.constant 4095 : i32
        %and3A_1862 = vector.broadcast %and3A_1861 : i32 to vector<16xi32>
        %and3A_1863 = arith.andi %get3A_1857, %and3A_1862 : vector<16xi32>
        %shift_left3A_1864 = arith.constant 3 : i32
        %shift_left3A_1865 = vector.broadcast %shift_left3A_1864 : i32 to vector<16xi32>
        %shift_left3A_1866 = arith.shli %and3A_1863, %shift_left3A_1865 : vector<16xi32>
        %add3A_1867 = arith.addi %and3A_1860, %shift_left3A_1866 : vector<16xi32>
        %shift_right_arithmetic3A_1868 = arith.constant 12 : i32
        %shift_right_arithmetic3A_1869 = vector.broadcast %shift_right_arithmetic3A_1868 : i32 to vector<16xi32>
        %shift_right_arithmetic3A_1870 = arith.shrsi %get3A_1857, %shift_right_arithmetic3A_1869 : vector<16xi32>
        %and3A_1871 = arith.constant 7 : i32
        %and3A_1872 = vector.broadcast %and3A_1871 : i32 to vector<16xi32>
        %and3A_1873 = arith.andi %shift_right_arithmetic3A_1870, %and3A_1872 : vector<16xi32>
        %add3A_1874 = arith.addi %add3A_1867, %and3A_1873 : vector<16xi32>
        %swap3A_1875 = arith.index_cast %add3A_1697 : i32 to index
        %swap3A_1876 = arith.constant 96 : index
        %swap3A_1877 = tpu.vector_load %arg5[%swap3A_1875, %swap3A_1876] {strides = array<i32>} : memref<200x128xi32, #tpu.memory_space<vmem>>, vector<1x16xi32>,
        %swap3A_1878 = vector.shape_cast %swap3A_1877 : vector<1x16xi32> to vector<16xi32>
        %swap3A_1879 = vector.shape_cast %add3A_1874 : vector<16xi32> to vector<1x16xi32>
        tpu.vector_store %arg5[%swap3A_1875, %swap3A_1876], %swap3A_1879 {strides = array<i32>} : memref<200x128xi32, #tpu.memory_space<vmem>>, vector<1x16xi32>,
        %get3A_1880 = arith.index_cast %add3A_1697 : i32 to index
        %get3A_1881 = arith.constant 112 : index
        %get3A_1882 = tpu.vector_load %arg5[%get3A_1880, %get3A_1881] {strides = array<i32>} : memref<200x128xi32, #tpu.memory_space<vmem>>, vector<1x16xi32>,
        %get3A_1883 = vector.shape_cast %get3A_1882 : vector<1x16xi32> to vector<16xi32>
        %and3A_1884 = arith.constant -32768 : i32
        %and3A_1885 = vector.broadcast %and3A_1884 : i32 to vector<16xi32>
        %and3A_1886 = arith.andi %get3A_1883, %and3A_1885 : vector<16xi32>
        %and3A_1887 = arith.constant 4095 : i32
        %and3A_1888 = vector.broadcast %and3A_1887 : i32 to vector<16xi32>
        %and3A_1889 = arith.andi %get3A_1883, %and3A_1888 : vector<16xi32>
        %shift_left3A_1890 = arith.constant 3 : i32
        %shift_left3A_1891 = vector.broadcast %shift_left3A_1890 : i32 to vector<16xi32>
        %shift_left3A_1892 = arith.shli %and3A_1889, %shift_left3A_1891 : vector<16xi32>
        %add3A_1893 = arith.addi %and3A_1886, %shift_left3A_1892 : vector<16xi32>
        %shift_right_arithmetic3A_1894 = arith.constant 12 : i32
        %shift_right_arithmetic3A_1895 = vector.broadcast %shift_right_arithmetic3A_1894 : i32 to vector<16xi32>
        %shift_right_arithmetic3A_1896 = arith.shrsi %get3A_1883, %shift_right_arithmetic3A_1895 : vector<16xi32>
        %and3A_1897 = arith.constant 7 : i32
        %and3A_1898 = vector.broadcast %and3A_1897 : i32 to vector<16xi32>
        %and3A_1899 = arith.andi %shift_right_arithmetic3A_1896, %and3A_1898 : vector<16xi32>
        %add3A_1900 = arith.addi %add3A_1893, %and3A_1899 : vector<16xi32>
        %swap3A_1901 = arith.index_cast %add3A_1697 : i32 to index
        %swap3A_1902 = arith.constant 112 : index
        %swap3A_1903 = tpu.vector_load %arg5[%swap3A_1901, %swap3A_1902] {strides = array<i32>} : memref<200x128xi32, #tpu.memory_space<vmem>>, vector<1x16xi32>,
        %swap3A_1904 = vector.shape_cast %swap3A_1903 : vector<1x16xi32> to vector<16xi32>
        %swap3A_1905 = vector.shape_cast %add3A_1900 : vector<16xi32> to vector<1x16xi32>
        tpu.vector_store %arg5[%swap3A_1901, %swap3A_1902], %swap3A_1905 {strides = array<i32>} : memref<200x128xi32, #tpu.memory_space<vmem>>, vector<1x16xi32>,
        %add3A_1906 = arith.constant 6 : i32
        %add3A_1907 = arith.addi %add3A_1447, %add3A_1906 : i32
        %dma_start3A_1908 = arith.constant 6 : i32
        %dma_start3A_1909 = arith.constant 6 : i32
        %dma_start3A_1910 = arith.constant 0 : i32
        %dma_start3A_1911 = arith.constant 0 : i32
        %dma_start3A_1912 = tpu.memref_slice %arg6[%dma_start3A_1908, %dma_start3A_1910, %dma_start3A_1911] : memref<8x128x16xf32, #tpu.memory_space<vmem>> -> memref<1x128x16xf32, #tpu.memory_space<vmem>>
        %dma_start3A_1913 = tpu.memref_squeeze %dma_start3A_1912 : memref<1x128x16xf32, #tpu.memory_space<vmem>> -> memref<128x16xf32, #tpu.memory_space<vmem>>
        %dma_start3A_1914 = arith.constant 0 : i32
        %dma_start3A_1915 = tpu.memref_slice %arg5[%add3A_1907, %dma_start3A_1914] : memref<200x128xi32, #tpu.memory_space<vmem>> -> memref<1x128xi32, #tpu.memory_space<vmem>>
        %dma_start3A_1916 = tpu.memref_squeeze %dma_start3A_1915 : memref<1x128xi32, #tpu.memory_space<vmem>> -> memref<128xi32, #tpu.memory_space<vmem>>
        %dma_start3A_1917 = arith.constant 0 : i32
        %dma_start3A_1918 = arith.constant 0 : i32
        %dma_start3A_1919 = tpu.memref_slice %arg3[%dma_start3A_1917, %dma_start3A_1918] : memref<1015808x16xf32, #tpu.memory_space<hbm>> -> memref<1015808x16xf32, #tpu.memory_space<hbm>>
        %dma_start3A_1920 = tpu.memref_slice %arg8[%dma_start3A_1909] : memref<8x!tpu.dma_semaphore, #tpu.memory_space<semaphore_mem>> -> memref<1x!tpu.dma_semaphore, #tpu.memory_space<semaphore_mem>>
        %dma_start3A_1921 = tpu.memref_squeeze %dma_start3A_1920 : memref<1x!tpu.dma_semaphore, #tpu.memory_space<semaphore_mem>> -> memref<!tpu.dma_semaphore, #tpu.memory_space<semaphore_mem>>
        tpu.enqueue_indirect_dma source(%dma_start3A_1919 : memref<1015808x16xf32, #tpu.memory_space<hbm>>) target(%dma_start3A_1913 : memref<128x16xf32, #tpu.memory_space<vmem>>) offsets(%dma_start3A_1916 : memref<128xi32, #tpu.memory_space<vmem>>) semaphore(%dma_start3A_1921 : memref<!tpu.dma_semaphore, #tpu.memory_space<semaphore_mem>>)
      } else {
      }
      %scan3A_1466 = arith.constant 0 : i32
      %scan3A_1467 = arith.constant 0 : i32
      %scan3A_1468 = arith.constant 16 : i32
      %scan3A_1469 = arith.addi %scan3A_1467, %scan3A_1468 : i32
      %scan3A_1470 = arith.constant 1 : i32
      scf.for %scan3A_1696 = %scan3A_1467 to %scan3A_1469 step %scan3A_1470  : i32 {
        %mul3A_1697 = arith.constant 8 : i32
        %mul3A_1698 = arith.muli %mul3A_1697, %scan3A_1696 : i32
        %add3A_1699 = arith.constant 0 : i32
        %add3A_1700 = arith.addi %mul3A_1698, %add3A_1699 : i32
        %get3A_1701 = arith.constant 0 : i32
        %get3A_1702 = arith.index_cast %get3A_1701 : i32 to index
        %get3A_1703 = arith.index_cast %add3A_1700 : i32 to index
        %get3A_1704 = arith.constant 0 : index
        %get3A_1705 = tpu.vector_load %arg6[%get3A_1702, %get3A_1703, %get3A_1704] {strides = array<i32>} : memref<8x128x16xf32, #tpu.memory_space<vmem>>, vector<1x1x16xf32>,
        %get3A_1706 = vector.shape_cast %get3A_1705 : vector<1x1x16xf32> to vector<16xf32>
        %swap3A_1707 = arith.index_cast %add3A_1700 : i32 to index
        %swap3A_1708 = arith.constant 0 : index
        %swap3A_1709 = tpu.vector_load %arg7[%swap3A_1707, %swap3A_1708] {strides = array<i32>} : memref<128x16xf32, #tpu.memory_space<vmem>>, vector<1x16xf32>,
        %swap3A_1710 = vector.shape_cast %swap3A_1709 : vector<1x16xf32> to vector<16xf32>
        %swap3A_1711 = vector.shape_cast %get3A_1706 : vector<16xf32> to vector<1x16xf32>
        tpu.vector_store %arg7[%swap3A_1707, %swap3A_1708], %swap3A_1711 {add = true, strides = array<i32>} : memref<128x16xf32, #tpu.memory_space<vmem>>, vector<1x16xf32>,
        %mul3A_1712 = arith.constant 8 : i32
        %mul3A_1713 = arith.muli %mul3A_1712, %scan3A_1696 : i32
        %add3A_1714 = arith.constant 1 : i32
        %add3A_1715 = arith.addi %mul3A_1713, %add3A_1714 : i32
        %get3A_1716 = arith.constant 0 : i32
        %get3A_1717 = arith.index_cast %get3A_1716 : i32 to index
        %get3A_1718 = arith.index_cast %add3A_1715 : i32 to index
        %get3A_1719 = arith.constant 0 : index
        %get3A_1720 = tpu.vector_load %arg6[%get3A_1717, %get3A_1718, %get3A_1719] {strides = array<i32>} : memref<8x128x16xf32, #tpu.memory_space<vmem>>, vector<1x1x16xf32>,
        %get3A_1721 = vector.shape_cast %get3A_1720 : vector<1x1x16xf32> to vector<16xf32>
        %swap3A_1722 = arith.index_cast %add3A_1715 : i32 to index
        %swap3A_1723 = arith.constant 0 : index
        %swap3A_1724 = tpu.vector_load %arg7[%swap3A_1722, %swap3A_1723] {strides = array<i32>} : memref<128x16xf32, #tpu.memory_space<vmem>>, vector<1x16xf32>,
        %swap3A_1725 = vector.shape_cast %swap3A_1724 : vector<1x16xf32> to vector<16xf32>
        %swap3A_1726 = vector.shape_cast %get3A_1721 : vector<16xf32> to vector<1x16xf32>
        tpu.vector_store %arg7[%swap3A_1722, %swap3A_1723], %swap3A_1726 {add = true, strides = array<i32>} : memref<128x16xf32, #tpu.memory_space<vmem>>, vector<1x16xf32>,
        %mul3A_1727 = arith.constant 8 : i32
        %mul3A_1728 = arith.muli %mul3A_1727, %scan3A_1696 : i32
        %add3A_1729 = arith.constant 2 : i32
        %add3A_1730 = arith.addi %mul3A_1728, %add3A_1729 : i32
        %get3A_1731 = arith.constant 0 : i32
        %get3A_1732 = arith.index_cast %get3A_1731 : i32 to index
        %get3A_1733 = arith.index_cast %add3A_1730 : i32 to index
        %get3A_1734 = arith.constant 0 : index
        %get3A_1735 = tpu.vector_load %arg6[%get3A_1732, %get3A_1733, %get3A_1734] {strides = array<i32>} : memref<8x128x16xf32, #tpu.memory_space<vmem>>, vector<1x1x16xf32>,
        %get3A_1736 = vector.shape_cast %get3A_1735 : vector<1x1x16xf32> to vector<16xf32>
        %swap3A_1737 = arith.index_cast %add3A_1730 : i32 to index
        %swap3A_1738 = arith.constant 0 : index
        %swap3A_1739 = tpu.vector_load %arg7[%swap3A_1737, %swap3A_1738] {strides = array<i32>} : memref<128x16xf32, #tpu.memory_space<vmem>>, vector<1x16xf32>,
        %swap3A_1740 = vector.shape_cast %swap3A_1739 : vector<1x16xf32> to vector<16xf32>
        %swap3A_1741 = vector.shape_cast %get3A_1736 : vector<16xf32> to vector<1x16xf32>
        tpu.vector_store %arg7[%swap3A_1737, %swap3A_1738], %swap3A_1741 {add = true, strides = array<i32>} : memref<128x16xf32, #tpu.memory_space<vmem>>, vector<1x16xf32>,
        %mul3A_1742 = arith.constant 8 : i32
        %mul3A_1743 = arith.muli %mul3A_1742, %scan3A_1696 : i32
        %add3A_1744 = arith.constant 3 : i32
        %add3A_1745 = arith.addi %mul3A_1743, %add3A_1744 : i32
        %get3A_1746 = arith.constant 0 : i32
        %get3A_1747 = arith.index_cast %get3A_1746 : i32 to index
        %get3A_1748 = arith.index_cast %add3A_1745 : i32 to index
        %get3A_1749 = arith.constant 0 : index
        %get3A_1750 = tpu.vector_load %arg6[%get3A_1747, %get3A_1748, %get3A_1749] {strides = array<i32>} : memref<8x128x16xf32, #tpu.memory_space<vmem>>, vector<1x1x16xf32>,
        %get3A_1751 = vector.shape_cast %get3A_1750 : vector<1x1x16xf32> to vector<16xf32>
        %swap3A_1752 = arith.index_cast %add3A_1745 : i32 to index
        %swap3A_1753 = arith.constant 0 : index
        %swap3A_1754 = tpu.vector_load %arg7[%swap3A_1752, %swap3A_1753] {strides = array<i32>} : memref<128x16xf32, #tpu.memory_space<vmem>>, vector<1x16xf32>,
        %swap3A_1755 = vector.shape_cast %swap3A_1754 : vector<1x16xf32> to vector<16xf32>
        %swap3A_1756 = vector.shape_cast %get3A_1751 : vector<16xf32> to vector<1x16xf32>
        tpu.vector_store %arg7[%swap3A_1752, %swap3A_1753], %swap3A_1756 {add = true, strides = array<i32>} : memref<128x16xf32, #tpu.memory_space<vmem>>, vector<1x16xf32>,
        %mul3A_1757 = arith.constant 8 : i32
        %mul3A_1758 = arith.muli %mul3A_1757, %scan3A_1696 : i32
        %add3A_1759 = arith.constant 4 : i32
        %add3A_1760 = arith.addi %mul3A_1758, %add3A_1759 : i32
        %get3A_1761 = arith.constant 0 : i32
        %get3A_1762 = arith.index_cast %get3A_1761 : i32 to index
        %get3A_1763 = arith.index_cast %add3A_1760 : i32 to index
        %get3A_1764 = arith.constant 0 : index
        %get3A_1765 = tpu.vector_load %arg6[%get3A_1762, %get3A_1763, %get3A_1764] {strides = array<i32>} : memref<8x128x16xf32, #tpu.memory_space<vmem>>, vector<1x1x16xf32>,
        %get3A_1766 = vector.shape_cast %get3A_1765 : vector<1x1x16xf32> to vector<16xf32>
        %swap3A_1767 = arith.index_cast %add3A_1760 : i32 to index
        %swap3A_1768 = arith.constant 0 : index
        %swap3A_1769 = tpu.vector_load %arg7[%swap3A_1767, %swap3A_1768] {strides = array<i32>} : memref<128x16xf32, #tpu.memory_space<vmem>>, vector<1x16xf32>,
        %swap3A_1770 = vector.shape_cast %swap3A_1769 : vector<1x16xf32> to vector<16xf32>
        %swap3A_1771 = vector.shape_cast %get3A_1766 : vector<16xf32> to vector<1x16xf32>
        tpu.vector_store %arg7[%swap3A_1767, %swap3A_1768], %swap3A_1771 {add = true, strides = array<i32>} : memref<128x16xf32, #tpu.memory_space<vmem>>, vector<1x16xf32>,
        %mul3A_1772 = arith.constant 8 : i32
        %mul3A_1773 = arith.muli %mul3A_1772, %scan3A_1696 : i32
        %add3A_1774 = arith.constant 5 : i32
        %add3A_1775 = arith.addi %mul3A_1773, %add3A_1774 : i32
        %get3A_1776 = arith.constant 0 : i32
        %get3A_1777 = arith.index_cast %get3A_1776 : i32 to index
        %get3A_1778 = arith.index_cast %add3A_1775 : i32 to index
        %get3A_1779 = arith.constant 0 : index
        %get3A_1780 = tpu.vector_load %arg6[%get3A_1777, %get3A_1778, %get3A_1779] {strides = array<i32>} : memref<8x128x16xf32, #tpu.memory_space<vmem>>, vector<1x1x16xf32>,
        %get3A_1781 = vector.shape_cast %get3A_1780 : vector<1x1x16xf32> to vector<16xf32>
        %swap3A_1782 = arith.index_cast %add3A_1775 : i32 to index
        %swap3A_1783 = arith.constant 0 : index
        %swap3A_1784 = tpu.vector_load %arg7[%swap3A_1782, %swap3A_1783] {strides = array<i32>} : memref<128x16xf32, #tpu.memory_space<vmem>>, vector<1x16xf32>,
        %swap3A_1785 = vector.shape_cast %swap3A_1784 : vector<1x16xf32> to vector<16xf32>
        %swap3A_1786 = vector.shape_cast %get3A_1781 : vector<16xf32> to vector<1x16xf32>
        tpu.vector_store %arg7[%swap3A_1782, %swap3A_1783], %swap3A_1786 {add = true, strides = array<i32>} : memref<128x16xf32, #tpu.memory_space<vmem>>, vector<1x16xf32>,
        %mul3A_1787 = arith.constant 8 : i32
        %mul3A_1788 = arith.muli %mul3A_1787, %scan3A_1696 : i32
        %add3A_1789 = arith.constant 6 : i32
        %add3A_1790 = arith.addi %mul3A_1788, %add3A_1789 : i32
        %get3A_1791 = arith.constant 0 : i32
        %get3A_1792 = arith.index_cast %get3A_1791 : i32 to index
        %get3A_1793 = arith.index_cast %add3A_1790 : i32 to index
        %get3A_1794 = arith.constant 0 : index
        %get3A_1795 = tpu.vector_load %arg6[%get3A_1792, %get3A_1793, %get3A_1794] {strides = array<i32>} : memref<8x128x16xf32, #tpu.memory_space<vmem>>, vector<1x1x16xf32>,
        %get3A_1796 = vector.shape_cast %get3A_1795 : vector<1x1x16xf32> to vector<16xf32>
        %swap3A_1797 = arith.index_cast %add3A_1790 : i32 to index
        %swap3A_1798 = arith.constant 0 : index
        %swap3A_1799 = tpu.vector_load %arg7[%swap3A_1797, %swap3A_1798] {strides = array<i32>} : memref<128x16xf32, #tpu.memory_space<vmem>>, vector<1x16xf32>,
        %swap3A_1800 = vector.shape_cast %swap3A_1799 : vector<1x16xf32> to vector<16xf32>
        %swap3A_1801 = vector.shape_cast %get3A_1796 : vector<16xf32> to vector<1x16xf32>
        tpu.vector_store %arg7[%swap3A_1797, %swap3A_1798], %swap3A_1801 {add = true, strides = array<i32>} : memref<128x16xf32, #tpu.memory_space<vmem>>, vector<1x16xf32>,
        %mul3A_1802 = arith.constant 8 : i32
        %mul3A_1803 = arith.muli %mul3A_1802, %scan3A_1696 : i32
        %add3A_1804 = arith.constant 7 : i32
        %add3A_1805 = arith.addi %mul3A_1803, %add3A_1804 : i32
        %get3A_1806 = arith.constant 0 : i32
        %get3A_1807 = arith.index_cast %get3A_1806 : i32 to index
        %get3A_1808 = arith.index_cast %add3A_1805 : i32 to index
        %get3A_1809 = arith.constant 0 : index
        %get3A_1810 = tpu.vector_load %arg6[%get3A_1807, %get3A_1808, %get3A_1809] {strides = array<i32>} : memref<8x128x16xf32, #tpu.memory_space<vmem>>, vector<1x1x16xf32>,
        %get3A_1811 = vector.shape_cast %get3A_1810 : vector<1x1x16xf32> to vector<16xf32>
        %swap3A_1812 = arith.index_cast %add3A_1805 : i32 to index
        %swap3A_1813 = arith.constant 0 : index
        %swap3A_1814 = tpu.vector_load %arg7[%swap3A_1812, %swap3A_1813] {strides = array<i32>} : memref<128x16xf32, #tpu.memory_space<vmem>>, vector<1x16xf32>,
        %swap3A_1815 = vector.shape_cast %swap3A_1814 : vector<1x16xf32> to vector<16xf32>
        %swap3A_1816 = vector.shape_cast %get3A_1811 : vector<16xf32> to vector<1x16xf32>
        tpu.vector_store %arg7[%swap3A_1812, %swap3A_1813], %swap3A_1816 {add = true, strides = array<i32>} : memref<128x16xf32, #tpu.memory_space<vmem>>, vector<1x16xf32>,
      }
      %scan3A_1471 = arith.constant 16 : i32
      %mul3A_1472 = arith.constant 8 : i32
      %mul3A_1473 = arith.muli %mul3A_1472, %scan3A_1443 : i32
      %add3A_1474 = arith.constant 1 : i32
      %add3A_1475 = arith.addi %mul3A_1473, %add3A_1474 : i32
      %dma_wait3A_1476 = arith.constant 0 : i32
      %dma_wait3A_1477 = arith.constant 1 : i32
      %dma_wait3A_1478 = arith.constant 1 : i32
      %dma_wait3A_1479 = arith.constant 0 : i32
      %dma_wait3A_1480 = arith.constant 0 : i32
      %dma_wait3A_1481 = tpu.memref_slice %arg6[%dma_wait3A_1477, %dma_wait3A_1479, %dma_wait3A_1480] : memref<8x128x16xf32, #tpu.memory_space<vmem>> -> memref<1x128x16xf32, #tpu.memory_space<vmem>>
      %dma_wait3A_1482 = tpu.memref_squeeze %dma_wait3A_1481 : memref<1x128x16xf32, #tpu.memory_space<vmem>> -> memref<128x16xf32, #tpu.memory_space<vmem>>
      %dma_wait3A_1483 = arith.constant 0 : i32
      %dma_wait3A_1484 = tpu.memref_slice %arg5[%dma_wait3A_1476, %dma_wait3A_1483] : memref<200x128xi32, #tpu.memory_space<vmem>> -> memref<1x128xi32, #tpu.memory_space<vmem>>
      %dma_wait3A_1485 = tpu.memref_squeeze %dma_wait3A_1484 : memref<1x128xi32, #tpu.memory_space<vmem>> -> memref<128xi32, #tpu.memory_space<vmem>>
      %dma_wait3A_1486 = arith.constant 0 : i32
      %dma_wait3A_1487 = arith.constant 0 : i32
      %dma_wait3A_1488 = tpu.memref_slice %arg3[%dma_wait3A_1486, %dma_wait3A_1487] : memref<1015808x16xf32, #tpu.memory_space<hbm>> -> memref<1015808x16xf32, #tpu.memory_space<hbm>>
      %dma_wait3A_1489 = tpu.memref_slice %arg8[%dma_wait3A_1478] : memref<8x!tpu.dma_semaphore, #tpu.memory_space<semaphore_mem>> -> memref<1x!tpu.dma_semaphore, #tpu.memory_space<semaphore_mem>>
      %dma_wait3A_1490 = tpu.memref_squeeze %dma_wait3A_1489 : memref<1x!tpu.dma_semaphore, #tpu.memory_space<semaphore_mem>> -> memref<!tpu.dma_semaphore, #tpu.memory_space<semaphore_mem>>
      tpu.wait_indirect_dma semaphore(%dma_wait3A_1490 : memref<!tpu.dma_semaphore, #tpu.memory_space<semaphore_mem>>) src(%dma_wait3A_1488 : memref<1015808x16xf32, #tpu.memory_space<hbm>>) dst(%dma_wait3A_1482 : memref<128x16xf32, #tpu.memory_space<vmem>>)
      %add3A_1491 = arith.constant 6 : i32
      %add3A_1492 = arith.addi %add3A_1475, %add3A_1491 : i32
      %lt3A_1493 = arith.constant 200 : i32
      %lt3A_1494 = arith.cmpi slt, %add3A_1492, %lt3A_1493 : i32
      %convert_element_type3A_1495 = arith.extui %lt3A_1494 : i1 to i32
      %cond3A_1496 = arith.constant 0 : i32
      %cond3A_1497 = arith.cmpi ne, %convert_element_type3A_1495, %cond3A_1496 : i32
      scf.if %cond3A_1497 {
        %add3A_1696 = arith.constant 6 : i32
        %add3A_1697 = arith.addi %add3A_1475, %add3A_1696 : i32
        %get3A_1698 = arith.index_cast %add3A_1697 : i32 to index
        %get3A_1699 = arith.constant 0 : index
        %get3A_1700 = tpu.vector_load %arg5[%get3A_1698, %get3A_1699] {strides = array<i32>} : memref<200x128xi32, #tpu.memory_space<vmem>>, vector<1x16xi32>,
        %get3A_1701 = vector.shape_cast %get3A_1700 : vector<1x16xi32> to vector<16xi32>
        %and3A_1702 = arith.constant -32768 : i32
        %and3A_1703 = vector.broadcast %and3A_1702 : i32 to vector<16xi32>
        %and3A_1704 = arith.andi %get3A_1701, %and3A_1703 : vector<16xi32>
        %and3A_1705 = arith.constant 4095 : i32
        %and3A_1706 = vector.broadcast %and3A_1705 : i32 to vector<16xi32>
        %and3A_1707 = arith.andi %get3A_1701, %and3A_1706 : vector<16xi32>
        %shift_left3A_1708 = arith.constant 3 : i32
        %shift_left3A_1709 = vector.broadcast %shift_left3A_1708 : i32 to vector<16xi32>
        %shift_left3A_1710 = arith.shli %and3A_1707, %shift_left3A_1709 : vector<16xi32>
        %add3A_1711 = arith.addi %and3A_1704, %shift_left3A_1710 : vector<16xi32>
        %shift_right_arithmetic3A_1712 = arith.constant 12 : i32
        %shift_right_arithmetic3A_1713 = vector.broadcast %shift_right_arithmetic3A_1712 : i32 to vector<16xi32>
        %shift_right_arithmetic3A_1714 = arith.shrsi %get3A_1701, %shift_right_arithmetic3A_1713 : vector<16xi32>
        %and3A_1715 = arith.constant 7 : i32
        %and3A_1716 = vector.broadcast %and3A_1715 : i32 to vector<16xi32>
        %and3A_1717 = arith.andi %shift_right_arithmetic3A_1714, %and3A_1716 : vector<16xi32>
        %add3A_1718 = arith.addi %add3A_1711, %and3A_1717 : vector<16xi32>
        %swap3A_1719 = arith.index_cast %add3A_1697 : i32 to index
        %swap3A_1720 = arith.constant 0 : index
        %swap3A_1721 = tpu.vector_load %arg5[%swap3A_1719, %swap3A_1720] {strides = array<i32>} : memref<200x128xi32, #tpu.memory_space<vmem>>, vector<1x16xi32>,
        %swap3A_1722 = vector.shape_cast %swap3A_1721 : vector<1x16xi32> to vector<16xi32>
        %swap3A_1723 = vector.shape_cast %add3A_1718 : vector<16xi32> to vector<1x16xi32>
        tpu.vector_store %arg5[%swap3A_1719, %swap3A_1720], %swap3A_1723 {strides = array<i32>} : memref<200x128xi32, #tpu.memory_space<vmem>>, vector<1x16xi32>,
        %get3A_1724 = arith.index_cast %add3A_1697 : i32 to index
        %get3A_1725 = arith.constant 16 : index
        %get3A_1726 = tpu.vector_load %arg5[%get3A_1724, %get3A_1725] {strides = array<i32>} : memref<200x128xi32, #tpu.memory_space<vmem>>, vector<1x16xi32>,
        %get3A_1727 = vector.shape_cast %get3A_1726 : vector<1x16xi32> to vector<16xi32>
        %and3A_1728 = arith.constant -32768 : i32
        %and3A_1729 = vector.broadcast %and3A_1728 : i32 to vector<16xi32>
        %and3A_1730 = arith.andi %get3A_1727, %and3A_1729 : vector<16xi32>
        %and3A_1731 = arith.constant 4095 : i32
        %and3A_1732 = vector.broadcast %and3A_1731 : i32 to vector<16xi32>
        %and3A_1733 = arith.andi %get3A_1727, %and3A_1732 : vector<16xi32>
        %shift_left3A_1734 = arith.constant 3 : i32
        %shift_left3A_1735 = vector.broadcast %shift_left3A_1734 : i32 to vector<16xi32>
        %shift_left3A_1736 = arith.shli %and3A_1733, %shift_left3A_1735 : vector<16xi32>
        %add3A_1737 = arith.addi %and3A_1730, %shift_left3A_1736 : vector<16xi32>
        %shift_right_arithmetic3A_1738 = arith.constant 12 : i32
        %shift_right_arithmetic3A_1739 = vector.broadcast %shift_right_arithmetic3A_1738 : i32 to vector<16xi32>
        %shift_right_arithmetic3A_1740 = arith.shrsi %get3A_1727, %shift_right_arithmetic3A_1739 : vector<16xi32>
        %and3A_1741 = arith.constant 7 : i32
        %and3A_1742 = vector.broadcast %and3A_1741 : i32 to vector<16xi32>
        %and3A_1743 = arith.andi %shift_right_arithmetic3A_1740, %and3A_1742 : vector<16xi32>
        %add3A_1744 = arith.addi %add3A_1737, %and3A_1743 : vector<16xi32>
        %swap3A_1745 = arith.index_cast %add3A_1697 : i32 to index
        %swap3A_1746 = arith.constant 16 : index
        %swap3A_1747 = tpu.vector_load %arg5[%swap3A_1745, %swap3A_1746] {strides = array<i32>} : memref<200x128xi32, #tpu.memory_space<vmem>>, vector<1x16xi32>,
        %swap3A_1748 = vector.shape_cast %swap3A_1747 : vector<1x16xi32> to vector<16xi32>
        %swap3A_1749 = vector.shape_cast %add3A_1744 : vector<16xi32> to vector<1x16xi32>
        tpu.vector_store %arg5[%swap3A_1745, %swap3A_1746], %swap3A_1749 {strides = array<i32>} : memref<200x128xi32, #tpu.memory_space<vmem>>, vector<1x16xi32>,
        %get3A_1750 = arith.index_cast %add3A_1697 : i32 to index
        %get3A_1751 = arith.constant 32 : index
        %get3A_1752 = tpu.vector_load %arg5[%get3A_1750, %get3A_1751] {strides = array<i32>} : memref<200x128xi32, #tpu.memory_space<vmem>>, vector<1x16xi32>,
        %get3A_1753 = vector.shape_cast %get3A_1752 : vector<1x16xi32> to vector<16xi32>
        %and3A_1754 = arith.constant -32768 : i32
        %and3A_1755 = vector.broadcast %and3A_1754 : i32 to vector<16xi32>
        %and3A_1756 = arith.andi %get3A_1753, %and3A_1755 : vector<16xi32>
        %and3A_1757 = arith.constant 4095 : i32
        %and3A_1758 = vector.broadcast %and3A_1757 : i32 to vector<16xi32>
        %and3A_1759 = arith.andi %get3A_1753, %and3A_1758 : vector<16xi32>
        %shift_left3A_1760 = arith.constant 3 : i32
        %shift_left3A_1761 = vector.broadcast %shift_left3A_1760 : i32 to vector<16xi32>
        %shift_left3A_1762 = arith.shli %and3A_1759, %shift_left3A_1761 : vector<16xi32>
        %add3A_1763 = arith.addi %and3A_1756, %shift_left3A_1762 : vector<16xi32>
        %shift_right_arithmetic3A_1764 = arith.constant 12 : i32
        %shift_right_arithmetic3A_1765 = vector.broadcast %shift_right_arithmetic3A_1764 : i32 to vector<16xi32>
        %shift_right_arithmetic3A_1766 = arith.shrsi %get3A_1753, %shift_right_arithmetic3A_1765 : vector<16xi32>
        %and3A_1767 = arith.constant 7 : i32
        %and3A_1768 = vector.broadcast %and3A_1767 : i32 to vector<16xi32>
        %and3A_1769 = arith.andi %shift_right_arithmetic3A_1766, %and3A_1768 : vector<16xi32>
        %add3A_1770 = arith.addi %add3A_1763, %and3A_1769 : vector<16xi32>
        %swap3A_1771 = arith.index_cast %add3A_1697 : i32 to index
        %swap3A_1772 = arith.constant 32 : index
        %swap3A_1773 = tpu.vector_load %arg5[%swap3A_1771, %swap3A_1772] {strides = array<i32>} : memref<200x128xi32, #tpu.memory_space<vmem>>, vector<1x16xi32>,
        %swap3A_1774 = vector.shape_cast %swap3A_1773 : vector<1x16xi32> to vector<16xi32>
        %swap3A_1775 = vector.shape_cast %add3A_1770 : vector<16xi32> to vector<1x16xi32>
        tpu.vector_store %arg5[%swap3A_1771, %swap3A_1772], %swap3A_1775 {strides = array<i32>} : memref<200x128xi32, #tpu.memory_space<vmem>>, vector<1x16xi32>,
        %get3A_1776 = arith.index_cast %add3A_1697 : i32 to index
        %get3A_1777 = arith.constant 48 : index
        %get3A_1778 = tpu.vector_load %arg5[%get3A_1776, %get3A_1777] {strides = array<i32>} : memref<200x128xi32, #tpu.memory_space<vmem>>, vector<1x16xi32>,
        %get3A_1779 = vector.shape_cast %get3A_1778 : vector<1x16xi32> to vector<16xi32>
        %and3A_1780 = arith.constant -32768 : i32
        %and3A_1781 = vector.broadcast %and3A_1780 : i32 to vector<16xi32>
        %and3A_1782 = arith.andi %get3A_1779, %and3A_1781 : vector<16xi32>
        %and3A_1783 = arith.constant 4095 : i32
        %and3A_1784 = vector.broadcast %and3A_1783 : i32 to vector<16xi32>
        %and3A_1785 = arith.andi %get3A_1779, %and3A_1784 : vector<16xi32>
        %shift_left3A_1786 = arith.constant 3 : i32
        %shift_left3A_1787 = vector.broadcast %shift_left3A_1786 : i32 to vector<16xi32>
        %shift_left3A_1788 = arith.shli %and3A_1785, %shift_left3A_1787 : vector<16xi32>
        %add3A_1789 = arith.addi %and3A_1782, %shift_left3A_1788 : vector<16xi32>
        %shift_right_arithmetic3A_1790 = arith.constant 12 : i32
        %shift_right_arithmetic3A_1791 = vector.broadcast %shift_right_arithmetic3A_1790 : i32 to vector<16xi32>
        %shift_right_arithmetic3A_1792 = arith.shrsi %get3A_1779, %shift_right_arithmetic3A_1791 : vector<16xi32>
        %and3A_1793 = arith.constant 7 : i32
        %and3A_1794 = vector.broadcast %and3A_1793 : i32 to vector<16xi32>
        %and3A_1795 = arith.andi %shift_right_arithmetic3A_1792, %and3A_1794 : vector<16xi32>
        %add3A_1796 = arith.addi %add3A_1789, %and3A_1795 : vector<16xi32>
        %swap3A_1797 = arith.index_cast %add3A_1697 : i32 to index
        %swap3A_1798 = arith.constant 48 : index
        %swap3A_1799 = tpu.vector_load %arg5[%swap3A_1797, %swap3A_1798] {strides = array<i32>} : memref<200x128xi32, #tpu.memory_space<vmem>>, vector<1x16xi32>,
        %swap3A_1800 = vector.shape_cast %swap3A_1799 : vector<1x16xi32> to vector<16xi32>
        %swap3A_1801 = vector.shape_cast %add3A_1796 : vector<16xi32> to vector<1x16xi32>
        tpu.vector_store %arg5[%swap3A_1797, %swap3A_1798], %swap3A_1801 {strides = array<i32>} : memref<200x128xi32, #tpu.memory_space<vmem>>, vector<1x16xi32>,
        %get3A_1802 = arith.index_cast %add3A_1697 : i32 to index
        %get3A_1803 = arith.constant 64 : index
        %get3A_1804 = tpu.vector_load %arg5[%get3A_1802, %get3A_1803] {strides = array<i32>} : memref<200x128xi32, #tpu.memory_space<vmem>>, vector<1x16xi32>,
        %get3A_1805 = vector.shape_cast %get3A_1804 : vector<1x16xi32> to vector<16xi32>
        %and3A_1806 = arith.constant -32768 : i32
        %and3A_1807 = vector.broadcast %and3A_1806 : i32 to vector<16xi32>
        %and3A_1808 = arith.andi %get3A_1805, %and3A_1807 : vector<16xi32>
        %and3A_1809 = arith.constant 4095 : i32
        %and3A_1810 = vector.broadcast %and3A_1809 : i32 to vector<16xi32>
        %and3A_1811 = arith.andi %get3A_1805, %and3A_1810 : vector<16xi32>
        %shift_left3A_1812 = arith.constant 3 : i32
        %shift_left3A_1813 = vector.broadcast %shift_left3A_1812 : i32 to vector<16xi32>
        %shift_left3A_1814 = arith.shli %and3A_1811, %shift_left3A_1813 : vector<16xi32>
        %add3A_1815 = arith.addi %and3A_1808, %shift_left3A_1814 : vector<16xi32>
        %shift_right_arithmetic3A_1816 = arith.constant 12 : i32
        %shift_right_arithmetic3A_1817 = vector.broadcast %shift_right_arithmetic3A_1816 : i32 to vector<16xi32>
        %shift_right_arithmetic3A_1818 = arith.shrsi %get3A_1805, %shift_right_arithmetic3A_1817 : vector<16xi32>
        %and3A_1819 = arith.constant 7 : i32
        %and3A_1820 = vector.broadcast %and3A_1819 : i32 to vector<16xi32>
        %and3A_1821 = arith.andi %shift_right_arithmetic3A_1818, %and3A_1820 : vector<16xi32>
        %add3A_1822 = arith.addi %add3A_1815, %and3A_1821 : vector<16xi32>
        %swap3A_1823 = arith.index_cast %add3A_1697 : i32 to index
        %swap3A_1824 = arith.constant 64 : index
        %swap3A_1825 = tpu.vector_load %arg5[%swap3A_1823, %swap3A_1824] {strides = array<i32>} : memref<200x128xi32, #tpu.memory_space<vmem>>, vector<1x16xi32>,
        %swap3A_1826 = vector.shape_cast %swap3A_1825 : vector<1x16xi32> to vector<16xi32>
        %swap3A_1827 = vector.shape_cast %add3A_1822 : vector<16xi32> to vector<1x16xi32>
        tpu.vector_store %arg5[%swap3A_1823, %swap3A_1824], %swap3A_1827 {strides = array<i32>} : memref<200x128xi32, #tpu.memory_space<vmem>>, vector<1x16xi32>,
        %get3A_1828 = arith.index_cast %add3A_1697 : i32 to index
        %get3A_1829 = arith.constant 80 : index
        %get3A_1830 = tpu.vector_load %arg5[%get3A_1828, %get3A_1829] {strides = array<i32>} : memref<200x128xi32, #tpu.memory_space<vmem>>, vector<1x16xi32>,
        %get3A_1831 = vector.shape_cast %get3A_1830 : vector<1x16xi32> to vector<16xi32>
        %and3A_1832 = arith.constant -32768 : i32
        %and3A_1833 = vector.broadcast %and3A_1832 : i32 to vector<16xi32>
        %and3A_1834 = arith.andi %get3A_1831, %and3A_1833 : vector<16xi32>
        %and3A_1835 = arith.constant 4095 : i32
        %and3A_1836 = vector.broadcast %and3A_1835 : i32 to vector<16xi32>
        %and3A_1837 = arith.andi %get3A_1831, %and3A_1836 : vector<16xi32>
        %shift_left3A_1838 = arith.constant 3 : i32
        %shift_left3A_1839 = vector.broadcast %shift_left3A_1838 : i32 to vector<16xi32>
        %shift_left3A_1840 = arith.shli %and3A_1837, %shift_left3A_1839 : vector<16xi32>
        %add3A_1841 = arith.addi %and3A_1834, %shift_left3A_1840 : vector<16xi32>
        %shift_right_arithmetic3A_1842 = arith.constant 12 : i32
        %shift_right_arithmetic3A_1843 = vector.broadcast %shift_right_arithmetic3A_1842 : i32 to vector<16xi32>
        %shift_right_arithmetic3A_1844 = arith.shrsi %get3A_1831, %shift_right_arithmetic3A_1843 : vector<16xi32>
        %and3A_1845 = arith.constant 7 : i32
        %and3A_1846 = vector.broadcast %and3A_1845 : i32 to vector<16xi32>
        %and3A_1847 = arith.andi %shift_right_arithmetic3A_1844, %and3A_1846 : vector<16xi32>
        %add3A_1848 = arith.addi %add3A_1841, %and3A_1847 : vector<16xi32>
        %swap3A_1849 = arith.index_cast %add3A_1697 : i32 to index
        %swap3A_1850 = arith.constant 80 : index
        %swap3A_1851 = tpu.vector_load %arg5[%swap3A_1849, %swap3A_1850] {strides = array<i32>} : memref<200x128xi32, #tpu.memory_space<vmem>>, vector<1x16xi32>,
        %swap3A_1852 = vector.shape_cast %swap3A_1851 : vector<1x16xi32> to vector<16xi32>
        %swap3A_1853 = vector.shape_cast %add3A_1848 : vector<16xi32> to vector<1x16xi32>
        tpu.vector_store %arg5[%swap3A_1849, %swap3A_1850], %swap3A_1853 {strides = array<i32>} : memref<200x128xi32, #tpu.memory_space<vmem>>, vector<1x16xi32>,
        %get3A_1854 = arith.index_cast %add3A_1697 : i32 to index
        %get3A_1855 = arith.constant 96 : index
        %get3A_1856 = tpu.vector_load %arg5[%get3A_1854, %get3A_1855] {strides = array<i32>} : memref<200x128xi32, #tpu.memory_space<vmem>>, vector<1x16xi32>,
        %get3A_1857 = vector.shape_cast %get3A_1856 : vector<1x16xi32> to vector<16xi32>
        %and3A_1858 = arith.constant -32768 : i32
        %and3A_1859 = vector.broadcast %and3A_1858 : i32 to vector<16xi32>
        %and3A_1860 = arith.andi %get3A_1857, %and3A_1859 : vector<16xi32>
        %and3A_1861 = arith.constant 4095 : i32
        %and3A_1862 = vector.broadcast %and3A_1861 : i32 to vector<16xi32>
        %and3A_1863 = arith.andi %get3A_1857, %and3A_1862 : vector<16xi32>
        %shift_left3A_1864 = arith.constant 3 : i32
        %shift_left3A_1865 = vector.broadcast %shift_left3A_1864 : i32 to vector<16xi32>
        %shift_left3A_1866 = arith.shli %and3A_1863, %shift_left3A_1865 : vector<16xi32>
        %add3A_1867 = arith.addi %and3A_1860, %shift_left3A_1866 : vector<16xi32>
        %shift_right_arithmetic3A_1868 = arith.constant 12 : i32
        %shift_right_arithmetic3A_1869 = vector.broadcast %shift_right_arithmetic3A_1868 : i32 to vector<16xi32>
        %shift_right_arithmetic3A_1870 = arith.shrsi %get3A_1857, %shift_right_arithmetic3A_1869 : vector<16xi32>
        %and3A_1871 = arith.constant 7 : i32
        %and3A_1872 = vector.broadcast %and3A_1871 : i32 to vector<16xi32>
        %and3A_1873 = arith.andi %shift_right_arithmetic3A_1870, %and3A_1872 : vector<16xi32>
        %add3A_1874 = arith.addi %add3A_1867, %and3A_1873 : vector<16xi32>
        %swap3A_1875 = arith.index_cast %add3A_1697 : i32 to index
        %swap3A_1876 = arith.constant 96 : index
        %swap3A_1877 = tpu.vector_load %arg5[%swap3A_1875, %swap3A_1876] {strides = array<i32>} : memref<200x128xi32, #tpu.memory_space<vmem>>, vector<1x16xi32>,
        %swap3A_1878 = vector.shape_cast %swap3A_1877 : vector<1x16xi32> to vector<16xi32>
        %swap3A_1879 = vector.shape_cast %add3A_1874 : vector<16xi32> to vector<1x16xi32>
        tpu.vector_store %arg5[%swap3A_1875, %swap3A_1876], %swap3A_1879 {strides = array<i32>} : memref<200x128xi32, #tpu.memory_space<vmem>>, vector<1x16xi32>,
        %get3A_1880 = arith.index_cast %add3A_1697 : i32 to index
        %get3A_1881 = arith.constant 112 : index
        %get3A_1882 = tpu.vector_load %arg5[%get3A_1880, %get3A_1881] {strides = array<i32>} : memref<200x128xi32, #tpu.memory_space<vmem>>, vector<1x16xi32>,
        %get3A_1883 = vector.shape_cast %get3A_1882 : vector<1x16xi32> to vector<16xi32>
        %and3A_1884 = arith.constant -32768 : i32
        %and3A_1885 = vector.broadcast %and3A_1884 : i32 to vector<16xi32>
        %and3A_1886 = arith.andi %get3A_1883, %and3A_1885 : vector<16xi32>
        %and3A_1887 = arith.constant 4095 : i32
        %and3A_1888 = vector.broadcast %and3A_1887 : i32 to vector<16xi32>
        %and3A_1889 = arith.andi %get3A_1883, %and3A_1888 : vector<16xi32>
        %shift_left3A_1890 = arith.constant 3 : i32
        %shift_left3A_1891 = vector.broadcast %shift_left3A_1890 : i32 to vector<16xi32>
        %shift_left3A_1892 = arith.shli %and3A_1889, %shift_left3A_1891 : vector<16xi32>
        %add3A_1893 = arith.addi %and3A_1886, %shift_left3A_1892 : vector<16xi32>
        %shift_right_arithmetic3A_1894 = arith.constant 12 : i32
        %shift_right_arithmetic3A_1895 = vector.broadcast %shift_right_arithmetic3A_1894 : i32 to vector<16xi32>
        %shift_right_arithmetic3A_1896 = arith.shrsi %get3A_1883, %shift_right_arithmetic3A_1895 : vector<16xi32>
        %and3A_1897 = arith.constant 7 : i32
        %and3A_1898 = vector.broadcast %and3A_1897 : i32 to vector<16xi32>
        %and3A_1899 = arith.andi %shift_right_arithmetic3A_1896, %and3A_1898 : vector<16xi32>
        %add3A_1900 = arith.addi %add3A_1893, %and3A_1899 : vector<16xi32>
        %swap3A_1901 = arith.index_cast %add3A_1697 : i32 to index
        %swap3A_1902 = arith.constant 112 : index
        %swap3A_1903 = tpu.vector_load %arg5[%swap3A_1901, %swap3A_1902] {strides = array<i32>} : memref<200x128xi32, #tpu.memory_space<vmem>>, vector<1x16xi32>,
        %swap3A_1904 = vector.shape_cast %swap3A_1903 : vector<1x16xi32> to vector<16xi32>
        %swap3A_1905 = vector.shape_cast %add3A_1900 : vector<16xi32> to vector<1x16xi32>
        tpu.vector_store %arg5[%swap3A_1901, %swap3A_1902], %swap3A_1905 {strides = array<i32>} : memref<200x128xi32, #tpu.memory_space<vmem>>, vector<1x16xi32>,
        %add3A_1906 = arith.constant 6 : i32
        %add3A_1907 = arith.addi %add3A_1475, %add3A_1906 : i32
        %dma_start3A_1908 = arith.constant 7 : i32
        %dma_start3A_1909 = arith.constant 7 : i32
        %dma_start3A_1910 = arith.constant 0 : i32
        %dma_start3A_1911 = arith.constant 0 : i32
        %dma_start3A_1912 = tpu.memref_slice %arg6[%dma_start3A_1908, %dma_start3A_1910, %dma_start3A_1911] : memref<8x128x16xf32, #tpu.memory_space<vmem>> -> memref<1x128x16xf32, #tpu.memory_space<vmem>>
        %dma_start3A_1913 = tpu.memref_squeeze %dma_start3A_1912 : memref<1x128x16xf32, #tpu.memory_space<vmem>> -> memref<128x16xf32, #tpu.memory_space<vmem>>
        %dma_start3A_1914 = arith.constant 0 : i32
        %dma_start3A_1915 = tpu.memref_slice %arg5[%add3A_1907, %dma_start3A_1914] : memref<200x128xi32, #tpu.memory_space<vmem>> -> memref<1x128xi32, #tpu.memory_space<vmem>>
        %dma_start3A_1916 = tpu.memref_squeeze %dma_start3A_1915 : memref<1x128xi32, #tpu.memory_space<vmem>> -> memref<128xi32, #tpu.memory_space<vmem>>
        %dma_start3A_1917 = arith.constant 0 : i32
        %dma_start3A_1918 = arith.constant 0 : i32
        %dma_start3A_1919 = tpu.memref_slice %arg3[%dma_start3A_1917, %dma_start3A_1918] : memref<1015808x16xf32, #tpu.memory_space<hbm>> -> memref<1015808x16xf32, #tpu.memory_space<hbm>>
        %dma_start3A_1920 = tpu.memref_slice %arg8[%dma_start3A_1909] : memref<8x!tpu.dma_semaphore, #tpu.memory_space<semaphore_mem>> -> memref<1x!tpu.dma_semaphore, #tpu.memory_space<semaphore_mem>>
        %dma_start3A_1921 = tpu.memref_squeeze %dma_start3A_1920 : memref<1x!tpu.dma_semaphore, #tpu.memory_space<semaphore_mem>> -> memref<!tpu.dma_semaphore, #tpu.memory_space<semaphore_mem>>
        tpu.enqueue_indirect_dma source(%dma_start3A_1919 : memref<1015808x16xf32, #tpu.memory_space<hbm>>) target(%dma_start3A_1913 : memref<128x16xf32, #tpu.memory_space<vmem>>) offsets(%dma_start3A_1916 : memref<128xi32, #tpu.memory_space<vmem>>) semaphore(%dma_start3A_1921 : memref<!tpu.dma_semaphore, #tpu.memory_space<semaphore_mem>>)
      } else {
      }
      %scan3A_1498 = arith.constant 0 : i32
      %scan3A_1499 = arith.constant 0 : i32
      %scan3A_1500 = arith.constant 16 : i32
      %scan3A_1501 = arith.addi %scan3A_1499, %scan3A_1500 : i32
      %scan3A_1502 = arith.constant 1 : i32
      scf.for %scan3A_1696 = %scan3A_1499 to %scan3A_1501 step %scan3A_1502  : i32 {
        %mul3A_1697 = arith.constant 8 : i32
        %mul3A_1698 = arith.muli %mul3A_1697, %scan3A_1696 : i32
        %add3A_1699 = arith.constant 0 : i32
        %add3A_1700 = arith.addi %mul3A_1698, %add3A_1699 : i32
        %get3A_1701 = arith.constant 1 : i32
        %get3A_1702 = arith.index_cast %get3A_1701 : i32 to index
        %get3A_1703 = arith.index_cast %add3A_1700 : i32 to index
        %get3A_1704 = arith.constant 0 : index
        %get3A_1705 = tpu.vector_load %arg6[%get3A_1702, %get3A_1703, %get3A_1704] {strides = array<i32>} : memref<8x128x16xf32, #tpu.memory_space<vmem>>, vector<1x1x16xf32>,
        %get3A_1706 = vector.shape_cast %get3A_1705 : vector<1x1x16xf32> to vector<16xf32>
        %swap3A_1707 = arith.index_cast %add3A_1700 : i32 to index
        %swap3A_1708 = arith.constant 0 : index
        %swap3A_1709 = tpu.vector_load %arg7[%swap3A_1707, %swap3A_1708] {strides = array<i32>} : memref<128x16xf32, #tpu.memory_space<vmem>>, vector<1x16xf32>,
        %swap3A_1710 = vector.shape_cast %swap3A_1709 : vector<1x16xf32> to vector<16xf32>
        %swap3A_1711 = vector.shape_cast %get3A_1706 : vector<16xf32> to vector<1x16xf32>
        tpu.vector_store %arg7[%swap3A_1707, %swap3A_1708], %swap3A_1711 {add = true, strides = array<i32>} : memref<128x16xf32, #tpu.memory_space<vmem>>, vector<1x16xf32>,
        %mul3A_1712 = arith.constant 8 : i32
        %mul3A_1713 = arith.muli %mul3A_1712, %scan3A_1696 : i32
        %add3A_1714 = arith.constant 1 : i32
        %add3A_1715 = arith.addi %mul3A_1713, %add3A_1714 : i32
        %get3A_1716 = arith.constant 1 : i32
        %get3A_1717 = arith.index_cast %get3A_1716 : i32 to index
        %get3A_1718 = arith.index_cast %add3A_1715 : i32 to index
        %get3A_1719 = arith.constant 0 : index
        %get3A_1720 = tpu.vector_load %arg6[%get3A_1717, %get3A_1718, %get3A_1719] {strides = array<i32>} : memref<8x128x16xf32, #tpu.memory_space<vmem>>, vector<1x1x16xf32>,
        %get3A_1721 = vector.shape_cast %get3A_1720 : vector<1x1x16xf32> to vector<16xf32>
        %swap3A_1722 = arith.index_cast %add3A_1715 : i32 to index
        %swap3A_1723 = arith.constant 0 : index
        %swap3A_1724 = tpu.vector_load %arg7[%swap3A_1722, %swap3A_1723] {strides = array<i32>} : memref<128x16xf32, #tpu.memory_space<vmem>>, vector<1x16xf32>,
        %swap3A_1725 = vector.shape_cast %swap3A_1724 : vector<1x16xf32> to vector<16xf32>
        %swap3A_1726 = vector.shape_cast %get3A_1721 : vector<16xf32> to vector<1x16xf32>
        tpu.vector_store %arg7[%swap3A_1722, %swap3A_1723], %swap3A_1726 {add = true, strides = array<i32>} : memref<128x16xf32, #tpu.memory_space<vmem>>, vector<1x16xf32>,
        %mul3A_1727 = arith.constant 8 : i32
        %mul3A_1728 = arith.muli %mul3A_1727, %scan3A_1696 : i32
        %add3A_1729 = arith.constant 2 : i32
        %add3A_1730 = arith.addi %mul3A_1728, %add3A_1729 : i32
        %get3A_1731 = arith.constant 1 : i32
        %get3A_1732 = arith.index_cast %get3A_1731 : i32 to index
        %get3A_1733 = arith.index_cast %add3A_1730 : i32 to index
        %get3A_1734 = arith.constant 0 : index
        %get3A_1735 = tpu.vector_load %arg6[%get3A_1732, %get3A_1733, %get3A_1734] {strides = array<i32>} : memref<8x128x16xf32, #tpu.memory_space<vmem>>, vector<1x1x16xf32>,
        %get3A_1736 = vector.shape_cast %get3A_1735 : vector<1x1x16xf32> to vector<16xf32>
        %swap3A_1737 = arith.index_cast %add3A_1730 : i32 to index
        %swap3A_1738 = arith.constant 0 : index
        %swap3A_1739 = tpu.vector_load %arg7[%swap3A_1737, %swap3A_1738] {strides = array<i32>} : memref<128x16xf32, #tpu.memory_space<vmem>>, vector<1x16xf32>,
        %swap3A_1740 = vector.shape_cast %swap3A_1739 : vector<1x16xf32> to vector<16xf32>
        %swap3A_1741 = vector.shape_cast %get3A_1736 : vector<16xf32> to vector<1x16xf32>
        tpu.vector_store %arg7[%swap3A_1737, %swap3A_1738], %swap3A_1741 {add = true, strides = array<i32>} : memref<128x16xf32, #tpu.memory_space<vmem>>, vector<1x16xf32>,
        %mul3A_1742 = arith.constant 8 : i32
        %mul3A_1743 = arith.muli %mul3A_1742, %scan3A_1696 : i32
        %add3A_1744 = arith.constant 3 : i32
        %add3A_1745 = arith.addi %mul3A_1743, %add3A_1744 : i32
        %get3A_1746 = arith.constant 1 : i32
        %get3A_1747 = arith.index_cast %get3A_1746 : i32 to index
        %get3A_1748 = arith.index_cast %add3A_1745 : i32 to index
        %get3A_1749 = arith.constant 0 : index
        %get3A_1750 = tpu.vector_load %arg6[%get3A_1747, %get3A_1748, %get3A_1749] {strides = array<i32>} : memref<8x128x16xf32, #tpu.memory_space<vmem>>, vector<1x1x16xf32>,
        %get3A_1751 = vector.shape_cast %get3A_1750 : vector<1x1x16xf32> to vector<16xf32>
        %swap3A_1752 = arith.index_cast %add3A_1745 : i32 to index
        %swap3A_1753 = arith.constant 0 : index
        %swap3A_1754 = tpu.vector_load %arg7[%swap3A_1752, %swap3A_1753] {strides = array<i32>} : memref<128x16xf32, #tpu.memory_space<vmem>>, vector<1x16xf32>,
        %swap3A_1755 = vector.shape_cast %swap3A_1754 : vector<1x16xf32> to vector<16xf32>
        %swap3A_1756 = vector.shape_cast %get3A_1751 : vector<16xf32> to vector<1x16xf32>
        tpu.vector_store %arg7[%swap3A_1752, %swap3A_1753], %swap3A_1756 {add = true, strides = array<i32>} : memref<128x16xf32, #tpu.memory_space<vmem>>, vector<1x16xf32>,
        %mul3A_1757 = arith.constant 8 : i32
        %mul3A_1758 = arith.muli %mul3A_1757, %scan3A_1696 : i32
        %add3A_1759 = arith.constant 4 : i32
        %add3A_1760 = arith.addi %mul3A_1758, %add3A_1759 : i32
        %get3A_1761 = arith.constant 1 : i32
        %get3A_1762 = arith.index_cast %get3A_1761 : i32 to index
        %get3A_1763 = arith.index_cast %add3A_1760 : i32 to index
        %get3A_1764 = arith.constant 0 : index
        %get3A_1765 = tpu.vector_load %arg6[%get3A_1762, %get3A_1763, %get3A_1764] {strides = array<i32>} : memref<8x128x16xf32, #tpu.memory_space<vmem>>, vector<1x1x16xf32>,
        %get3A_1766 = vector.shape_cast %get3A_1765 : vector<1x1x16xf32> to vector<16xf32>
        %swap3A_1767 = arith.index_cast %add3A_1760 : i32 to index
        %swap3A_1768 = arith.constant 0 : index
        %swap3A_1769 = tpu.vector_load %arg7[%swap3A_1767, %swap3A_1768] {strides = array<i32>} : memref<128x16xf32, #tpu.memory_space<vmem>>, vector<1x16xf32>,
        %swap3A_1770 = vector.shape_cast %swap3A_1769 : vector<1x16xf32> to vector<16xf32>
        %swap3A_1771 = vector.shape_cast %get3A_1766 : vector<16xf32> to vector<1x16xf32>
        tpu.vector_store %arg7[%swap3A_1767, %swap3A_1768], %swap3A_1771 {add = true, strides = array<i32>} : memref<128x16xf32, #tpu.memory_space<vmem>>, vector<1x16xf32>,
        %mul3A_1772 = arith.constant 8 : i32
        %mul3A_1773 = arith.muli %mul3A_1772, %scan3A_1696 : i32
        %add3A_1774 = arith.constant 5 : i32
        %add3A_1775 = arith.addi %mul3A_1773, %add3A_1774 : i32
        %get3A_1776 = arith.constant 1 : i32
        %get3A_1777 = arith.index_cast %get3A_1776 : i32 to index
        %get3A_1778 = arith.index_cast %add3A_1775 : i32 to index
        %get3A_1779 = arith.constant 0 : index
        %get3A_1780 = tpu.vector_load %arg6[%get3A_1777, %get3A_1778, %get3A_1779] {strides = array<i32>} : memref<8x128x16xf32, #tpu.memory_space<vmem>>, vector<1x1x16xf32>,
        %get3A_1781 = vector.shape_cast %get3A_1780 : vector<1x1x16xf32> to vector<16xf32>
        %swap3A_1782 = arith.index_cast %add3A_1775 : i32 to index
        %swap3A_1783 = arith.constant 0 : index
        %swap3A_1784 = tpu.vector_load %arg7[%swap3A_1782, %swap3A_1783] {strides = array<i32>} : memref<128x16xf32, #tpu.memory_space<vmem>>, vector<1x16xf32>,
        %swap3A_1785 = vector.shape_cast %swap3A_1784 : vector<1x16xf32> to vector<16xf32>
        %swap3A_1786 = vector.shape_cast %get3A_1781 : vector<16xf32> to vector<1x16xf32>
        tpu.vector_store %arg7[%swap3A_1782, %swap3A_1783], %swap3A_1786 {add = true, strides = array<i32>} : memref<128x16xf32, #tpu.memory_space<vmem>>, vector<1x16xf32>,
        %mul3A_1787 = arith.constant 8 : i32
        %mul3A_1788 = arith.muli %mul3A_1787, %scan3A_1696 : i32
        %add3A_1789 = arith.constant 6 : i32
        %add3A_1790 = arith.addi %mul3A_1788, %add3A_1789 : i32
        %get3A_1791 = arith.constant 1 : i32
        %get3A_1792 = arith.index_cast %get3A_1791 : i32 to index
        %get3A_1793 = arith.index_cast %add3A_1790 : i32 to index
        %get3A_1794 = arith.constant 0 : index
        %get3A_1795 = tpu.vector_load %arg6[%get3A_1792, %get3A_1793, %get3A_1794] {strides = array<i32>} : memref<8x128x16xf32, #tpu.memory_space<vmem>>, vector<1x1x16xf32>,
        %get3A_1796 = vector.shape_cast %get3A_1795 : vector<1x1x16xf32> to vector<16xf32>
        %swap3A_1797 = arith.index_cast %add3A_1790 : i32 to index
        %swap3A_1798 = arith.constant 0 : index
        %swap3A_1799 = tpu.vector_load %arg7[%swap3A_1797, %swap3A_1798] {strides = array<i32>} : memref<128x16xf32, #tpu.memory_space<vmem>>, vector<1x16xf32>,
        %swap3A_1800 = vector.shape_cast %swap3A_1799 : vector<1x16xf32> to vector<16xf32>
        %swap3A_1801 = vector.shape_cast %get3A_1796 : vector<16xf32> to vector<1x16xf32>
        tpu.vector_store %arg7[%swap3A_1797, %swap3A_1798], %swap3A_1801 {add = true, strides = array<i32>} : memref<128x16xf32, #tpu.memory_space<vmem>>, vector<1x16xf32>,
        %mul3A_1802 = arith.constant 8 : i32
        %mul3A_1803 = arith.muli %mul3A_1802, %scan3A_1696 : i32
        %add3A_1804 = arith.constant 7 : i32
        %add3A_1805 = arith.addi %mul3A_1803, %add3A_1804 : i32
        %get3A_1806 = arith.constant 1 : i32
        %get3A_1807 = arith.index_cast %get3A_1806 : i32 to index
        %get3A_1808 = arith.index_cast %add3A_1805 : i32 to index
        %get3A_1809 = arith.constant 0 : index
        %get3A_1810 = tpu.vector_load %arg6[%get3A_1807, %get3A_1808, %get3A_1809] {strides = array<i32>} : memref<8x128x16xf32, #tpu.memory_space<vmem>>, vector<1x1x16xf32>,
        %get3A_1811 = vector.shape_cast %get3A_1810 : vector<1x1x16xf32> to vector<16xf32>
        %swap3A_1812 = arith.index_cast %add3A_1805 : i32 to index
        %swap3A_1813 = arith.constant 0 : index
        %swap3A_1814 = tpu.vector_load %arg7[%swap3A_1812, %swap3A_1813] {strides = array<i32>} : memref<128x16xf32, #tpu.memory_space<vmem>>, vector<1x16xf32>,
        %swap3A_1815 = vector.shape_cast %swap3A_1814 : vector<1x16xf32> to vector<16xf32>
        %swap3A_1816 = vector.shape_cast %get3A_1811 : vector<16xf32> to vector<1x16xf32>
        tpu.vector_store %arg7[%swap3A_1812, %swap3A_1813], %swap3A_1816 {add = true, strides = array<i32>} : memref<128x16xf32, #tpu.memory_space<vmem>>, vector<1x16xf32>,
      }
      %scan3A_1503 = arith.constant 16 : i32
      %mul3A_1504 = arith.constant 8 : i32
      %mul3A_1505 = arith.muli %mul3A_1504, %scan3A_1443 : i32
      %add3A_1506 = arith.constant 2 : i32
      %add3A_1507 = arith.addi %mul3A_1505, %add3A_1506 : i32
      %dma_wait3A_1508 = arith.constant 0 : i32
      %dma_wait3A_1509 = arith.constant 2 : i32
      %dma_wait3A_1510 = arith.constant 2 : i32
      %dma_wait3A_1511 = arith.constant 0 : i32
      %dma_wait3A_1512 = arith.constant 0 : i32
      %dma_wait3A_1513 = tpu.memref_slice %arg6[%dma_wait3A_1509, %dma_wait3A_1511, %dma_wait3A_1512] : memref<8x128x16xf32, #tpu.memory_space<vmem>> -> memref<1x128x16xf32, #tpu.memory_space<vmem>>
      %dma_wait3A_1514 = tpu.memref_squeeze %dma_wait3A_1513 : memref<1x128x16xf32, #tpu.memory_space<vmem>> -> memref<128x16xf32, #tpu.memory_space<vmem>>
      %dma_wait3A_1515 = arith.constant 0 : i32
      %dma_wait3A_1516 = tpu.memref_slice %arg5[%dma_wait3A_1508, %dma_wait3A_1515] : memref<200x128xi32, #tpu.memory_space<vmem>> -> memref<1x128xi32, #tpu.memory_space<vmem>>
      %dma_wait3A_1517 = tpu.memref_squeeze %dma_wait3A_1516 : memref<1x128xi32, #tpu.memory_space<vmem>> -> memref<128xi32, #tpu.memory_space<vmem>>
      %dma_wait3A_1518 = arith.constant 0 : i32
      %dma_wait3A_1519 = arith.constant 0 : i32
      %dma_wait3A_1520 = tpu.memref_slice %arg3[%dma_wait3A_1518, %dma_wait3A_1519] : memref<1015808x16xf32, #tpu.memory_space<hbm>> -> memref<1015808x16xf32, #tpu.memory_space<hbm>>
      %dma_wait3A_1521 = tpu.memref_slice %arg8[%dma_wait3A_1510] : memref<8x!tpu.dma_semaphore, #tpu.memory_space<semaphore_mem>> -> memref<1x!tpu.dma_semaphore, #tpu.memory_space<semaphore_mem>>
      %dma_wait3A_1522 = tpu.memref_squeeze %dma_wait3A_1521 : memref<1x!tpu.dma_semaphore, #tpu.memory_space<semaphore_mem>> -> memref<!tpu.dma_semaphore, #tpu.memory_space<semaphore_mem>>
      tpu.wait_indirect_dma semaphore(%dma_wait3A_1522 : memref<!tpu.dma_semaphore, #tpu.memory_space<semaphore_mem>>) src(%dma_wait3A_1520 : memref<1015808x16xf32, #tpu.memory_space<hbm>>) dst(%dma_wait3A_1514 : memref<128x16xf32, #tpu.memory_space<vmem>>)
      %add3A_1523 = arith.constant 6 : i32
      %add3A_1524 = arith.addi %add3A_1507, %add3A_1523 : i32
      %lt3A_1525 = arith.constant 200 : i32
      %lt3A_1526 = arith.cmpi slt, %add3A_1524, %lt3A_1525 : i32
      %convert_element_type3A_1527 = arith.extui %lt3A_1526 : i1 to i32
      %cond3A_1528 = arith.constant 0 : i32
      %cond3A_1529 = arith.cmpi ne, %convert_element_type3A_1527, %cond3A_1528 : i32
      scf.if %cond3A_1529 {
        %add3A_1696 = arith.constant 6 : i32
        %add3A_1697 = arith.addi %add3A_1507, %add3A_1696 : i32
        %get3A_1698 = arith.index_cast %add3A_1697 : i32 to index
        %get3A_1699 = arith.constant 0 : index
        %get3A_1700 = tpu.vector_load %arg5[%get3A_1698, %get3A_1699] {strides = array<i32>} : memref<200x128xi32, #tpu.memory_space<vmem>>, vector<1x16xi32>,
        %get3A_1701 = vector.shape_cast %get3A_1700 : vector<1x16xi32> to vector<16xi32>
        %and3A_1702 = arith.constant -32768 : i32
        %and3A_1703 = vector.broadcast %and3A_1702 : i32 to vector<16xi32>
        %and3A_1704 = arith.andi %get3A_1701, %and3A_1703 : vector<16xi32>
        %and3A_1705 = arith.constant 4095 : i32
        %and3A_1706 = vector.broadcast %and3A_1705 : i32 to vector<16xi32>
        %and3A_1707 = arith.andi %get3A_1701, %and3A_1706 : vector<16xi32>
        %shift_left3A_1708 = arith.constant 3 : i32
        %shift_left3A_1709 = vector.broadcast %shift_left3A_1708 : i32 to vector<16xi32>
        %shift_left3A_1710 = arith.shli %and3A_1707, %shift_left3A_1709 : vector<16xi32>
        %add3A_1711 = arith.addi %and3A_1704, %shift_left3A_1710 : vector<16xi32>
        %shift_right_arithmetic3A_1712 = arith.constant 12 : i32
        %shift_right_arithmetic3A_1713 = vector.broadcast %shift_right_arithmetic3A_1712 : i32 to vector<16xi32>
        %shift_right_arithmetic3A_1714 = arith.shrsi %get3A_1701, %shift_right_arithmetic3A_1713 : vector<16xi32>
        %and3A_1715 = arith.constant 7 : i32
        %and3A_1716 = vector.broadcast %and3A_1715 : i32 to vector<16xi32>
        %and3A_1717 = arith.andi %shift_right_arithmetic3A_1714, %and3A_1716 : vector<16xi32>
        %add3A_1718 = arith.addi %add3A_1711, %and3A_1717 : vector<16xi32>
        %swap3A_1719 = arith.index_cast %add3A_1697 : i32 to index
        %swap3A_1720 = arith.constant 0 : index
        %swap3A_1721 = tpu.vector_load %arg5[%swap3A_1719, %swap3A_1720] {strides = array<i32>} : memref<200x128xi32, #tpu.memory_space<vmem>>, vector<1x16xi32>,
        %swap3A_1722 = vector.shape_cast %swap3A_1721 : vector<1x16xi32> to vector<16xi32>
        %swap3A_1723 = vector.shape_cast %add3A_1718 : vector<16xi32> to vector<1x16xi32>
        tpu.vector_store %arg5[%swap3A_1719, %swap3A_1720], %swap3A_1723 {strides = array<i32>} : memref<200x128xi32, #tpu.memory_space<vmem>>, vector<1x16xi32>,
        %get3A_1724 = arith.index_cast %add3A_1697 : i32 to index
        %get3A_1725 = arith.constant 16 : index
        %get3A_1726 = tpu.vector_load %arg5[%get3A_1724, %get3A_1725] {strides = array<i32>} : memref<200x128xi32, #tpu.memory_space<vmem>>, vector<1x16xi32>,
        %get3A_1727 = vector.shape_cast %get3A_1726 : vector<1x16xi32> to vector<16xi32>
        %and3A_1728 = arith.constant -32768 : i32
        %and3A_1729 = vector.broadcast %and3A_1728 : i32 to vector<16xi32>
        %and3A_1730 = arith.andi %get3A_1727, %and3A_1729 : vector<16xi32>
        %and3A_1731 = arith.constant 4095 : i32
        %and3A_1732 = vector.broadcast %and3A_1731 : i32 to vector<16xi32>
        %and3A_1733 = arith.andi %get3A_1727, %and3A_1732 : vector<16xi32>
        %shift_left3A_1734 = arith.constant 3 : i32
        %shift_left3A_1735 = vector.broadcast %shift_left3A_1734 : i32 to vector<16xi32>
        %shift_left3A_1736 = arith.shli %and3A_1733, %shift_left3A_1735 : vector<16xi32>
        %add3A_1737 = arith.addi %and3A_1730, %shift_left3A_1736 : vector<16xi32>
        %shift_right_arithmetic3A_1738 = arith.constant 12 : i32
        %shift_right_arithmetic3A_1739 = vector.broadcast %shift_right_arithmetic3A_1738 : i32 to vector<16xi32>
        %shift_right_arithmetic3A_1740 = arith.shrsi %get3A_1727, %shift_right_arithmetic3A_1739 : vector<16xi32>
        %and3A_1741 = arith.constant 7 : i32
        %and3A_1742 = vector.broadcast %and3A_1741 : i32 to vector<16xi32>
        %and3A_1743 = arith.andi %shift_right_arithmetic3A_1740, %and3A_1742 : vector<16xi32>
        %add3A_1744 = arith.addi %add3A_1737, %and3A_1743 : vector<16xi32>
        %swap3A_1745 = arith.index_cast %add3A_1697 : i32 to index
        %swap3A_1746 = arith.constant 16 : index
        %swap3A_1747 = tpu.vector_load %arg5[%swap3A_1745, %swap3A_1746] {strides = array<i32>} : memref<200x128xi32, #tpu.memory_space<vmem>>, vector<1x16xi32>,
        %swap3A_1748 = vector.shape_cast %swap3A_1747 : vector<1x16xi32> to vector<16xi32>
        %swap3A_1749 = vector.shape_cast %add3A_1744 : vector<16xi32> to vector<1x16xi32>
        tpu.vector_store %arg5[%swap3A_1745, %swap3A_1746], %swap3A_1749 {strides = array<i32>} : memref<200x128xi32, #tpu.memory_space<vmem>>, vector<1x16xi32>,
        %get3A_1750 = arith.index_cast %add3A_1697 : i32 to index
        %get3A_1751 = arith.constant 32 : index
        %get3A_1752 = tpu.vector_load %arg5[%get3A_1750, %get3A_1751] {strides = array<i32>} : memref<200x128xi32, #tpu.memory_space<vmem>>, vector<1x16xi32>,
        %get3A_1753 = vector.shape_cast %get3A_1752 : vector<1x16xi32> to vector<16xi32>
        %and3A_1754 = arith.constant -32768 : i32
        %and3A_1755 = vector.broadcast %and3A_1754 : i32 to vector<16xi32>
        %and3A_1756 = arith.andi %get3A_1753, %and3A_1755 : vector<16xi32>
        %and3A_1757 = arith.constant 4095 : i32
        %and3A_1758 = vector.broadcast %and3A_1757 : i32 to vector<16xi32>
        %and3A_1759 = arith.andi %get3A_1753, %and3A_1758 : vector<16xi32>
        %shift_left3A_1760 = arith.constant 3 : i32
        %shift_left3A_1761 = vector.broadcast %shift_left3A_1760 : i32 to vector<16xi32>
        %shift_left3A_1762 = arith.shli %and3A_1759, %shift_left3A_1761 : vector<16xi32>
        %add3A_1763 = arith.addi %and3A_1756, %shift_left3A_1762 : vector<16xi32>
        %shift_right_arithmetic3A_1764 = arith.constant 12 : i32
        %shift_right_arithmetic3A_1765 = vector.broadcast %shift_right_arithmetic3A_1764 : i32 to vector<16xi32>
        %shift_right_arithmetic3A_1766 = arith.shrsi %get3A_1753, %shift_right_arithmetic3A_1765 : vector<16xi32>
        %and3A_1767 = arith.constant 7 : i32
        %and3A_1768 = vector.broadcast %and3A_1767 : i32 to vector<16xi32>
        %and3A_1769 = arith.andi %shift_right_arithmetic3A_1766, %and3A_1768 : vector<16xi32>
        %add3A_1770 = arith.addi %add3A_1763, %and3A_1769 : vector<16xi32>
        %swap3A_1771 = arith.index_cast %add3A_1697 : i32 to index
        %swap3A_1772 = arith.constant 32 : index
        %swap3A_1773 = tpu.vector_load %arg5[%swap3A_1771, %swap3A_1772] {strides = array<i32>} : memref<200x128xi32, #tpu.memory_space<vmem>>, vector<1x16xi32>,
        %swap3A_1774 = vector.shape_cast %swap3A_1773 : vector<1x16xi32> to vector<16xi32>
        %swap3A_1775 = vector.shape_cast %add3A_1770 : vector<16xi32> to vector<1x16xi32>
        tpu.vector_store %arg5[%swap3A_1771, %swap3A_1772], %swap3A_1775 {strides = array<i32>} : memref<200x128xi32, #tpu.memory_space<vmem>>, vector<1x16xi32>,
        %get3A_1776 = arith.index_cast %add3A_1697 : i32 to index
        %get3A_1777 = arith.constant 48 : index
        %get3A_1778 = tpu.vector_load %arg5[%get3A_1776, %get3A_1777] {strides = array<i32>} : memref<200x128xi32, #tpu.memory_space<vmem>>, vector<1x16xi32>,
        %get3A_1779 = vector.shape_cast %get3A_1778 : vector<1x16xi32> to vector<16xi32>
        %and3A_1780 = arith.constant -32768 : i32
        %and3A_1781 = vector.broadcast %and3A_1780 : i32 to vector<16xi32>
        %and3A_1782 = arith.andi %get3A_1779, %and3A_1781 : vector<16xi32>
        %and3A_1783 = arith.constant 4095 : i32
        %and3A_1784 = vector.broadcast %and3A_1783 : i32 to vector<16xi32>
        %and3A_1785 = arith.andi %get3A_1779, %and3A_1784 : vector<16xi32>
        %shift_left3A_1786 = arith.constant 3 : i32
        %shift_left3A_1787 = vector.broadcast %shift_left3A_1786 : i32 to vector<16xi32>
        %shift_left3A_1788 = arith.shli %and3A_1785, %shift_left3A_1787 : vector<16xi32>
        %add3A_1789 = arith.addi %and3A_1782, %shift_left3A_1788 : vector<16xi32>
        %shift_right_arithmetic3A_1790 = arith.constant 12 : i32
        %shift_right_arithmetic3A_1791 = vector.broadcast %shift_right_arithmetic3A_1790 : i32 to vector<16xi32>
        %shift_right_arithmetic3A_1792 = arith.shrsi %get3A_1779, %shift_right_arithmetic3A_1791 : vector<16xi32>
        %and3A_1793 = arith.constant 7 : i32
        %and3A_1794 = vector.broadcast %and3A_1793 : i32 to vector<16xi32>
        %and3A_1795 = arith.andi %shift_right_arithmetic3A_1792, %and3A_1794 : vector<16xi32>
        %add3A_1796 = arith.addi %add3A_1789, %and3A_1795 : vector<16xi32>
        %swap3A_1797 = arith.index_cast %add3A_1697 : i32 to index
        %swap3A_1798 = arith.constant 48 : index
        %swap3A_1799 = tpu.vector_load %arg5[%swap3A_1797, %swap3A_1798] {strides = array<i32>} : memref<200x128xi32, #tpu.memory_space<vmem>>, vector<1x16xi32>,
        %swap3A_1800 = vector.shape_cast %swap3A_1799 : vector<1x16xi32> to vector<16xi32>
        %swap3A_1801 = vector.shape_cast %add3A_1796 : vector<16xi32> to vector<1x16xi32>
        tpu.vector_store %arg5[%swap3A_1797, %swap3A_1798], %swap3A_1801 {strides = array<i32>} : memref<200x128xi32, #tpu.memory_space<vmem>>, vector<1x16xi32>,
        %get3A_1802 = arith.index_cast %add3A_1697 : i32 to index
        %get3A_1803 = arith.constant 64 : index
        %get3A_1804 = tpu.vector_load %arg5[%get3A_1802, %get3A_1803] {strides = array<i32>} : memref<200x128xi32, #tpu.memory_space<vmem>>, vector<1x16xi32>,
        %get3A_1805 = vector.shape_cast %get3A_1804 : vector<1x16xi32> to vector<16xi32>
        %and3A_1806 = arith.constant -32768 : i32
        %and3A_1807 = vector.broadcast %and3A_1806 : i32 to vector<16xi32>
        %and3A_1808 = arith.andi %get3A_1805, %and3A_1807 : vector<16xi32>
        %and3A_1809 = arith.constant 4095 : i32
        %and3A_1810 = vector.broadcast %and3A_1809 : i32 to vector<16xi32>
        %and3A_1811 = arith.andi %get3A_1805, %and3A_1810 : vector<16xi32>
        %shift_left3A_1812 = arith.constant 3 : i32
        %shift_left3A_1813 = vector.broadcast %shift_left3A_1812 : i32 to vector<16xi32>
        %shift_left3A_1814 = arith.shli %and3A_1811, %shift_left3A_1813 : vector<16xi32>
        %add3A_1815 = arith.addi %and3A_1808, %shift_left3A_1814 : vector<16xi32>
        %shift_right_arithmetic3A_1816 = arith.constant 12 : i32
        %shift_right_arithmetic3A_1817 = vector.broadcast %shift_right_arithmetic3A_1816 : i32 to vector<16xi32>
        %shift_right_arithmetic3A_1818 = arith.shrsi %get3A_1805, %shift_right_arithmetic3A_1817 : vector<16xi32>
        %and3A_1819 = arith.constant 7 : i32
        %and3A_1820 = vector.broadcast %and3A_1819 : i32 to vector<16xi32>
        %and3A_1821 = arith.andi %shift_right_arithmetic3A_1818, %and3A_1820 : vector<16xi32>
        %add3A_1822 = arith.addi %add3A_1815, %and3A_1821 : vector<16xi32>
        %swap3A_1823 = arith.index_cast %add3A_1697 : i32 to index
        %swap3A_1824 = arith.constant 64 : index
        %swap3A_1825 = tpu.vector_load %arg5[%swap3A_1823, %swap3A_1824] {strides = array<i32>} : memref<200x128xi32, #tpu.memory_space<vmem>>, vector<1x16xi32>,
        %swap3A_1826 = vector.shape_cast %swap3A_1825 : vector<1x16xi32> to vector<16xi32>
        %swap3A_1827 = vector.shape_cast %add3A_1822 : vector<16xi32> to vector<1x16xi32>
        tpu.vector_store %arg5[%swap3A_1823, %swap3A_1824], %swap3A_1827 {strides = array<i32>} : memref<200x128xi32, #tpu.memory_space<vmem>>, vector<1x16xi32>,
        %get3A_1828 = arith.index_cast %add3A_1697 : i32 to index
        %get3A_1829 = arith.constant 80 : index
        %get3A_1830 = tpu.vector_load %arg5[%get3A_1828, %get3A_1829] {strides = array<i32>} : memref<200x128xi32, #tpu.memory_space<vmem>>, vector<1x16xi32>,
        %get3A_1831 = vector.shape_cast %get3A_1830 : vector<1x16xi32> to vector<16xi32>
        %and3A_1832 = arith.constant -32768 : i32
        %and3A_1833 = vector.broadcast %and3A_1832 : i32 to vector<16xi32>
        %and3A_1834 = arith.andi %get3A_1831, %and3A_1833 : vector<16xi32>
        %and3A_1835 = arith.constant 4095 : i32
        %and3A_1836 = vector.broadcast %and3A_1835 : i32 to vector<16xi32>
        %and3A_1837 = arith.andi %get3A_1831, %and3A_1836 : vector<16xi32>
        %shift_left3A_1838 = arith.constant 3 : i32
        %shift_left3A_1839 = vector.broadcast %shift_left3A_1838 : i32 to vector<16xi32>
        %shift_left3A_1840 = arith.shli %and3A_1837, %shift_left3A_1839 : vector<16xi32>
        %add3A_1841 = arith.addi %and3A_1834, %shift_left3A_1840 : vector<16xi32>
        %shift_right_arithmetic3A_1842 = arith.constant 12 : i32
        %shift_right_arithmetic3A_1843 = vector.broadcast %shift_right_arithmetic3A_1842 : i32 to vector<16xi32>
        %shift_right_arithmetic3A_1844 = arith.shrsi %get3A_1831, %shift_right_arithmetic3A_1843 : vector<16xi32>
        %and3A_1845 = arith.constant 7 : i32
        %and3A_1846 = vector.broadcast %and3A_1845 : i32 to vector<16xi32>
        %and3A_1847 = arith.andi %shift_right_arithmetic3A_1844, %and3A_1846 : vector<16xi32>
        %add3A_1848 = arith.addi %add3A_1841, %and3A_1847 : vector<16xi32>
        %swap3A_1849 = arith.index_cast %add3A_1697 : i32 to index
        %swap3A_1850 = arith.constant 80 : index
        %swap3A_1851 = tpu.vector_load %arg5[%swap3A_1849, %swap3A_1850] {strides = array<i32>} : memref<200x128xi32, #tpu.memory_space<vmem>>, vector<1x16xi32>,
        %swap3A_1852 = vector.shape_cast %swap3A_1851 : vector<1x16xi32> to vector<16xi32>
        %swap3A_1853 = vector.shape_cast %add3A_1848 : vector<16xi32> to vector<1x16xi32>
        tpu.vector_store %arg5[%swap3A_1849, %swap3A_1850], %swap3A_1853 {strides = array<i32>} : memref<200x128xi32, #tpu.memory_space<vmem>>, vector<1x16xi32>,
        %get3A_1854 = arith.index_cast %add3A_1697 : i32 to index
        %get3A_1855 = arith.constant 96 : index
        %get3A_1856 = tpu.vector_load %arg5[%get3A_1854, %get3A_1855] {strides = array<i32>} : memref<200x128xi32, #tpu.memory_space<vmem>>, vector<1x16xi32>,
        %get3A_1857 = vector.shape_cast %get3A_1856 : vector<1x16xi32> to vector<16xi32>
        %and3A_1858 = arith.constant -32768 : i32
        %and3A_1859 = vector.broadcast %and3A_1858 : i32 to vector<16xi32>
        %and3A_1860 = arith.andi %get3A_1857, %and3A_1859 : vector<16xi32>
        %and3A_1861 = arith.constant 4095 : i32
        %and3A_1862 = vector.broadcast %and3A_1861 : i32 to vector<16xi32>
        %and3A_1863 = arith.andi %get3A_1857, %and3A_1862 : vector<16xi32>
        %shift_left3A_1864 = arith.constant 3 : i32
        %shift_left3A_1865 = vector.broadcast %shift_left3A_1864 : i32 to vector<16xi32>
        %shift_left3A_1866 = arith.shli %and3A_1863, %shift_left3A_1865 : vector<16xi32>
        %add3A_1867 = arith.addi %and3A_1860, %shift_left3A_1866 : vector<16xi32>
        %shift_right_arithmetic3A_1868 = arith.constant 12 : i32
        %shift_right_arithmetic3A_1869 = vector.broadcast %shift_right_arithmetic3A_1868 : i32 to vector<16xi32>
        %shift_right_arithmetic3A_1870 = arith.shrsi %get3A_1857, %shift_right_arithmetic3A_1869 : vector<16xi32>
        %and3A_1871 = arith.constant 7 : i32
        %and3A_1872 = vector.broadcast %and3A_1871 : i32 to vector<16xi32>
        %and3A_1873 = arith.andi %shift_right_arithmetic3A_1870, %and3A_1872 : vector<16xi32>
        %add3A_1874 = arith.addi %add3A_1867, %and3A_1873 : vector<16xi32>
        %swap3A_1875 = arith.index_cast %add3A_1697 : i32 to index
        %swap3A_1876 = arith.constant 96 : index
        %swap3A_1877 = tpu.vector_load %arg5[%swap3A_1875, %swap3A_1876] {strides = array<i32>} : memref<200x128xi32, #tpu.memory_space<vmem>>, vector<1x16xi32>,
        %swap3A_1878 = vector.shape_cast %swap3A_1877 : vector<1x16xi32> to vector<16xi32>
        %swap3A_1879 = vector.shape_cast %add3A_1874 : vector<16xi32> to vector<1x16xi32>
        tpu.vector_store %arg5[%swap3A_1875, %swap3A_1876], %swap3A_1879 {strides = array<i32>} : memref<200x128xi32, #tpu.memory_space<vmem>>, vector<1x16xi32>,
        %get3A_1880 = arith.index_cast %add3A_1697 : i32 to index
        %get3A_1881 = arith.constant 112 : index
        %get3A_1882 = tpu.vector_load %arg5[%get3A_1880, %get3A_1881] {strides = array<i32>} : memref<200x128xi32, #tpu.memory_space<vmem>>, vector<1x16xi32>,
        %get3A_1883 = vector.shape_cast %get3A_1882 : vector<1x16xi32> to vector<16xi32>
        %and3A_1884 = arith.constant -32768 : i32
        %and3A_1885 = vector.broadcast %and3A_1884 : i32 to vector<16xi32>
        %and3A_1886 = arith.andi %get3A_1883, %and3A_1885 : vector<16xi32>
        %and3A_1887 = arith.constant 4095 : i32
        %and3A_1888 = vector.broadcast %and3A_1887 : i32 to vector<16xi32>
        %and3A_1889 = arith.andi %get3A_1883, %and3A_1888 : vector<16xi32>
        %shift_left3A_1890 = arith.constant 3 : i32
        %shift_left3A_1891 = vector.broadcast %shift_left3A_1890 : i32 to vector<16xi32>
        %shift_left3A_1892 = arith.shli %and3A_1889, %shift_left3A_1891 : vector<16xi32>
        %add3A_1893 = arith.addi %and3A_1886, %shift_left3A_1892 : vector<16xi32>
        %shift_right_arithmetic3A_1894 = arith.constant 12 : i32
        %shift_right_arithmetic3A_1895 = vector.broadcast %shift_right_arithmetic3A_1894 : i32 to vector<16xi32>
        %shift_right_arithmetic3A_1896 = arith.shrsi %get3A_1883, %shift_right_arithmetic3A_1895 : vector<16xi32>
        %and3A_1897 = arith.constant 7 : i32
        %and3A_1898 = vector.broadcast %and3A_1897 : i32 to vector<16xi32>
        %and3A_1899 = arith.andi %shift_right_arithmetic3A_1896, %and3A_1898 : vector<16xi32>
        %add3A_1900 = arith.addi %add3A_1893, %and3A_1899 : vector<16xi32>
        %swap3A_1901 = arith.index_cast %add3A_1697 : i32 to index
        %swap3A_1902 = arith.constant 112 : index
        %swap3A_1903 = tpu.vector_load %arg5[%swap3A_1901, %swap3A_1902] {strides = array<i32>} : memref<200x128xi32, #tpu.memory_space<vmem>>, vector<1x16xi32>,
        %swap3A_1904 = vector.shape_cast %swap3A_1903 : vector<1x16xi32> to vector<16xi32>
        %swap3A_1905 = vector.shape_cast %add3A_1900 : vector<16xi32> to vector<1x16xi32>
        tpu.vector_store %arg5[%swap3A_1901, %swap3A_1902], %swap3A_1905 {strides = array<i32>} : memref<200x128xi32, #tpu.memory_space<vmem>>, vector<1x16xi32>,
        %add3A_1906 = arith.constant 6 : i32
        %add3A_1907 = arith.addi %add3A_1507, %add3A_1906 : i32
        %dma_start3A_1908 = arith.constant 0 : i32
        %dma_start3A_1909 = arith.constant 0 : i32
        %dma_start3A_1910 = arith.constant 0 : i32
        %dma_start3A_1911 = arith.constant 0 : i32
        %dma_start3A_1912 = tpu.memref_slice %arg6[%dma_start3A_1908, %dma_start3A_1910, %dma_start3A_1911] : memref<8x128x16xf32, #tpu.memory_space<vmem>> -> memref<1x128x16xf32, #tpu.memory_space<vmem>>
        %dma_start3A_1913 = tpu.memref_squeeze %dma_start3A_1912 : memref<1x128x16xf32, #tpu.memory_space<vmem>> -> memref<128x16xf32, #tpu.memory_space<vmem>>
        %dma_start3A_1914 = arith.constant 0 : i32
        %dma_start3A_1915 = tpu.memref_slice %arg5[%add3A_1907, %dma_start3A_1914] : memref<200x128xi32, #tpu.memory_space<vmem>> -> memref<1x128xi32, #tpu.memory_space<vmem>>
        %dma_start3A_1916 = tpu.memref_squeeze %dma_start3A_1915 : memref<1x128xi32, #tpu.memory_space<vmem>> -> memref<128xi32, #tpu.memory_space<vmem>>
        %dma_start3A_1917 = arith.constant 0 : i32
        %dma_start3A_1918 = arith.constant 0 : i32
        %dma_start3A_1919 = tpu.memref_slice %arg3[%dma_start3A_1917, %dma_start3A_1918] : memref<1015808x16xf32, #tpu.memory_space<hbm>> -> memref<1015808x16xf32, #tpu.memory_space<hbm>>
        %dma_start3A_1920 = tpu.memref_slice %arg8[%dma_start3A_1909] : memref<8x!tpu.dma_semaphore, #tpu.memory_space<semaphore_mem>> -> memref<1x!tpu.dma_semaphore, #tpu.memory_space<semaphore_mem>>
        %dma_start3A_1921 = tpu.memref_squeeze %dma_start3A_1920 : memref<1x!tpu.dma_semaphore, #tpu.memory_space<semaphore_mem>> -> memref<!tpu.dma_semaphore, #tpu.memory_space<semaphore_mem>>
        tpu.enqueue_indirect_dma source(%dma_start3A_1919 : memref<1015808x16xf32, #tpu.memory_space<hbm>>) target(%dma_start3A_1913 : memref<128x16xf32, #tpu.memory_space<vmem>>) offsets(%dma_start3A_1916 : memref<128xi32, #tpu.memory_space<vmem>>) semaphore(%dma_start3A_1921 : memref<!tpu.dma_semaphore, #tpu.memory_space<semaphore_mem>>)
      } else {
      }
      %scan3A_1530 = arith.constant 0 : i32
      %scan3A_1531 = arith.constant 0 : i32
      %scan3A_1532 = arith.constant 16 : i32
      %scan3A_1533 = arith.addi %scan3A_1531, %scan3A_1532 : i32
      %scan3A_1534 = arith.constant 1 : i32
      scf.for %scan3A_1696 = %scan3A_1531 to %scan3A_1533 step %scan3A_1534  : i32 {
        %mul3A_1697 = arith.constant 8 : i32
        %mul3A_1698 = arith.muli %mul3A_1697, %scan3A_1696 : i32
        %add3A_1699 = arith.constant 0 : i32
        %add3A_1700 = arith.addi %mul3A_1698, %add3A_1699 : i32
        %get3A_1701 = arith.constant 2 : i32
        %get3A_1702 = arith.index_cast %get3A_1701 : i32 to index
        %get3A_1703 = arith.index_cast %add3A_1700 : i32 to index
        %get3A_1704 = arith.constant 0 : index
        %get3A_1705 = tpu.vector_load %arg6[%get3A_1702, %get3A_1703, %get3A_1704] {strides = array<i32>} : memref<8x128x16xf32, #tpu.memory_space<vmem>>, vector<1x1x16xf32>,
        %get3A_1706 = vector.shape_cast %get3A_1705 : vector<1x1x16xf32> to vector<16xf32>
        %swap3A_1707 = arith.index_cast %add3A_1700 : i32 to index
        %swap3A_1708 = arith.constant 0 : index
        %swap3A_1709 = tpu.vector_load %arg7[%swap3A_1707, %swap3A_1708] {strides = array<i32>} : memref<128x16xf32, #tpu.memory_space<vmem>>, vector<1x16xf32>,
        %swap3A_1710 = vector.shape_cast %swap3A_1709 : vector<1x16xf32> to vector<16xf32>
        %swap3A_1711 = vector.shape_cast %get3A_1706 : vector<16xf32> to vector<1x16xf32>
        tpu.vector_store %arg7[%swap3A_1707, %swap3A_1708], %swap3A_1711 {add = true, strides = array<i32>} : memref<128x16xf32, #tpu.memory_space<vmem>>, vector<1x16xf32>,
        %mul3A_1712 = arith.constant 8 : i32
        %mul3A_1713 = arith.muli %mul3A_1712, %scan3A_1696 : i32
        %add3A_1714 = arith.constant 1 : i32
        %add3A_1715 = arith.addi %mul3A_1713, %add3A_1714 : i32
        %get3A_1716 = arith.constant 2 : i32
        %get3A_1717 = arith.index_cast %get3A_1716 : i32 to index
        %get3A_1718 = arith.index_cast %add3A_1715 : i32 to index
        %get3A_1719 = arith.constant 0 : index
        %get3A_1720 = tpu.vector_load %arg6[%get3A_1717, %get3A_1718, %get3A_1719] {strides = array<i32>} : memref<8x128x16xf32, #tpu.memory_space<vmem>>, vector<1x1x16xf32>,
        %get3A_1721 = vector.shape_cast %get3A_1720 : vector<1x1x16xf32> to vector<16xf32>
        %swap3A_1722 = arith.index_cast %add3A_1715 : i32 to index
        %swap3A_1723 = arith.constant 0 : index
        %swap3A_1724 = tpu.vector_load %arg7[%swap3A_1722, %swap3A_1723] {strides = array<i32>} : memref<128x16xf32, #tpu.memory_space<vmem>>, vector<1x16xf32>,
        %swap3A_1725 = vector.shape_cast %swap3A_1724 : vector<1x16xf32> to vector<16xf32>
        %swap3A_1726 = vector.shape_cast %get3A_1721 : vector<16xf32> to vector<1x16xf32>
        tpu.vector_store %arg7[%swap3A_1722, %swap3A_1723], %swap3A_1726 {add = true, strides = array<i32>} : memref<128x16xf32, #tpu.memory_space<vmem>>, vector<1x16xf32>,
        %mul3A_1727 = arith.constant 8 : i32
        %mul3A_1728 = arith.muli %mul3A_1727, %scan3A_1696 : i32
        %add3A_1729 = arith.constant 2 : i32
        %add3A_1730 = arith.addi %mul3A_1728, %add3A_1729 : i32
        %get3A_1731 = arith.constant 2 : i32
        %get3A_1732 = arith.index_cast %get3A_1731 : i32 to index
        %get3A_1733 = arith.index_cast %add3A_1730 : i32 to index
        %get3A_1734 = arith.constant 0 : index
        %get3A_1735 = tpu.vector_load %arg6[%get3A_1732, %get3A_1733, %get3A_1734] {strides = array<i32>} : memref<8x128x16xf32, #tpu.memory_space<vmem>>, vector<1x1x16xf32>,
        %get3A_1736 = vector.shape_cast %get3A_1735 : vector<1x1x16xf32> to vector<16xf32>
        %swap3A_1737 = arith.index_cast %add3A_1730 : i32 to index
        %swap3A_1738 = arith.constant 0 : index
        %swap3A_1739 = tpu.vector_load %arg7[%swap3A_1737, %swap3A_1738] {strides = array<i32>} : memref<128x16xf32, #tpu.memory_space<vmem>>, vector<1x16xf32>,
        %swap3A_1740 = vector.shape_cast %swap3A_1739 : vector<1x16xf32> to vector<16xf32>
        %swap3A_1741 = vector.shape_cast %get3A_1736 : vector<16xf32> to vector<1x16xf32>
        tpu.vector_store %arg7[%swap3A_1737, %swap3A_1738], %swap3A_1741 {add = true, strides = array<i32>} : memref<128x16xf32, #tpu.memory_space<vmem>>, vector<1x16xf32>,
        %mul3A_1742 = arith.constant 8 : i32
        %mul3A_1743 = arith.muli %mul3A_1742, %scan3A_1696 : i32
        %add3A_1744 = arith.constant 3 : i32
        %add3A_1745 = arith.addi %mul3A_1743, %add3A_1744 : i32
        %get3A_1746 = arith.constant 2 : i32
        %get3A_1747 = arith.index_cast %get3A_1746 : i32 to index
        %get3A_1748 = arith.index_cast %add3A_1745 : i32 to index
        %get3A_1749 = arith.constant 0 : index
        %get3A_1750 = tpu.vector_load %arg6[%get3A_1747, %get3A_1748, %get3A_1749] {strides = array<i32>} : memref<8x128x16xf32, #tpu.memory_space<vmem>>, vector<1x1x16xf32>,
        %get3A_1751 = vector.shape_cast %get3A_1750 : vector<1x1x16xf32> to vector<16xf32>
        %swap3A_1752 = arith.index_cast %add3A_1745 : i32 to index
        %swap3A_1753 = arith.constant 0 : index
        %swap3A_1754 = tpu.vector_load %arg7[%swap3A_1752, %swap3A_1753] {strides = array<i32>} : memref<128x16xf32, #tpu.memory_space<vmem>>, vector<1x16xf32>,
        %swap3A_1755 = vector.shape_cast %swap3A_1754 : vector<1x16xf32> to vector<16xf32>
        %swap3A_1756 = vector.shape_cast %get3A_1751 : vector<16xf32> to vector<1x16xf32>
        tpu.vector_store %arg7[%swap3A_1752, %swap3A_1753], %swap3A_1756 {add = true, strides = array<i32>} : memref<128x16xf32, #tpu.memory_space<vmem>>, vector<1x16xf32>,
        %mul3A_1757 = arith.constant 8 : i32
        %mul3A_1758 = arith.muli %mul3A_1757, %scan3A_1696 : i32
        %add3A_1759 = arith.constant 4 : i32
        %add3A_1760 = arith.addi %mul3A_1758, %add3A_1759 : i32
        %get3A_1761 = arith.constant 2 : i32
        %get3A_1762 = arith.index_cast %get3A_1761 : i32 to index
        %get3A_1763 = arith.index_cast %add3A_1760 : i32 to index
        %get3A_1764 = arith.constant 0 : index
        %get3A_1765 = tpu.vector_load %arg6[%get3A_1762, %get3A_1763, %get3A_1764] {strides = array<i32>} : memref<8x128x16xf32, #tpu.memory_space<vmem>>, vector<1x1x16xf32>,
        %get3A_1766 = vector.shape_cast %get3A_1765 : vector<1x1x16xf32> to vector<16xf32>
        %swap3A_1767 = arith.index_cast %add3A_1760 : i32 to index
        %swap3A_1768 = arith.constant 0 : index
        %swap3A_1769 = tpu.vector_load %arg7[%swap3A_1767, %swap3A_1768] {strides = array<i32>} : memref<128x16xf32, #tpu.memory_space<vmem>>, vector<1x16xf32>,
        %swap3A_1770 = vector.shape_cast %swap3A_1769 : vector<1x16xf32> to vector<16xf32>
        %swap3A_1771 = vector.shape_cast %get3A_1766 : vector<16xf32> to vector<1x16xf32>
        tpu.vector_store %arg7[%swap3A_1767, %swap3A_1768], %swap3A_1771 {add = true, strides = array<i32>} : memref<128x16xf32, #tpu.memory_space<vmem>>, vector<1x16xf32>,
        %mul3A_1772 = arith.constant 8 : i32
        %mul3A_1773 = arith.muli %mul3A_1772, %scan3A_1696 : i32
        %add3A_1774 = arith.constant 5 : i32
        %add3A_1775 = arith.addi %mul3A_1773, %add3A_1774 : i32
        %get3A_1776 = arith.constant 2 : i32
        %get3A_1777 = arith.index_cast %get3A_1776 : i32 to index
        %get3A_1778 = arith.index_cast %add3A_1775 : i32 to index
        %get3A_1779 = arith.constant 0 : index
        %get3A_1780 = tpu.vector_load %arg6[%get3A_1777, %get3A_1778, %get3A_1779] {strides = array<i32>} : memref<8x128x16xf32, #tpu.memory_space<vmem>>, vector<1x1x16xf32>,
        %get3A_1781 = vector.shape_cast %get3A_1780 : vector<1x1x16xf32> to vector<16xf32>
        %swap3A_1782 = arith.index_cast %add3A_1775 : i32 to index
        %swap3A_1783 = arith.constant 0 : index
        %swap3A_1784 = tpu.vector_load %arg7[%swap3A_1782, %swap3A_1783] {strides = array<i32>} : memref<128x16xf32, #tpu.memory_space<vmem>>, vector<1x16xf32>,
        %swap3A_1785 = vector.shape_cast %swap3A_1784 : vector<1x16xf32> to vector<16xf32>
        %swap3A_1786 = vector.shape_cast %get3A_1781 : vector<16xf32> to vector<1x16xf32>
        tpu.vector_store %arg7[%swap3A_1782, %swap3A_1783], %swap3A_1786 {add = true, strides = array<i32>} : memref<128x16xf32, #tpu.memory_space<vmem>>, vector<1x16xf32>,
        %mul3A_1787 = arith.constant 8 : i32
        %mul3A_1788 = arith.muli %mul3A_1787, %scan3A_1696 : i32
        %add3A_1789 = arith.constant 6 : i32
        %add3A_1790 = arith.addi %mul3A_1788, %add3A_1789 : i32
        %get3A_1791 = arith.constant 2 : i32
        %get3A_1792 = arith.index_cast %get3A_1791 : i32 to index
        %get3A_1793 = arith.index_cast %add3A_1790 : i32 to index
        %get3A_1794 = arith.constant 0 : index
        %get3A_1795 = tpu.vector_load %arg6[%get3A_1792, %get3A_1793, %get3A_1794] {strides = array<i32>} : memref<8x128x16xf32, #tpu.memory_space<vmem>>, vector<1x1x16xf32>,
        %get3A_1796 = vector.shape_cast %get3A_1795 : vector<1x1x16xf32> to vector<16xf32>
        %swap3A_1797 = arith.index_cast %add3A_1790 : i32 to index
        %swap3A_1798 = arith.constant 0 : index
        %swap3A_1799 = tpu.vector_load %arg7[%swap3A_1797, %swap3A_1798] {strides = array<i32>} : memref<128x16xf32, #tpu.memory_space<vmem>>, vector<1x16xf32>,
        %swap3A_1800 = vector.shape_cast %swap3A_1799 : vector<1x16xf32> to vector<16xf32>
        %swap3A_1801 = vector.shape_cast %get3A_1796 : vector<16xf32> to vector<1x16xf32>
        tpu.vector_store %arg7[%swap3A_1797, %swap3A_1798], %swap3A_1801 {add = true, strides = array<i32>} : memref<128x16xf32, #tpu.memory_space<vmem>>, vector<1x16xf32>,
        %mul3A_1802 = arith.constant 8 : i32
        %mul3A_1803 = arith.muli %mul3A_1802, %scan3A_1696 : i32
        %add3A_1804 = arith.constant 7 : i32
        %add3A_1805 = arith.addi %mul3A_1803, %add3A_1804 : i32
        %get3A_1806 = arith.constant 2 : i32
        %get3A_1807 = arith.index_cast %get3A_1806 : i32 to index
        %get3A_1808 = arith.index_cast %add3A_1805 : i32 to index
        %get3A_1809 = arith.constant 0 : index
        %get3A_1810 = tpu.vector_load %arg6[%get3A_1807, %get3A_1808, %get3A_1809] {strides = array<i32>} : memref<8x128x16xf32, #tpu.memory_space<vmem>>, vector<1x1x16xf32>,
        %get3A_1811 = vector.shape_cast %get3A_1810 : vector<1x1x16xf32> to vector<16xf32>
        %swap3A_1812 = arith.index_cast %add3A_1805 : i32 to index
        %swap3A_1813 = arith.constant 0 : index
        %swap3A_1814 = tpu.vector_load %arg7[%swap3A_1812, %swap3A_1813] {strides = array<i32>} : memref<128x16xf32, #tpu.memory_space<vmem>>, vector<1x16xf32>,
        %swap3A_1815 = vector.shape_cast %swap3A_1814 : vector<1x16xf32> to vector<16xf32>
        %swap3A_1816 = vector.shape_cast %get3A_1811 : vector<16xf32> to vector<1x16xf32>
        tpu.vector_store %arg7[%swap3A_1812, %swap3A_1813], %swap3A_1816 {add = true, strides = array<i32>} : memref<128x16xf32, #tpu.memory_space<vmem>>, vector<1x16xf32>,
      }
      %scan3A_1535 = arith.constant 16 : i32
      %mul3A_1536 = arith.constant 8 : i32
      %mul3A_1537 = arith.muli %mul3A_1536, %scan3A_1443 : i32
      %add3A_1538 = arith.constant 3 : i32
      %add3A_1539 = arith.addi %mul3A_1537, %add3A_1538 : i32
      %dma_wait3A_1540 = arith.constant 0 : i32
      %dma_wait3A_1541 = arith.constant 3 : i32
      %dma_wait3A_1542 = arith.constant 3 : i32
      %dma_wait3A_1543 = arith.constant 0 : i32
      %dma_wait3A_1544 = arith.constant 0 : i32
      %dma_wait3A_1545 = tpu.memref_slice %arg6[%dma_wait3A_1541, %dma_wait3A_1543, %dma_wait3A_1544] : memref<8x128x16xf32, #tpu.memory_space<vmem>> -> memref<1x128x16xf32, #tpu.memory_space<vmem>>
      %dma_wait3A_1546 = tpu.memref_squeeze %dma_wait3A_1545 : memref<1x128x16xf32, #tpu.memory_space<vmem>> -> memref<128x16xf32, #tpu.memory_space<vmem>>
      %dma_wait3A_1547 = arith.constant 0 : i32
      %dma_wait3A_1548 = tpu.memref_slice %arg5[%dma_wait3A_1540, %dma_wait3A_1547] : memref<200x128xi32, #tpu.memory_space<vmem>> -> memref<1x128xi32, #tpu.memory_space<vmem>>
      %dma_wait3A_1549 = tpu.memref_squeeze %dma_wait3A_1548 : memref<1x128xi32, #tpu.memory_space<vmem>> -> memref<128xi32, #tpu.memory_space<vmem>>
      %dma_wait3A_1550 = arith.constant 0 : i32
      %dma_wait3A_1551 = arith.constant 0 : i32
      %dma_wait3A_1552 = tpu.memref_slice %arg3[%dma_wait3A_1550, %dma_wait3A_1551] : memref<1015808x16xf32, #tpu.memory_space<hbm>> -> memref<1015808x16xf32, #tpu.memory_space<hbm>>
      %dma_wait3A_1553 = tpu.memref_slice %arg8[%dma_wait3A_1542] : memref<8x!tpu.dma_semaphore, #tpu.memory_space<semaphore_mem>> -> memref<1x!tpu.dma_semaphore, #tpu.memory_space<semaphore_mem>>
      %dma_wait3A_1554 = tpu.memref_squeeze %dma_wait3A_1553 : memref<1x!tpu.dma_semaphore, #tpu.memory_space<semaphore_mem>> -> memref<!tpu.dma_semaphore, #tpu.memory_space<semaphore_mem>>
      tpu.wait_indirect_dma semaphore(%dma_wait3A_1554 : memref<!tpu.dma_semaphore, #tpu.memory_space<semaphore_mem>>) src(%dma_wait3A_1552 : memref<1015808x16xf32, #tpu.memory_space<hbm>>) dst(%dma_wait3A_1546 : memref<128x16xf32, #tpu.memory_space<vmem>>)
      %add3A_1555 = arith.constant 6 : i32
      %add3A_1556 = arith.addi %add3A_1539, %add3A_1555 : i32
      %lt3A_1557 = arith.constant 200 : i32
      %lt3A_1558 = arith.cmpi slt, %add3A_1556, %lt3A_1557 : i32
      %convert_element_type3A_1559 = arith.extui %lt3A_1558 : i1 to i32
      %cond3A_1560 = arith.constant 0 : i32
      %cond3A_1561 = arith.cmpi ne, %convert_element_type3A_1559, %cond3A_1560 : i32
      scf.if %cond3A_1561 {
        %add3A_1696 = arith.constant 6 : i32
        %add3A_1697 = arith.addi %add3A_1539, %add3A_1696 : i32
        %get3A_1698 = arith.index_cast %add3A_1697 : i32 to index
        %get3A_1699 = arith.constant 0 : index
        %get3A_1700 = tpu.vector_load %arg5[%get3A_1698, %get3A_1699] {strides = array<i32>} : memref<200x128xi32, #tpu.memory_space<vmem>>, vector<1x16xi32>,
        %get3A_1701 = vector.shape_cast %get3A_1700 : vector<1x16xi32> to vector<16xi32>
        %and3A_1702 = arith.constant -32768 : i32
        %and3A_1703 = vector.broadcast %and3A_1702 : i32 to vector<16xi32>
        %and3A_1704 = arith.andi %get3A_1701, %and3A_1703 : vector<16xi32>
        %and3A_1705 = arith.constant 4095 : i32
        %and3A_1706 = vector.broadcast %and3A_1705 : i32 to vector<16xi32>
        %and3A_1707 = arith.andi %get3A_1701, %and3A_1706 : vector<16xi32>
        %shift_left3A_1708 = arith.constant 3 : i32
        %shift_left3A_1709 = vector.broadcast %shift_left3A_1708 : i32 to vector<16xi32>
        %shift_left3A_1710 = arith.shli %and3A_1707, %shift_left3A_1709 : vector<16xi32>
        %add3A_1711 = arith.addi %and3A_1704, %shift_left3A_1710 : vector<16xi32>
        %shift_right_arithmetic3A_1712 = arith.constant 12 : i32
        %shift_right_arithmetic3A_1713 = vector.broadcast %shift_right_arithmetic3A_1712 : i32 to vector<16xi32>
        %shift_right_arithmetic3A_1714 = arith.shrsi %get3A_1701, %shift_right_arithmetic3A_1713 : vector<16xi32>
        %and3A_1715 = arith.constant 7 : i32
        %and3A_1716 = vector.broadcast %and3A_1715 : i32 to vector<16xi32>
        %and3A_1717 = arith.andi %shift_right_arithmetic3A_1714, %and3A_1716 : vector<16xi32>
        %add3A_1718 = arith.addi %add3A_1711, %and3A_1717 : vector<16xi32>
        %swap3A_1719 = arith.index_cast %add3A_1697 : i32 to index
        %swap3A_1720 = arith.constant 0 : index
        %swap3A_1721 = tpu.vector_load %arg5[%swap3A_1719, %swap3A_1720] {strides = array<i32>} : memref<200x128xi32, #tpu.memory_space<vmem>>, vector<1x16xi32>,
        %swap3A_1722 = vector.shape_cast %swap3A_1721 : vector<1x16xi32> to vector<16xi32>
        %swap3A_1723 = vector.shape_cast %add3A_1718 : vector<16xi32> to vector<1x16xi32>
        tpu.vector_store %arg5[%swap3A_1719, %swap3A_1720], %swap3A_1723 {strides = array<i32>} : memref<200x128xi32, #tpu.memory_space<vmem>>, vector<1x16xi32>,
        %get3A_1724 = arith.index_cast %add3A_1697 : i32 to index
        %get3A_1725 = arith.constant 16 : index
        %get3A_1726 = tpu.vector_load %arg5[%get3A_1724, %get3A_1725] {strides = array<i32>} : memref<200x128xi32, #tpu.memory_space<vmem>>, vector<1x16xi32>,
        %get3A_1727 = vector.shape_cast %get3A_1726 : vector<1x16xi32> to vector<16xi32>
        %and3A_1728 = arith.constant -32768 : i32
        %and3A_1729 = vector.broadcast %and3A_1728 : i32 to vector<16xi32>
        %and3A_1730 = arith.andi %get3A_1727, %and3A_1729 : vector<16xi32>
        %and3A_1731 = arith.constant 4095 : i32
        %and3A_1732 = vector.broadcast %and3A_1731 : i32 to vector<16xi32>
        %and3A_1733 = arith.andi %get3A_1727, %and3A_1732 : vector<16xi32>
        %shift_left3A_1734 = arith.constant 3 : i32
        %shift_left3A_1735 = vector.broadcast %shift_left3A_1734 : i32 to vector<16xi32>
        %shift_left3A_1736 = arith.shli %and3A_1733, %shift_left3A_1735 : vector<16xi32>
        %add3A_1737 = arith.addi %and3A_1730, %shift_left3A_1736 : vector<16xi32>
        %shift_right_arithmetic3A_1738 = arith.constant 12 : i32
        %shift_right_arithmetic3A_1739 = vector.broadcast %shift_right_arithmetic3A_1738 : i32 to vector<16xi32>
        %shift_right_arithmetic3A_1740 = arith.shrsi %get3A_1727, %shift_right_arithmetic3A_1739 : vector<16xi32>
        %and3A_1741 = arith.constant 7 : i32
        %and3A_1742 = vector.broadcast %and3A_1741 : i32 to vector<16xi32>
        %and3A_1743 = arith.andi %shift_right_arithmetic3A_1740, %and3A_1742 : vector<16xi32>
        %add3A_1744 = arith.addi %add3A_1737, %and3A_1743 : vector<16xi32>
        %swap3A_1745 = arith.index_cast %add3A_1697 : i32 to index
        %swap3A_1746 = arith.constant 16 : index
        %swap3A_1747 = tpu.vector_load %arg5[%swap3A_1745, %swap3A_1746] {strides = array<i32>} : memref<200x128xi32, #tpu.memory_space<vmem>>, vector<1x16xi32>,
        %swap3A_1748 = vector.shape_cast %swap3A_1747 : vector<1x16xi32> to vector<16xi32>
        %swap3A_1749 = vector.shape_cast %add3A_1744 : vector<16xi32> to vector<1x16xi32>
        tpu.vector_store %arg5[%swap3A_1745, %swap3A_1746], %swap3A_1749 {strides = array<i32>} : memref<200x128xi32, #tpu.memory_space<vmem>>, vector<1x16xi32>,
        %get3A_1750 = arith.index_cast %add3A_1697 : i32 to index
        %get3A_1751 = arith.constant 32 : index
        %get3A_1752 = tpu.vector_load %arg5[%get3A_1750, %get3A_1751] {strides = array<i32>} : memref<200x128xi32, #tpu.memory_space<vmem>>, vector<1x16xi32>,
        %get3A_1753 = vector.shape_cast %get3A_1752 : vector<1x16xi32> to vector<16xi32>
        %and3A_1754 = arith.constant -32768 : i32
        %and3A_1755 = vector.broadcast %and3A_1754 : i32 to vector<16xi32>
        %and3A_1756 = arith.andi %get3A_1753, %and3A_1755 : vector<16xi32>
        %and3A_1757 = arith.constant 4095 : i32
        %and3A_1758 = vector.broadcast %and3A_1757 : i32 to vector<16xi32>
        %and3A_1759 = arith.andi %get3A_1753, %and3A_1758 : vector<16xi32>
        %shift_left3A_1760 = arith.constant 3 : i32
        %shift_left3A_1761 = vector.broadcast %shift_left3A_1760 : i32 to vector<16xi32>
        %shift_left3A_1762 = arith.shli %and3A_1759, %shift_left3A_1761 : vector<16xi32>
        %add3A_1763 = arith.addi %and3A_1756, %shift_left3A_1762 : vector<16xi32>
        %shift_right_arithmetic3A_1764 = arith.constant 12 : i32
        %shift_right_arithmetic3A_1765 = vector.broadcast %shift_right_arithmetic3A_1764 : i32 to vector<16xi32>
        %shift_right_arithmetic3A_1766 = arith.shrsi %get3A_1753, %shift_right_arithmetic3A_1765 : vector<16xi32>
        %and3A_1767 = arith.constant 7 : i32
        %and3A_1768 = vector.broadcast %and3A_1767 : i32 to vector<16xi32>
        %and3A_1769 = arith.andi %shift_right_arithmetic3A_1766, %and3A_1768 : vector<16xi32>
        %add3A_1770 = arith.addi %add3A_1763, %and3A_1769 : vector<16xi32>
        %swap3A_1771 = arith.index_cast %add3A_1697 : i32 to index
        %swap3A_1772 = arith.constant 32 : index
        %swap3A_1773 = tpu.vector_load %arg5[%swap3A_1771, %swap3A_1772] {strides = array<i32>} : memref<200x128xi32, #tpu.memory_space<vmem>>, vector<1x16xi32>,
        %swap3A_1774 = vector.shape_cast %swap3A_1773 : vector<1x16xi32> to vector<16xi32>
        %swap3A_1775 = vector.shape_cast %add3A_1770 : vector<16xi32> to vector<1x16xi32>
        tpu.vector_store %arg5[%swap3A_1771, %swap3A_1772], %swap3A_1775 {strides = array<i32>} : memref<200x128xi32, #tpu.memory_space<vmem>>, vector<1x16xi32>,
        %get3A_1776 = arith.index_cast %add3A_1697 : i32 to index
        %get3A_1777 = arith.constant 48 : index
        %get3A_1778 = tpu.vector_load %arg5[%get3A_1776, %get3A_1777] {strides = array<i32>} : memref<200x128xi32, #tpu.memory_space<vmem>>, vector<1x16xi32>,
        %get3A_1779 = vector.shape_cast %get3A_1778 : vector<1x16xi32> to vector<16xi32>
        %and3A_1780 = arith.constant -32768 : i32
        %and3A_1781 = vector.broadcast %and3A_1780 : i32 to vector<16xi32>
        %and3A_1782 = arith.andi %get3A_1779, %and3A_1781 : vector<16xi32>
        %and3A_1783 = arith.constant 4095 : i32
        %and3A_1784 = vector.broadcast %and3A_1783 : i32 to vector<16xi32>
        %and3A_1785 = arith.andi %get3A_1779, %and3A_1784 : vector<16xi32>
        %shift_left3A_1786 = arith.constant 3 : i32
        %shift_left3A_1787 = vector.broadcast %shift_left3A_1786 : i32 to vector<16xi32>
        %shift_left3A_1788 = arith.shli %and3A_1785, %shift_left3A_1787 : vector<16xi32>
        %add3A_1789 = arith.addi %and3A_1782, %shift_left3A_1788 : vector<16xi32>
        %shift_right_arithmetic3A_1790 = arith.constant 12 : i32
        %shift_right_arithmetic3A_1791 = vector.broadcast %shift_right_arithmetic3A_1790 : i32 to vector<16xi32>
        %shift_right_arithmetic3A_1792 = arith.shrsi %get3A_1779, %shift_right_arithmetic3A_1791 : vector<16xi32>
        %and3A_1793 = arith.constant 7 : i32
        %and3A_1794 = vector.broadcast %and3A_1793 : i32 to vector<16xi32>
        %and3A_1795 = arith.andi %shift_right_arithmetic3A_1792, %and3A_1794 : vector<16xi32>
        %add3A_1796 = arith.addi %add3A_1789, %and3A_1795 : vector<16xi32>
        %swap3A_1797 = arith.index_cast %add3A_1697 : i32 to index
        %swap3A_1798 = arith.constant 48 : index
        %swap3A_1799 = tpu.vector_load %arg5[%swap3A_1797, %swap3A_1798] {strides = array<i32>} : memref<200x128xi32, #tpu.memory_space<vmem>>, vector<1x16xi32>,
        %swap3A_1800 = vector.shape_cast %swap3A_1799 : vector<1x16xi32> to vector<16xi32>
        %swap3A_1801 = vector.shape_cast %add3A_1796 : vector<16xi32> to vector<1x16xi32>
        tpu.vector_store %arg5[%swap3A_1797, %swap3A_1798], %swap3A_1801 {strides = array<i32>} : memref<200x128xi32, #tpu.memory_space<vmem>>, vector<1x16xi32>,
        %get3A_1802 = arith.index_cast %add3A_1697 : i32 to index
        %get3A_1803 = arith.constant 64 : index
        %get3A_1804 = tpu.vector_load %arg5[%get3A_1802, %get3A_1803] {strides = array<i32>} : memref<200x128xi32, #tpu.memory_space<vmem>>, vector<1x16xi32>,
        %get3A_1805 = vector.shape_cast %get3A_1804 : vector<1x16xi32> to vector<16xi32>
        %and3A_1806 = arith.constant -32768 : i32
        %and3A_1807 = vector.broadcast %and3A_1806 : i32 to vector<16xi32>
        %and3A_1808 = arith.andi %get3A_1805, %and3A_1807 : vector<16xi32>
        %and3A_1809 = arith.constant 4095 : i32
        %and3A_1810 = vector.broadcast %and3A_1809 : i32 to vector<16xi32>
        %and3A_1811 = arith.andi %get3A_1805, %and3A_1810 : vector<16xi32>
        %shift_left3A_1812 = arith.constant 3 : i32
        %shift_left3A_1813 = vector.broadcast %shift_left3A_1812 : i32 to vector<16xi32>
        %shift_left3A_1814 = arith.shli %and3A_1811, %shift_left3A_1813 : vector<16xi32>
        %add3A_1815 = arith.addi %and3A_1808, %shift_left3A_1814 : vector<16xi32>
        %shift_right_arithmetic3A_1816 = arith.constant 12 : i32
        %shift_right_arithmetic3A_1817 = vector.broadcast %shift_right_arithmetic3A_1816 : i32 to vector<16xi32>
        %shift_right_arithmetic3A_1818 = arith.shrsi %get3A_1805, %shift_right_arithmetic3A_1817 : vector<16xi32>
        %and3A_1819 = arith.constant 7 : i32
        %and3A_1820 = vector.broadcast %and3A_1819 : i32 to vector<16xi32>
        %and3A_1821 = arith.andi %shift_right_arithmetic3A_1818, %and3A_1820 : vector<16xi32>
        %add3A_1822 = arith.addi %add3A_1815, %and3A_1821 : vector<16xi32>
        %swap3A_1823 = arith.index_cast %add3A_1697 : i32 to index
        %swap3A_1824 = arith.constant 64 : index
        %swap3A_1825 = tpu.vector_load %arg5[%swap3A_1823, %swap3A_1824] {strides = array<i32>} : memref<200x128xi32, #tpu.memory_space<vmem>>, vector<1x16xi32>,
        %swap3A_1826 = vector.shape_cast %swap3A_1825 : vector<1x16xi32> to vector<16xi32>
        %swap3A_1827 = vector.shape_cast %add3A_1822 : vector<16xi32> to vector<1x16xi32>
        tpu.vector_store %arg5[%swap3A_1823, %swap3A_1824], %swap3A_1827 {strides = array<i32>} : memref<200x128xi32, #tpu.memory_space<vmem>>, vector<1x16xi32>,
        %get3A_1828 = arith.index_cast %add3A_1697 : i32 to index
        %get3A_1829 = arith.constant 80 : index
        %get3A_1830 = tpu.vector_load %arg5[%get3A_1828, %get3A_1829] {strides = array<i32>} : memref<200x128xi32, #tpu.memory_space<vmem>>, vector<1x16xi32>,
        %get3A_1831 = vector.shape_cast %get3A_1830 : vector<1x16xi32> to vector<16xi32>
        %and3A_1832 = arith.constant -32768 : i32
        %and3A_1833 = vector.broadcast %and3A_1832 : i32 to vector<16xi32>
        %and3A_1834 = arith.andi %get3A_1831, %and3A_1833 : vector<16xi32>
        %and3A_1835 = arith.constant 4095 : i32
        %and3A_1836 = vector.broadcast %and3A_1835 : i32 to vector<16xi32>
        %and3A_1837 = arith.andi %get3A_1831, %and3A_1836 : vector<16xi32>
        %shift_left3A_1838 = arith.constant 3 : i32
        %shift_left3A_1839 = vector.broadcast %shift_left3A_1838 : i32 to vector<16xi32>
        %shift_left3A_1840 = arith.shli %and3A_1837, %shift_left3A_1839 : vector<16xi32>
        %add3A_1841 = arith.addi %and3A_1834, %shift_left3A_1840 : vector<16xi32>
        %shift_right_arithmetic3A_1842 = arith.constant 12 : i32
        %shift_right_arithmetic3A_1843 = vector.broadcast %shift_right_arithmetic3A_1842 : i32 to vector<16xi32>
        %shift_right_arithmetic3A_1844 = arith.shrsi %get3A_1831, %shift_right_arithmetic3A_1843 : vector<16xi32>
        %and3A_1845 = arith.constant 7 : i32
        %and3A_1846 = vector.broadcast %and3A_1845 : i32 to vector<16xi32>
        %and3A_1847 = arith.andi %shift_right_arithmetic3A_1844, %and3A_1846 : vector<16xi32>
        %add3A_1848 = arith.addi %add3A_1841, %and3A_1847 : vector<16xi32>
        %swap3A_1849 = arith.index_cast %add3A_1697 : i32 to index
        %swap3A_1850 = arith.constant 80 : index
        %swap3A_1851 = tpu.vector_load %arg5[%swap3A_1849, %swap3A_1850] {strides = array<i32>} : memref<200x128xi32, #tpu.memory_space<vmem>>, vector<1x16xi32>,
        %swap3A_1852 = vector.shape_cast %swap3A_1851 : vector<1x16xi32> to vector<16xi32>
        %swap3A_1853 = vector.shape_cast %add3A_1848 : vector<16xi32> to vector<1x16xi32>
        tpu.vector_store %arg5[%swap3A_1849, %swap3A_1850], %swap3A_1853 {strides = array<i32>} : memref<200x128xi32, #tpu.memory_space<vmem>>, vector<1x16xi32>,
        %get3A_1854 = arith.index_cast %add3A_1697 : i32 to index
        %get3A_1855 = arith.constant 96 : index
        %get3A_1856 = tpu.vector_load %arg5[%get3A_1854, %get3A_1855] {strides = array<i32>} : memref<200x128xi32, #tpu.memory_space<vmem>>, vector<1x16xi32>,
        %get3A_1857 = vector.shape_cast %get3A_1856 : vector<1x16xi32> to vector<16xi32>
        %and3A_1858 = arith.constant -32768 : i32
        %and3A_1859 = vector.broadcast %and3A_1858 : i32 to vector<16xi32>
        %and3A_1860 = arith.andi %get3A_1857, %and3A_1859 : vector<16xi32>
        %and3A_1861 = arith.constant 4095 : i32
        %and3A_1862 = vector.broadcast %and3A_1861 : i32 to vector<16xi32>
        %and3A_1863 = arith.andi %get3A_1857, %and3A_1862 : vector<16xi32>
        %shift_left3A_1864 = arith.constant 3 : i32
        %shift_left3A_1865 = vector.broadcast %shift_left3A_1864 : i32 to vector<16xi32>
        %shift_left3A_1866 = arith.shli %and3A_1863, %shift_left3A_1865 : vector<16xi32>
        %add3A_1867 = arith.addi %and3A_1860, %shift_left3A_1866 : vector<16xi32>
        %shift_right_arithmetic3A_1868 = arith.constant 12 : i32
        %shift_right_arithmetic3A_1869 = vector.broadcast %shift_right_arithmetic3A_1868 : i32 to vector<16xi32>
        %shift_right_arithmetic3A_1870 = arith.shrsi %get3A_1857, %shift_right_arithmetic3A_1869 : vector<16xi32>
        %and3A_1871 = arith.constant 7 : i32
        %and3A_1872 = vector.broadcast %and3A_1871 : i32 to vector<16xi32>
        %and3A_1873 = arith.andi %shift_right_arithmetic3A_1870, %and3A_1872 : vector<16xi32>
        %add3A_1874 = arith.addi %add3A_1867, %and3A_1873 : vector<16xi32>
        %swap3A_1875 = arith.index_cast %add3A_1697 : i32 to index
        %swap3A_1876 = arith.constant 96 : index
        %swap3A_1877 = tpu.vector_load %arg5[%swap3A_1875, %swap3A_1876] {strides = array<i32>} : memref<200x128xi32, #tpu.memory_space<vmem>>, vector<1x16xi32>,
        %swap3A_1878 = vector.shape_cast %swap3A_1877 : vector<1x16xi32> to vector<16xi32>
        %swap3A_1879 = vector.shape_cast %add3A_1874 : vector<16xi32> to vector<1x16xi32>
        tpu.vector_store %arg5[%swap3A_1875, %swap3A_1876], %swap3A_1879 {strides = array<i32>} : memref<200x128xi32, #tpu.memory_space<vmem>>, vector<1x16xi32>,
        %get3A_1880 = arith.index_cast %add3A_1697 : i32 to index
        %get3A_1881 = arith.constant 112 : index
        %get3A_1882 = tpu.vector_load %arg5[%get3A_1880, %get3A_1881] {strides = array<i32>} : memref<200x128xi32, #tpu.memory_space<vmem>>, vector<1x16xi32>,
        %get3A_1883 = vector.shape_cast %get3A_1882 : vector<1x16xi32> to vector<16xi32>
        %and3A_1884 = arith.constant -32768 : i32
        %and3A_1885 = vector.broadcast %and3A_1884 : i32 to vector<16xi32>
        %and3A_1886 = arith.andi %get3A_1883, %and3A_1885 : vector<16xi32>
        %and3A_1887 = arith.constant 4095 : i32
        %and3A_1888 = vector.broadcast %and3A_1887 : i32 to vector<16xi32>
        %and3A_1889 = arith.andi %get3A_1883, %and3A_1888 : vector<16xi32>
        %shift_left3A_1890 = arith.constant 3 : i32
        %shift_left3A_1891 = vector.broadcast %shift_left3A_1890 : i32 to vector<16xi32>
        %shift_left3A_1892 = arith.shli %and3A_1889, %shift_left3A_1891 : vector<16xi32>
        %add3A_1893 = arith.addi %and3A_1886, %shift_left3A_1892 : vector<16xi32>
        %shift_right_arithmetic3A_1894 = arith.constant 12 : i32
        %shift_right_arithmetic3A_1895 = vector.broadcast %shift_right_arithmetic3A_1894 : i32 to vector<16xi32>
        %shift_right_arithmetic3A_1896 = arith.shrsi %get3A_1883, %shift_right_arithmetic3A_1895 : vector<16xi32>
        %and3A_1897 = arith.constant 7 : i32
        %and3A_1898 = vector.broadcast %and3A_1897 : i32 to vector<16xi32>
        %and3A_1899 = arith.andi %shift_right_arithmetic3A_1896, %and3A_1898 : vector<16xi32>
        %add3A_1900 = arith.addi %add3A_1893, %and3A_1899 : vector<16xi32>
        %swap3A_1901 = arith.index_cast %add3A_1697 : i32 to index
        %swap3A_1902 = arith.constant 112 : index
        %swap3A_1903 = tpu.vector_load %arg5[%swap3A_1901, %swap3A_1902] {strides = array<i32>} : memref<200x128xi32, #tpu.memory_space<vmem>>, vector<1x16xi32>,
        %swap3A_1904 = vector.shape_cast %swap3A_1903 : vector<1x16xi32> to vector<16xi32>
        %swap3A_1905 = vector.shape_cast %add3A_1900 : vector<16xi32> to vector<1x16xi32>
        tpu.vector_store %arg5[%swap3A_1901, %swap3A_1902], %swap3A_1905 {strides = array<i32>} : memref<200x128xi32, #tpu.memory_space<vmem>>, vector<1x16xi32>,
        %add3A_1906 = arith.constant 6 : i32
        %add3A_1907 = arith.addi %add3A_1539, %add3A_1906 : i32
        %dma_start3A_1908 = arith.constant 1 : i32
        %dma_start3A_1909 = arith.constant 1 : i32
        %dma_start3A_1910 = arith.constant 0 : i32
        %dma_start3A_1911 = arith.constant 0 : i32
        %dma_start3A_1912 = tpu.memref_slice %arg6[%dma_start3A_1908, %dma_start3A_1910, %dma_start3A_1911] : memref<8x128x16xf32, #tpu.memory_space<vmem>> -> memref<1x128x16xf32, #tpu.memory_space<vmem>>
        %dma_start3A_1913 = tpu.memref_squeeze %dma_start3A_1912 : memref<1x128x16xf32, #tpu.memory_space<vmem>> -> memref<128x16xf32, #tpu.memory_space<vmem>>
        %dma_start3A_1914 = arith.constant 0 : i32
        %dma_start3A_1915 = tpu.memref_slice %arg5[%add3A_1907, %dma_start3A_1914] : memref<200x128xi32, #tpu.memory_space<vmem>> -> memref<1x128xi32, #tpu.memory_space<vmem>>
        %dma_start3A_1916 = tpu.memref_squeeze %dma_start3A_1915 : memref<1x128xi32, #tpu.memory_space<vmem>> -> memref<128xi32, #tpu.memory_space<vmem>>
        %dma_start3A_1917 = arith.constant 0 : i32
        %dma_start3A_1918 = arith.constant 0 : i32
        %dma_start3A_1919 = tpu.memref_slice %arg3[%dma_start3A_1917, %dma_start3A_1918] : memref<1015808x16xf32, #tpu.memory_space<hbm>> -> memref<1015808x16xf32, #tpu.memory_space<hbm>>
        %dma_start3A_1920 = tpu.memref_slice %arg8[%dma_start3A_1909] : memref<8x!tpu.dma_semaphore, #tpu.memory_space<semaphore_mem>> -> memref<1x!tpu.dma_semaphore, #tpu.memory_space<semaphore_mem>>
        %dma_start3A_1921 = tpu.memref_squeeze %dma_start3A_1920 : memref<1x!tpu.dma_semaphore, #tpu.memory_space<semaphore_mem>> -> memref<!tpu.dma_semaphore, #tpu.memory_space<semaphore_mem>>
        tpu.enqueue_indirect_dma source(%dma_start3A_1919 : memref<1015808x16xf32, #tpu.memory_space<hbm>>) target(%dma_start3A_1913 : memref<128x16xf32, #tpu.memory_space<vmem>>) offsets(%dma_start3A_1916 : memref<128xi32, #tpu.memory_space<vmem>>) semaphore(%dma_start3A_1921 : memref<!tpu.dma_semaphore, #tpu.memory_space<semaphore_mem>>)
      } else {
      }
      %scan3A_1562 = arith.constant 0 : i32
      %scan3A_1563 = arith.constant 0 : i32
      %scan3A_1564 = arith.constant 16 : i32
      %scan3A_1565 = arith.addi %scan3A_1563, %scan3A_1564 : i32
      %scan3A_1566 = arith.constant 1 : i32
      scf.for %scan3A_1696 = %scan3A_1563 to %scan3A_1565 step %scan3A_1566  : i32 {
        %mul3A_1697 = arith.constant 8 : i32
        %mul3A_1698 = arith.muli %mul3A_1697, %scan3A_1696 : i32
        %add3A_1699 = arith.constant 0 : i32
        %add3A_1700 = arith.addi %mul3A_1698, %add3A_1699 : i32
        %get3A_1701 = arith.constant 3 : i32
        %get3A_1702 = arith.index_cast %get3A_1701 : i32 to index
        %get3A_1703 = arith.index_cast %add3A_1700 : i32 to index
        %get3A_1704 = arith.constant 0 : index
        %get3A_1705 = tpu.vector_load %arg6[%get3A_1702, %get3A_1703, %get3A_1704] {strides = array<i32>} : memref<8x128x16xf32, #tpu.memory_space<vmem>>, vector<1x1x16xf32>,
        %get3A_1706 = vector.shape_cast %get3A_1705 : vector<1x1x16xf32> to vector<16xf32>
        %swap3A_1707 = arith.index_cast %add3A_1700 : i32 to index
        %swap3A_1708 = arith.constant 0 : index
        %swap3A_1709 = tpu.vector_load %arg7[%swap3A_1707, %swap3A_1708] {strides = array<i32>} : memref<128x16xf32, #tpu.memory_space<vmem>>, vector<1x16xf32>,
        %swap3A_1710 = vector.shape_cast %swap3A_1709 : vector<1x16xf32> to vector<16xf32>
        %swap3A_1711 = vector.shape_cast %get3A_1706 : vector<16xf32> to vector<1x16xf32>
        tpu.vector_store %arg7[%swap3A_1707, %swap3A_1708], %swap3A_1711 {add = true, strides = array<i32>} : memref<128x16xf32, #tpu.memory_space<vmem>>, vector<1x16xf32>,
        %mul3A_1712 = arith.constant 8 : i32
        %mul3A_1713 = arith.muli %mul3A_1712, %scan3A_1696 : i32
        %add3A_1714 = arith.constant 1 : i32
        %add3A_1715 = arith.addi %mul3A_1713, %add3A_1714 : i32
        %get3A_1716 = arith.constant 3 : i32
        %get3A_1717 = arith.index_cast %get3A_1716 : i32 to index
        %get3A_1718 = arith.index_cast %add3A_1715 : i32 to index
        %get3A_1719 = arith.constant 0 : index
        %get3A_1720 = tpu.vector_load %arg6[%get3A_1717, %get3A_1718, %get3A_1719] {strides = array<i32>} : memref<8x128x16xf32, #tpu.memory_space<vmem>>, vector<1x1x16xf32>,
        %get3A_1721 = vector.shape_cast %get3A_1720 : vector<1x1x16xf32> to vector<16xf32>
        %swap3A_1722 = arith.index_cast %add3A_1715 : i32 to index
        %swap3A_1723 = arith.constant 0 : index
        %swap3A_1724 = tpu.vector_load %arg7[%swap3A_1722, %swap3A_1723] {strides = array<i32>} : memref<128x16xf32, #tpu.memory_space<vmem>>, vector<1x16xf32>,
        %swap3A_1725 = vector.shape_cast %swap3A_1724 : vector<1x16xf32> to vector<16xf32>
        %swap3A_1726 = vector.shape_cast %get3A_1721 : vector<16xf32> to vector<1x16xf32>
        tpu.vector_store %arg7[%swap3A_1722, %swap3A_1723], %swap3A_1726 {add = true, strides = array<i32>} : memref<128x16xf32, #tpu.memory_space<vmem>>, vector<1x16xf32>,
        %mul3A_1727 = arith.constant 8 : i32
        %mul3A_1728 = arith.muli %mul3A_1727, %scan3A_1696 : i32
        %add3A_1729 = arith.constant 2 : i32
        %add3A_1730 = arith.addi %mul3A_1728, %add3A_1729 : i32
        %get3A_1731 = arith.constant 3 : i32
        %get3A_1732 = arith.index_cast %get3A_1731 : i32 to index
        %get3A_1733 = arith.index_cast %add3A_1730 : i32 to index
        %get3A_1734 = arith.constant 0 : index
        %get3A_1735 = tpu.vector_load %arg6[%get3A_1732, %get3A_1733, %get3A_1734] {strides = array<i32>} : memref<8x128x16xf32, #tpu.memory_space<vmem>>, vector<1x1x16xf32>,
        %get3A_1736 = vector.shape_cast %get3A_1735 : vector<1x1x16xf32> to vector<16xf32>
        %swap3A_1737 = arith.index_cast %add3A_1730 : i32 to index
        %swap3A_1738 = arith.constant 0 : index
        %swap3A_1739 = tpu.vector_load %arg7[%swap3A_1737, %swap3A_1738] {strides = array<i32>} : memref<128x16xf32, #tpu.memory_space<vmem>>, vector<1x16xf32>,
        %swap3A_1740 = vector.shape_cast %swap3A_1739 : vector<1x16xf32> to vector<16xf32>
        %swap3A_1741 = vector.shape_cast %get3A_1736 : vector<16xf32> to vector<1x16xf32>
        tpu.vector_store %arg7[%swap3A_1737, %swap3A_1738], %swap3A_1741 {add = true, strides = array<i32>} : memref<128x16xf32, #tpu.memory_space<vmem>>, vector<1x16xf32>,
        %mul3A_1742 = arith.constant 8 : i32
        %mul3A_1743 = arith.muli %mul3A_1742, %scan3A_1696 : i32
        %add3A_1744 = arith.constant 3 : i32
        %add3A_1745 = arith.addi %mul3A_1743, %add3A_1744 : i32
        %get3A_1746 = arith.constant 3 : i32
        %get3A_1747 = arith.index_cast %get3A_1746 : i32 to index
        %get3A_1748 = arith.index_cast %add3A_1745 : i32 to index
        %get3A_1749 = arith.constant 0 : index
        %get3A_1750 = tpu.vector_load %arg6[%get3A_1747, %get3A_1748, %get3A_1749] {strides = array<i32>} : memref<8x128x16xf32, #tpu.memory_space<vmem>>, vector<1x1x16xf32>,
        %get3A_1751 = vector.shape_cast %get3A_1750 : vector<1x1x16xf32> to vector<16xf32>
        %swap3A_1752 = arith.index_cast %add3A_1745 : i32 to index
        %swap3A_1753 = arith.constant 0 : index
        %swap3A_1754 = tpu.vector_load %arg7[%swap3A_1752, %swap3A_1753] {strides = array<i32>} : memref<128x16xf32, #tpu.memory_space<vmem>>, vector<1x16xf32>,
        %swap3A_1755 = vector.shape_cast %swap3A_1754 : vector<1x16xf32> to vector<16xf32>
        %swap3A_1756 = vector.shape_cast %get3A_1751 : vector<16xf32> to vector<1x16xf32>
        tpu.vector_store %arg7[%swap3A_1752, %swap3A_1753], %swap3A_1756 {add = true, strides = array<i32>} : memref<128x16xf32, #tpu.memory_space<vmem>>, vector<1x16xf32>,
        %mul3A_1757 = arith.constant 8 : i32
        %mul3A_1758 = arith.muli %mul3A_1757, %scan3A_1696 : i32
        %add3A_1759 = arith.constant 4 : i32
        %add3A_1760 = arith.addi %mul3A_1758, %add3A_1759 : i32
        %get3A_1761 = arith.constant 3 : i32
        %get3A_1762 = arith.index_cast %get3A_1761 : i32 to index
        %get3A_1763 = arith.index_cast %add3A_1760 : i32 to index
        %get3A_1764 = arith.constant 0 : index
        %get3A_1765 = tpu.vector_load %arg6[%get3A_1762, %get3A_1763, %get3A_1764] {strides = array<i32>} : memref<8x128x16xf32, #tpu.memory_space<vmem>>, vector<1x1x16xf32>,
        %get3A_1766 = vector.shape_cast %get3A_1765 : vector<1x1x16xf32> to vector<16xf32>
        %swap3A_1767 = arith.index_cast %add3A_1760 : i32 to index
        %swap3A_1768 = arith.constant 0 : index
        %swap3A_1769 = tpu.vector_load %arg7[%swap3A_1767, %swap3A_1768] {strides = array<i32>} : memref<128x16xf32, #tpu.memory_space<vmem>>, vector<1x16xf32>,
        %swap3A_1770 = vector.shape_cast %swap3A_1769 : vector<1x16xf32> to vector<16xf32>
        %swap3A_1771 = vector.shape_cast %get3A_1766 : vector<16xf32> to vector<1x16xf32>
        tpu.vector_store %arg7[%swap3A_1767, %swap3A_1768], %swap3A_1771 {add = true, strides = array<i32>} : memref<128x16xf32, #tpu.memory_space<vmem>>, vector<1x16xf32>,
        %mul3A_1772 = arith.constant 8 : i32
        %mul3A_1773 = arith.muli %mul3A_1772, %scan3A_1696 : i32
        %add3A_1774 = arith.constant 5 : i32
        %add3A_1775 = arith.addi %mul3A_1773, %add3A_1774 : i32
        %get3A_1776 = arith.constant 3 : i32
        %get3A_1777 = arith.index_cast %get3A_1776 : i32 to index
        %get3A_1778 = arith.index_cast %add3A_1775 : i32 to index
        %get3A_1779 = arith.constant 0 : index
        %get3A_1780 = tpu.vector_load %arg6[%get3A_1777, %get3A_1778, %get3A_1779] {strides = array<i32>} : memref<8x128x16xf32, #tpu.memory_space<vmem>>, vector<1x1x16xf32>,
        %get3A_1781 = vector.shape_cast %get3A_1780 : vector<1x1x16xf32> to vector<16xf32>
        %swap3A_1782 = arith.index_cast %add3A_1775 : i32 to index
        %swap3A_1783 = arith.constant 0 : index
        %swap3A_1784 = tpu.vector_load %arg7[%swap3A_1782, %swap3A_1783] {strides = array<i32>} : memref<128x16xf32, #tpu.memory_space<vmem>>, vector<1x16xf32>,
        %swap3A_1785 = vector.shape_cast %swap3A_1784 : vector<1x16xf32> to vector<16xf32>
        %swap3A_1786 = vector.shape_cast %get3A_1781 : vector<16xf32> to vector<1x16xf32>
        tpu.vector_store %arg7[%swap3A_1782, %swap3A_1783], %swap3A_1786 {add = true, strides = array<i32>} : memref<128x16xf32, #tpu.memory_space<vmem>>, vector<1x16xf32>,
        %mul3A_1787 = arith.constant 8 : i32
        %mul3A_1788 = arith.muli %mul3A_1787, %scan3A_1696 : i32
        %add3A_1789 = arith.constant 6 : i32
        %add3A_1790 = arith.addi %mul3A_1788, %add3A_1789 : i32
        %get3A_1791 = arith.constant 3 : i32
        %get3A_1792 = arith.index_cast %get3A_1791 : i32 to index
        %get3A_1793 = arith.index_cast %add3A_1790 : i32 to index
        %get3A_1794 = arith.constant 0 : index
        %get3A_1795 = tpu.vector_load %arg6[%get3A_1792, %get3A_1793, %get3A_1794] {strides = array<i32>} : memref<8x128x16xf32, #tpu.memory_space<vmem>>, vector<1x1x16xf32>,
        %get3A_1796 = vector.shape_cast %get3A_1795 : vector<1x1x16xf32> to vector<16xf32>
        %swap3A_1797 = arith.index_cast %add3A_1790 : i32 to index
        %swap3A_1798 = arith.constant 0 : index
        %swap3A_1799 = tpu.vector_load %arg7[%swap3A_1797, %swap3A_1798] {strides = array<i32>} : memref<128x16xf32, #tpu.memory_space<vmem>>, vector<1x16xf32>,
        %swap3A_1800 = vector.shape_cast %swap3A_1799 : vector<1x16xf32> to vector<16xf32>
        %swap3A_1801 = vector.shape_cast %get3A_1796 : vector<16xf32> to vector<1x16xf32>
        tpu.vector_store %arg7[%swap3A_1797, %swap3A_1798], %swap3A_1801 {add = true, strides = array<i32>} : memref<128x16xf32, #tpu.memory_space<vmem>>, vector<1x16xf32>,
        %mul3A_1802 = arith.constant 8 : i32
        %mul3A_1803 = arith.muli %mul3A_1802, %scan3A_1696 : i32
        %add3A_1804 = arith.constant 7 : i32
        %add3A_1805 = arith.addi %mul3A_1803, %add3A_1804 : i32
        %get3A_1806 = arith.constant 3 : i32
        %get3A_1807 = arith.index_cast %get3A_1806 : i32 to index
        %get3A_1808 = arith.index_cast %add3A_1805 : i32 to index
        %get3A_1809 = arith.constant 0 : index
        %get3A_1810 = tpu.vector_load %arg6[%get3A_1807, %get3A_1808, %get3A_1809] {strides = array<i32>} : memref<8x128x16xf32, #tpu.memory_space<vmem>>, vector<1x1x16xf32>,
        %get3A_1811 = vector.shape_cast %get3A_1810 : vector<1x1x16xf32> to vector<16xf32>
        %swap3A_1812 = arith.index_cast %add3A_1805 : i32 to index
        %swap3A_1813 = arith.constant 0 : index
        %swap3A_1814 = tpu.vector_load %arg7[%swap3A_1812, %swap3A_1813] {strides = array<i32>} : memref<128x16xf32, #tpu.memory_space<vmem>>, vector<1x16xf32>,
        %swap3A_1815 = vector.shape_cast %swap3A_1814 : vector<1x16xf32> to vector<16xf32>
        %swap3A_1816 = vector.shape_cast %get3A_1811 : vector<16xf32> to vector<1x16xf32>
        tpu.vector_store %arg7[%swap3A_1812, %swap3A_1813], %swap3A_1816 {add = true, strides = array<i32>} : memref<128x16xf32, #tpu.memory_space<vmem>>, vector<1x16xf32>,
      }
      %scan3A_1567 = arith.constant 16 : i32
      %mul3A_1568 = arith.constant 8 : i32
      %mul3A_1569 = arith.muli %mul3A_1568, %scan3A_1443 : i32
      %add3A_1570 = arith.constant 4 : i32
      %add3A_1571 = arith.addi %mul3A_1569, %add3A_1570 : i32
      %dma_wait3A_1572 = arith.constant 0 : i32
      %dma_wait3A_1573 = arith.constant 4 : i32
      %dma_wait3A_1574 = arith.constant 4 : i32
      %dma_wait3A_1575 = arith.constant 0 : i32
      %dma_wait3A_1576 = arith.constant 0 : i32
      %dma_wait3A_1577 = tpu.memref_slice %arg6[%dma_wait3A_1573, %dma_wait3A_1575, %dma_wait3A_1576] : memref<8x128x16xf32, #tpu.memory_space<vmem>> -> memref<1x128x16xf32, #tpu.memory_space<vmem>>
      %dma_wait3A_1578 = tpu.memref_squeeze %dma_wait3A_1577 : memref<1x128x16xf32, #tpu.memory_space<vmem>> -> memref<128x16xf32, #tpu.memory_space<vmem>>
      %dma_wait3A_1579 = arith.constant 0 : i32
      %dma_wait3A_1580 = tpu.memref_slice %arg5[%dma_wait3A_1572, %dma_wait3A_1579] : memref<200x128xi32, #tpu.memory_space<vmem>> -> memref<1x128xi32, #tpu.memory_space<vmem>>
      %dma_wait3A_1581 = tpu.memref_squeeze %dma_wait3A_1580 : memref<1x128xi32, #tpu.memory_space<vmem>> -> memref<128xi32, #tpu.memory_space<vmem>>
      %dma_wait3A_1582 = arith.constant 0 : i32
      %dma_wait3A_1583 = arith.constant 0 : i32
      %dma_wait3A_1584 = tpu.memref_slice %arg3[%dma_wait3A_1582, %dma_wait3A_1583] : memref<1015808x16xf32, #tpu.memory_space<hbm>> -> memref<1015808x16xf32, #tpu.memory_space<hbm>>
      %dma_wait3A_1585 = tpu.memref_slice %arg8[%dma_wait3A_1574] : memref<8x!tpu.dma_semaphore, #tpu.memory_space<semaphore_mem>> -> memref<1x!tpu.dma_semaphore, #tpu.memory_space<semaphore_mem>>
      %dma_wait3A_1586 = tpu.memref_squeeze %dma_wait3A_1585 : memref<1x!tpu.dma_semaphore, #tpu.memory_space<semaphore_mem>> -> memref<!tpu.dma_semaphore, #tpu.memory_space<semaphore_mem>>
      tpu.wait_indirect_dma semaphore(%dma_wait3A_1586 : memref<!tpu.dma_semaphore, #tpu.memory_space<semaphore_mem>>) src(%dma_wait3A_1584 : memref<1015808x16xf32, #tpu.memory_space<hbm>>) dst(%dma_wait3A_1578 : memref<128x16xf32, #tpu.memory_space<vmem>>)
      %add3A_1587 = arith.constant 6 : i32
      %add3A_1588 = arith.addi %add3A_1571, %add3A_1587 : i32
      %lt3A_1589 = arith.constant 200 : i32
      %lt3A_1590 = arith.cmpi slt, %add3A_1588, %lt3A_1589 : i32
      %convert_element_type3A_1591 = arith.extui %lt3A_1590 : i1 to i32
      %cond3A_1592 = arith.constant 0 : i32
      %cond3A_1593 = arith.cmpi ne, %convert_element_type3A_1591, %cond3A_1592 : i32
      scf.if %cond3A_1593 {
        %add3A_1696 = arith.constant 6 : i32
        %add3A_1697 = arith.addi %add3A_1571, %add3A_1696 : i32
        %get3A_1698 = arith.index_cast %add3A_1697 : i32 to index
        %get3A_1699 = arith.constant 0 : index
        %get3A_1700 = tpu.vector_load %arg5[%get3A_1698, %get3A_1699] {strides = array<i32>} : memref<200x128xi32, #tpu.memory_space<vmem>>, vector<1x16xi32>,
        %get3A_1701 = vector.shape_cast %get3A_1700 : vector<1x16xi32> to vector<16xi32>
        %and3A_1702 = arith.constant -32768 : i32
        %and3A_1703 = vector.broadcast %and3A_1702 : i32 to vector<16xi32>
        %and3A_1704 = arith.andi %get3A_1701, %and3A_1703 : vector<16xi32>
        %and3A_1705 = arith.constant 4095 : i32
        %and3A_1706 = vector.broadcast %and3A_1705 : i32 to vector<16xi32>
        %and3A_1707 = arith.andi %get3A_1701, %and3A_1706 : vector<16xi32>
        %shift_left3A_1708 = arith.constant 3 : i32
        %shift_left3A_1709 = vector.broadcast %shift_left3A_1708 : i32 to vector<16xi32>
        %shift_left3A_1710 = arith.shli %and3A_1707, %shift_left3A_1709 : vector<16xi32>
        %add3A_1711 = arith.addi %and3A_1704, %shift_left3A_1710 : vector<16xi32>
        %shift_right_arithmetic3A_1712 = arith.constant 12 : i32
        %shift_right_arithmetic3A_1713 = vector.broadcast %shift_right_arithmetic3A_1712 : i32 to vector<16xi32>
        %shift_right_arithmetic3A_1714 = arith.shrsi %get3A_1701, %shift_right_arithmetic3A_1713 : vector<16xi32>
        %and3A_1715 = arith.constant 7 : i32
        %and3A_1716 = vector.broadcast %and3A_1715 : i32 to vector<16xi32>
        %and3A_1717 = arith.andi %shift_right_arithmetic3A_1714, %and3A_1716 : vector<16xi32>
        %add3A_1718 = arith.addi %add3A_1711, %and3A_1717 : vector<16xi32>
        %swap3A_1719 = arith.index_cast %add3A_1697 : i32 to index
        %swap3A_1720 = arith.constant 0 : index
        %swap3A_1721 = tpu.vector_load %arg5[%swap3A_1719, %swap3A_1720] {strides = array<i32>} : memref<200x128xi32, #tpu.memory_space<vmem>>, vector<1x16xi32>,
        %swap3A_1722 = vector.shape_cast %swap3A_1721 : vector<1x16xi32> to vector<16xi32>
        %swap3A_1723 = vector.shape_cast %add3A_1718 : vector<16xi32> to vector<1x16xi32>
        tpu.vector_store %arg5[%swap3A_1719, %swap3A_1720], %swap3A_1723 {strides = array<i32>} : memref<200x128xi32, #tpu.memory_space<vmem>>, vector<1x16xi32>,
        %get3A_1724 = arith.index_cast %add3A_1697 : i32 to index
        %get3A_1725 = arith.constant 16 : index
        %get3A_1726 = tpu.vector_load %arg5[%get3A_1724, %get3A_1725] {strides = array<i32>} : memref<200x128xi32, #tpu.memory_space<vmem>>, vector<1x16xi32>,
        %get3A_1727 = vector.shape_cast %get3A_1726 : vector<1x16xi32> to vector<16xi32>
        %and3A_1728 = arith.constant -32768 : i32
        %and3A_1729 = vector.broadcast %and3A_1728 : i32 to vector<16xi32>
        %and3A_1730 = arith.andi %get3A_1727, %and3A_1729 : vector<16xi32>
        %and3A_1731 = arith.constant 4095 : i32
        %and3A_1732 = vector.broadcast %and3A_1731 : i32 to vector<16xi32>
        %and3A_1733 = arith.andi %get3A_1727, %and3A_1732 : vector<16xi32>
        %shift_left3A_1734 = arith.constant 3 : i32
        %shift_left3A_1735 = vector.broadcast %shift_left3A_1734 : i32 to vector<16xi32>
        %shift_left3A_1736 = arith.shli %and3A_1733, %shift_left3A_1735 : vector<16xi32>
        %add3A_1737 = arith.addi %and3A_1730, %shift_left3A_1736 : vector<16xi32>
        %shift_right_arithmetic3A_1738 = arith.constant 12 : i32
        %shift_right_arithmetic3A_1739 = vector.broadcast %shift_right_arithmetic3A_1738 : i32 to vector<16xi32>
        %shift_right_arithmetic3A_1740 = arith.shrsi %get3A_1727, %shift_right_arithmetic3A_1739 : vector<16xi32>
        %and3A_1741 = arith.constant 7 : i32
        %and3A_1742 = vector.broadcast %and3A_1741 : i32 to vector<16xi32>
        %and3A_1743 = arith.andi %shift_right_arithmetic3A_1740, %and3A_1742 : vector<16xi32>
        %add3A_1744 = arith.addi %add3A_1737, %and3A_1743 : vector<16xi32>
        %swap3A_1745 = arith.index_cast %add3A_1697 : i32 to index
        %swap3A_1746 = arith.constant 16 : index
        %swap3A_1747 = tpu.vector_load %arg5[%swap3A_1745, %swap3A_1746] {strides = array<i32>} : memref<200x128xi32, #tpu.memory_space<vmem>>, vector<1x16xi32>,
        %swap3A_1748 = vector.shape_cast %swap3A_1747 : vector<1x16xi32> to vector<16xi32>
        %swap3A_1749 = vector.shape_cast %add3A_1744 : vector<16xi32> to vector<1x16xi32>
        tpu.vector_store %arg5[%swap3A_1745, %swap3A_1746], %swap3A_1749 {strides = array<i32>} : memref<200x128xi32, #tpu.memory_space<vmem>>, vector<1x16xi32>,
        %get3A_1750 = arith.index_cast %add3A_1697 : i32 to index
        %get3A_1751 = arith.constant 32 : index
        %get3A_1752 = tpu.vector_load %arg5[%get3A_1750, %get3A_1751] {strides = array<i32>} : memref<200x128xi32, #tpu.memory_space<vmem>>, vector<1x16xi32>,
        %get3A_1753 = vector.shape_cast %get3A_1752 : vector<1x16xi32> to vector<16xi32>
        %and3A_1754 = arith.constant -32768 : i32
        %and3A_1755 = vector.broadcast %and3A_1754 : i32 to vector<16xi32>
        %and3A_1756 = arith.andi %get3A_1753, %and3A_1755 : vector<16xi32>
        %and3A_1757 = arith.constant 4095 : i32
        %and3A_1758 = vector.broadcast %and3A_1757 : i32 to vector<16xi32>
        %and3A_1759 = arith.andi %get3A_1753, %and3A_1758 : vector<16xi32>
        %shift_left3A_1760 = arith.constant 3 : i32
        %shift_left3A_1761 = vector.broadcast %shift_left3A_1760 : i32 to vector<16xi32>
        %shift_left3A_1762 = arith.shli %and3A_1759, %shift_left3A_1761 : vector<16xi32>
        %add3A_1763 = arith.addi %and3A_1756, %shift_left3A_1762 : vector<16xi32>
        %shift_right_arithmetic3A_1764 = arith.constant 12 : i32
        %shift_right_arithmetic3A_1765 = vector.broadcast %shift_right_arithmetic3A_1764 : i32 to vector<16xi32>
        %shift_right_arithmetic3A_1766 = arith.shrsi %get3A_1753, %shift_right_arithmetic3A_1765 : vector<16xi32>
        %and3A_1767 = arith.constant 7 : i32
        %and3A_1768 = vector.broadcast %and3A_1767 : i32 to vector<16xi32>
        %and3A_1769 = arith.andi %shift_right_arithmetic3A_1766, %and3A_1768 : vector<16xi32>
        %add3A_1770 = arith.addi %add3A_1763, %and3A_1769 : vector<16xi32>
        %swap3A_1771 = arith.index_cast %add3A_1697 : i32 to index
        %swap3A_1772 = arith.constant 32 : index
        %swap3A_1773 = tpu.vector_load %arg5[%swap3A_1771, %swap3A_1772] {strides = array<i32>} : memref<200x128xi32, #tpu.memory_space<vmem>>, vector<1x16xi32>,
        %swap3A_1774 = vector.shape_cast %swap3A_1773 : vector<1x16xi32> to vector<16xi32>
        %swap3A_1775 = vector.shape_cast %add3A_1770 : vector<16xi32> to vector<1x16xi32>
        tpu.vector_store %arg5[%swap3A_1771, %swap3A_1772], %swap3A_1775 {strides = array<i32>} : memref<200x128xi32, #tpu.memory_space<vmem>>, vector<1x16xi32>,
        %get3A_1776 = arith.index_cast %add3A_1697 : i32 to index
        %get3A_1777 = arith.constant 48 : index
        %get3A_1778 = tpu.vector_load %arg5[%get3A_1776, %get3A_1777] {strides = array<i32>} : memref<200x128xi32, #tpu.memory_space<vmem>>, vector<1x16xi32>,
        %get3A_1779 = vector.shape_cast %get3A_1778 : vector<1x16xi32> to vector<16xi32>
        %and3A_1780 = arith.constant -32768 : i32
        %and3A_1781 = vector.broadcast %and3A_1780 : i32 to vector<16xi32>
        %and3A_1782 = arith.andi %get3A_1779, %and3A_1781 : vector<16xi32>
        %and3A_1783 = arith.constant 4095 : i32
        %and3A_1784 = vector.broadcast %and3A_1783 : i32 to vector<16xi32>
        %and3A_1785 = arith.andi %get3A_1779, %and3A_1784 : vector<16xi32>
        %shift_left3A_1786 = arith.constant 3 : i32
        %shift_left3A_1787 = vector.broadcast %shift_left3A_1786 : i32 to vector<16xi32>
        %shift_left3A_1788 = arith.shli %and3A_1785, %shift_left3A_1787 : vector<16xi32>
        %add3A_1789 = arith.addi %and3A_1782, %shift_left3A_1788 : vector<16xi32>
        %shift_right_arithmetic3A_1790 = arith.constant 12 : i32
        %shift_right_arithmetic3A_1791 = vector.broadcast %shift_right_arithmetic3A_1790 : i32 to vector<16xi32>
        %shift_right_arithmetic3A_1792 = arith.shrsi %get3A_1779, %shift_right_arithmetic3A_1791 : vector<16xi32>
        %and3A_1793 = arith.constant 7 : i32
        %and3A_1794 = vector.broadcast %and3A_1793 : i32 to vector<16xi32>
        %and3A_1795 = arith.andi %shift_right_arithmetic3A_1792, %and3A_1794 : vector<16xi32>
        %add3A_1796 = arith.addi %add3A_1789, %and3A_1795 : vector<16xi32>
        %swap3A_1797 = arith.index_cast %add3A_1697 : i32 to index
        %swap3A_1798 = arith.constant 48 : index
        %swap3A_1799 = tpu.vector_load %arg5[%swap3A_1797, %swap3A_1798] {strides = array<i32>} : memref<200x128xi32, #tpu.memory_space<vmem>>, vector<1x16xi32>,
        %swap3A_1800 = vector.shape_cast %swap3A_1799 : vector<1x16xi32> to vector<16xi32>
        %swap3A_1801 = vector.shape_cast %add3A_1796 : vector<16xi32> to vector<1x16xi32>
        tpu.vector_store %arg5[%swap3A_1797, %swap3A_1798], %swap3A_1801 {strides = array<i32>} : memref<200x128xi32, #tpu.memory_space<vmem>>, vector<1x16xi32>,
        %get3A_1802 = arith.index_cast %add3A_1697 : i32 to index
        %get3A_1803 = arith.constant 64 : index
        %get3A_1804 = tpu.vector_load %arg5[%get3A_1802, %get3A_1803] {strides = array<i32>} : memref<200x128xi32, #tpu.memory_space<vmem>>, vector<1x16xi32>,
        %get3A_1805 = vector.shape_cast %get3A_1804 : vector<1x16xi32> to vector<16xi32>
        %and3A_1806 = arith.constant -32768 : i32
        %and3A_1807 = vector.broadcast %and3A_1806 : i32 to vector<16xi32>
        %and3A_1808 = arith.andi %get3A_1805, %and3A_1807 : vector<16xi32>
        %and3A_1809 = arith.constant 4095 : i32
        %and3A_1810 = vector.broadcast %and3A_1809 : i32 to vector<16xi32>
        %and3A_1811 = arith.andi %get3A_1805, %and3A_1810 : vector<16xi32>
        %shift_left3A_1812 = arith.constant 3 : i32
        %shift_left3A_1813 = vector.broadcast %shift_left3A_1812 : i32 to vector<16xi32>
        %shift_left3A_1814 = arith.shli %and3A_1811, %shift_left3A_1813 : vector<16xi32>
        %add3A_1815 = arith.addi %and3A_1808, %shift_left3A_1814 : vector<16xi32>
        %shift_right_arithmetic3A_1816 = arith.constant 12 : i32
        %shift_right_arithmetic3A_1817 = vector.broadcast %shift_right_arithmetic3A_1816 : i32 to vector<16xi32>
        %shift_right_arithmetic3A_1818 = arith.shrsi %get3A_1805, %shift_right_arithmetic3A_1817 : vector<16xi32>
        %and3A_1819 = arith.constant 7 : i32
        %and3A_1820 = vector.broadcast %and3A_1819 : i32 to vector<16xi32>
        %and3A_1821 = arith.andi %shift_right_arithmetic3A_1818, %and3A_1820 : vector<16xi32>
        %add3A_1822 = arith.addi %add3A_1815, %and3A_1821 : vector<16xi32>
        %swap3A_1823 = arith.index_cast %add3A_1697 : i32 to index
        %swap3A_1824 = arith.constant 64 : index
        %swap3A_1825 = tpu.vector_load %arg5[%swap3A_1823, %swap3A_1824] {strides = array<i32>} : memref<200x128xi32, #tpu.memory_space<vmem>>, vector<1x16xi32>,
        %swap3A_1826 = vector.shape_cast %swap3A_1825 : vector<1x16xi32> to vector<16xi32>
        %swap3A_1827 = vector.shape_cast %add3A_1822 : vector<16xi32> to vector<1x16xi32>
        tpu.vector_store %arg5[%swap3A_1823, %swap3A_1824], %swap3A_1827 {strides = array<i32>} : memref<200x128xi32, #tpu.memory_space<vmem>>, vector<1x16xi32>,
        %get3A_1828 = arith.index_cast %add3A_1697 : i32 to index
        %get3A_1829 = arith.constant 80 : index
        %get3A_1830 = tpu.vector_load %arg5[%get3A_1828, %get3A_1829] {strides = array<i32>} : memref<200x128xi32, #tpu.memory_space<vmem>>, vector<1x16xi32>,
        %get3A_1831 = vector.shape_cast %get3A_1830 : vector<1x16xi32> to vector<16xi32>
        %and3A_1832 = arith.constant -32768 : i32
        %and3A_1833 = vector.broadcast %and3A_1832 : i32 to vector<16xi32>
        %and3A_1834 = arith.andi %get3A_1831, %and3A_1833 : vector<16xi32>
        %and3A_1835 = arith.constant 4095 : i32
        %and3A_1836 = vector.broadcast %and3A_1835 : i32 to vector<16xi32>
        %and3A_1837 = arith.andi %get3A_1831, %and3A_1836 : vector<16xi32>
        %shift_left3A_1838 = arith.constant 3 : i32
        %shift_left3A_1839 = vector.broadcast %shift_left3A_1838 : i32 to vector<16xi32>
        %shift_left3A_1840 = arith.shli %and3A_1837, %shift_left3A_1839 : vector<16xi32>
        %add3A_1841 = arith.addi %and3A_1834, %shift_left3A_1840 : vector<16xi32>
        %shift_right_arithmetic3A_1842 = arith.constant 12 : i32
        %shift_right_arithmetic3A_1843 = vector.broadcast %shift_right_arithmetic3A_1842 : i32 to vector<16xi32>
        %shift_right_arithmetic3A_1844 = arith.shrsi %get3A_1831, %shift_right_arithmetic3A_1843 : vector<16xi32>
        %and3A_1845 = arith.constant 7 : i32
        %and3A_1846 = vector.broadcast %and3A_1845 : i32 to vector<16xi32>
        %and3A_1847 = arith.andi %shift_right_arithmetic3A_1844, %and3A_1846 : vector<16xi32>
        %add3A_1848 = arith.addi %add3A_1841, %and3A_1847 : vector<16xi32>
        %swap3A_1849 = arith.index_cast %add3A_1697 : i32 to index
        %swap3A_1850 = arith.constant 80 : index
        %swap3A_1851 = tpu.vector_load %arg5[%swap3A_1849, %swap3A_1850] {strides = array<i32>} : memref<200x128xi32, #tpu.memory_space<vmem>>, vector<1x16xi32>,
        %swap3A_1852 = vector.shape_cast %swap3A_1851 : vector<1x16xi32> to vector<16xi32>
        %swap3A_1853 = vector.shape_cast %add3A_1848 : vector<16xi32> to vector<1x16xi32>
        tpu.vector_store %arg5[%swap3A_1849, %swap3A_1850], %swap3A_1853 {strides = array<i32>} : memref<200x128xi32, #tpu.memory_space<vmem>>, vector<1x16xi32>,
        %get3A_1854 = arith.index_cast %add3A_1697 : i32 to index
        %get3A_1855 = arith.constant 96 : index
        %get3A_1856 = tpu.vector_load %arg5[%get3A_1854, %get3A_1855] {strides = array<i32>} : memref<200x128xi32, #tpu.memory_space<vmem>>, vector<1x16xi32>,
        %get3A_1857 = vector.shape_cast %get3A_1856 : vector<1x16xi32> to vector<16xi32>
        %and3A_1858 = arith.constant -32768 : i32
        %and3A_1859 = vector.broadcast %and3A_1858 : i32 to vector<16xi32>
        %and3A_1860 = arith.andi %get3A_1857, %and3A_1859 : vector<16xi32>
        %and3A_1861 = arith.constant 4095 : i32
        %and3A_1862 = vector.broadcast %and3A_1861 : i32 to vector<16xi32>
        %and3A_1863 = arith.andi %get3A_1857, %and3A_1862 : vector<16xi32>
        %shift_left3A_1864 = arith.constant 3 : i32
        %shift_left3A_1865 = vector.broadcast %shift_left3A_1864 : i32 to vector<16xi32>
        %shift_left3A_1866 = arith.shli %and3A_1863, %shift_left3A_1865 : vector<16xi32>
        %add3A_1867 = arith.addi %and3A_1860, %shift_left3A_1866 : vector<16xi32>
        %shift_right_arithmetic3A_1868 = arith.constant 12 : i32
        %shift_right_arithmetic3A_1869 = vector.broadcast %shift_right_arithmetic3A_1868 : i32 to vector<16xi32>
        %shift_right_arithmetic3A_1870 = arith.shrsi %get3A_1857, %shift_right_arithmetic3A_1869 : vector<16xi32>
        %and3A_1871 = arith.constant 7 : i32
        %and3A_1872 = vector.broadcast %and3A_1871 : i32 to vector<16xi32>
        %and3A_1873 = arith.andi %shift_right_arithmetic3A_1870, %and3A_1872 : vector<16xi32>
        %add3A_1874 = arith.addi %add3A_1867, %and3A_1873 : vector<16xi32>
        %swap3A_1875 = arith.index_cast %add3A_1697 : i32 to index
        %swap3A_1876 = arith.constant 96 : index
        %swap3A_1877 = tpu.vector_load %arg5[%swap3A_1875, %swap3A_1876] {strides = array<i32>} : memref<200x128xi32, #tpu.memory_space<vmem>>, vector<1x16xi32>,
        %swap3A_1878 = vector.shape_cast %swap3A_1877 : vector<1x16xi32> to vector<16xi32>
        %swap3A_1879 = vector.shape_cast %add3A_1874 : vector<16xi32> to vector<1x16xi32>
        tpu.vector_store %arg5[%swap3A_1875, %swap3A_1876], %swap3A_1879 {strides = array<i32>} : memref<200x128xi32, #tpu.memory_space<vmem>>, vector<1x16xi32>,
        %get3A_1880 = arith.index_cast %add3A_1697 : i32 to index
        %get3A_1881 = arith.constant 112 : index
        %get3A_1882 = tpu.vector_load %arg5[%get3A_1880, %get3A_1881] {strides = array<i32>} : memref<200x128xi32, #tpu.memory_space<vmem>>, vector<1x16xi32>,
        %get3A_1883 = vector.shape_cast %get3A_1882 : vector<1x16xi32> to vector<16xi32>
        %and3A_1884 = arith.constant -32768 : i32
        %and3A_1885 = vector.broadcast %and3A_1884 : i32 to vector<16xi32>
        %and3A_1886 = arith.andi %get3A_1883, %and3A_1885 : vector<16xi32>
        %and3A_1887 = arith.constant 4095 : i32
        %and3A_1888 = vector.broadcast %and3A_1887 : i32 to vector<16xi32>
        %and3A_1889 = arith.andi %get3A_1883, %and3A_1888 : vector<16xi32>
        %shift_left3A_1890 = arith.constant 3 : i32
        %shift_left3A_1891 = vector.broadcast %shift_left3A_1890 : i32 to vector<16xi32>
        %shift_left3A_1892 = arith.shli %and3A_1889, %shift_left3A_1891 : vector<16xi32>
        %add3A_1893 = arith.addi %and3A_1886, %shift_left3A_1892 : vector<16xi32>
        %shift_right_arithmetic3A_1894 = arith.constant 12 : i32
        %shift_right_arithmetic3A_1895 = vector.broadcast %shift_right_arithmetic3A_1894 : i32 to vector<16xi32>
        %shift_right_arithmetic3A_1896 = arith.shrsi %get3A_1883, %shift_right_arithmetic3A_1895 : vector<16xi32>
        %and3A_1897 = arith.constant 7 : i32
        %and3A_1898 = vector.broadcast %and3A_1897 : i32 to vector<16xi32>
        %and3A_1899 = arith.andi %shift_right_arithmetic3A_1896, %and3A_1898 : vector<16xi32>
        %add3A_1900 = arith.addi %add3A_1893, %and3A_1899 : vector<16xi32>
        %swap3A_1901 = arith.index_cast %add3A_1697 : i32 to index
        %swap3A_1902 = arith.constant 112 : index
        %swap3A_1903 = tpu.vector_load %arg5[%swap3A_1901, %swap3A_1902] {strides = array<i32>} : memref<200x128xi32, #tpu.memory_space<vmem>>, vector<1x16xi32>,
        %swap3A_1904 = vector.shape_cast %swap3A_1903 : vector<1x16xi32> to vector<16xi32>
        %swap3A_1905 = vector.shape_cast %add3A_1900 : vector<16xi32> to vector<1x16xi32>
        tpu.vector_store %arg5[%swap3A_1901, %swap3A_1902], %swap3A_1905 {strides = array<i32>} : memref<200x128xi32, #tpu.memory_space<vmem>>, vector<1x16xi32>,
        %add3A_1906 = arith.constant 6 : i32
        %add3A_1907 = arith.addi %add3A_1571, %add3A_1906 : i32
        %dma_start3A_1908 = arith.constant 2 : i32
        %dma_start3A_1909 = arith.constant 2 : i32
        %dma_start3A_1910 = arith.constant 0 : i32
        %dma_start3A_1911 = arith.constant 0 : i32
        %dma_start3A_1912 = tpu.memref_slice %arg6[%dma_start3A_1908, %dma_start3A_1910, %dma_start3A_1911] : memref<8x128x16xf32, #tpu.memory_space<vmem>> -> memref<1x128x16xf32, #tpu.memory_space<vmem>>
        %dma_start3A_1913 = tpu.memref_squeeze %dma_start3A_1912 : memref<1x128x16xf32, #tpu.memory_space<vmem>> -> memref<128x16xf32, #tpu.memory_space<vmem>>
        %dma_start3A_1914 = arith.constant 0 : i32
        %dma_start3A_1915 = tpu.memref_slice %arg5[%add3A_1907, %dma_start3A_1914] : memref<200x128xi32, #tpu.memory_space<vmem>> -> memref<1x128xi32, #tpu.memory_space<vmem>>
        %dma_start3A_1916 = tpu.memref_squeeze %dma_start3A_1915 : memref<1x128xi32, #tpu.memory_space<vmem>> -> memref<128xi32, #tpu.memory_space<vmem>>
        %dma_start3A_1917 = arith.constant 0 : i32
        %dma_start3A_1918 = arith.constant 0 : i32
        %dma_start3A_1919 = tpu.memref_slice %arg3[%dma_start3A_1917, %dma_start3A_1918] : memref<1015808x16xf32, #tpu.memory_space<hbm>> -> memref<1015808x16xf32, #tpu.memory_space<hbm>>
        %dma_start3A_1920 = tpu.memref_slice %arg8[%dma_start3A_1909] : memref<8x!tpu.dma_semaphore, #tpu.memory_space<semaphore_mem>> -> memref<1x!tpu.dma_semaphore, #tpu.memory_space<semaphore_mem>>
        %dma_start3A_1921 = tpu.memref_squeeze %dma_start3A_1920 : memref<1x!tpu.dma_semaphore, #tpu.memory_space<semaphore_mem>> -> memref<!tpu.dma_semaphore, #tpu.memory_space<semaphore_mem>>
        tpu.enqueue_indirect_dma source(%dma_start3A_1919 : memref<1015808x16xf32, #tpu.memory_space<hbm>>) target(%dma_start3A_1913 : memref<128x16xf32, #tpu.memory_space<vmem>>) offsets(%dma_start3A_1916 : memref<128xi32, #tpu.memory_space<vmem>>) semaphore(%dma_start3A_1921 : memref<!tpu.dma_semaphore, #tpu.memory_space<semaphore_mem>>)
      } else {
      }
      %scan3A_1594 = arith.constant 0 : i32
      %scan3A_1595 = arith.constant 0 : i32
      %scan3A_1596 = arith.constant 16 : i32
      %scan3A_1597 = arith.addi %scan3A_1595, %scan3A_1596 : i32
      %scan3A_1598 = arith.constant 1 : i32
      scf.for %scan3A_1696 = %scan3A_1595 to %scan3A_1597 step %scan3A_1598  : i32 {
        %mul3A_1697 = arith.constant 8 : i32
        %mul3A_1698 = arith.muli %mul3A_1697, %scan3A_1696 : i32
        %add3A_1699 = arith.constant 0 : i32
        %add3A_1700 = arith.addi %mul3A_1698, %add3A_1699 : i32
        %get3A_1701 = arith.constant 4 : i32
        %get3A_1702 = arith.index_cast %get3A_1701 : i32 to index
        %get3A_1703 = arith.index_cast %add3A_1700 : i32 to index
        %get3A_1704 = arith.constant 0 : index
        %get3A_1705 = tpu.vector_load %arg6[%get3A_1702, %get3A_1703, %get3A_1704] {strides = array<i32>} : memref<8x128x16xf32, #tpu.memory_space<vmem>>, vector<1x1x16xf32>,
        %get3A_1706 = vector.shape_cast %get3A_1705 : vector<1x1x16xf32> to vector<16xf32>
        %swap3A_1707 = arith.index_cast %add3A_1700 : i32 to index
        %swap3A_1708 = arith.constant 0 : index
        %swap3A_1709 = tpu.vector_load %arg7[%swap3A_1707, %swap3A_1708] {strides = array<i32>} : memref<128x16xf32, #tpu.memory_space<vmem>>, vector<1x16xf32>,
        %swap3A_1710 = vector.shape_cast %swap3A_1709 : vector<1x16xf32> to vector<16xf32>
        %swap3A_1711 = vector.shape_cast %get3A_1706 : vector<16xf32> to vector<1x16xf32>
        tpu.vector_store %arg7[%swap3A_1707, %swap3A_1708], %swap3A_1711 {add = true, strides = array<i32>} : memref<128x16xf32, #tpu.memory_space<vmem>>, vector<1x16xf32>,
        %mul3A_1712 = arith.constant 8 : i32
        %mul3A_1713 = arith.muli %mul3A_1712, %scan3A_1696 : i32
        %add3A_1714 = arith.constant 1 : i32
        %add3A_1715 = arith.addi %mul3A_1713, %add3A_1714 : i32
        %get3A_1716 = arith.constant 4 : i32
        %get3A_1717 = arith.index_cast %get3A_1716 : i32 to index
        %get3A_1718 = arith.index_cast %add3A_1715 : i32 to index
        %get3A_1719 = arith.constant 0 : index
        %get3A_1720 = tpu.vector_load %arg6[%get3A_1717, %get3A_1718, %get3A_1719] {strides = array<i32>} : memref<8x128x16xf32, #tpu.memory_space<vmem>>, vector<1x1x16xf32>,
        %get3A_1721 = vector.shape_cast %get3A_1720 : vector<1x1x16xf32> to vector<16xf32>
        %swap3A_1722 = arith.index_cast %add3A_1715 : i32 to index
        %swap3A_1723 = arith.constant 0 : index
        %swap3A_1724 = tpu.vector_load %arg7[%swap3A_1722, %swap3A_1723] {strides = array<i32>} : memref<128x16xf32, #tpu.memory_space<vmem>>, vector<1x16xf32>,
        %swap3A_1725 = vector.shape_cast %swap3A_1724 : vector<1x16xf32> to vector<16xf32>
        %swap3A_1726 = vector.shape_cast %get3A_1721 : vector<16xf32> to vector<1x16xf32>
        tpu.vector_store %arg7[%swap3A_1722, %swap3A_1723], %swap3A_1726 {add = true, strides = array<i32>} : memref<128x16xf32, #tpu.memory_space<vmem>>, vector<1x16xf32>,
        %mul3A_1727 = arith.constant 8 : i32
        %mul3A_1728 = arith.muli %mul3A_1727, %scan3A_1696 : i32
        %add3A_1729 = arith.constant 2 : i32
        %add3A_1730 = arith.addi %mul3A_1728, %add3A_1729 : i32
        %get3A_1731 = arith.constant 4 : i32
        %get3A_1732 = arith.index_cast %get3A_1731 : i32 to index
        %get3A_1733 = arith.index_cast %add3A_1730 : i32 to index
        %get3A_1734 = arith.constant 0 : index
        %get3A_1735 = tpu.vector_load %arg6[%get3A_1732, %get3A_1733, %get3A_1734] {strides = array<i32>} : memref<8x128x16xf32, #tpu.memory_space<vmem>>, vector<1x1x16xf32>,
        %get3A_1736 = vector.shape_cast %get3A_1735 : vector<1x1x16xf32> to vector<16xf32>
        %swap3A_1737 = arith.index_cast %add3A_1730 : i32 to index
        %swap3A_1738 = arith.constant 0 : index
        %swap3A_1739 = tpu.vector_load %arg7[%swap3A_1737, %swap3A_1738] {strides = array<i32>} : memref<128x16xf32, #tpu.memory_space<vmem>>, vector<1x16xf32>,
        %swap3A_1740 = vector.shape_cast %swap3A_1739 : vector<1x16xf32> to vector<16xf32>
        %swap3A_1741 = vector.shape_cast %get3A_1736 : vector<16xf32> to vector<1x16xf32>
        tpu.vector_store %arg7[%swap3A_1737, %swap3A_1738], %swap3A_1741 {add = true, strides = array<i32>} : memref<128x16xf32, #tpu.memory_space<vmem>>, vector<1x16xf32>,
        %mul3A_1742 = arith.constant 8 : i32
        %mul3A_1743 = arith.muli %mul3A_1742, %scan3A_1696 : i32
        %add3A_1744 = arith.constant 3 : i32
        %add3A_1745 = arith.addi %mul3A_1743, %add3A_1744 : i32
        %get3A_1746 = arith.constant 4 : i32
        %get3A_1747 = arith.index_cast %get3A_1746 : i32 to index
        %get3A_1748 = arith.index_cast %add3A_1745 : i32 to index
        %get3A_1749 = arith.constant 0 : index
        %get3A_1750 = tpu.vector_load %arg6[%get3A_1747, %get3A_1748, %get3A_1749] {strides = array<i32>} : memref<8x128x16xf32, #tpu.memory_space<vmem>>, vector<1x1x16xf32>,
        %get3A_1751 = vector.shape_cast %get3A_1750 : vector<1x1x16xf32> to vector<16xf32>
        %swap3A_1752 = arith.index_cast %add3A_1745 : i32 to index
        %swap3A_1753 = arith.constant 0 : index
        %swap3A_1754 = tpu.vector_load %arg7[%swap3A_1752, %swap3A_1753] {strides = array<i32>} : memref<128x16xf32, #tpu.memory_space<vmem>>, vector<1x16xf32>,
        %swap3A_1755 = vector.shape_cast %swap3A_1754 : vector<1x16xf32> to vector<16xf32>
        %swap3A_1756 = vector.shape_cast %get3A_1751 : vector<16xf32> to vector<1x16xf32>
        tpu.vector_store %arg7[%swap3A_1752, %swap3A_1753], %swap3A_1756 {add = true, strides = array<i32>} : memref<128x16xf32, #tpu.memory_space<vmem>>, vector<1x16xf32>,
        %mul3A_1757 = arith.constant 8 : i32
        %mul3A_1758 = arith.muli %mul3A_1757, %scan3A_1696 : i32
        %add3A_1759 = arith.constant 4 : i32
        %add3A_1760 = arith.addi %mul3A_1758, %add3A_1759 : i32
        %get3A_1761 = arith.constant 4 : i32
        %get3A_1762 = arith.index_cast %get3A_1761 : i32 to index
        %get3A_1763 = arith.index_cast %add3A_1760 : i32 to index
        %get3A_1764 = arith.constant 0 : index
        %get3A_1765 = tpu.vector_load %arg6[%get3A_1762, %get3A_1763, %get3A_1764] {strides = array<i32>} : memref<8x128x16xf32, #tpu.memory_space<vmem>>, vector<1x1x16xf32>,
        %get3A_1766 = vector.shape_cast %get3A_1765 : vector<1x1x16xf32> to vector<16xf32>
        %swap3A_1767 = arith.index_cast %add3A_1760 : i32 to index
        %swap3A_1768 = arith.constant 0 : index
        %swap3A_1769 = tpu.vector_load %arg7[%swap3A_1767, %swap3A_1768] {strides = array<i32>} : memref<128x16xf32, #tpu.memory_space<vmem>>, vector<1x16xf32>,
        %swap3A_1770 = vector.shape_cast %swap3A_1769 : vector<1x16xf32> to vector<16xf32>
        %swap3A_1771 = vector.shape_cast %get3A_1766 : vector<16xf32> to vector<1x16xf32>
        tpu.vector_store %arg7[%swap3A_1767, %swap3A_1768], %swap3A_1771 {add = true, strides = array<i32>} : memref<128x16xf32, #tpu.memory_space<vmem>>, vector<1x16xf32>,
        %mul3A_1772 = arith.constant 8 : i32
        %mul3A_1773 = arith.muli %mul3A_1772, %scan3A_1696 : i32
        %add3A_1774 = arith.constant 5 : i32
        %add3A_1775 = arith.addi %mul3A_1773, %add3A_1774 : i32
        %get3A_1776 = arith.constant 4 : i32
        %get3A_1777 = arith.index_cast %get3A_1776 : i32 to index
        %get3A_1778 = arith.index_cast %add3A_1775 : i32 to index
        %get3A_1779 = arith.constant 0 : index
        %get3A_1780 = tpu.vector_load %arg6[%get3A_1777, %get3A_1778, %get3A_1779] {strides = array<i32>} : memref<8x128x16xf32, #tpu.memory_space<vmem>>, vector<1x1x16xf32>,
        %get3A_1781 = vector.shape_cast %get3A_1780 : vector<1x1x16xf32> to vector<16xf32>
        %swap3A_1782 = arith.index_cast %add3A_1775 : i32 to index
        %swap3A_1783 = arith.constant 0 : index
        %swap3A_1784 = tpu.vector_load %arg7[%swap3A_1782, %swap3A_1783] {strides = array<i32>} : memref<128x16xf32, #tpu.memory_space<vmem>>, vector<1x16xf32>,
        %swap3A_1785 = vector.shape_cast %swap3A_1784 : vector<1x16xf32> to vector<16xf32>
        %swap3A_1786 = vector.shape_cast %get3A_1781 : vector<16xf32> to vector<1x16xf32>
        tpu.vector_store %arg7[%swap3A_1782, %swap3A_1783], %swap3A_1786 {add = true, strides = array<i32>} : memref<128x16xf32, #tpu.memory_space<vmem>>, vector<1x16xf32>,
        %mul3A_1787 = arith.constant 8 : i32
        %mul3A_1788 = arith.muli %mul3A_1787, %scan3A_1696 : i32
        %add3A_1789 = arith.constant 6 : i32
        %add3A_1790 = arith.addi %mul3A_1788, %add3A_1789 : i32
        %get3A_1791 = arith.constant 4 : i32
        %get3A_1792 = arith.index_cast %get3A_1791 : i32 to index
        %get3A_1793 = arith.index_cast %add3A_1790 : i32 to index
        %get3A_1794 = arith.constant 0 : index
        %get3A_1795 = tpu.vector_load %arg6[%get3A_1792, %get3A_1793, %get3A_1794] {strides = array<i32>} : memref<8x128x16xf32, #tpu.memory_space<vmem>>, vector<1x1x16xf32>,
        %get3A_1796 = vector.shape_cast %get3A_1795 : vector<1x1x16xf32> to vector<16xf32>
        %swap3A_1797 = arith.index_cast %add3A_1790 : i32 to index
        %swap3A_1798 = arith.constant 0 : index
        %swap3A_1799 = tpu.vector_load %arg7[%swap3A_1797, %swap3A_1798] {strides = array<i32>} : memref<128x16xf32, #tpu.memory_space<vmem>>, vector<1x16xf32>,
        %swap3A_1800 = vector.shape_cast %swap3A_1799 : vector<1x16xf32> to vector<16xf32>
        %swap3A_1801 = vector.shape_cast %get3A_1796 : vector<16xf32> to vector<1x16xf32>
        tpu.vector_store %arg7[%swap3A_1797, %swap3A_1798], %swap3A_1801 {add = true, strides = array<i32>} : memref<128x16xf32, #tpu.memory_space<vmem>>, vector<1x16xf32>,
        %mul3A_1802 = arith.constant 8 : i32
        %mul3A_1803 = arith.muli %mul3A_1802, %scan3A_1696 : i32
        %add3A_1804 = arith.constant 7 : i32
        %add3A_1805 = arith.addi %mul3A_1803, %add3A_1804 : i32
        %get3A_1806 = arith.constant 4 : i32
        %get3A_1807 = arith.index_cast %get3A_1806 : i32 to index
        %get3A_1808 = arith.index_cast %add3A_1805 : i32 to index
        %get3A_1809 = arith.constant 0 : index
        %get3A_1810 = tpu.vector_load %arg6[%get3A_1807, %get3A_1808, %get3A_1809] {strides = array<i32>} : memref<8x128x16xf32, #tpu.memory_space<vmem>>, vector<1x1x16xf32>,
        %get3A_1811 = vector.shape_cast %get3A_1810 : vector<1x1x16xf32> to vector<16xf32>
        %swap3A_1812 = arith.index_cast %add3A_1805 : i32 to index
        %swap3A_1813 = arith.constant 0 : index
        %swap3A_1814 = tpu.vector_load %arg7[%swap3A_1812, %swap3A_1813] {strides = array<i32>} : memref<128x16xf32, #tpu.memory_space<vmem>>, vector<1x16xf32>,
        %swap3A_1815 = vector.shape_cast %swap3A_1814 : vector<1x16xf32> to vector<16xf32>
        %swap3A_1816 = vector.shape_cast %get3A_1811 : vector<16xf32> to vector<1x16xf32>
        tpu.vector_store %arg7[%swap3A_1812, %swap3A_1813], %swap3A_1816 {add = true, strides = array<i32>} : memref<128x16xf32, #tpu.memory_space<vmem>>, vector<1x16xf32>,
      }
      %scan3A_1599 = arith.constant 16 : i32
      %mul3A_1600 = arith.constant 8 : i32
      %mul3A_1601 = arith.muli %mul3A_1600, %scan3A_1443 : i32
      %add3A_1602 = arith.constant 5 : i32
      %add3A_1603 = arith.addi %mul3A_1601, %add3A_1602 : i32
      %dma_wait3A_1604 = arith.constant 0 : i32
      %dma_wait3A_1605 = arith.constant 5 : i32
      %dma_wait3A_1606 = arith.constant 5 : i32
      %dma_wait3A_1607 = arith.constant 0 : i32
      %dma_wait3A_1608 = arith.constant 0 : i32
      %dma_wait3A_1609 = tpu.memref_slice %arg6[%dma_wait3A_1605, %dma_wait3A_1607, %dma_wait3A_1608] : memref<8x128x16xf32, #tpu.memory_space<vmem>> -> memref<1x128x16xf32, #tpu.memory_space<vmem>>
      %dma_wait3A_1610 = tpu.memref_squeeze %dma_wait3A_1609 : memref<1x128x16xf32, #tpu.memory_space<vmem>> -> memref<128x16xf32, #tpu.memory_space<vmem>>
      %dma_wait3A_1611 = arith.constant 0 : i32
      %dma_wait3A_1612 = tpu.memref_slice %arg5[%dma_wait3A_1604, %dma_wait3A_1611] : memref<200x128xi32, #tpu.memory_space<vmem>> -> memref<1x128xi32, #tpu.memory_space<vmem>>
      %dma_wait3A_1613 = tpu.memref_squeeze %dma_wait3A_1612 : memref<1x128xi32, #tpu.memory_space<vmem>> -> memref<128xi32, #tpu.memory_space<vmem>>
      %dma_wait3A_1614 = arith.constant 0 : i32
      %dma_wait3A_1615 = arith.constant 0 : i32
      %dma_wait3A_1616 = tpu.memref_slice %arg3[%dma_wait3A_1614, %dma_wait3A_1615] : memref<1015808x16xf32, #tpu.memory_space<hbm>> -> memref<1015808x16xf32, #tpu.memory_space<hbm>>
      %dma_wait3A_1617 = tpu.memref_slice %arg8[%dma_wait3A_1606] : memref<8x!tpu.dma_semaphore, #tpu.memory_space<semaphore_mem>> -> memref<1x!tpu.dma_semaphore, #tpu.memory_space<semaphore_mem>>
      %dma_wait3A_1618 = tpu.memref_squeeze %dma_wait3A_1617 : memref<1x!tpu.dma_semaphore, #tpu.memory_space<semaphore_mem>> -> memref<!tpu.dma_semaphore, #tpu.memory_space<semaphore_mem>>
      tpu.wait_indirect_dma semaphore(%dma_wait3A_1618 : memref<!tpu.dma_semaphore, #tpu.memory_space<semaphore_mem>>) src(%dma_wait3A_1616 : memref<1015808x16xf32, #tpu.memory_space<hbm>>) dst(%dma_wait3A_1610 : memref<128x16xf32, #tpu.memory_space<vmem>>)
      %add3A_1619 = arith.constant 6 : i32
      %add3A_1620 = arith.addi %add3A_1603, %add3A_1619 : i32
      %lt3A_1621 = arith.constant 200 : i32
      %lt3A_1622 = arith.cmpi slt, %add3A_1620, %lt3A_1621 : i32
      %convert_element_type3A_1623 = arith.extui %lt3A_1622 : i1 to i32
      %cond3A_1624 = arith.constant 0 : i32
      %cond3A_1625 = arith.cmpi ne, %convert_element_type3A_1623, %cond3A_1624 : i32
      scf.if %cond3A_1625 {
        %add3A_1696 = arith.constant 6 : i32
        %add3A_1697 = arith.addi %add3A_1603, %add3A_1696 : i32
        %get3A_1698 = arith.index_cast %add3A_1697 : i32 to index
        %get3A_1699 = arith.constant 0 : index
        %get3A_1700 = tpu.vector_load %arg5[%get3A_1698, %get3A_1699] {strides = array<i32>} : memref<200x128xi32, #tpu.memory_space<vmem>>, vector<1x16xi32>,
        %get3A_1701 = vector.shape_cast %get3A_1700 : vector<1x16xi32> to vector<16xi32>
        %and3A_1702 = arith.constant -32768 : i32
        %and3A_1703 = vector.broadcast %and3A_1702 : i32 to vector<16xi32>
        %and3A_1704 = arith.andi %get3A_1701, %and3A_1703 : vector<16xi32>
        %and3A_1705 = arith.constant 4095 : i32
        %and3A_1706 = vector.broadcast %and3A_1705 : i32 to vector<16xi32>
        %and3A_1707 = arith.andi %get3A_1701, %and3A_1706 : vector<16xi32>
        %shift_left3A_1708 = arith.constant 3 : i32
        %shift_left3A_1709 = vector.broadcast %shift_left3A_1708 : i32 to vector<16xi32>
        %shift_left3A_1710 = arith.shli %and3A_1707, %shift_left3A_1709 : vector<16xi32>
        %add3A_1711 = arith.addi %and3A_1704, %shift_left3A_1710 : vector<16xi32>
        %shift_right_arithmetic3A_1712 = arith.constant 12 : i32
        %shift_right_arithmetic3A_1713 = vector.broadcast %shift_right_arithmetic3A_1712 : i32 to vector<16xi32>
        %shift_right_arithmetic3A_1714 = arith.shrsi %get3A_1701, %shift_right_arithmetic3A_1713 : vector<16xi32>
        %and3A_1715 = arith.constant 7 : i32
        %and3A_1716 = vector.broadcast %and3A_1715 : i32 to vector<16xi32>
        %and3A_1717 = arith.andi %shift_right_arithmetic3A_1714, %and3A_1716 : vector<16xi32>
        %add3A_1718 = arith.addi %add3A_1711, %and3A_1717 : vector<16xi32>
        %swap3A_1719 = arith.index_cast %add3A_1697 : i32 to index
        %swap3A_1720 = arith.constant 0 : index
        %swap3A_1721 = tpu.vector_load %arg5[%swap3A_1719, %swap3A_1720] {strides = array<i32>} : memref<200x128xi32, #tpu.memory_space<vmem>>, vector<1x16xi32>,
        %swap3A_1722 = vector.shape_cast %swap3A_1721 : vector<1x16xi32> to vector<16xi32>
        %swap3A_1723 = vector.shape_cast %add3A_1718 : vector<16xi32> to vector<1x16xi32>
        tpu.vector_store %arg5[%swap3A_1719, %swap3A_1720], %swap3A_1723 {strides = array<i32>} : memref<200x128xi32, #tpu.memory_space<vmem>>, vector<1x16xi32>,
        %get3A_1724 = arith.index_cast %add3A_1697 : i32 to index
        %get3A_1725 = arith.constant 16 : index
        %get3A_1726 = tpu.vector_load %arg5[%get3A_1724, %get3A_1725] {strides = array<i32>} : memref<200x128xi32, #tpu.memory_space<vmem>>, vector<1x16xi32>,
        %get3A_1727 = vector.shape_cast %get3A_1726 : vector<1x16xi32> to vector<16xi32>
        %and3A_1728 = arith.constant -32768 : i32
        %and3A_1729 = vector.broadcast %and3A_1728 : i32 to vector<16xi32>
        %and3A_1730 = arith.andi %get3A_1727, %and3A_1729 : vector<16xi32>
        %and3A_1731 = arith.constant 4095 : i32
        %and3A_1732 = vector.broadcast %and3A_1731 : i32 to vector<16xi32>
        %and3A_1733 = arith.andi %get3A_1727, %and3A_1732 : vector<16xi32>
        %shift_left3A_1734 = arith.constant 3 : i32
        %shift_left3A_1735 = vector.broadcast %shift_left3A_1734 : i32 to vector<16xi32>
        %shift_left3A_1736 = arith.shli %and3A_1733, %shift_left3A_1735 : vector<16xi32>
        %add3A_1737 = arith.addi %and3A_1730, %shift_left3A_1736 : vector<16xi32>
        %shift_right_arithmetic3A_1738 = arith.constant 12 : i32
        %shift_right_arithmetic3A_1739 = vector.broadcast %shift_right_arithmetic3A_1738 : i32 to vector<16xi32>
        %shift_right_arithmetic3A_1740 = arith.shrsi %get3A_1727, %shift_right_arithmetic3A_1739 : vector<16xi32>
        %and3A_1741 = arith.constant 7 : i32
        %and3A_1742 = vector.broadcast %and3A_1741 : i32 to vector<16xi32>
        %and3A_1743 = arith.andi %shift_right_arithmetic3A_1740, %and3A_1742 : vector<16xi32>
        %add3A_1744 = arith.addi %add3A_1737, %and3A_1743 : vector<16xi32>
        %swap3A_1745 = arith.index_cast %add3A_1697 : i32 to index
        %swap3A_1746 = arith.constant 16 : index
        %swap3A_1747 = tpu.vector_load %arg5[%swap3A_1745, %swap3A_1746] {strides = array<i32>} : memref<200x128xi32, #tpu.memory_space<vmem>>, vector<1x16xi32>,
        %swap3A_1748 = vector.shape_cast %swap3A_1747 : vector<1x16xi32> to vector<16xi32>
        %swap3A_1749 = vector.shape_cast %add3A_1744 : vector<16xi32> to vector<1x16xi32>
        tpu.vector_store %arg5[%swap3A_1745, %swap3A_1746], %swap3A_1749 {strides = array<i32>} : memref<200x128xi32, #tpu.memory_space<vmem>>, vector<1x16xi32>,
        %get3A_1750 = arith.index_cast %add3A_1697 : i32 to index
        %get3A_1751 = arith.constant 32 : index
        %get3A_1752 = tpu.vector_load %arg5[%get3A_1750, %get3A_1751] {strides = array<i32>} : memref<200x128xi32, #tpu.memory_space<vmem>>, vector<1x16xi32>,
        %get3A_1753 = vector.shape_cast %get3A_1752 : vector<1x16xi32> to vector<16xi32>
        %and3A_1754 = arith.constant -32768 : i32
        %and3A_1755 = vector.broadcast %and3A_1754 : i32 to vector<16xi32>
        %and3A_1756 = arith.andi %get3A_1753, %and3A_1755 : vector<16xi32>
        %and3A_1757 = arith.constant 4095 : i32
        %and3A_1758 = vector.broadcast %and3A_1757 : i32 to vector<16xi32>
        %and3A_1759 = arith.andi %get3A_1753, %and3A_1758 : vector<16xi32>
        %shift_left3A_1760 = arith.constant 3 : i32
        %shift_left3A_1761 = vector.broadcast %shift_left3A_1760 : i32 to vector<16xi32>
        %shift_left3A_1762 = arith.shli %and3A_1759, %shift_left3A_1761 : vector<16xi32>
        %add3A_1763 = arith.addi %and3A_1756, %shift_left3A_1762 : vector<16xi32>
        %shift_right_arithmetic3A_1764 = arith.constant 12 : i32
        %shift_right_arithmetic3A_1765 = vector.broadcast %shift_right_arithmetic3A_1764 : i32 to vector<16xi32>
        %shift_right_arithmetic3A_1766 = arith.shrsi %get3A_1753, %shift_right_arithmetic3A_1765 : vector<16xi32>
        %and3A_1767 = arith.constant 7 : i32
        %and3A_1768 = vector.broadcast %and3A_1767 : i32 to vector<16xi32>
        %and3A_1769 = arith.andi %shift_right_arithmetic3A_1766, %and3A_1768 : vector<16xi32>
        %add3A_1770 = arith.addi %add3A_1763, %and3A_1769 : vector<16xi32>
        %swap3A_1771 = arith.index_cast %add3A_1697 : i32 to index
        %swap3A_1772 = arith.constant 32 : index
        %swap3A_1773 = tpu.vector_load %arg5[%swap3A_1771, %swap3A_1772] {strides = array<i32>} : memref<200x128xi32, #tpu.memory_space<vmem>>, vector<1x16xi32>,
        %swap3A_1774 = vector.shape_cast %swap3A_1773 : vector<1x16xi32> to vector<16xi32>
        %swap3A_1775 = vector.shape_cast %add3A_1770 : vector<16xi32> to vector<1x16xi32>
        tpu.vector_store %arg5[%swap3A_1771, %swap3A_1772], %swap3A_1775 {strides = array<i32>} : memref<200x128xi32, #tpu.memory_space<vmem>>, vector<1x16xi32>,
        %get3A_1776 = arith.index_cast %add3A_1697 : i32 to index
        %get3A_1777 = arith.constant 48 : index
        %get3A_1778 = tpu.vector_load %arg5[%get3A_1776, %get3A_1777] {strides = array<i32>} : memref<200x128xi32, #tpu.memory_space<vmem>>, vector<1x16xi32>,
        %get3A_1779 = vector.shape_cast %get3A_1778 : vector<1x16xi32> to vector<16xi32>
        %and3A_1780 = arith.constant -32768 : i32
        %and3A_1781 = vector.broadcast %and3A_1780 : i32 to vector<16xi32>
        %and3A_1782 = arith.andi %get3A_1779, %and3A_1781 : vector<16xi32>
        %and3A_1783 = arith.constant 4095 : i32
        %and3A_1784 = vector.broadcast %and3A_1783 : i32 to vector<16xi32>
        %and3A_1785 = arith.andi %get3A_1779, %and3A_1784 : vector<16xi32>
        %shift_left3A_1786 = arith.constant 3 : i32
        %shift_left3A_1787 = vector.broadcast %shift_left3A_1786 : i32 to vector<16xi32>
        %shift_left3A_1788 = arith.shli %and3A_1785, %shift_left3A_1787 : vector<16xi32>
        %add3A_1789 = arith.addi %and3A_1782, %shift_left3A_1788 : vector<16xi32>
        %shift_right_arithmetic3A_1790 = arith.constant 12 : i32
        %shift_right_arithmetic3A_1791 = vector.broadcast %shift_right_arithmetic3A_1790 : i32 to vector<16xi32>
        %shift_right_arithmetic3A_1792 = arith.shrsi %get3A_1779, %shift_right_arithmetic3A_1791 : vector<16xi32>
        %and3A_1793 = arith.constant 7 : i32
        %and3A_1794 = vector.broadcast %and3A_1793 : i32 to vector<16xi32>
        %and3A_1795 = arith.andi %shift_right_arithmetic3A_1792, %and3A_1794 : vector<16xi32>
        %add3A_1796 = arith.addi %add3A_1789, %and3A_1795 : vector<16xi32>
        %swap3A_1797 = arith.index_cast %add3A_1697 : i32 to index
        %swap3A_1798 = arith.constant 48 : index
        %swap3A_1799 = tpu.vector_load %arg5[%swap3A_1797, %swap3A_1798] {strides = array<i32>} : memref<200x128xi32, #tpu.memory_space<vmem>>, vector<1x16xi32>,
        %swap3A_1800 = vector.shape_cast %swap3A_1799 : vector<1x16xi32> to vector<16xi32>
        %swap3A_1801 = vector.shape_cast %add3A_1796 : vector<16xi32> to vector<1x16xi32>
        tpu.vector_store %arg5[%swap3A_1797, %swap3A_1798], %swap3A_1801 {strides = array<i32>} : memref<200x128xi32, #tpu.memory_space<vmem>>, vector<1x16xi32>,
        %get3A_1802 = arith.index_cast %add3A_1697 : i32 to index
        %get3A_1803 = arith.constant 64 : index
        %get3A_1804 = tpu.vector_load %arg5[%get3A_1802, %get3A_1803] {strides = array<i32>} : memref<200x128xi32, #tpu.memory_space<vmem>>, vector<1x16xi32>,
        %get3A_1805 = vector.shape_cast %get3A_1804 : vector<1x16xi32> to vector<16xi32>
        %and3A_1806 = arith.constant -32768 : i32
        %and3A_1807 = vector.broadcast %and3A_1806 : i32 to vector<16xi32>
        %and3A_1808 = arith.andi %get3A_1805, %and3A_1807 : vector<16xi32>
        %and3A_1809 = arith.constant 4095 : i32
        %and3A_1810 = vector.broadcast %and3A_1809 : i32 to vector<16xi32>
        %and3A_1811 = arith.andi %get3A_1805, %and3A_1810 : vector<16xi32>
        %shift_left3A_1812 = arith.constant 3 : i32
        %shift_left3A_1813 = vector.broadcast %shift_left3A_1812 : i32 to vector<16xi32>
        %shift_left3A_1814 = arith.shli %and3A_1811, %shift_left3A_1813 : vector<16xi32>
        %add3A_1815 = arith.addi %and3A_1808, %shift_left3A_1814 : vector<16xi32>
        %shift_right_arithmetic3A_1816 = arith.constant 12 : i32
        %shift_right_arithmetic3A_1817 = vector.broadcast %shift_right_arithmetic3A_1816 : i32 to vector<16xi32>
        %shift_right_arithmetic3A_1818 = arith.shrsi %get3A_1805, %shift_right_arithmetic3A_1817 : vector<16xi32>
        %and3A_1819 = arith.constant 7 : i32
        %and3A_1820 = vector.broadcast %and3A_1819 : i32 to vector<16xi32>
        %and3A_1821 = arith.andi %shift_right_arithmetic3A_1818, %and3A_1820 : vector<16xi32>
        %add3A_1822 = arith.addi %add3A_1815, %and3A_1821 : vector<16xi32>
        %swap3A_1823 = arith.index_cast %add3A_1697 : i32 to index
        %swap3A_1824 = arith.constant 64 : index
        %swap3A_1825 = tpu.vector_load %arg5[%swap3A_1823, %swap3A_1824] {strides = array<i32>} : memref<200x128xi32, #tpu.memory_space<vmem>>, vector<1x16xi32>,
        %swap3A_1826 = vector.shape_cast %swap3A_1825 : vector<1x16xi32> to vector<16xi32>
        %swap3A_1827 = vector.shape_cast %add3A_1822 : vector<16xi32> to vector<1x16xi32>
        tpu.vector_store %arg5[%swap3A_1823, %swap3A_1824], %swap3A_1827 {strides = array<i32>} : memref<200x128xi32, #tpu.memory_space<vmem>>, vector<1x16xi32>,
        %get3A_1828 = arith.index_cast %add3A_1697 : i32 to index
        %get3A_1829 = arith.constant 80 : index
        %get3A_1830 = tpu.vector_load %arg5[%get3A_1828, %get3A_1829] {strides = array<i32>} : memref<200x128xi32, #tpu.memory_space<vmem>>, vector<1x16xi32>,
        %get3A_1831 = vector.shape_cast %get3A_1830 : vector<1x16xi32> to vector<16xi32>
        %and3A_1832 = arith.constant -32768 : i32
        %and3A_1833 = vector.broadcast %and3A_1832 : i32 to vector<16xi32>
        %and3A_1834 = arith.andi %get3A_1831, %and3A_1833 : vector<16xi32>
        %and3A_1835 = arith.constant 4095 : i32
        %and3A_1836 = vector.broadcast %and3A_1835 : i32 to vector<16xi32>
        %and3A_1837 = arith.andi %get3A_1831, %and3A_1836 : vector<16xi32>
        %shift_left3A_1838 = arith.constant 3 : i32
        %shift_left3A_1839 = vector.broadcast %shift_left3A_1838 : i32 to vector<16xi32>
        %shift_left3A_1840 = arith.shli %and3A_1837, %shift_left3A_1839 : vector<16xi32>
        %add3A_1841 = arith.addi %and3A_1834, %shift_left3A_1840 : vector<16xi32>
        %shift_right_arithmetic3A_1842 = arith.constant 12 : i32
        %shift_right_arithmetic3A_1843 = vector.broadcast %shift_right_arithmetic3A_1842 : i32 to vector<16xi32>
        %shift_right_arithmetic3A_1844 = arith.shrsi %get3A_1831, %shift_right_arithmetic3A_1843 : vector<16xi32>
        %and3A_1845 = arith.constant 7 : i32
        %and3A_1846 = vector.broadcast %and3A_1845 : i32 to vector<16xi32>
        %and3A_1847 = arith.andi %shift_right_arithmetic3A_1844, %and3A_1846 : vector<16xi32>
        %add3A_1848 = arith.addi %add3A_1841, %and3A_1847 : vector<16xi32>
        %swap3A_1849 = arith.index_cast %add3A_1697 : i32 to index
        %swap3A_1850 = arith.constant 80 : index
        %swap3A_1851 = tpu.vector_load %arg5[%swap3A_1849, %swap3A_1850] {strides = array<i32>} : memref<200x128xi32, #tpu.memory_space<vmem>>, vector<1x16xi32>,
        %swap3A_1852 = vector.shape_cast %swap3A_1851 : vector<1x16xi32> to vector<16xi32>
        %swap3A_1853 = vector.shape_cast %add3A_1848 : vector<16xi32> to vector<1x16xi32>
        tpu.vector_store %arg5[%swap3A_1849, %swap3A_1850], %swap3A_1853 {strides = array<i32>} : memref<200x128xi32, #tpu.memory_space<vmem>>, vector<1x16xi32>,
        %get3A_1854 = arith.index_cast %add3A_1697 : i32 to index
        %get3A_1855 = arith.constant 96 : index
        %get3A_1856 = tpu.vector_load %arg5[%get3A_1854, %get3A_1855] {strides = array<i32>} : memref<200x128xi32, #tpu.memory_space<vmem>>, vector<1x16xi32>,
        %get3A_1857 = vector.shape_cast %get3A_1856 : vector<1x16xi32> to vector<16xi32>
        %and3A_1858 = arith.constant -32768 : i32
        %and3A_1859 = vector.broadcast %and3A_1858 : i32 to vector<16xi32>
        %and3A_1860 = arith.andi %get3A_1857, %and3A_1859 : vector<16xi32>
        %and3A_1861 = arith.constant 4095 : i32
        %and3A_1862 = vector.broadcast %and3A_1861 : i32 to vector<16xi32>
        %and3A_1863 = arith.andi %get3A_1857, %and3A_1862 : vector<16xi32>
        %shift_left3A_1864 = arith.constant 3 : i32
        %shift_left3A_1865 = vector.broadcast %shift_left3A_1864 : i32 to vector<16xi32>
        %shift_left3A_1866 = arith.shli %and3A_1863, %shift_left3A_1865 : vector<16xi32>
        %add3A_1867 = arith.addi %and3A_1860, %shift_left3A_1866 : vector<16xi32>
        %shift_right_arithmetic3A_1868 = arith.constant 12 : i32
        %shift_right_arithmetic3A_1869 = vector.broadcast %shift_right_arithmetic3A_1868 : i32 to vector<16xi32>
        %shift_right_arithmetic3A_1870 = arith.shrsi %get3A_1857, %shift_right_arithmetic3A_1869 : vector<16xi32>
        %and3A_1871 = arith.constant 7 : i32
        %and3A_1872 = vector.broadcast %and3A_1871 : i32 to vector<16xi32>
        %and3A_1873 = arith.andi %shift_right_arithmetic3A_1870, %and3A_1872 : vector<16xi32>
        %add3A_1874 = arith.addi %add3A_1867, %and3A_1873 : vector<16xi32>
        %swap3A_1875 = arith.index_cast %add3A_1697 : i32 to index
        %swap3A_1876 = arith.constant 96 : index
        %swap3A_1877 = tpu.vector_load %arg5[%swap3A_1875, %swap3A_1876] {strides = array<i32>} : memref<200x128xi32, #tpu.memory_space<vmem>>, vector<1x16xi32>,
        %swap3A_1878 = vector.shape_cast %swap3A_1877 : vector<1x16xi32> to vector<16xi32>
        %swap3A_1879 = vector.shape_cast %add3A_1874 : vector<16xi32> to vector<1x16xi32>
        tpu.vector_store %arg5[%swap3A_1875, %swap3A_1876], %swap3A_1879 {strides = array<i32>} : memref<200x128xi32, #tpu.memory_space<vmem>>, vector<1x16xi32>,
        %get3A_1880 = arith.index_cast %add3A_1697 : i32 to index
        %get3A_1881 = arith.constant 112 : index
        %get3A_1882 = tpu.vector_load %arg5[%get3A_1880, %get3A_1881] {strides = array<i32>} : memref<200x128xi32, #tpu.memory_space<vmem>>, vector<1x16xi32>,
        %get3A_1883 = vector.shape_cast %get3A_1882 : vector<1x16xi32> to vector<16xi32>
        %and3A_1884 = arith.constant -32768 : i32
        %and3A_1885 = vector.broadcast %and3A_1884 : i32 to vector<16xi32>
        %and3A_1886 = arith.andi %get3A_1883, %and3A_1885 : vector<16xi32>
        %and3A_1887 = arith.constant 4095 : i32
        %and3A_1888 = vector.broadcast %and3A_1887 : i32 to vector<16xi32>
        %and3A_1889 = arith.andi %get3A_1883, %and3A_1888 : vector<16xi32>
        %shift_left3A_1890 = arith.constant 3 : i32
        %shift_left3A_1891 = vector.broadcast %shift_left3A_1890 : i32 to vector<16xi32>
        %shift_left3A_1892 = arith.shli %and3A_1889, %shift_left3A_1891 : vector<16xi32>
        %add3A_1893 = arith.addi %and3A_1886, %shift_left3A_1892 : vector<16xi32>
        %shift_right_arithmetic3A_1894 = arith.constant 12 : i32
        %shift_right_arithmetic3A_1895 = vector.broadcast %shift_right_arithmetic3A_1894 : i32 to vector<16xi32>
        %shift_right_arithmetic3A_1896 = arith.shrsi %get3A_1883, %shift_right_arithmetic3A_1895 : vector<16xi32>
        %and3A_1897 = arith.constant 7 : i32
        %and3A_1898 = vector.broadcast %and3A_1897 : i32 to vector<16xi32>
        %and3A_1899 = arith.andi %shift_right_arithmetic3A_1896, %and3A_1898 : vector<16xi32>
        %add3A_1900 = arith.addi %add3A_1893, %and3A_1899 : vector<16xi32>
        %swap3A_1901 = arith.index_cast %add3A_1697 : i32 to index
        %swap3A_1902 = arith.constant 112 : index
        %swap3A_1903 = tpu.vector_load %arg5[%swap3A_1901, %swap3A_1902] {strides = array<i32>} : memref<200x128xi32, #tpu.memory_space<vmem>>, vector<1x16xi32>,
        %swap3A_1904 = vector.shape_cast %swap3A_1903 : vector<1x16xi32> to vector<16xi32>
        %swap3A_1905 = vector.shape_cast %add3A_1900 : vector<16xi32> to vector<1x16xi32>
        tpu.vector_store %arg5[%swap3A_1901, %swap3A_1902], %swap3A_1905 {strides = array<i32>} : memref<200x128xi32, #tpu.memory_space<vmem>>, vector<1x16xi32>,
        %add3A_1906 = arith.constant 6 : i32
        %add3A_1907 = arith.addi %add3A_1603, %add3A_1906 : i32
        %dma_start3A_1908 = arith.constant 3 : i32
        %dma_start3A_1909 = arith.constant 3 : i32
        %dma_start3A_1910 = arith.constant 0 : i32
        %dma_start3A_1911 = arith.constant 0 : i32
        %dma_start3A_1912 = tpu.memref_slice %arg6[%dma_start3A_1908, %dma_start3A_1910, %dma_start3A_1911] : memref<8x128x16xf32, #tpu.memory_space<vmem>> -> memref<1x128x16xf32, #tpu.memory_space<vmem>>
        %dma_start3A_1913 = tpu.memref_squeeze %dma_start3A_1912 : memref<1x128x16xf32, #tpu.memory_space<vmem>> -> memref<128x16xf32, #tpu.memory_space<vmem>>
        %dma_start3A_1914 = arith.constant 0 : i32
        %dma_start3A_1915 = tpu.memref_slice %arg5[%add3A_1907, %dma_start3A_1914] : memref<200x128xi32, #tpu.memory_space<vmem>> -> memref<1x128xi32, #tpu.memory_space<vmem>>
        %dma_start3A_1916 = tpu.memref_squeeze %dma_start3A_1915 : memref<1x128xi32, #tpu.memory_space<vmem>> -> memref<128xi32, #tpu.memory_space<vmem>>
        %dma_start3A_1917 = arith.constant 0 : i32
        %dma_start3A_1918 = arith.constant 0 : i32
        %dma_start3A_1919 = tpu.memref_slice %arg3[%dma_start3A_1917, %dma_start3A_1918] : memref<1015808x16xf32, #tpu.memory_space<hbm>> -> memref<1015808x16xf32, #tpu.memory_space<hbm>>
        %dma_start3A_1920 = tpu.memref_slice %arg8[%dma_start3A_1909] : memref<8x!tpu.dma_semaphore, #tpu.memory_space<semaphore_mem>> -> memref<1x!tpu.dma_semaphore, #tpu.memory_space<semaphore_mem>>
        %dma_start3A_1921 = tpu.memref_squeeze %dma_start3A_1920 : memref<1x!tpu.dma_semaphore, #tpu.memory_space<semaphore_mem>> -> memref<!tpu.dma_semaphore, #tpu.memory_space<semaphore_mem>>
        tpu.enqueue_indirect_dma source(%dma_start3A_1919 : memref<1015808x16xf32, #tpu.memory_space<hbm>>) target(%dma_start3A_1913 : memref<128x16xf32, #tpu.memory_space<vmem>>) offsets(%dma_start3A_1916 : memref<128xi32, #tpu.memory_space<vmem>>) semaphore(%dma_start3A_1921 : memref<!tpu.dma_semaphore, #tpu.memory_space<semaphore_mem>>)
      } else {
      }
      %scan3A_1626 = arith.constant 0 : i32
      %scan3A_1627 = arith.constant 0 : i32
      %scan3A_1628 = arith.constant 16 : i32
      %scan3A_1629 = arith.addi %scan3A_1627, %scan3A_1628 : i32
      %scan3A_1630 = arith.constant 1 : i32
      scf.for %scan3A_1696 = %scan3A_1627 to %scan3A_1629 step %scan3A_1630  : i32 {
        %mul3A_1697 = arith.constant 8 : i32
        %mul3A_1698 = arith.muli %mul3A_1697, %scan3A_1696 : i32
        %add3A_1699 = arith.constant 0 : i32
        %add3A_1700 = arith.addi %mul3A_1698, %add3A_1699 : i32
        %get3A_1701 = arith.constant 5 : i32
        %get3A_1702 = arith.index_cast %get3A_1701 : i32 to index
        %get3A_1703 = arith.index_cast %add3A_1700 : i32 to index
        %get3A_1704 = arith.constant 0 : index
        %get3A_1705 = tpu.vector_load %arg6[%get3A_1702, %get3A_1703, %get3A_1704] {strides = array<i32>} : memref<8x128x16xf32, #tpu.memory_space<vmem>>, vector<1x1x16xf32>,
        %get3A_1706 = vector.shape_cast %get3A_1705 : vector<1x1x16xf32> to vector<16xf32>
        %swap3A_1707 = arith.index_cast %add3A_1700 : i32 to index
        %swap3A_1708 = arith.constant 0 : index
        %swap3A_1709 = tpu.vector_load %arg7[%swap3A_1707, %swap3A_1708] {strides = array<i32>} : memref<128x16xf32, #tpu.memory_space<vmem>>, vector<1x16xf32>,
        %swap3A_1710 = vector.shape_cast %swap3A_1709 : vector<1x16xf32> to vector<16xf32>
        %swap3A_1711 = vector.shape_cast %get3A_1706 : vector<16xf32> to vector<1x16xf32>
        tpu.vector_store %arg7[%swap3A_1707, %swap3A_1708], %swap3A_1711 {add = true, strides = array<i32>} : memref<128x16xf32, #tpu.memory_space<vmem>>, vector<1x16xf32>,
        %mul3A_1712 = arith.constant 8 : i32
        %mul3A_1713 = arith.muli %mul3A_1712, %scan3A_1696 : i32
        %add3A_1714 = arith.constant 1 : i32
        %add3A_1715 = arith.addi %mul3A_1713, %add3A_1714 : i32
        %get3A_1716 = arith.constant 5 : i32
        %get3A_1717 = arith.index_cast %get3A_1716 : i32 to index
        %get3A_1718 = arith.index_cast %add3A_1715 : i32 to index
        %get3A_1719 = arith.constant 0 : index
        %get3A_1720 = tpu.vector_load %arg6[%get3A_1717, %get3A_1718, %get3A_1719] {strides = array<i32>} : memref<8x128x16xf32, #tpu.memory_space<vmem>>, vector<1x1x16xf32>,
        %get3A_1721 = vector.shape_cast %get3A_1720 : vector<1x1x16xf32> to vector<16xf32>
        %swap3A_1722 = arith.index_cast %add3A_1715 : i32 to index
        %swap3A_1723 = arith.constant 0 : index
        %swap3A_1724 = tpu.vector_load %arg7[%swap3A_1722, %swap3A_1723] {strides = array<i32>} : memref<128x16xf32, #tpu.memory_space<vmem>>, vector<1x16xf32>,
        %swap3A_1725 = vector.shape_cast %swap3A_1724 : vector<1x16xf32> to vector<16xf32>
        %swap3A_1726 = vector.shape_cast %get3A_1721 : vector<16xf32> to vector<1x16xf32>
        tpu.vector_store %arg7[%swap3A_1722, %swap3A_1723], %swap3A_1726 {add = true, strides = array<i32>} : memref<128x16xf32, #tpu.memory_space<vmem>>, vector<1x16xf32>,
        %mul3A_1727 = arith.constant 8 : i32
        %mul3A_1728 = arith.muli %mul3A_1727, %scan3A_1696 : i32
        %add3A_1729 = arith.constant 2 : i32
        %add3A_1730 = arith.addi %mul3A_1728, %add3A_1729 : i32
        %get3A_1731 = arith.constant 5 : i32
        %get3A_1732 = arith.index_cast %get3A_1731 : i32 to index
        %get3A_1733 = arith.index_cast %add3A_1730 : i32 to index
        %get3A_1734 = arith.constant 0 : index
        %get3A_1735 = tpu.vector_load %arg6[%get3A_1732, %get3A_1733, %get3A_1734] {strides = array<i32>} : memref<8x128x16xf32, #tpu.memory_space<vmem>>, vector<1x1x16xf32>,
        %get3A_1736 = vector.shape_cast %get3A_1735 : vector<1x1x16xf32> to vector<16xf32>
        %swap3A_1737 = arith.index_cast %add3A_1730 : i32 to index
        %swap3A_1738 = arith.constant 0 : index
        %swap3A_1739 = tpu.vector_load %arg7[%swap3A_1737, %swap3A_1738] {strides = array<i32>} : memref<128x16xf32, #tpu.memory_space<vmem>>, vector<1x16xf32>,
        %swap3A_1740 = vector.shape_cast %swap3A_1739 : vector<1x16xf32> to vector<16xf32>
        %swap3A_1741 = vector.shape_cast %get3A_1736 : vector<16xf32> to vector<1x16xf32>
        tpu.vector_store %arg7[%swap3A_1737, %swap3A_1738], %swap3A_1741 {add = true, strides = array<i32>} : memref<128x16xf32, #tpu.memory_space<vmem>>, vector<1x16xf32>,
        %mul3A_1742 = arith.constant 8 : i32
        %mul3A_1743 = arith.muli %mul3A_1742, %scan3A_1696 : i32
        %add3A_1744 = arith.constant 3 : i32
        %add3A_1745 = arith.addi %mul3A_1743, %add3A_1744 : i32
        %get3A_1746 = arith.constant 5 : i32
        %get3A_1747 = arith.index_cast %get3A_1746 : i32 to index
        %get3A_1748 = arith.index_cast %add3A_1745 : i32 to index
        %get3A_1749 = arith.constant 0 : index
        %get3A_1750 = tpu.vector_load %arg6[%get3A_1747, %get3A_1748, %get3A_1749] {strides = array<i32>} : memref<8x128x16xf32, #tpu.memory_space<vmem>>, vector<1x1x16xf32>,
        %get3A_1751 = vector.shape_cast %get3A_1750 : vector<1x1x16xf32> to vector<16xf32>
        %swap3A_1752 = arith.index_cast %add3A_1745 : i32 to index
        %swap3A_1753 = arith.constant 0 : index
        %swap3A_1754 = tpu.vector_load %arg7[%swap3A_1752, %swap3A_1753] {strides = array<i32>} : memref<128x16xf32, #tpu.memory_space<vmem>>, vector<1x16xf32>,
        %swap3A_1755 = vector.shape_cast %swap3A_1754 : vector<1x16xf32> to vector<16xf32>
        %swap3A_1756 = vector.shape_cast %get3A_1751 : vector<16xf32> to vector<1x16xf32>
        tpu.vector_store %arg7[%swap3A_1752, %swap3A_1753], %swap3A_1756 {add = true, strides = array<i32>} : memref<128x16xf32, #tpu.memory_space<vmem>>, vector<1x16xf32>,
        %mul3A_1757 = arith.constant 8 : i32
        %mul3A_1758 = arith.muli %mul3A_1757, %scan3A_1696 : i32
        %add3A_1759 = arith.constant 4 : i32
        %add3A_1760 = arith.addi %mul3A_1758, %add3A_1759 : i32
        %get3A_1761 = arith.constant 5 : i32
        %get3A_1762 = arith.index_cast %get3A_1761 : i32 to index
        %get3A_1763 = arith.index_cast %add3A_1760 : i32 to index
        %get3A_1764 = arith.constant 0 : index
        %get3A_1765 = tpu.vector_load %arg6[%get3A_1762, %get3A_1763, %get3A_1764] {strides = array<i32>} : memref<8x128x16xf32, #tpu.memory_space<vmem>>, vector<1x1x16xf32>,
        %get3A_1766 = vector.shape_cast %get3A_1765 : vector<1x1x16xf32> to vector<16xf32>
        %swap3A_1767 = arith.index_cast %add3A_1760 : i32 to index
        %swap3A_1768 = arith.constant 0 : index
        %swap3A_1769 = tpu.vector_load %arg7[%swap3A_1767, %swap3A_1768] {strides = array<i32>} : memref<128x16xf32, #tpu.memory_space<vmem>>, vector<1x16xf32>,
        %swap3A_1770 = vector.shape_cast %swap3A_1769 : vector<1x16xf32> to vector<16xf32>
        %swap3A_1771 = vector.shape_cast %get3A_1766 : vector<16xf32> to vector<1x16xf32>
        tpu.vector_store %arg7[%swap3A_1767, %swap3A_1768], %swap3A_1771 {add = true, strides = array<i32>} : memref<128x16xf32, #tpu.memory_space<vmem>>, vector<1x16xf32>,
        %mul3A_1772 = arith.constant 8 : i32
        %mul3A_1773 = arith.muli %mul3A_1772, %scan3A_1696 : i32
        %add3A_1774 = arith.constant 5 : i32
        %add3A_1775 = arith.addi %mul3A_1773, %add3A_1774 : i32
        %get3A_1776 = arith.constant 5 : i32
        %get3A_1777 = arith.index_cast %get3A_1776 : i32 to index
        %get3A_1778 = arith.index_cast %add3A_1775 : i32 to index
        %get3A_1779 = arith.constant 0 : index
        %get3A_1780 = tpu.vector_load %arg6[%get3A_1777, %get3A_1778, %get3A_1779] {strides = array<i32>} : memref<8x128x16xf32, #tpu.memory_space<vmem>>, vector<1x1x16xf32>,
        %get3A_1781 = vector.shape_cast %get3A_1780 : vector<1x1x16xf32> to vector<16xf32>
        %swap3A_1782 = arith.index_cast %add3A_1775 : i32 to index
        %swap3A_1783 = arith.constant 0 : index
        %swap3A_1784 = tpu.vector_load %arg7[%swap3A_1782, %swap3A_1783] {strides = array<i32>} : memref<128x16xf32, #tpu.memory_space<vmem>>, vector<1x16xf32>,
        %swap3A_1785 = vector.shape_cast %swap3A_1784 : vector<1x16xf32> to vector<16xf32>
        %swap3A_1786 = vector.shape_cast %get3A_1781 : vector<16xf32> to vector<1x16xf32>
        tpu.vector_store %arg7[%swap3A_1782, %swap3A_1783], %swap3A_1786 {add = true, strides = array<i32>} : memref<128x16xf32, #tpu.memory_space<vmem>>, vector<1x16xf32>,
        %mul3A_1787 = arith.constant 8 : i32
        %mul3A_1788 = arith.muli %mul3A_1787, %scan3A_1696 : i32
        %add3A_1789 = arith.constant 6 : i32
        %add3A_1790 = arith.addi %mul3A_1788, %add3A_1789 : i32
        %get3A_1791 = arith.constant 5 : i32
        %get3A_1792 = arith.index_cast %get3A_1791 : i32 to index
        %get3A_1793 = arith.index_cast %add3A_1790 : i32 to index
        %get3A_1794 = arith.constant 0 : index
        %get3A_1795 = tpu.vector_load %arg6[%get3A_1792, %get3A_1793, %get3A_1794] {strides = array<i32>} : memref<8x128x16xf32, #tpu.memory_space<vmem>>, vector<1x1x16xf32>,
        %get3A_1796 = vector.shape_cast %get3A_1795 : vector<1x1x16xf32> to vector<16xf32>
        %swap3A_1797 = arith.index_cast %add3A_1790 : i32 to index
        %swap3A_1798 = arith.constant 0 : index
        %swap3A_1799 = tpu.vector_load %arg7[%swap3A_1797, %swap3A_1798] {strides = array<i32>} : memref<128x16xf32, #tpu.memory_space<vmem>>, vector<1x16xf32>,
        %swap3A_1800 = vector.shape_cast %swap3A_1799 : vector<1x16xf32> to vector<16xf32>
        %swap3A_1801 = vector.shape_cast %get3A_1796 : vector<16xf32> to vector<1x16xf32>
        tpu.vector_store %arg7[%swap3A_1797, %swap3A_1798], %swap3A_1801 {add = true, strides = array<i32>} : memref<128x16xf32, #tpu.memory_space<vmem>>, vector<1x16xf32>,
        %mul3A_1802 = arith.constant 8 : i32
        %mul3A_1803 = arith.muli %mul3A_1802, %scan3A_1696 : i32
        %add3A_1804 = arith.constant 7 : i32
        %add3A_1805 = arith.addi %mul3A_1803, %add3A_1804 : i32
        %get3A_1806 = arith.constant 5 : i32
        %get3A_1807 = arith.index_cast %get3A_1806 : i32 to index
        %get3A_1808 = arith.index_cast %add3A_1805 : i32 to index
        %get3A_1809 = arith.constant 0 : index
        %get3A_1810 = tpu.vector_load %arg6[%get3A_1807, %get3A_1808, %get3A_1809] {strides = array<i32>} : memref<8x128x16xf32, #tpu.memory_space<vmem>>, vector<1x1x16xf32>,
        %get3A_1811 = vector.shape_cast %get3A_1810 : vector<1x1x16xf32> to vector<16xf32>
        %swap3A_1812 = arith.index_cast %add3A_1805 : i32 to index
        %swap3A_1813 = arith.constant 0 : index
        %swap3A_1814 = tpu.vector_load %arg7[%swap3A_1812, %swap3A_1813] {strides = array<i32>} : memref<128x16xf32, #tpu.memory_space<vmem>>, vector<1x16xf32>,
        %swap3A_1815 = vector.shape_cast %swap3A_1814 : vector<1x16xf32> to vector<16xf32>
        %swap3A_1816 = vector.shape_cast %get3A_1811 : vector<16xf32> to vector<1x16xf32>
        tpu.vector_store %arg7[%swap3A_1812, %swap3A_1813], %swap3A_1816 {add = true, strides = array<i32>} : memref<128x16xf32, #tpu.memory_space<vmem>>, vector<1x16xf32>,
      }
      %scan3A_1631 = arith.constant 16 : i32
      %mul3A_1632 = arith.constant 8 : i32
      %mul3A_1633 = arith.muli %mul3A_1632, %scan3A_1443 : i32
      %add3A_1634 = arith.constant 6 : i32
      %add3A_1635 = arith.addi %mul3A_1633, %add3A_1634 : i32
      %dma_wait3A_1636 = arith.constant 0 : i32
      %dma_wait3A_1637 = arith.constant 6 : i32
      %dma_wait3A_1638 = arith.constant 6 : i32
      %dma_wait3A_1639 = arith.constant 0 : i32
      %dma_wait3A_1640 = arith.constant 0 : i32
      %dma_wait3A_1641 = tpu.memref_slice %arg6[%dma_wait3A_1637, %dma_wait3A_1639, %dma_wait3A_1640] : memref<8x128x16xf32, #tpu.memory_space<vmem>> -> memref<1x128x16xf32, #tpu.memory_space<vmem>>
      %dma_wait3A_1642 = tpu.memref_squeeze %dma_wait3A_1641 : memref<1x128x16xf32, #tpu.memory_space<vmem>> -> memref<128x16xf32, #tpu.memory_space<vmem>>
      %dma_wait3A_1643 = arith.constant 0 : i32
      %dma_wait3A_1644 = tpu.memref_slice %arg5[%dma_wait3A_1636, %dma_wait3A_1643] : memref<200x128xi32, #tpu.memory_space<vmem>> -> memref<1x128xi32, #tpu.memory_space<vmem>>
      %dma_wait3A_1645 = tpu.memref_squeeze %dma_wait3A_1644 : memref<1x128xi32, #tpu.memory_space<vmem>> -> memref<128xi32, #tpu.memory_space<vmem>>
      %dma_wait3A_1646 = arith.constant 0 : i32
      %dma_wait3A_1647 = arith.constant 0 : i32
      %dma_wait3A_1648 = tpu.memref_slice %arg3[%dma_wait3A_1646, %dma_wait3A_1647] : memref<1015808x16xf32, #tpu.memory_space<hbm>> -> memref<1015808x16xf32, #tpu.memory_space<hbm>>
      %dma_wait3A_1649 = tpu.memref_slice %arg8[%dma_wait3A_1638] : memref<8x!tpu.dma_semaphore, #tpu.memory_space<semaphore_mem>> -> memref<1x!tpu.dma_semaphore, #tpu.memory_space<semaphore_mem>>
      %dma_wait3A_1650 = tpu.memref_squeeze %dma_wait3A_1649 : memref<1x!tpu.dma_semaphore, #tpu.memory_space<semaphore_mem>> -> memref<!tpu.dma_semaphore, #tpu.memory_space<semaphore_mem>>
      tpu.wait_indirect_dma semaphore(%dma_wait3A_1650 : memref<!tpu.dma_semaphore, #tpu.memory_space<semaphore_mem>>) src(%dma_wait3A_1648 : memref<1015808x16xf32, #tpu.memory_space<hbm>>) dst(%dma_wait3A_1642 : memref<128x16xf32, #tpu.memory_space<vmem>>)
      %add3A_1651 = arith.constant 6 : i32
      %add3A_1652 = arith.addi %add3A_1635, %add3A_1651 : i32
      %lt3A_1653 = arith.constant 200 : i32
      %lt3A_1654 = arith.cmpi slt, %add3A_1652, %lt3A_1653 : i32
      %convert_element_type3A_1655 = arith.extui %lt3A_1654 : i1 to i32
      %cond3A_1656 = arith.constant 0 : i32
      %cond3A_1657 = arith.cmpi ne, %convert_element_type3A_1655, %cond3A_1656 : i32
      scf.if %cond3A_1657 {
        %add3A_1696 = arith.constant 6 : i32
        %add3A_1697 = arith.addi %add3A_1635, %add3A_1696 : i32
        %get3A_1698 = arith.index_cast %add3A_1697 : i32 to index
        %get3A_1699 = arith.constant 0 : index
        %get3A_1700 = tpu.vector_load %arg5[%get3A_1698, %get3A_1699] {strides = array<i32>} : memref<200x128xi32, #tpu.memory_space<vmem>>, vector<1x16xi32>,
        %get3A_1701 = vector.shape_cast %get3A_1700 : vector<1x16xi32> to vector<16xi32>
        %and3A_1702 = arith.constant -32768 : i32
        %and3A_1703 = vector.broadcast %and3A_1702 : i32 to vector<16xi32>
        %and3A_1704 = arith.andi %get3A_1701, %and3A_1703 : vector<16xi32>
        %and3A_1705 = arith.constant 4095 : i32
        %and3A_1706 = vector.broadcast %and3A_1705 : i32 to vector<16xi32>
        %and3A_1707 = arith.andi %get3A_1701, %and3A_1706 : vector<16xi32>
        %shift_left3A_1708 = arith.constant 3 : i32
        %shift_left3A_1709 = vector.broadcast %shift_left3A_1708 : i32 to vector<16xi32>
        %shift_left3A_1710 = arith.shli %and3A_1707, %shift_left3A_1709 : vector<16xi32>
        %add3A_1711 = arith.addi %and3A_1704, %shift_left3A_1710 : vector<16xi32>
        %shift_right_arithmetic3A_1712 = arith.constant 12 : i32
        %shift_right_arithmetic3A_1713 = vector.broadcast %shift_right_arithmetic3A_1712 : i32 to vector<16xi32>
        %shift_right_arithmetic3A_1714 = arith.shrsi %get3A_1701, %shift_right_arithmetic3A_1713 : vector<16xi32>
        %and3A_1715 = arith.constant 7 : i32
        %and3A_1716 = vector.broadcast %and3A_1715 : i32 to vector<16xi32>
        %and3A_1717 = arith.andi %shift_right_arithmetic3A_1714, %and3A_1716 : vector<16xi32>
        %add3A_1718 = arith.addi %add3A_1711, %and3A_1717 : vector<16xi32>
        %swap3A_1719 = arith.index_cast %add3A_1697 : i32 to index
        %swap3A_1720 = arith.constant 0 : index
        %swap3A_1721 = tpu.vector_load %arg5[%swap3A_1719, %swap3A_1720] {strides = array<i32>} : memref<200x128xi32, #tpu.memory_space<vmem>>, vector<1x16xi32>,
        %swap3A_1722 = vector.shape_cast %swap3A_1721 : vector<1x16xi32> to vector<16xi32>
        %swap3A_1723 = vector.shape_cast %add3A_1718 : vector<16xi32> to vector<1x16xi32>
        tpu.vector_store %arg5[%swap3A_1719, %swap3A_1720], %swap3A_1723 {strides = array<i32>} : memref<200x128xi32, #tpu.memory_space<vmem>>, vector<1x16xi32>,
        %get3A_1724 = arith.index_cast %add3A_1697 : i32 to index
        %get3A_1725 = arith.constant 16 : index
        %get3A_1726 = tpu.vector_load %arg5[%get3A_1724, %get3A_1725] {strides = array<i32>} : memref<200x128xi32, #tpu.memory_space<vmem>>, vector<1x16xi32>,
        %get3A_1727 = vector.shape_cast %get3A_1726 : vector<1x16xi32> to vector<16xi32>
        %and3A_1728 = arith.constant -32768 : i32
        %and3A_1729 = vector.broadcast %and3A_1728 : i32 to vector<16xi32>
        %and3A_1730 = arith.andi %get3A_1727, %and3A_1729 : vector<16xi32>
        %and3A_1731 = arith.constant 4095 : i32
        %and3A_1732 = vector.broadcast %and3A_1731 : i32 to vector<16xi32>
        %and3A_1733 = arith.andi %get3A_1727, %and3A_1732 : vector<16xi32>
        %shift_left3A_1734 = arith.constant 3 : i32
        %shift_left3A_1735 = vector.broadcast %shift_left3A_1734 : i32 to vector<16xi32>
        %shift_left3A_1736 = arith.shli %and3A_1733, %shift_left3A_1735 : vector<16xi32>
        %add3A_1737 = arith.addi %and3A_1730, %shift_left3A_1736 : vector<16xi32>
        %shift_right_arithmetic3A_1738 = arith.constant 12 : i32
        %shift_right_arithmetic3A_1739 = vector.broadcast %shift_right_arithmetic3A_1738 : i32 to vector<16xi32>
        %shift_right_arithmetic3A_1740 = arith.shrsi %get3A_1727, %shift_right_arithmetic3A_1739 : vector<16xi32>
        %and3A_1741 = arith.constant 7 : i32
        %and3A_1742 = vector.broadcast %and3A_1741 : i32 to vector<16xi32>
        %and3A_1743 = arith.andi %shift_right_arithmetic3A_1740, %and3A_1742 : vector<16xi32>
        %add3A_1744 = arith.addi %add3A_1737, %and3A_1743 : vector<16xi32>
        %swap3A_1745 = arith.index_cast %add3A_1697 : i32 to index
        %swap3A_1746 = arith.constant 16 : index
        %swap3A_1747 = tpu.vector_load %arg5[%swap3A_1745, %swap3A_1746] {strides = array<i32>} : memref<200x128xi32, #tpu.memory_space<vmem>>, vector<1x16xi32>,
        %swap3A_1748 = vector.shape_cast %swap3A_1747 : vector<1x16xi32> to vector<16xi32>
        %swap3A_1749 = vector.shape_cast %add3A_1744 : vector<16xi32> to vector<1x16xi32>
        tpu.vector_store %arg5[%swap3A_1745, %swap3A_1746], %swap3A_1749 {strides = array<i32>} : memref<200x128xi32, #tpu.memory_space<vmem>>, vector<1x16xi32>,
        %get3A_1750 = arith.index_cast %add3A_1697 : i32 to index
        %get3A_1751 = arith.constant 32 : index
        %get3A_1752 = tpu.vector_load %arg5[%get3A_1750, %get3A_1751] {strides = array<i32>} : memref<200x128xi32, #tpu.memory_space<vmem>>, vector<1x16xi32>,
        %get3A_1753 = vector.shape_cast %get3A_1752 : vector<1x16xi32> to vector<16xi32>
        %and3A_1754 = arith.constant -32768 : i32
        %and3A_1755 = vector.broadcast %and3A_1754 : i32 to vector<16xi32>
        %and3A_1756 = arith.andi %get3A_1753, %and3A_1755 : vector<16xi32>
        %and3A_1757 = arith.constant 4095 : i32
        %and3A_1758 = vector.broadcast %and3A_1757 : i32 to vector<16xi32>
        %and3A_1759 = arith.andi %get3A_1753, %and3A_1758 : vector<16xi32>
        %shift_left3A_1760 = arith.constant 3 : i32
        %shift_left3A_1761 = vector.broadcast %shift_left3A_1760 : i32 to vector<16xi32>
        %shift_left3A_1762 = arith.shli %and3A_1759, %shift_left3A_1761 : vector<16xi32>
        %add3A_1763 = arith.addi %and3A_1756, %shift_left3A_1762 : vector<16xi32>
        %shift_right_arithmetic3A_1764 = arith.constant 12 : i32
        %shift_right_arithmetic3A_1765 = vector.broadcast %shift_right_arithmetic3A_1764 : i32 to vector<16xi32>
        %shift_right_arithmetic3A_1766 = arith.shrsi %get3A_1753, %shift_right_arithmetic3A_1765 : vector<16xi32>
        %and3A_1767 = arith.constant 7 : i32
        %and3A_1768 = vector.broadcast %and3A_1767 : i32 to vector<16xi32>
        %and3A_1769 = arith.andi %shift_right_arithmetic3A_1766, %and3A_1768 : vector<16xi32>
        %add3A_1770 = arith.addi %add3A_1763, %and3A_1769 : vector<16xi32>
        %swap3A_1771 = arith.index_cast %add3A_1697 : i32 to index
        %swap3A_1772 = arith.constant 32 : index
        %swap3A_1773 = tpu.vector_load %arg5[%swap3A_1771, %swap3A_1772] {strides = array<i32>} : memref<200x128xi32, #tpu.memory_space<vmem>>, vector<1x16xi32>,
        %swap3A_1774 = vector.shape_cast %swap3A_1773 : vector<1x16xi32> to vector<16xi32>
        %swap3A_1775 = vector.shape_cast %add3A_1770 : vector<16xi32> to vector<1x16xi32>
        tpu.vector_store %arg5[%swap3A_1771, %swap3A_1772], %swap3A_1775 {strides = array<i32>} : memref<200x128xi32, #tpu.memory_space<vmem>>, vector<1x16xi32>,
        %get3A_1776 = arith.index_cast %add3A_1697 : i32 to index
        %get3A_1777 = arith.constant 48 : index
        %get3A_1778 = tpu.vector_load %arg5[%get3A_1776, %get3A_1777] {strides = array<i32>} : memref<200x128xi32, #tpu.memory_space<vmem>>, vector<1x16xi32>,
        %get3A_1779 = vector.shape_cast %get3A_1778 : vector<1x16xi32> to vector<16xi32>
        %and3A_1780 = arith.constant -32768 : i32
        %and3A_1781 = vector.broadcast %and3A_1780 : i32 to vector<16xi32>
        %and3A_1782 = arith.andi %get3A_1779, %and3A_1781 : vector<16xi32>
        %and3A_1783 = arith.constant 4095 : i32
        %and3A_1784 = vector.broadcast %and3A_1783 : i32 to vector<16xi32>
        %and3A_1785 = arith.andi %get3A_1779, %and3A_1784 : vector<16xi32>
        %shift_left3A_1786 = arith.constant 3 : i32
        %shift_left3A_1787 = vector.broadcast %shift_left3A_1786 : i32 to vector<16xi32>
        %shift_left3A_1788 = arith.shli %and3A_1785, %shift_left3A_1787 : vector<16xi32>
        %add3A_1789 = arith.addi %and3A_1782, %shift_left3A_1788 : vector<16xi32>
        %shift_right_arithmetic3A_1790 = arith.constant 12 : i32
        %shift_right_arithmetic3A_1791 = vector.broadcast %shift_right_arithmetic3A_1790 : i32 to vector<16xi32>
        %shift_right_arithmetic3A_1792 = arith.shrsi %get3A_1779, %shift_right_arithmetic3A_1791 : vector<16xi32>
        %and3A_1793 = arith.constant 7 : i32
        %and3A_1794 = vector.broadcast %and3A_1793 : i32 to vector<16xi32>
        %and3A_1795 = arith.andi %shift_right_arithmetic3A_1792, %and3A_1794 : vector<16xi32>
        %add3A_1796 = arith.addi %add3A_1789, %and3A_1795 : vector<16xi32>
        %swap3A_1797 = arith.index_cast %add3A_1697 : i32 to index
        %swap3A_1798 = arith.constant 48 : index
        %swap3A_1799 = tpu.vector_load %arg5[%swap3A_1797, %swap3A_1798] {strides = array<i32>} : memref<200x128xi32, #tpu.memory_space<vmem>>, vector<1x16xi32>,
        %swap3A_1800 = vector.shape_cast %swap3A_1799 : vector<1x16xi32> to vector<16xi32>
        %swap3A_1801 = vector.shape_cast %add3A_1796 : vector<16xi32> to vector<1x16xi32>
        tpu.vector_store %arg5[%swap3A_1797, %swap3A_1798], %swap3A_1801 {strides = array<i32>} : memref<200x128xi32, #tpu.memory_space<vmem>>, vector<1x16xi32>,
        %get3A_1802 = arith.index_cast %add3A_1697 : i32 to index
        %get3A_1803 = arith.constant 64 : index
        %get3A_1804 = tpu.vector_load %arg5[%get3A_1802, %get3A_1803] {strides = array<i32>} : memref<200x128xi32, #tpu.memory_space<vmem>>, vector<1x16xi32>,
        %get3A_1805 = vector.shape_cast %get3A_1804 : vector<1x16xi32> to vector<16xi32>
        %and3A_1806 = arith.constant -32768 : i32
        %and3A_1807 = vector.broadcast %and3A_1806 : i32 to vector<16xi32>
        %and3A_1808 = arith.andi %get3A_1805, %and3A_1807 : vector<16xi32>
        %and3A_1809 = arith.constant 4095 : i32
        %and3A_1810 = vector.broadcast %and3A_1809 : i32 to vector<16xi32>
        %and3A_1811 = arith.andi %get3A_1805, %and3A_1810 : vector<16xi32>
        %shift_left3A_1812 = arith.constant 3 : i32
        %shift_left3A_1813 = vector.broadcast %shift_left3A_1812 : i32 to vector<16xi32>
        %shift_left3A_1814 = arith.shli %and3A_1811, %shift_left3A_1813 : vector<16xi32>
        %add3A_1815 = arith.addi %and3A_1808, %shift_left3A_1814 : vector<16xi32>
        %shift_right_arithmetic3A_1816 = arith.constant 12 : i32
        %shift_right_arithmetic3A_1817 = vector.broadcast %shift_right_arithmetic3A_1816 : i32 to vector<16xi32>
        %shift_right_arithmetic3A_1818 = arith.shrsi %get3A_1805, %shift_right_arithmetic3A_1817 : vector<16xi32>
        %and3A_1819 = arith.constant 7 : i32
        %and3A_1820 = vector.broadcast %and3A_1819 : i32 to vector<16xi32>
        %and3A_1821 = arith.andi %shift_right_arithmetic3A_1818, %and3A_1820 : vector<16xi32>
        %add3A_1822 = arith.addi %add3A_1815, %and3A_1821 : vector<16xi32>
        %swap3A_1823 = arith.index_cast %add3A_1697 : i32 to index
        %swap3A_1824 = arith.constant 64 : index
        %swap3A_1825 = tpu.vector_load %arg5[%swap3A_1823, %swap3A_1824] {strides = array<i32>} : memref<200x128xi32, #tpu.memory_space<vmem>>, vector<1x16xi32>,
        %swap3A_1826 = vector.shape_cast %swap3A_1825 : vector<1x16xi32> to vector<16xi32>
        %swap3A_1827 = vector.shape_cast %add3A_1822 : vector<16xi32> to vector<1x16xi32>
        tpu.vector_store %arg5[%swap3A_1823, %swap3A_1824], %swap3A_1827 {strides = array<i32>} : memref<200x128xi32, #tpu.memory_space<vmem>>, vector<1x16xi32>,
        %get3A_1828 = arith.index_cast %add3A_1697 : i32 to index
        %get3A_1829 = arith.constant 80 : index
        %get3A_1830 = tpu.vector_load %arg5[%get3A_1828, %get3A_1829] {strides = array<i32>} : memref<200x128xi32, #tpu.memory_space<vmem>>, vector<1x16xi32>,
        %get3A_1831 = vector.shape_cast %get3A_1830 : vector<1x16xi32> to vector<16xi32>
        %and3A_1832 = arith.constant -32768 : i32
        %and3A_1833 = vector.broadcast %and3A_1832 : i32 to vector<16xi32>
        %and3A_1834 = arith.andi %get3A_1831, %and3A_1833 : vector<16xi32>
        %and3A_1835 = arith.constant 4095 : i32
        %and3A_1836 = vector.broadcast %and3A_1835 : i32 to vector<16xi32>
        %and3A_1837 = arith.andi %get3A_1831, %and3A_1836 : vector<16xi32>
        %shift_left3A_1838 = arith.constant 3 : i32
        %shift_left3A_1839 = vector.broadcast %shift_left3A_1838 : i32 to vector<16xi32>
        %shift_left3A_1840 = arith.shli %and3A_1837, %shift_left3A_1839 : vector<16xi32>
        %add3A_1841 = arith.addi %and3A_1834, %shift_left3A_1840 : vector<16xi32>
        %shift_right_arithmetic3A_1842 = arith.constant 12 : i32
        %shift_right_arithmetic3A_1843 = vector.broadcast %shift_right_arithmetic3A_1842 : i32 to vector<16xi32>
        %shift_right_arithmetic3A_1844 = arith.shrsi %get3A_1831, %shift_right_arithmetic3A_1843 : vector<16xi32>
        %and3A_1845 = arith.constant 7 : i32
        %and3A_1846 = vector.broadcast %and3A_1845 : i32 to vector<16xi32>
        %and3A_1847 = arith.andi %shift_right_arithmetic3A_1844, %and3A_1846 : vector<16xi32>
        %add3A_1848 = arith.addi %add3A_1841, %and3A_1847 : vector<16xi32>
        %swap3A_1849 = arith.index_cast %add3A_1697 : i32 to index
        %swap3A_1850 = arith.constant 80 : index
        %swap3A_1851 = tpu.vector_load %arg5[%swap3A_1849, %swap3A_1850] {strides = array<i32>} : memref<200x128xi32, #tpu.memory_space<vmem>>, vector<1x16xi32>,
        %swap3A_1852 = vector.shape_cast %swap3A_1851 : vector<1x16xi32> to vector<16xi32>
        %swap3A_1853 = vector.shape_cast %add3A_1848 : vector<16xi32> to vector<1x16xi32>
        tpu.vector_store %arg5[%swap3A_1849, %swap3A_1850], %swap3A_1853 {strides = array<i32>} : memref<200x128xi32, #tpu.memory_space<vmem>>, vector<1x16xi32>,
        %get3A_1854 = arith.index_cast %add3A_1697 : i32 to index
        %get3A_1855 = arith.constant 96 : index
        %get3A_1856 = tpu.vector_load %arg5[%get3A_1854, %get3A_1855] {strides = array<i32>} : memref<200x128xi32, #tpu.memory_space<vmem>>, vector<1x16xi32>,
        %get3A_1857 = vector.shape_cast %get3A_1856 : vector<1x16xi32> to vector<16xi32>
        %and3A_1858 = arith.constant -32768 : i32
        %and3A_1859 = vector.broadcast %and3A_1858 : i32 to vector<16xi32>
        %and3A_1860 = arith.andi %get3A_1857, %and3A_1859 : vector<16xi32>
        %and3A_1861 = arith.constant 4095 : i32
        %and3A_1862 = vector.broadcast %and3A_1861 : i32 to vector<16xi32>
        %and3A_1863 = arith.andi %get3A_1857, %and3A_1862 : vector<16xi32>
        %shift_left3A_1864 = arith.constant 3 : i32
        %shift_left3A_1865 = vector.broadcast %shift_left3A_1864 : i32 to vector<16xi32>
        %shift_left3A_1866 = arith.shli %and3A_1863, %shift_left3A_1865 : vector<16xi32>
        %add3A_1867 = arith.addi %and3A_1860, %shift_left3A_1866 : vector<16xi32>
        %shift_right_arithmetic3A_1868 = arith.constant 12 : i32
        %shift_right_arithmetic3A_1869 = vector.broadcast %shift_right_arithmetic3A_1868 : i32 to vector<16xi32>
        %shift_right_arithmetic3A_1870 = arith.shrsi %get3A_1857, %shift_right_arithmetic3A_1869 : vector<16xi32>
        %and3A_1871 = arith.constant 7 : i32
        %and3A_1872 = vector.broadcast %and3A_1871 : i32 to vector<16xi32>
        %and3A_1873 = arith.andi %shift_right_arithmetic3A_1870, %and3A_1872 : vector<16xi32>
        %add3A_1874 = arith.addi %add3A_1867, %and3A_1873 : vector<16xi32>
        %swap3A_1875 = arith.index_cast %add3A_1697 : i32 to index
        %swap3A_1876 = arith.constant 96 : index
        %swap3A_1877 = tpu.vector_load %arg5[%swap3A_1875, %swap3A_1876] {strides = array<i32>} : memref<200x128xi32, #tpu.memory_space<vmem>>, vector<1x16xi32>,
        %swap3A_1878 = vector.shape_cast %swap3A_1877 : vector<1x16xi32> to vector<16xi32>
        %swap3A_1879 = vector.shape_cast %add3A_1874 : vector<16xi32> to vector<1x16xi32>
        tpu.vector_store %arg5[%swap3A_1875, %swap3A_1876], %swap3A_1879 {strides = array<i32>} : memref<200x128xi32, #tpu.memory_space<vmem>>, vector<1x16xi32>,
        %get3A_1880 = arith.index_cast %add3A_1697 : i32 to index
        %get3A_1881 = arith.constant 112 : index
        %get3A_1882 = tpu.vector_load %arg5[%get3A_1880, %get3A_1881] {strides = array<i32>} : memref<200x128xi32, #tpu.memory_space<vmem>>, vector<1x16xi32>,
        %get3A_1883 = vector.shape_cast %get3A_1882 : vector<1x16xi32> to vector<16xi32>
        %and3A_1884 = arith.constant -32768 : i32
        %and3A_1885 = vector.broadcast %and3A_1884 : i32 to vector<16xi32>
        %and3A_1886 = arith.andi %get3A_1883, %and3A_1885 : vector<16xi32>
        %and3A_1887 = arith.constant 4095 : i32
        %and3A_1888 = vector.broadcast %and3A_1887 : i32 to vector<16xi32>
        %and3A_1889 = arith.andi %get3A_1883, %and3A_1888 : vector<16xi32>
        %shift_left3A_1890 = arith.constant 3 : i32
        %shift_left3A_1891 = vector.broadcast %shift_left3A_1890 : i32 to vector<16xi32>
        %shift_left3A_1892 = arith.shli %and3A_1889, %shift_left3A_1891 : vector<16xi32>
        %add3A_1893 = arith.addi %and3A_1886, %shift_left3A_1892 : vector<16xi32>
        %shift_right_arithmetic3A_1894 = arith.constant 12 : i32
        %shift_right_arithmetic3A_1895 = vector.broadcast %shift_right_arithmetic3A_1894 : i32 to vector<16xi32>
        %shift_right_arithmetic3A_1896 = arith.shrsi %get3A_1883, %shift_right_arithmetic3A_1895 : vector<16xi32>
        %and3A_1897 = arith.constant 7 : i32
        %and3A_1898 = vector.broadcast %and3A_1897 : i32 to vector<16xi32>
        %and3A_1899 = arith.andi %shift_right_arithmetic3A_1896, %and3A_1898 : vector<16xi32>
        %add3A_1900 = arith.addi %add3A_1893, %and3A_1899 : vector<16xi32>
        %swap3A_1901 = arith.index_cast %add3A_1697 : i32 to index
        %swap3A_1902 = arith.constant 112 : index
        %swap3A_1903 = tpu.vector_load %arg5[%swap3A_1901, %swap3A_1902] {strides = array<i32>} : memref<200x128xi32, #tpu.memory_space<vmem>>, vector<1x16xi32>,
        %swap3A_1904 = vector.shape_cast %swap3A_1903 : vector<1x16xi32> to vector<16xi32>
        %swap3A_1905 = vector.shape_cast %add3A_1900 : vector<16xi32> to vector<1x16xi32>
        tpu.vector_store %arg5[%swap3A_1901, %swap3A_1902], %swap3A_1905 {strides = array<i32>} : memref<200x128xi32, #tpu.memory_space<vmem>>, vector<1x16xi32>,
        %add3A_1906 = arith.constant 6 : i32
        %add3A_1907 = arith.addi %add3A_1635, %add3A_1906 : i32
        %dma_start3A_1908 = arith.constant 4 : i32
        %dma_start3A_1909 = arith.constant 4 : i32
        %dma_start3A_1910 = arith.constant 0 : i32
        %dma_start3A_1911 = arith.constant 0 : i32
        %dma_start3A_1912 = tpu.memref_slice %arg6[%dma_start3A_1908, %dma_start3A_1910, %dma_start3A_1911] : memref<8x128x16xf32, #tpu.memory_space<vmem>> -> memref<1x128x16xf32, #tpu.memory_space<vmem>>
        %dma_start3A_1913 = tpu.memref_squeeze %dma_start3A_1912 : memref<1x128x16xf32, #tpu.memory_space<vmem>> -> memref<128x16xf32, #tpu.memory_space<vmem>>
        %dma_start3A_1914 = arith.constant 0 : i32
        %dma_start3A_1915 = tpu.memref_slice %arg5[%add3A_1907, %dma_start3A_1914] : memref<200x128xi32, #tpu.memory_space<vmem>> -> memref<1x128xi32, #tpu.memory_space<vmem>>
        %dma_start3A_1916 = tpu.memref_squeeze %dma_start3A_1915 : memref<1x128xi32, #tpu.memory_space<vmem>> -> memref<128xi32, #tpu.memory_space<vmem>>
        %dma_start3A_1917 = arith.constant 0 : i32
        %dma_start3A_1918 = arith.constant 0 : i32
        %dma_start3A_1919 = tpu.memref_slice %arg3[%dma_start3A_1917, %dma_start3A_1918] : memref<1015808x16xf32, #tpu.memory_space<hbm>> -> memref<1015808x16xf32, #tpu.memory_space<hbm>>
        %dma_start3A_1920 = tpu.memref_slice %arg8[%dma_start3A_1909] : memref<8x!tpu.dma_semaphore, #tpu.memory_space<semaphore_mem>> -> memref<1x!tpu.dma_semaphore, #tpu.memory_space<semaphore_mem>>
        %dma_start3A_1921 = tpu.memref_squeeze %dma_start3A_1920 : memref<1x!tpu.dma_semaphore, #tpu.memory_space<semaphore_mem>> -> memref<!tpu.dma_semaphore, #tpu.memory_space<semaphore_mem>>
        tpu.enqueue_indirect_dma source(%dma_start3A_1919 : memref<1015808x16xf32, #tpu.memory_space<hbm>>) target(%dma_start3A_1913 : memref<128x16xf32, #tpu.memory_space<vmem>>) offsets(%dma_start3A_1916 : memref<128xi32, #tpu.memory_space<vmem>>) semaphore(%dma_start3A_1921 : memref<!tpu.dma_semaphore, #tpu.memory_space<semaphore_mem>>)
      } else {
      }
      %scan3A_1658 = arith.constant 0 : i32
      %scan3A_1659 = arith.constant 0 : i32
      %scan3A_1660 = arith.constant 16 : i32
      %scan3A_1661 = arith.addi %scan3A_1659, %scan3A_1660 : i32
      %scan3A_1662 = arith.constant 1 : i32
      scf.for %scan3A_1696 = %scan3A_1659 to %scan3A_1661 step %scan3A_1662  : i32 {
        %mul3A_1697 = arith.constant 8 : i32
        %mul3A_1698 = arith.muli %mul3A_1697, %scan3A_1696 : i32
        %add3A_1699 = arith.constant 0 : i32
        %add3A_1700 = arith.addi %mul3A_1698, %add3A_1699 : i32
        %get3A_1701 = arith.constant 6 : i32
        %get3A_1702 = arith.index_cast %get3A_1701 : i32 to index
        %get3A_1703 = arith.index_cast %add3A_1700 : i32 to index
        %get3A_1704 = arith.constant 0 : index
        %get3A_1705 = tpu.vector_load %arg6[%get3A_1702, %get3A_1703, %get3A_1704] {strides = array<i32>} : memref<8x128x16xf32, #tpu.memory_space<vmem>>, vector<1x1x16xf32>,
        %get3A_1706 = vector.shape_cast %get3A_1705 : vector<1x1x16xf32> to vector<16xf32>
        %swap3A_1707 = arith.index_cast %add3A_1700 : i32 to index
        %swap3A_1708 = arith.constant 0 : index
        %swap3A_1709 = tpu.vector_load %arg7[%swap3A_1707, %swap3A_1708] {strides = array<i32>} : memref<128x16xf32, #tpu.memory_space<vmem>>, vector<1x16xf32>,
        %swap3A_1710 = vector.shape_cast %swap3A_1709 : vector<1x16xf32> to vector<16xf32>
        %swap3A_1711 = vector.shape_cast %get3A_1706 : vector<16xf32> to vector<1x16xf32>
        tpu.vector_store %arg7[%swap3A_1707, %swap3A_1708], %swap3A_1711 {add = true, strides = array<i32>} : memref<128x16xf32, #tpu.memory_space<vmem>>, vector<1x16xf32>,
        %mul3A_1712 = arith.constant 8 : i32
        %mul3A_1713 = arith.muli %mul3A_1712, %scan3A_1696 : i32
        %add3A_1714 = arith.constant 1 : i32
        %add3A_1715 = arith.addi %mul3A_1713, %add3A_1714 : i32
        %get3A_1716 = arith.constant 6 : i32
        %get3A_1717 = arith.index_cast %get3A_1716 : i32 to index
        %get3A_1718 = arith.index_cast %add3A_1715 : i32 to index
        %get3A_1719 = arith.constant 0 : index
        %get3A_1720 = tpu.vector_load %arg6[%get3A_1717, %get3A_1718, %get3A_1719] {strides = array<i32>} : memref<8x128x16xf32, #tpu.memory_space<vmem>>, vector<1x1x16xf32>,
        %get3A_1721 = vector.shape_cast %get3A_1720 : vector<1x1x16xf32> to vector<16xf32>
        %swap3A_1722 = arith.index_cast %add3A_1715 : i32 to index
        %swap3A_1723 = arith.constant 0 : index
        %swap3A_1724 = tpu.vector_load %arg7[%swap3A_1722, %swap3A_1723] {strides = array<i32>} : memref<128x16xf32, #tpu.memory_space<vmem>>, vector<1x16xf32>,
        %swap3A_1725 = vector.shape_cast %swap3A_1724 : vector<1x16xf32> to vector<16xf32>
        %swap3A_1726 = vector.shape_cast %get3A_1721 : vector<16xf32> to vector<1x16xf32>
        tpu.vector_store %arg7[%swap3A_1722, %swap3A_1723], %swap3A_1726 {add = true, strides = array<i32>} : memref<128x16xf32, #tpu.memory_space<vmem>>, vector<1x16xf32>,
        %mul3A_1727 = arith.constant 8 : i32
        %mul3A_1728 = arith.muli %mul3A_1727, %scan3A_1696 : i32
        %add3A_1729 = arith.constant 2 : i32
        %add3A_1730 = arith.addi %mul3A_1728, %add3A_1729 : i32
        %get3A_1731 = arith.constant 6 : i32
        %get3A_1732 = arith.index_cast %get3A_1731 : i32 to index
        %get3A_1733 = arith.index_cast %add3A_1730 : i32 to index
        %get3A_1734 = arith.constant 0 : index
        %get3A_1735 = tpu.vector_load %arg6[%get3A_1732, %get3A_1733, %get3A_1734] {strides = array<i32>} : memref<8x128x16xf32, #tpu.memory_space<vmem>>, vector<1x1x16xf32>,
        %get3A_1736 = vector.shape_cast %get3A_1735 : vector<1x1x16xf32> to vector<16xf32>
        %swap3A_1737 = arith.index_cast %add3A_1730 : i32 to index
        %swap3A_1738 = arith.constant 0 : index
        %swap3A_1739 = tpu.vector_load %arg7[%swap3A_1737, %swap3A_1738] {strides = array<i32>} : memref<128x16xf32, #tpu.memory_space<vmem>>, vector<1x16xf32>,
        %swap3A_1740 = vector.shape_cast %swap3A_1739 : vector<1x16xf32> to vector<16xf32>
        %swap3A_1741 = vector.shape_cast %get3A_1736 : vector<16xf32> to vector<1x16xf32>
        tpu.vector_store %arg7[%swap3A_1737, %swap3A_1738], %swap3A_1741 {add = true, strides = array<i32>} : memref<128x16xf32, #tpu.memory_space<vmem>>, vector<1x16xf32>,
        %mul3A_1742 = arith.constant 8 : i32
        %mul3A_1743 = arith.muli %mul3A_1742, %scan3A_1696 : i32
        %add3A_1744 = arith.constant 3 : i32
        %add3A_1745 = arith.addi %mul3A_1743, %add3A_1744 : i32
        %get3A_1746 = arith.constant 6 : i32
        %get3A_1747 = arith.index_cast %get3A_1746 : i32 to index
        %get3A_1748 = arith.index_cast %add3A_1745 : i32 to index
        %get3A_1749 = arith.constant 0 : index
        %get3A_1750 = tpu.vector_load %arg6[%get3A_1747, %get3A_1748, %get3A_1749] {strides = array<i32>} : memref<8x128x16xf32, #tpu.memory_space<vmem>>, vector<1x1x16xf32>,
        %get3A_1751 = vector.shape_cast %get3A_1750 : vector<1x1x16xf32> to vector<16xf32>
        %swap3A_1752 = arith.index_cast %add3A_1745 : i32 to index
        %swap3A_1753 = arith.constant 0 : index
        %swap3A_1754 = tpu.vector_load %arg7[%swap3A_1752, %swap3A_1753] {strides = array<i32>} : memref<128x16xf32, #tpu.memory_space<vmem>>, vector<1x16xf32>,
        %swap3A_1755 = vector.shape_cast %swap3A_1754 : vector<1x16xf32> to vector<16xf32>
        %swap3A_1756 = vector.shape_cast %get3A_1751 : vector<16xf32> to vector<1x16xf32>
        tpu.vector_store %arg7[%swap3A_1752, %swap3A_1753], %swap3A_1756 {add = true, strides = array<i32>} : memref<128x16xf32, #tpu.memory_space<vmem>>, vector<1x16xf32>,
        %mul3A_1757 = arith.constant 8 : i32
        %mul3A_1758 = arith.muli %mul3A_1757, %scan3A_1696 : i32
        %add3A_1759 = arith.constant 4 : i32
        %add3A_1760 = arith.addi %mul3A_1758, %add3A_1759 : i32
        %get3A_1761 = arith.constant 6 : i32
        %get3A_1762 = arith.index_cast %get3A_1761 : i32 to index
        %get3A_1763 = arith.index_cast %add3A_1760 : i32 to index
        %get3A_1764 = arith.constant 0 : index
        %get3A_1765 = tpu.vector_load %arg6[%get3A_1762, %get3A_1763, %get3A_1764] {strides = array<i32>} : memref<8x128x16xf32, #tpu.memory_space<vmem>>, vector<1x1x16xf32>,
        %get3A_1766 = vector.shape_cast %get3A_1765 : vector<1x1x16xf32> to vector<16xf32>
        %swap3A_1767 = arith.index_cast %add3A_1760 : i32 to index
        %swap3A_1768 = arith.constant 0 : index
        %swap3A_1769 = tpu.vector_load %arg7[%swap3A_1767, %swap3A_1768] {strides = array<i32>} : memref<128x16xf32, #tpu.memory_space<vmem>>, vector<1x16xf32>,
        %swap3A_1770 = vector.shape_cast %swap3A_1769 : vector<1x16xf32> to vector<16xf32>
        %swap3A_1771 = vector.shape_cast %get3A_1766 : vector<16xf32> to vector<1x16xf32>
        tpu.vector_store %arg7[%swap3A_1767, %swap3A_1768], %swap3A_1771 {add = true, strides = array<i32>} : memref<128x16xf32, #tpu.memory_space<vmem>>, vector<1x16xf32>,
        %mul3A_1772 = arith.constant 8 : i32
        %mul3A_1773 = arith.muli %mul3A_1772, %scan3A_1696 : i32
        %add3A_1774 = arith.constant 5 : i32
        %add3A_1775 = arith.addi %mul3A_1773, %add3A_1774 : i32
        %get3A_1776 = arith.constant 6 : i32
        %get3A_1777 = arith.index_cast %get3A_1776 : i32 to index
        %get3A_1778 = arith.index_cast %add3A_1775 : i32 to index
        %get3A_1779 = arith.constant 0 : index
        %get3A_1780 = tpu.vector_load %arg6[%get3A_1777, %get3A_1778, %get3A_1779] {strides = array<i32>} : memref<8x128x16xf32, #tpu.memory_space<vmem>>, vector<1x1x16xf32>,
        %get3A_1781 = vector.shape_cast %get3A_1780 : vector<1x1x16xf32> to vector<16xf32>
        %swap3A_1782 = arith.index_cast %add3A_1775 : i32 to index
        %swap3A_1783 = arith.constant 0 : index
        %swap3A_1784 = tpu.vector_load %arg7[%swap3A_1782, %swap3A_1783] {strides = array<i32>} : memref<128x16xf32, #tpu.memory_space<vmem>>, vector<1x16xf32>,
        %swap3A_1785 = vector.shape_cast %swap3A_1784 : vector<1x16xf32> to vector<16xf32>
        %swap3A_1786 = vector.shape_cast %get3A_1781 : vector<16xf32> to vector<1x16xf32>
        tpu.vector_store %arg7[%swap3A_1782, %swap3A_1783], %swap3A_1786 {add = true, strides = array<i32>} : memref<128x16xf32, #tpu.memory_space<vmem>>, vector<1x16xf32>,
        %mul3A_1787 = arith.constant 8 : i32
        %mul3A_1788 = arith.muli %mul3A_1787, %scan3A_1696 : i32
        %add3A_1789 = arith.constant 6 : i32
        %add3A_1790 = arith.addi %mul3A_1788, %add3A_1789 : i32
        %get3A_1791 = arith.constant 6 : i32
        %get3A_1792 = arith.index_cast %get3A_1791 : i32 to index
        %get3A_1793 = arith.index_cast %add3A_1790 : i32 to index
        %get3A_1794 = arith.constant 0 : index
        %get3A_1795 = tpu.vector_load %arg6[%get3A_1792, %get3A_1793, %get3A_1794] {strides = array<i32>} : memref<8x128x16xf32, #tpu.memory_space<vmem>>, vector<1x1x16xf32>,
        %get3A_1796 = vector.shape_cast %get3A_1795 : vector<1x1x16xf32> to vector<16xf32>
        %swap3A_1797 = arith.index_cast %add3A_1790 : i32 to index
        %swap3A_1798 = arith.constant 0 : index
        %swap3A_1799 = tpu.vector_load %arg7[%swap3A_1797, %swap3A_1798] {strides = array<i32>} : memref<128x16xf32, #tpu.memory_space<vmem>>, vector<1x16xf32>,
        %swap3A_1800 = vector.shape_cast %swap3A_1799 : vector<1x16xf32> to vector<16xf32>
        %swap3A_1801 = vector.shape_cast %get3A_1796 : vector<16xf32> to vector<1x16xf32>
        tpu.vector_store %arg7[%swap3A_1797, %swap3A_1798], %swap3A_1801 {add = true, strides = array<i32>} : memref<128x16xf32, #tpu.memory_space<vmem>>, vector<1x16xf32>,
        %mul3A_1802 = arith.constant 8 : i32
        %mul3A_1803 = arith.muli %mul3A_1802, %scan3A_1696 : i32
        %add3A_1804 = arith.constant 7 : i32
        %add3A_1805 = arith.addi %mul3A_1803, %add3A_1804 : i32
        %get3A_1806 = arith.constant 6 : i32
        %get3A_1807 = arith.index_cast %get3A_1806 : i32 to index
        %get3A_1808 = arith.index_cast %add3A_1805 : i32 to index
        %get3A_1809 = arith.constant 0 : index
        %get3A_1810 = tpu.vector_load %arg6[%get3A_1807, %get3A_1808, %get3A_1809] {strides = array<i32>} : memref<8x128x16xf32, #tpu.memory_space<vmem>>, vector<1x1x16xf32>,
        %get3A_1811 = vector.shape_cast %get3A_1810 : vector<1x1x16xf32> to vector<16xf32>
        %swap3A_1812 = arith.index_cast %add3A_1805 : i32 to index
        %swap3A_1813 = arith.constant 0 : index
        %swap3A_1814 = tpu.vector_load %arg7[%swap3A_1812, %swap3A_1813] {strides = array<i32>} : memref<128x16xf32, #tpu.memory_space<vmem>>, vector<1x16xf32>,
        %swap3A_1815 = vector.shape_cast %swap3A_1814 : vector<1x16xf32> to vector<16xf32>
        %swap3A_1816 = vector.shape_cast %get3A_1811 : vector<16xf32> to vector<1x16xf32>
        tpu.vector_store %arg7[%swap3A_1812, %swap3A_1813], %swap3A_1816 {add = true, strides = array<i32>} : memref<128x16xf32, #tpu.memory_space<vmem>>, vector<1x16xf32>,
      }
      %scan3A_1663 = arith.constant 16 : i32
      %mul3A_1664 = arith.constant 8 : i32
      %mul3A_1665 = arith.muli %mul3A_1664, %scan3A_1443 : i32
      %add3A_1666 = arith.constant 7 : i32
      %add3A_1667 = arith.addi %mul3A_1665, %add3A_1666 : i32
      %dma_wait3A_1668 = arith.constant 0 : i32
      %dma_wait3A_1669 = arith.constant 7 : i32
      %dma_wait3A_1670 = arith.constant 7 : i32
      %dma_wait3A_1671 = arith.constant 0 : i32
      %dma_wait3A_1672 = arith.constant 0 : i32
      %dma_wait3A_1673 = tpu.memref_slice %arg6[%dma_wait3A_1669, %dma_wait3A_1671, %dma_wait3A_1672] : memref<8x128x16xf32, #tpu.memory_space<vmem>> -> memref<1x128x16xf32, #tpu.memory_space<vmem>>
      %dma_wait3A_1674 = tpu.memref_squeeze %dma_wait3A_1673 : memref<1x128x16xf32, #tpu.memory_space<vmem>> -> memref<128x16xf32, #tpu.memory_space<vmem>>
      %dma_wait3A_1675 = arith.constant 0 : i32
      %dma_wait3A_1676 = tpu.memref_slice %arg5[%dma_wait3A_1668, %dma_wait3A_1675] : memref<200x128xi32, #tpu.memory_space<vmem>> -> memref<1x128xi32, #tpu.memory_space<vmem>>
      %dma_wait3A_1677 = tpu.memref_squeeze %dma_wait3A_1676 : memref<1x128xi32, #tpu.memory_space<vmem>> -> memref<128xi32, #tpu.memory_space<vmem>>
      %dma_wait3A_1678 = arith.constant 0 : i32
      %dma_wait3A_1679 = arith.constant 0 : i32
      %dma_wait3A_1680 = tpu.memref_slice %arg3[%dma_wait3A_1678, %dma_wait3A_1679] : memref<1015808x16xf32, #tpu.memory_space<hbm>> -> memref<1015808x16xf32, #tpu.memory_space<hbm>>
      %dma_wait3A_1681 = tpu.memref_slice %arg8[%dma_wait3A_1670] : memref<8x!tpu.dma_semaphore, #tpu.memory_space<semaphore_mem>> -> memref<1x!tpu.dma_semaphore, #tpu.memory_space<semaphore_mem>>
      %dma_wait3A_1682 = tpu.memref_squeeze %dma_wait3A_1681 : memref<1x!tpu.dma_semaphore, #tpu.memory_space<semaphore_mem>> -> memref<!tpu.dma_semaphore, #tpu.memory_space<semaphore_mem>>
      tpu.wait_indirect_dma semaphore(%dma_wait3A_1682 : memref<!tpu.dma_semaphore, #tpu.memory_space<semaphore_mem>>) src(%dma_wait3A_1680 : memref<1015808x16xf32, #tpu.memory_space<hbm>>) dst(%dma_wait3A_1674 : memref<128x16xf32, #tpu.memory_space<vmem>>)
      %add3A_1683 = arith.constant 6 : i32
      %add3A_1684 = arith.addi %add3A_1667, %add3A_1683 : i32
      %lt3A_1685 = arith.constant 200 : i32
      %lt3A_1686 = arith.cmpi slt, %add3A_1684, %lt3A_1685 : i32
      %convert_element_type3A_1687 = arith.extui %lt3A_1686 : i1 to i32
      %cond3A_1688 = arith.constant 0 : i32
      %cond3A_1689 = arith.cmpi ne, %convert_element_type3A_1687, %cond3A_1688 : i32
      scf.if %cond3A_1689 {
        %add3A_1696 = arith.constant 6 : i32
        %add3A_1697 = arith.addi %add3A_1667, %add3A_1696 : i32
        %get3A_1698 = arith.index_cast %add3A_1697 : i32 to index
        %get3A_1699 = arith.constant 0 : index
        %get3A_1700 = tpu.vector_load %arg5[%get3A_1698, %get3A_1699] {strides = array<i32>} : memref<200x128xi32, #tpu.memory_space<vmem>>, vector<1x16xi32>,
        %get3A_1701 = vector.shape_cast %get3A_1700 : vector<1x16xi32> to vector<16xi32>
        %and3A_1702 = arith.constant -32768 : i32
        %and3A_1703 = vector.broadcast %and3A_1702 : i32 to vector<16xi32>
        %and3A_1704 = arith.andi %get3A_1701, %and3A_1703 : vector<16xi32>
        %and3A_1705 = arith.constant 4095 : i32
        %and3A_1706 = vector.broadcast %and3A_1705 : i32 to vector<16xi32>
        %and3A_1707 = arith.andi %get3A_1701, %and3A_1706 : vector<16xi32>
        %shift_left3A_1708 = arith.constant 3 : i32
        %shift_left3A_1709 = vector.broadcast %shift_left3A_1708 : i32 to vector<16xi32>
        %shift_left3A_1710 = arith.shli %and3A_1707, %shift_left3A_1709 : vector<16xi32>
        %add3A_1711 = arith.addi %and3A_1704, %shift_left3A_1710 : vector<16xi32>
        %shift_right_arithmetic3A_1712 = arith.constant 12 : i32
        %shift_right_arithmetic3A_1713 = vector.broadcast %shift_right_arithmetic3A_1712 : i32 to vector<16xi32>
        %shift_right_arithmetic3A_1714 = arith.shrsi %get3A_1701, %shift_right_arithmetic3A_1713 : vector<16xi32>
        %and3A_1715 = arith.constant 7 : i32
        %and3A_1716 = vector.broadcast %and3A_1715 : i32 to vector<16xi32>
        %and3A_1717 = arith.andi %shift_right_arithmetic3A_1714, %and3A_1716 : vector<16xi32>
        %add3A_1718 = arith.addi %add3A_1711, %and3A_1717 : vector<16xi32>
        %swap3A_1719 = arith.index_cast %add3A_1697 : i32 to index
        %swap3A_1720 = arith.constant 0 : index
        %swap3A_1721 = tpu.vector_load %arg5[%swap3A_1719, %swap3A_1720] {strides = array<i32>} : memref<200x128xi32, #tpu.memory_space<vmem>>, vector<1x16xi32>,
        %swap3A_1722 = vector.shape_cast %swap3A_1721 : vector<1x16xi32> to vector<16xi32>
        %swap3A_1723 = vector.shape_cast %add3A_1718 : vector<16xi32> to vector<1x16xi32>
        tpu.vector_store %arg5[%swap3A_1719, %swap3A_1720], %swap3A_1723 {strides = array<i32>} : memref<200x128xi32, #tpu.memory_space<vmem>>, vector<1x16xi32>,
        %get3A_1724 = arith.index_cast %add3A_1697 : i32 to index
        %get3A_1725 = arith.constant 16 : index
        %get3A_1726 = tpu.vector_load %arg5[%get3A_1724, %get3A_1725] {strides = array<i32>} : memref<200x128xi32, #tpu.memory_space<vmem>>, vector<1x16xi32>,
        %get3A_1727 = vector.shape_cast %get3A_1726 : vector<1x16xi32> to vector<16xi32>
        %and3A_1728 = arith.constant -32768 : i32
        %and3A_1729 = vector.broadcast %and3A_1728 : i32 to vector<16xi32>
        %and3A_1730 = arith.andi %get3A_1727, %and3A_1729 : vector<16xi32>
        %and3A_1731 = arith.constant 4095 : i32
        %and3A_1732 = vector.broadcast %and3A_1731 : i32 to vector<16xi32>
        %and3A_1733 = arith.andi %get3A_1727, %and3A_1732 : vector<16xi32>
        %shift_left3A_1734 = arith.constant 3 : i32
        %shift_left3A_1735 = vector.broadcast %shift_left3A_1734 : i32 to vector<16xi32>
        %shift_left3A_1736 = arith.shli %and3A_1733, %shift_left3A_1735 : vector<16xi32>
        %add3A_1737 = arith.addi %and3A_1730, %shift_left3A_1736 : vector<16xi32>
        %shift_right_arithmetic3A_1738 = arith.constant 12 : i32
        %shift_right_arithmetic3A_1739 = vector.broadcast %shift_right_arithmetic3A_1738 : i32 to vector<16xi32>
        %shift_right_arithmetic3A_1740 = arith.shrsi %get3A_1727, %shift_right_arithmetic3A_1739 : vector<16xi32>
        %and3A_1741 = arith.constant 7 : i32
        %and3A_1742 = vector.broadcast %and3A_1741 : i32 to vector<16xi32>
        %and3A_1743 = arith.andi %shift_right_arithmetic3A_1740, %and3A_1742 : vector<16xi32>
        %add3A_1744 = arith.addi %add3A_1737, %and3A_1743 : vector<16xi32>
        %swap3A_1745 = arith.index_cast %add3A_1697 : i32 to index
        %swap3A_1746 = arith.constant 16 : index
        %swap3A_1747 = tpu.vector_load %arg5[%swap3A_1745, %swap3A_1746] {strides = array<i32>} : memref<200x128xi32, #tpu.memory_space<vmem>>, vector<1x16xi32>,
        %swap3A_1748 = vector.shape_cast %swap3A_1747 : vector<1x16xi32> to vector<16xi32>
        %swap3A_1749 = vector.shape_cast %add3A_1744 : vector<16xi32> to vector<1x16xi32>
        tpu.vector_store %arg5[%swap3A_1745, %swap3A_1746], %swap3A_1749 {strides = array<i32>} : memref<200x128xi32, #tpu.memory_space<vmem>>, vector<1x16xi32>,
        %get3A_1750 = arith.index_cast %add3A_1697 : i32 to index
        %get3A_1751 = arith.constant 32 : index
        %get3A_1752 = tpu.vector_load %arg5[%get3A_1750, %get3A_1751] {strides = array<i32>} : memref<200x128xi32, #tpu.memory_space<vmem>>, vector<1x16xi32>,
        %get3A_1753 = vector.shape_cast %get3A_1752 : vector<1x16xi32> to vector<16xi32>
        %and3A_1754 = arith.constant -32768 : i32
        %and3A_1755 = vector.broadcast %and3A_1754 : i32 to vector<16xi32>
        %and3A_1756 = arith.andi %get3A_1753, %and3A_1755 : vector<16xi32>
        %and3A_1757 = arith.constant 4095 : i32
        %and3A_1758 = vector.broadcast %and3A_1757 : i32 to vector<16xi32>
        %and3A_1759 = arith.andi %get3A_1753, %and3A_1758 : vector<16xi32>
        %shift_left3A_1760 = arith.constant 3 : i32
        %shift_left3A_1761 = vector.broadcast %shift_left3A_1760 : i32 to vector<16xi32>
        %shift_left3A_1762 = arith.shli %and3A_1759, %shift_left3A_1761 : vector<16xi32>
        %add3A_1763 = arith.addi %and3A_1756, %shift_left3A_1762 : vector<16xi32>
        %shift_right_arithmetic3A_1764 = arith.constant 12 : i32
        %shift_right_arithmetic3A_1765 = vector.broadcast %shift_right_arithmetic3A_1764 : i32 to vector<16xi32>
        %shift_right_arithmetic3A_1766 = arith.shrsi %get3A_1753, %shift_right_arithmetic3A_1765 : vector<16xi32>
        %and3A_1767 = arith.constant 7 : i32
        %and3A_1768 = vector.broadcast %and3A_1767 : i32 to vector<16xi32>
        %and3A_1769 = arith.andi %shift_right_arithmetic3A_1766, %and3A_1768 : vector<16xi32>
        %add3A_1770 = arith.addi %add3A_1763, %and3A_1769 : vector<16xi32>
        %swap3A_1771 = arith.index_cast %add3A_1697 : i32 to index
        %swap3A_1772 = arith.constant 32 : index
        %swap3A_1773 = tpu.vector_load %arg5[%swap3A_1771, %swap3A_1772] {strides = array<i32>} : memref<200x128xi32, #tpu.memory_space<vmem>>, vector<1x16xi32>,
        %swap3A_1774 = vector.shape_cast %swap3A_1773 : vector<1x16xi32> to vector<16xi32>
        %swap3A_1775 = vector.shape_cast %add3A_1770 : vector<16xi32> to vector<1x16xi32>
        tpu.vector_store %arg5[%swap3A_1771, %swap3A_1772], %swap3A_1775 {strides = array<i32>} : memref<200x128xi32, #tpu.memory_space<vmem>>, vector<1x16xi32>,
        %get3A_1776 = arith.index_cast %add3A_1697 : i32 to index
        %get3A_1777 = arith.constant 48 : index
        %get3A_1778 = tpu.vector_load %arg5[%get3A_1776, %get3A_1777] {strides = array<i32>} : memref<200x128xi32, #tpu.memory_space<vmem>>, vector<1x16xi32>,
        %get3A_1779 = vector.shape_cast %get3A_1778 : vector<1x16xi32> to vector<16xi32>
        %and3A_1780 = arith.constant -32768 : i32
        %and3A_1781 = vector.broadcast %and3A_1780 : i32 to vector<16xi32>
        %and3A_1782 = arith.andi %get3A_1779, %and3A_1781 : vector<16xi32>
        %and3A_1783 = arith.constant 4095 : i32
        %and3A_1784 = vector.broadcast %and3A_1783 : i32 to vector<16xi32>
        %and3A_1785 = arith.andi %get3A_1779, %and3A_1784 : vector<16xi32>
        %shift_left3A_1786 = arith.constant 3 : i32
        %shift_left3A_1787 = vector.broadcast %shift_left3A_1786 : i32 to vector<16xi32>
        %shift_left3A_1788 = arith.shli %and3A_1785, %shift_left3A_1787 : vector<16xi32>
        %add3A_1789 = arith.addi %and3A_1782, %shift_left3A_1788 : vector<16xi32>
        %shift_right_arithmetic3A_1790 = arith.constant 12 : i32
        %shift_right_arithmetic3A_1791 = vector.broadcast %shift_right_arithmetic3A_1790 : i32 to vector<16xi32>
        %shift_right_arithmetic3A_1792 = arith.shrsi %get3A_1779, %shift_right_arithmetic3A_1791 : vector<16xi32>
        %and3A_1793 = arith.constant 7 : i32
        %and3A_1794 = vector.broadcast %and3A_1793 : i32 to vector<16xi32>
        %and3A_1795 = arith.andi %shift_right_arithmetic3A_1792, %and3A_1794 : vector<16xi32>
        %add3A_1796 = arith.addi %add3A_1789, %and3A_1795 : vector<16xi32>
        %swap3A_1797 = arith.index_cast %add3A_1697 : i32 to index
        %swap3A_1798 = arith.constant 48 : index
        %swap3A_1799 = tpu.vector_load %arg5[%swap3A_1797, %swap3A_1798] {strides = array<i32>} : memref<200x128xi32, #tpu.memory_space<vmem>>, vector<1x16xi32>,
        %swap3A_1800 = vector.shape_cast %swap3A_1799 : vector<1x16xi32> to vector<16xi32>
        %swap3A_1801 = vector.shape_cast %add3A_1796 : vector<16xi32> to vector<1x16xi32>
        tpu.vector_store %arg5[%swap3A_1797, %swap3A_1798], %swap3A_1801 {strides = array<i32>} : memref<200x128xi32, #tpu.memory_space<vmem>>, vector<1x16xi32>,
        %get3A_1802 = arith.index_cast %add3A_1697 : i32 to index
        %get3A_1803 = arith.constant 64 : index
        %get3A_1804 = tpu.vector_load %arg5[%get3A_1802, %get3A_1803] {strides = array<i32>} : memref<200x128xi32, #tpu.memory_space<vmem>>, vector<1x16xi32>,
        %get3A_1805 = vector.shape_cast %get3A_1804 : vector<1x16xi32> to vector<16xi32>
        %and3A_1806 = arith.constant -32768 : i32
        %and3A_1807 = vector.broadcast %and3A_1806 : i32 to vector<16xi32>
        %and3A_1808 = arith.andi %get3A_1805, %and3A_1807 : vector<16xi32>
        %and3A_1809 = arith.constant 4095 : i32
        %and3A_1810 = vector.broadcast %and3A_1809 : i32 to vector<16xi32>
        %and3A_1811 = arith.andi %get3A_1805, %and3A_1810 : vector<16xi32>
        %shift_left3A_1812 = arith.constant 3 : i32
        %shift_left3A_1813 = vector.broadcast %shift_left3A_1812 : i32 to vector<16xi32>
        %shift_left3A_1814 = arith.shli %and3A_1811, %shift_left3A_1813 : vector<16xi32>
        %add3A_1815 = arith.addi %and3A_1808, %shift_left3A_1814 : vector<16xi32>
        %shift_right_arithmetic3A_1816 = arith.constant 12 : i32
        %shift_right_arithmetic3A_1817 = vector.broadcast %shift_right_arithmetic3A_1816 : i32 to vector<16xi32>
        %shift_right_arithmetic3A_1818 = arith.shrsi %get3A_1805, %shift_right_arithmetic3A_1817 : vector<16xi32>
        %and3A_1819 = arith.constant 7 : i32
        %and3A_1820 = vector.broadcast %and3A_1819 : i32 to vector<16xi32>
        %and3A_1821 = arith.andi %shift_right_arithmetic3A_1818, %and3A_1820 : vector<16xi32>
        %add3A_1822 = arith.addi %add3A_1815, %and3A_1821 : vector<16xi32>
        %swap3A_1823 = arith.index_cast %add3A_1697 : i32 to index
        %swap3A_1824 = arith.constant 64 : index
        %swap3A_1825 = tpu.vector_load %arg5[%swap3A_1823, %swap3A_1824] {strides = array<i32>} : memref<200x128xi32, #tpu.memory_space<vmem>>, vector<1x16xi32>,
        %swap3A_1826 = vector.shape_cast %swap3A_1825 : vector<1x16xi32> to vector<16xi32>
        %swap3A_1827 = vector.shape_cast %add3A_1822 : vector<16xi32> to vector<1x16xi32>
        tpu.vector_store %arg5[%swap3A_1823, %swap3A_1824], %swap3A_1827 {strides = array<i32>} : memref<200x128xi32, #tpu.memory_space<vmem>>, vector<1x16xi32>,
        %get3A_1828 = arith.index_cast %add3A_1697 : i32 to index
        %get3A_1829 = arith.constant 80 : index
        %get3A_1830 = tpu.vector_load %arg5[%get3A_1828, %get3A_1829] {strides = array<i32>} : memref<200x128xi32, #tpu.memory_space<vmem>>, vector<1x16xi32>,
        %get3A_1831 = vector.shape_cast %get3A_1830 : vector<1x16xi32> to vector<16xi32>
        %and3A_1832 = arith.constant -32768 : i32
        %and3A_1833 = vector.broadcast %and3A_1832 : i32 to vector<16xi32>
        %and3A_1834 = arith.andi %get3A_1831, %and3A_1833 : vector<16xi32>
        %and3A_1835 = arith.constant 4095 : i32
        %and3A_1836 = vector.broadcast %and3A_1835 : i32 to vector<16xi32>
        %and3A_1837 = arith.andi %get3A_1831, %and3A_1836 : vector<16xi32>
        %shift_left3A_1838 = arith.constant 3 : i32
        %shift_left3A_1839 = vector.broadcast %shift_left3A_1838 : i32 to vector<16xi32>
        %shift_left3A_1840 = arith.shli %and3A_1837, %shift_left3A_1839 : vector<16xi32>
        %add3A_1841 = arith.addi %and3A_1834, %shift_left3A_1840 : vector<16xi32>
        %shift_right_arithmetic3A_1842 = arith.constant 12 : i32
        %shift_right_arithmetic3A_1843 = vector.broadcast %shift_right_arithmetic3A_1842 : i32 to vector<16xi32>
        %shift_right_arithmetic3A_1844 = arith.shrsi %get3A_1831, %shift_right_arithmetic3A_1843 : vector<16xi32>
        %and3A_1845 = arith.constant 7 : i32
        %and3A_1846 = vector.broadcast %and3A_1845 : i32 to vector<16xi32>
        %and3A_1847 = arith.andi %shift_right_arithmetic3A_1844, %and3A_1846 : vector<16xi32>
        %add3A_1848 = arith.addi %add3A_1841, %and3A_1847 : vector<16xi32>
        %swap3A_1849 = arith.index_cast %add3A_1697 : i32 to index
        %swap3A_1850 = arith.constant 80 : index
        %swap3A_1851 = tpu.vector_load %arg5[%swap3A_1849, %swap3A_1850] {strides = array<i32>} : memref<200x128xi32, #tpu.memory_space<vmem>>, vector<1x16xi32>,
        %swap3A_1852 = vector.shape_cast %swap3A_1851 : vector<1x16xi32> to vector<16xi32>
        %swap3A_1853 = vector.shape_cast %add3A_1848 : vector<16xi32> to vector<1x16xi32>
        tpu.vector_store %arg5[%swap3A_1849, %swap3A_1850], %swap3A_1853 {strides = array<i32>} : memref<200x128xi32, #tpu.memory_space<vmem>>, vector<1x16xi32>,
        %get3A_1854 = arith.index_cast %add3A_1697 : i32 to index
        %get3A_1855 = arith.constant 96 : index
        %get3A_1856 = tpu.vector_load %arg5[%get3A_1854, %get3A_1855] {strides = array<i32>} : memref<200x128xi32, #tpu.memory_space<vmem>>, vector<1x16xi32>,
        %get3A_1857 = vector.shape_cast %get3A_1856 : vector<1x16xi32> to vector<16xi32>
        %and3A_1858 = arith.constant -32768 : i32
        %and3A_1859 = vector.broadcast %and3A_1858 : i32 to vector<16xi32>
        %and3A_1860 = arith.andi %get3A_1857, %and3A_1859 : vector<16xi32>
        %and3A_1861 = arith.constant 4095 : i32
        %and3A_1862 = vector.broadcast %and3A_1861 : i32 to vector<16xi32>
        %and3A_1863 = arith.andi %get3A_1857, %and3A_1862 : vector<16xi32>
        %shift_left3A_1864 = arith.constant 3 : i32
        %shift_left3A_1865 = vector.broadcast %shift_left3A_1864 : i32 to vector<16xi32>
        %shift_left3A_1866 = arith.shli %and3A_1863, %shift_left3A_1865 : vector<16xi32>
        %add3A_1867 = arith.addi %and3A_1860, %shift_left3A_1866 : vector<16xi32>
        %shift_right_arithmetic3A_1868 = arith.constant 12 : i32
        %shift_right_arithmetic3A_1869 = vector.broadcast %shift_right_arithmetic3A_1868 : i32 to vector<16xi32>
        %shift_right_arithmetic3A_1870 = arith.shrsi %get3A_1857, %shift_right_arithmetic3A_1869 : vector<16xi32>
        %and3A_1871 = arith.constant 7 : i32
        %and3A_1872 = vector.broadcast %and3A_1871 : i32 to vector<16xi32>
        %and3A_1873 = arith.andi %shift_right_arithmetic3A_1870, %and3A_1872 : vector<16xi32>
        %add3A_1874 = arith.addi %add3A_1867, %and3A_1873 : vector<16xi32>
        %swap3A_1875 = arith.index_cast %add3A_1697 : i32 to index
        %swap3A_1876 = arith.constant 96 : index
        %swap3A_1877 = tpu.vector_load %arg5[%swap3A_1875, %swap3A_1876] {strides = array<i32>} : memref<200x128xi32, #tpu.memory_space<vmem>>, vector<1x16xi32>,
        %swap3A_1878 = vector.shape_cast %swap3A_1877 : vector<1x16xi32> to vector<16xi32>
        %swap3A_1879 = vector.shape_cast %add3A_1874 : vector<16xi32> to vector<1x16xi32>
        tpu.vector_store %arg5[%swap3A_1875, %swap3A_1876], %swap3A_1879 {strides = array<i32>} : memref<200x128xi32, #tpu.memory_space<vmem>>, vector<1x16xi32>,
        %get3A_1880 = arith.index_cast %add3A_1697 : i32 to index
        %get3A_1881 = arith.constant 112 : index
        %get3A_1882 = tpu.vector_load %arg5[%get3A_1880, %get3A_1881] {strides = array<i32>} : memref<200x128xi32, #tpu.memory_space<vmem>>, vector<1x16xi32>,
        %get3A_1883 = vector.shape_cast %get3A_1882 : vector<1x16xi32> to vector<16xi32>
        %and3A_1884 = arith.constant -32768 : i32
        %and3A_1885 = vector.broadcast %and3A_1884 : i32 to vector<16xi32>
        %and3A_1886 = arith.andi %get3A_1883, %and3A_1885 : vector<16xi32>
        %and3A_1887 = arith.constant 4095 : i32
        %and3A_1888 = vector.broadcast %and3A_1887 : i32 to vector<16xi32>
        %and3A_1889 = arith.andi %get3A_1883, %and3A_1888 : vector<16xi32>
        %shift_left3A_1890 = arith.constant 3 : i32
        %shift_left3A_1891 = vector.broadcast %shift_left3A_1890 : i32 to vector<16xi32>
        %shift_left3A_1892 = arith.shli %and3A_1889, %shift_left3A_1891 : vector<16xi32>
        %add3A_1893 = arith.addi %and3A_1886, %shift_left3A_1892 : vector<16xi32>
        %shift_right_arithmetic3A_1894 = arith.constant 12 : i32
        %shift_right_arithmetic3A_1895 = vector.broadcast %shift_right_arithmetic3A_1894 : i32 to vector<16xi32>
        %shift_right_arithmetic3A_1896 = arith.shrsi %get3A_1883, %shift_right_arithmetic3A_1895 : vector<16xi32>
        %and3A_1897 = arith.constant 7 : i32
        %and3A_1898 = vector.broadcast %and3A_1897 : i32 to vector<16xi32>
        %and3A_1899 = arith.andi %shift_right_arithmetic3A_1896, %and3A_1898 : vector<16xi32>
        %add3A_1900 = arith.addi %add3A_1893, %and3A_1899 : vector<16xi32>
        %swap3A_1901 = arith.index_cast %add3A_1697 : i32 to index
        %swap3A_1902 = arith.constant 112 : index
        %swap3A_1903 = tpu.vector_load %arg5[%swap3A_1901, %swap3A_1902] {strides = array<i32>} : memref<200x128xi32, #tpu.memory_space<vmem>>, vector<1x16xi32>,
        %swap3A_1904 = vector.shape_cast %swap3A_1903 : vector<1x16xi32> to vector<16xi32>
        %swap3A_1905 = vector.shape_cast %add3A_1900 : vector<16xi32> to vector<1x16xi32>
        tpu.vector_store %arg5[%swap3A_1901, %swap3A_1902], %swap3A_1905 {strides = array<i32>} : memref<200x128xi32, #tpu.memory_space<vmem>>, vector<1x16xi32>,
        %add3A_1906 = arith.constant 6 : i32
        %add3A_1907 = arith.addi %add3A_1667, %add3A_1906 : i32
        %dma_start3A_1908 = arith.constant 5 : i32
        %dma_start3A_1909 = arith.constant 5 : i32
        %dma_start3A_1910 = arith.constant 0 : i32
        %dma_start3A_1911 = arith.constant 0 : i32
        %dma_start3A_1912 = tpu.memref_slice %arg6[%dma_start3A_1908, %dma_start3A_1910, %dma_start3A_1911] : memref<8x128x16xf32, #tpu.memory_space<vmem>> -> memref<1x128x16xf32, #tpu.memory_space<vmem>>
        %dma_start3A_1913 = tpu.memref_squeeze %dma_start3A_1912 : memref<1x128x16xf32, #tpu.memory_space<vmem>> -> memref<128x16xf32, #tpu.memory_space<vmem>>
        %dma_start3A_1914 = arith.constant 0 : i32
        %dma_start3A_1915 = tpu.memref_slice %arg5[%add3A_1907, %dma_start3A_1914] : memref<200x128xi32, #tpu.memory_space<vmem>> -> memref<1x128xi32, #tpu.memory_space<vmem>>
        %dma_start3A_1916 = tpu.memref_squeeze %dma_start3A_1915 : memref<1x128xi32, #tpu.memory_space<vmem>> -> memref<128xi32, #tpu.memory_space<vmem>>
        %dma_start3A_1917 = arith.constant 0 : i32
        %dma_start3A_1918 = arith.constant 0 : i32
        %dma_start3A_1919 = tpu.memref_slice %arg3[%dma_start3A_1917, %dma_start3A_1918] : memref<1015808x16xf32, #tpu.memory_space<hbm>> -> memref<1015808x16xf32, #tpu.memory_space<hbm>>
        %dma_start3A_1920 = tpu.memref_slice %arg8[%dma_start3A_1909] : memref<8x!tpu.dma_semaphore, #tpu.memory_space<semaphore_mem>> -> memref<1x!tpu.dma_semaphore, #tpu.memory_space<semaphore_mem>>
        %dma_start3A_1921 = tpu.memref_squeeze %dma_start3A_1920 : memref<1x!tpu.dma_semaphore, #tpu.memory_space<semaphore_mem>> -> memref<!tpu.dma_semaphore, #tpu.memory_space<semaphore_mem>>
        tpu.enqueue_indirect_dma source(%dma_start3A_1919 : memref<1015808x16xf32, #tpu.memory_space<hbm>>) target(%dma_start3A_1913 : memref<128x16xf32, #tpu.memory_space<vmem>>) offsets(%dma_start3A_1916 : memref<128xi32, #tpu.memory_space<vmem>>) semaphore(%dma_start3A_1921 : memref<!tpu.dma_semaphore, #tpu.memory_space<semaphore_mem>>)
      } else {
      }
      %scan3A_1690 = arith.constant 0 : i32
      %scan3A_1691 = arith.constant 0 : i32
      %scan3A_1692 = arith.constant 16 : i32
      %scan3A_1693 = arith.addi %scan3A_1691, %scan3A_1692 : i32
      %scan3A_1694 = arith.constant 1 : i32
      scf.for %scan3A_1696 = %scan3A_1691 to %scan3A_1693 step %scan3A_1694  : i32 {
        %mul3A_1697 = arith.constant 8 : i32
        %mul3A_1698 = arith.muli %mul3A_1697, %scan3A_1696 : i32
        %add3A_1699 = arith.constant 0 : i32
        %add3A_1700 = arith.addi %mul3A_1698, %add3A_1699 : i32
        %get3A_1701 = arith.constant 7 : i32
        %get3A_1702 = arith.index_cast %get3A_1701 : i32 to index
        %get3A_1703 = arith.index_cast %add3A_1700 : i32 to index
        %get3A_1704 = arith.constant 0 : index
        %get3A_1705 = tpu.vector_load %arg6[%get3A_1702, %get3A_1703, %get3A_1704] {strides = array<i32>} : memref<8x128x16xf32, #tpu.memory_space<vmem>>, vector<1x1x16xf32>,
        %get3A_1706 = vector.shape_cast %get3A_1705 : vector<1x1x16xf32> to vector<16xf32>
        %swap3A_1707 = arith.index_cast %add3A_1700 : i32 to index
        %swap3A_1708 = arith.constant 0 : index
        %swap3A_1709 = tpu.vector_load %arg7[%swap3A_1707, %swap3A_1708] {strides = array<i32>} : memref<128x16xf32, #tpu.memory_space<vmem>>, vector<1x16xf32>,
        %swap3A_1710 = vector.shape_cast %swap3A_1709 : vector<1x16xf32> to vector<16xf32>
        %swap3A_1711 = vector.shape_cast %get3A_1706 : vector<16xf32> to vector<1x16xf32>
        tpu.vector_store %arg7[%swap3A_1707, %swap3A_1708], %swap3A_1711 {add = true, strides = array<i32>} : memref<128x16xf32, #tpu.memory_space<vmem>>, vector<1x16xf32>,
        %mul3A_1712 = arith.constant 8 : i32
        %mul3A_1713 = arith.muli %mul3A_1712, %scan3A_1696 : i32
        %add3A_1714 = arith.constant 1 : i32
        %add3A_1715 = arith.addi %mul3A_1713, %add3A_1714 : i32
        %get3A_1716 = arith.constant 7 : i32
        %get3A_1717 = arith.index_cast %get3A_1716 : i32 to index
        %get3A_1718 = arith.index_cast %add3A_1715 : i32 to index
        %get3A_1719 = arith.constant 0 : index
        %get3A_1720 = tpu.vector_load %arg6[%get3A_1717, %get3A_1718, %get3A_1719] {strides = array<i32>} : memref<8x128x16xf32, #tpu.memory_space<vmem>>, vector<1x1x16xf32>,
        %get3A_1721 = vector.shape_cast %get3A_1720 : vector<1x1x16xf32> to vector<16xf32>
        %swap3A_1722 = arith.index_cast %add3A_1715 : i32 to index
        %swap3A_1723 = arith.constant 0 : index
        %swap3A_1724 = tpu.vector_load %arg7[%swap3A_1722, %swap3A_1723] {strides = array<i32>} : memref<128x16xf32, #tpu.memory_space<vmem>>, vector<1x16xf32>,
        %swap3A_1725 = vector.shape_cast %swap3A_1724 : vector<1x16xf32> to vector<16xf32>
        %swap3A_1726 = vector.shape_cast %get3A_1721 : vector<16xf32> to vector<1x16xf32>
        tpu.vector_store %arg7[%swap3A_1722, %swap3A_1723], %swap3A_1726 {add = true, strides = array<i32>} : memref<128x16xf32, #tpu.memory_space<vmem>>, vector<1x16xf32>,
        %mul3A_1727 = arith.constant 8 : i32
        %mul3A_1728 = arith.muli %mul3A_1727, %scan3A_1696 : i32
        %add3A_1729 = arith.constant 2 : i32
        %add3A_1730 = arith.addi %mul3A_1728, %add3A_1729 : i32
        %get3A_1731 = arith.constant 7 : i32
        %get3A_1732 = arith.index_cast %get3A_1731 : i32 to index
        %get3A_1733 = arith.index_cast %add3A_1730 : i32 to index
        %get3A_1734 = arith.constant 0 : index
        %get3A_1735 = tpu.vector_load %arg6[%get3A_1732, %get3A_1733, %get3A_1734] {strides = array<i32>} : memref<8x128x16xf32, #tpu.memory_space<vmem>>, vector<1x1x16xf32>,
        %get3A_1736 = vector.shape_cast %get3A_1735 : vector<1x1x16xf32> to vector<16xf32>
        %swap3A_1737 = arith.index_cast %add3A_1730 : i32 to index
        %swap3A_1738 = arith.constant 0 : index
        %swap3A_1739 = tpu.vector_load %arg7[%swap3A_1737, %swap3A_1738] {strides = array<i32>} : memref<128x16xf32, #tpu.memory_space<vmem>>, vector<1x16xf32>,
        %swap3A_1740 = vector.shape_cast %swap3A_1739 : vector<1x16xf32> to vector<16xf32>
        %swap3A_1741 = vector.shape_cast %get3A_1736 : vector<16xf32> to vector<1x16xf32>
        tpu.vector_store %arg7[%swap3A_1737, %swap3A_1738], %swap3A_1741 {add = true, strides = array<i32>} : memref<128x16xf32, #tpu.memory_space<vmem>>, vector<1x16xf32>,
        %mul3A_1742 = arith.constant 8 : i32
        %mul3A_1743 = arith.muli %mul3A_1742, %scan3A_1696 : i32
        %add3A_1744 = arith.constant 3 : i32
        %add3A_1745 = arith.addi %mul3A_1743, %add3A_1744 : i32
        %get3A_1746 = arith.constant 7 : i32
        %get3A_1747 = arith.index_cast %get3A_1746 : i32 to index
        %get3A_1748 = arith.index_cast %add3A_1745 : i32 to index
        %get3A_1749 = arith.constant 0 : index
        %get3A_1750 = tpu.vector_load %arg6[%get3A_1747, %get3A_1748, %get3A_1749] {strides = array<i32>} : memref<8x128x16xf32, #tpu.memory_space<vmem>>, vector<1x1x16xf32>,
        %get3A_1751 = vector.shape_cast %get3A_1750 : vector<1x1x16xf32> to vector<16xf32>
        %swap3A_1752 = arith.index_cast %add3A_1745 : i32 to index
        %swap3A_1753 = arith.constant 0 : index
        %swap3A_1754 = tpu.vector_load %arg7[%swap3A_1752, %swap3A_1753] {strides = array<i32>} : memref<128x16xf32, #tpu.memory_space<vmem>>, vector<1x16xf32>,
        %swap3A_1755 = vector.shape_cast %swap3A_1754 : vector<1x16xf32> to vector<16xf32>
        %swap3A_1756 = vector.shape_cast %get3A_1751 : vector<16xf32> to vector<1x16xf32>
        tpu.vector_store %arg7[%swap3A_1752, %swap3A_1753], %swap3A_1756 {add = true, strides = array<i32>} : memref<128x16xf32, #tpu.memory_space<vmem>>, vector<1x16xf32>,
        %mul3A_1757 = arith.constant 8 : i32
        %mul3A_1758 = arith.muli %mul3A_1757, %scan3A_1696 : i32
        %add3A_1759 = arith.constant 4 : i32
        %add3A_1760 = arith.addi %mul3A_1758, %add3A_1759 : i32
        %get3A_1761 = arith.constant 7 : i32
        %get3A_1762 = arith.index_cast %get3A_1761 : i32 to index
        %get3A_1763 = arith.index_cast %add3A_1760 : i32 to index
        %get3A_1764 = arith.constant 0 : index
        %get3A_1765 = tpu.vector_load %arg6[%get3A_1762, %get3A_1763, %get3A_1764] {strides = array<i32>} : memref<8x128x16xf32, #tpu.memory_space<vmem>>, vector<1x1x16xf32>,
        %get3A_1766 = vector.shape_cast %get3A_1765 : vector<1x1x16xf32> to vector<16xf32>
        %swap3A_1767 = arith.index_cast %add3A_1760 : i32 to index
        %swap3A_1768 = arith.constant 0 : index
        %swap3A_1769 = tpu.vector_load %arg7[%swap3A_1767, %swap3A_1768] {strides = array<i32>} : memref<128x16xf32, #tpu.memory_space<vmem>>, vector<1x16xf32>,
        %swap3A_1770 = vector.shape_cast %swap3A_1769 : vector<1x16xf32> to vector<16xf32>
        %swap3A_1771 = vector.shape_cast %get3A_1766 : vector<16xf32> to vector<1x16xf32>
        tpu.vector_store %arg7[%swap3A_1767, %swap3A_1768], %swap3A_1771 {add = true, strides = array<i32>} : memref<128x16xf32, #tpu.memory_space<vmem>>, vector<1x16xf32>,
        %mul3A_1772 = arith.constant 8 : i32
        %mul3A_1773 = arith.muli %mul3A_1772, %scan3A_1696 : i32
        %add3A_1774 = arith.constant 5 : i32
        %add3A_1775 = arith.addi %mul3A_1773, %add3A_1774 : i32
        %get3A_1776 = arith.constant 7 : i32
        %get3A_1777 = arith.index_cast %get3A_1776 : i32 to index
        %get3A_1778 = arith.index_cast %add3A_1775 : i32 to index
        %get3A_1779 = arith.constant 0 : index
        %get3A_1780 = tpu.vector_load %arg6[%get3A_1777, %get3A_1778, %get3A_1779] {strides = array<i32>} : memref<8x128x16xf32, #tpu.memory_space<vmem>>, vector<1x1x16xf32>,
        %get3A_1781 = vector.shape_cast %get3A_1780 : vector<1x1x16xf32> to vector<16xf32>
        %swap3A_1782 = arith.index_cast %add3A_1775 : i32 to index
        %swap3A_1783 = arith.constant 0 : index
        %swap3A_1784 = tpu.vector_load %arg7[%swap3A_1782, %swap3A_1783] {strides = array<i32>} : memref<128x16xf32, #tpu.memory_space<vmem>>, vector<1x16xf32>,
        %swap3A_1785 = vector.shape_cast %swap3A_1784 : vector<1x16xf32> to vector<16xf32>
        %swap3A_1786 = vector.shape_cast %get3A_1781 : vector<16xf32> to vector<1x16xf32>
        tpu.vector_store %arg7[%swap3A_1782, %swap3A_1783], %swap3A_1786 {add = true, strides = array<i32>} : memref<128x16xf32, #tpu.memory_space<vmem>>, vector<1x16xf32>,
        %mul3A_1787 = arith.constant 8 : i32
        %mul3A_1788 = arith.muli %mul3A_1787, %scan3A_1696 : i32
        %add3A_1789 = arith.constant 6 : i32
        %add3A_1790 = arith.addi %mul3A_1788, %add3A_1789 : i32
        %get3A_1791 = arith.constant 7 : i32
        %get3A_1792 = arith.index_cast %get3A_1791 : i32 to index
        %get3A_1793 = arith.index_cast %add3A_1790 : i32 to index
        %get3A_1794 = arith.constant 0 : index
        %get3A_1795 = tpu.vector_load %arg6[%get3A_1792, %get3A_1793, %get3A_1794] {strides = array<i32>} : memref<8x128x16xf32, #tpu.memory_space<vmem>>, vector<1x1x16xf32>,
        %get3A_1796 = vector.shape_cast %get3A_1795 : vector<1x1x16xf32> to vector<16xf32>
        %swap3A_1797 = arith.index_cast %add3A_1790 : i32 to index
        %swap3A_1798 = arith.constant 0 : index
        %swap3A_1799 = tpu.vector_load %arg7[%swap3A_1797, %swap3A_1798] {strides = array<i32>} : memref<128x16xf32, #tpu.memory_space<vmem>>, vector<1x16xf32>,
        %swap3A_1800 = vector.shape_cast %swap3A_1799 : vector<1x16xf32> to vector<16xf32>
        %swap3A_1801 = vector.shape_cast %get3A_1796 : vector<16xf32> to vector<1x16xf32>
        tpu.vector_store %arg7[%swap3A_1797, %swap3A_1798], %swap3A_1801 {add = true, strides = array<i32>} : memref<128x16xf32, #tpu.memory_space<vmem>>, vector<1x16xf32>,
        %mul3A_1802 = arith.constant 8 : i32
        %mul3A_1803 = arith.muli %mul3A_1802, %scan3A_1696 : i32
        %add3A_1804 = arith.constant 7 : i32
        %add3A_1805 = arith.addi %mul3A_1803, %add3A_1804 : i32
        %get3A_1806 = arith.constant 7 : i32
        %get3A_1807 = arith.index_cast %get3A_1806 : i32 to index
        %get3A_1808 = arith.index_cast %add3A_1805 : i32 to index
        %get3A_1809 = arith.constant 0 : index
        %get3A_1810 = tpu.vector_load %arg6[%get3A_1807, %get3A_1808, %get3A_1809] {strides = array<i32>} : memref<8x128x16xf32, #tpu.memory_space<vmem>>, vector<1x1x16xf32>,
        %get3A_1811 = vector.shape_cast %get3A_1810 : vector<1x1x16xf32> to vector<16xf32>
        %swap3A_1812 = arith.index_cast %add3A_1805 : i32 to index
        %swap3A_1813 = arith.constant 0 : index
        %swap3A_1814 = tpu.vector_load %arg7[%swap3A_1812, %swap3A_1813] {strides = array<i32>} : memref<128x16xf32, #tpu.memory_space<vmem>>, vector<1x16xf32>,
        %swap3A_1815 = vector.shape_cast %swap3A_1814 : vector<1x16xf32> to vector<16xf32>
        %swap3A_1816 = vector.shape_cast %get3A_1811 : vector<16xf32> to vector<1x16xf32>
        tpu.vector_store %arg7[%swap3A_1812, %swap3A_1813], %swap3A_1816 {add = true, strides = array<i32>} : memref<128x16xf32, #tpu.memory_space<vmem>>, vector<1x16xf32>,
      }
      %scan3A_1695 = arith.constant 16 : i32
    }
    %scan3A_1442 = arith.constant 25 : i32
    "tpu.region"() ({
      %run_scoped3A = tpu.sem_alloc : memref<!tpu.dma_semaphore, #tpu.memory_space<semaphore_mem>>
      %dma_start3A_1443 = arith.constant 0 : i32
      %dma_start3A_1444 = tpu.memref_slice %arg4[%mul3A_2, %dma_start3A_1443] : memref<4096x16xf32, #tpu.memory_space<hbm>> -> memref<128x16xf32, #tpu.memory_space<hbm>>
      %dma_start3A_1445 = arith.constant 0 : i32
      %dma_start3A_1446 = tpu.memref_slice %arg4[%mul3A_2, %dma_start3A_1445] : memref<4096x16xf32, #tpu.memory_space<hbm>> -> memref<128x16xf32, #tpu.memory_space<hbm>>
      tpu.enqueue_dma source(%arg7 : memref<128x16xf32, #tpu.memory_space<vmem>>) target(%dma_start3A_1446 : memref<128x16xf32, #tpu.memory_space<hbm>>) target_semaphore(%run_scoped3A : memref<!tpu.dma_semaphore, #tpu.memory_space<semaphore_mem>>)
      %dma_wait3A = arith.constant 0 : i32
      %dma_wait3A_1447 = tpu.memref_slice %arg4[%mul3A_2, %dma_wait3A] : memref<4096x16xf32, #tpu.memory_space<hbm>> -> memref<128x16xf32, #tpu.memory_space<hbm>>
      %dma_wait3A_1448 = arith.constant 0 : i32
      %dma_wait3A_1449 = tpu.memref_slice %arg4[%mul3A_2, %dma_wait3A_1448] : memref<4096x16xf32, #tpu.memory_space<hbm>> -> memref<128x16xf32, #tpu.memory_space<hbm>>
      tpu.wait_dma2 semaphore(%run_scoped3A : memref<!tpu.dma_semaphore, #tpu.memory_space<semaphore_mem>>) src(%arg7 : memref<128x16xf32, #tpu.memory_space<vmem>>) dst(%dma_wait3A_1449 : memref<128x16xf32, #tpu.memory_space<hbm>>)
      tpu.yield
    }) : () -> ()
    return
  }
}

module attributes {stable_mosaic.version = 14 : i64} {
  func.func @_proj_body(%arg0: i32, %arg1: memref<64x32768xf32, #tpu.memory_space<vmem>>, %arg2: memref<64x16xf32, #tpu.memory_space<vmem>>, %arg3: memref<1x128xf32, #tpu.memory_space<vmem>>, %arg4: memref<4096x128xf32, #tpu.memory_space<vmem>>) attributes {dimension_semantics = [#tpu.dimension_semantics<arbitrary>], iteration_bounds = array<i64: 31>, scalar_prefetch = 0 : i64, scratch_operands = 0 : i64, tpu.core_type = #tpu.core_type<tc>, window_params = [{transform_indices = @transform_0, window_bounds = array<i64: 64, 32768>}, {pipeline_mode = #tpu.pipeline_mode<synchronous>, transform_indices = @transform_1, window_bounds = array<i64: 64, 16>}, {pipeline_mode = #tpu.pipeline_mode<synchronous>, transform_indices = @transform_2, window_bounds = array<i64: 1, 128>}, {transform_indices = @transform_3, window_bounds = array<i64: 4096, 128>}]} {
    %get3A = arith.constant 0 : index
    %get3A_0 = arith.constant 0 : index
    %get3A_1 = vector.load %arg2[%get3A, %get3A_0] : memref<64x16xf32, #tpu.memory_space<vmem>>, vector<64x16xf32>
    %get3A_2 = arith.constant 0 : index
    %get3A_3 = arith.constant 0 : index
    %get3A_4 = vector.load %arg1[%get3A_2, %get3A_3] : memref<64x32768xf32, #tpu.memory_space<vmem>>, vector<64x32768xf32>
    %dot_general3A = arith.constant dense<0.000000e+00> : vector<16x32768xf32>
    %dot_general3A_5 = tpu.matmul %get3A_1, %get3A_4, %dot_general3A {dimension_numbers = #tpu.dot_dimension_numbers<[0], [0], [1], [1], [0, 1, 1, 1], [], []>, transpose_lhs_hint = false} : vector<64x16xf32>, vector<64x32768xf32>, vector<16x32768xf32> -> vector<16x32768xf32>
    %slice3A = vector.extract_strided_slice %dot_general3A_5 {offsets = [0, 0], sizes = [16, 4096], strides = [1, 1]} : vector<16x32768xf32> to vector<16x4096xf32>
    %slice3A_6 = vector.extract_strided_slice %dot_general3A_5 {offsets = [0, 4096], sizes = [16, 4096], strides = [1, 1]} : vector<16x32768xf32> to vector<16x4096xf32>
    %slice3A_7 = vector.extract_strided_slice %dot_general3A_5 {offsets = [0, 8192], sizes = [16, 4096], strides = [1, 1]} : vector<16x32768xf32> to vector<16x4096xf32>
    %slice3A_8 = vector.extract_strided_slice %dot_general3A_5 {offsets = [0, 12288], sizes = [16, 4096], strides = [1, 1]} : vector<16x32768xf32> to vector<16x4096xf32>
    %slice3A_9 = vector.extract_strided_slice %dot_general3A_5 {offsets = [0, 16384], sizes = [16, 4096], strides = [1, 1]} : vector<16x32768xf32> to vector<16x4096xf32>
    %slice3A_10 = vector.extract_strided_slice %dot_general3A_5 {offsets = [0, 20480], sizes = [16, 4096], strides = [1, 1]} : vector<16x32768xf32> to vector<16x4096xf32>
    %slice3A_11 = vector.extract_strided_slice %dot_general3A_5 {offsets = [0, 24576], sizes = [16, 4096], strides = [1, 1]} : vector<16x32768xf32> to vector<16x4096xf32>
    %slice3A_12 = vector.extract_strided_slice %dot_general3A_5 {offsets = [0, 28672], sizes = [16, 4096], strides = [1, 1]} : vector<16x32768xf32> to vector<16x4096xf32>
    %concatenate3A = tpu.concatenate %slice3A, %slice3A_6, %slice3A_7, %slice3A_8, %slice3A_9, %slice3A_10, %slice3A_11, %slice3A_12 in 0 : vector<16x4096xf32>, vector<16x4096xf32>, vector<16x4096xf32>, vector<16x4096xf32>, vector<16x4096xf32>, vector<16x4096xf32>, vector<16x4096xf32>, vector<16x4096xf32> -> vector<128x4096xf32>
    %transpose3A = tpu.transpose %concatenate3A, [1, 0] : vector<128x4096xf32> -> vector<4096x128xf32>
    %mul3A = arith.constant 5.000000e-03 : f32
    %mul3A_13 = vector.broadcast %mul3A : f32 to vector<4096x128xf32>
    %mul3A_14 = arith.mulf %transpose3A, %mul3A_13 : vector<4096x128xf32>
    %get3A_15 = arith.constant 0 : index
    %get3A_16 = arith.constant 0 : index
    %get3A_17 = vector.load %arg3[%get3A_15, %get3A_16] : memref<1x128xf32, #tpu.memory_space<vmem>>, vector<1x128xf32>
    %add3A = vector.broadcast %get3A_17 : vector<1x128xf32> to vector<4096x128xf32>
    %add3A_18 = arith.addf %mul3A_14, %add3A : vector<4096x128xf32>
    %swap3A = arith.constant 0 : index
    %swap3A_19 = arith.constant 0 : index
    %swap3A_20 = vector.load %arg4[%swap3A, %swap3A_19] : memref<4096x128xf32, #tpu.memory_space<vmem>>, vector<4096x128xf32>
    tpu.vector_store %arg4[%swap3A, %swap3A_19], %add3A_18 {strides = array<i32>} : memref<4096x128xf32, #tpu.memory_space<vmem>>, vector<4096x128xf32>,
    return
  }
  func.func @transform_0(%arg0: i32) -> (i32, i32) {
    %c0_i32 = arith.constant 0 : i32
    %c0_i32_0 = arith.constant 0 : i32
    return %c0_i32, %arg0 : i32, i32
  }
  func.func @transform_1(%arg0: i32) -> (i32, i32) {
    %c0_i32 = arith.constant 0 : i32
    %c0_i32_0 = arith.constant 0 : i32
    %c0_i32_1 = arith.constant 0 : i32
    return %c0_i32, %c0_i32_0 : i32, i32
  }
  func.func @transform_2(%arg0: i32) -> (i32, i32) {
    %c0_i32 = arith.constant 0 : i32
    %c0_i32_0 = arith.constant 0 : i32
    %c0_i32_1 = arith.constant 0 : i32
    return %c0_i32, %c0_i32_0 : i32, i32
  }
  func.func @transform_3(%arg0: i32) -> (i32, i32) {
    %c0_i32 = arith.constant 0 : i32
    %c0_i32_0 = arith.constant 0 : i32
    return %arg0, %c0_i32 : i32, i32
  }
}

</mosaic_0001>

<sc_bundles>
// kernel: kernel.4.cloned.1.call-start
scs
__scs_entry_jumppad:
0x0: {  	(pc) =	sbr.rel $0x88, $3  }
0x1: {  	(tag) =	ssettag $0x0;
	lr =	simm.s32 $0x1  }
0x2: {  	[smem:$0x3F9D] =	sst lr;
	_ =	strace $0xD0000000  }
0x3: {  	_ = 	snop  }
0x4: {  	_ = 	snop  }
0x5: {  	_ = 	snop  }
0x6: {  	_ = 	snop  }
0x7: {  	_ = 	snop  }
__scs_overlays_trampoline_lowered:
0x8: {  	[smem:$0x3FAC] =	sst s0  }
0x9: {  	[smem:$0x3FAD] =	sst s1  }
0xa: {  	[smem:$0x3FAE] =	sst s2  }
0xb: {  	[smem:$0x3FAF] =	sst s3  }
0xc: {  	[smem:$0x3FB0] =	sst s4  }
0xd: {  	[smem:$0x3FB1] =	sst s5  }
0xe: {  	[smem:$0x3FB2] =	sst s6  }
0xf: {  	[smem:$0x3FB3] =	sst s7  }
0x10: {  	[smem:$0x3FB4] =	sst s8  }
0x11: {  	[smem:$0x3FB5] =	sst s9;
	s0 =	simm.s32 @!p0 $0x0  }
0x12: {  	s1 =	sld [smem:$0x3F9B];
	s0 =	simm.s32 @p0 $0x1  }
0x13: {  	[smem:$0x3FB6] =	sst s0;
	s0 =	simm.s32 @!p1 $0x0  }
0x14: {  	s2 =	sld [smem:$0x3F9A];
	s0 =	simm.s32 @p1 $0x1  }
0x15: {  	[smem:$0x3FB7] =	sst s0;
	s0 =	simm.s32 @!p2 $0x0  }
0x16: {  	s3 =	sld [smem:$0x3FDB];
	s0 =	simm.s32 @p2 $0x1  }
0x17: {  	s4 =	simm.s32 $0x1BF5;
	[smem:$0x3FB9] =	sst s0  }
0x18: {  	s0 =	sld [smem:$0x3F9C];
	_ =	swait.ge [sflag:s4], $0x0  }
0x19: {  	s7 =	sld [smem:$0x3F9D]  }
0x1a: {  	s8 =	sadd.s32 $0xFFFFE003, lr  }
0x1b: {  	s9 =	sadd.s32 $0xFFFFFEF7, lr;
	s5 =	simm.s32 $0xFFFFFFFF;
	p2 =	slt.u32 s8, $0xFFFFF086  }
0x1c: {  	p1 =	slt.u32 s9, $0xF7A;
	s5 =	simm.s32 @!p2 $0x0  }
0x1d: {  	s5 =	simm.s32 @p1 $0x1;
	p0 =	seq.s32 s7, s2  }
0x1e: {  	s7 =	smul.u32 @!p0 $0xF7A, s2;
	p2 =	seq.s32 @!p0 s5, $0x0  }
0x1f: {  	s9 =	smul.u32 $0xF7A, s1;
	s8 =	simm.s32 @!p0 $0x1BF5;
	p2 =	por !p2, p0  }
0x20: {  	[sflag:s8] =	ssyncset.s32 @!p0 $0xFFFFF086;
	s6 =	sadd.s32 @!p0 s3, s7;
	s7 =	simm.s32 @!p0 $0x108  }
0x21: {  	s3 =	sadd.s32 s3, s9;
	s6 =	sadd.s32 @!p0 $0x88, s6;
	s7 =	simm.s32 @p2 $0x1082  }
0x22: {  	[simem:s7], [sflag:s8] =	dma.local @!p0 [hbm:s6], $0xF7A  }
0x23: {  	s9 =	sor.u32 $0xD0000000, s2;
	s6 =	simm.s32 $0x108;
	_ =	swait.ge @!p0 [sflag:s8], $0x0  }
0x24: {  	s3 =	sadd.s32 $0x88, s3;
	s6 =	simm.s32 @!p1 $0x1082;
	[sflag:s4] =	ssyncset.s32 $0xFFFFF086  }
0x25: {  	[simem:s6], [sflag:s4] =	dma.local [hbm:s3], $0xF7A  }
0x26: {  	[smem:$0x3F9D] =	sst s1;
	(tag) =	ssettag s2;
	_ =	strace s9  }
0x27: {  	s1 =	sld [smem:$0x3FAD]  }
0x28: {  	s2 =	sld [smem:$0x3FAE]  }
0x29: {  	s4 =	sld [smem:$0x3FB0]  }
0x2a: {  	p0 =	seq.s32 s5, $0x0;
	s5 =	sld [smem:$0x3FB1]  }
0x2b: {  	s6 =	sld [smem:$0x3FB2]  }
0x2c: {  	s7 =	sld [smem:$0x3FB3]  }
0x2d: {  	s3 =	simm.s32 $0x108;
	s8 =	sld [smem:$0x3FB4]  }
0x2e: {  	s3 =	simm.s32 @!p0 $0x1082;
	s9 =	sld [smem:$0x3FB5]  }
0x2f: {  	lr =	sadd.s32 s0, s3;
	s0 =	sld [smem:$0x3FAC]  }
0x30: {  	s3 =	sld [smem:$0x3FAF]  }
0x31: {  	[smem:$0x3FB8] =	sst s10  }
0x32: {  	s10 =	sld [smem:$0x3FB6];
	_ =	sdelay $0x3  }
0x33: {  	p0 =	seq.s32 s10, $0x1;
	s10 =	sld [smem:$0x3FB8];
	_ =	sdelay $0x3  }
0x34: {  	[smem:$0x3FB8] =	sst s10  }
0x35: {  	s10 =	sld [smem:$0x3FB7];
	_ =	sdelay $0x3  }
0x36: {  	p1 =	seq.s32 s10, $0x1;
	s10 =	sld [smem:$0x3FB8];
	_ =	sdelay $0x3  }
0x37: {  	[smem:$0x3FB8] =	sst s10  }
0x38: {  	s10 =	sld [smem:$0x3FB9]  }
0x39: {  	_ = 	snop;
	(pc) =	sbr.ind lr, $3  }
0x3a: {  	_ = 	snop  }
0x3b: {  	_ = 	snop  }
0x3c: {  	p2 =	seq.s32 s10, $0x1;
	s10 =	sld [smem:$0x3FB8]  }
0x3d: {  	_ =	shalt  }
0x3e: {  	_ =	shalt  }
0x3f: {  	_ =	shalt  }
0x40: {  	_ =	shalt  }
0x41: {  	_ =	shalt  }
0x42: {  	_ =	shalt  }
0x43: {  	_ =	shalt  }
0x44: {  	_ =	shalt  }
0x45: {  	_ =	shalt  }
0x46: {  	_ =	shalt  }
0x47: {  	_ =	shalt  }
0x48: {  	_ =	shalt  }
0x49: {  	_ =	shalt  }
0x4a: {  	_ =	shalt  }
0x4b: {  	_ =	shalt  }
0x4c: {  	_ =	shalt  }
0x4d: {  	_ =	shalt  }
0x4e: {  	_ =	shalt  }
0x4f: {  	_ =	shalt  }
0x50: {  	_ =	shalt  }
0x51: {  	_ =	shalt  }
0x52: {  	_ =	shalt  }
0x53: {  	_ =	shalt  }
0x54: {  	_ =	shalt  }
0x55: {  	_ =	shalt  }
0x56: {  	_ =	shalt  }
0x57: {  	_ =	shalt  }
0x58: {  	_ =	shalt  }
0x59: {  	_ =	shalt  }
0x5a: {  	_ =	shalt  }
0x5b: {  	_ =	shalt  }
0x5c: {  	_ =	shalt  }
0x5d: {  	_ =	shalt  }
0x5e: {  	_ =	shalt  }
0x5f: {  	_ =	shalt  }
0x60: {  	_ =	shalt  }
0x61: {  	_ =	shalt  }
0x62: {  	_ =	shalt  }
0x63: {  	_ =	shalt  }
0x64: {  	_ =	shalt  }
0x65: {  	_ =	shalt  }
0x66: {  	_ =	shalt  }
0x67: {  	_ =	shalt  }
0x68: {  	_ =	shalt  }
0x69: {  	_ =	shalt  }
0x6a: {  	_ =	shalt  }
0x6b: {  	_ =	shalt  }
0x6c: {  	_ =	shalt  }
0x6d: {  	_ =	shalt  }
0x6e: {  	_ =	shalt  }
0x6f: {  	_ =	shalt  }
0x70: {  	_ =	shalt  }
0x71: {  	_ =	shalt  }
0x72: {  	_ =	shalt  }
0x73: {  	_ =	shalt  }
0x74: {  	_ =	shalt  }
0x75: {  	_ =	shalt  }
0x76: {  	_ =	shalt  }
0x77: {  	_ =	shalt  }
0x78: {  	_ =	shalt  }
0x79: {  	_ =	shalt  }
0x7a: {  	_ =	shalt  }
0x7b: {  	_ =	shalt  }
0x7c: {  	_ =	shalt  }
0x7d: {  	_ =	shalt  }
0x7e: {  	_ =	shalt  }
0x7f: {  	_ =	shalt  }
0x80: {  	_ =	shalt  }
0x81: {  	_ =	shalt  }
0x82: {  	_ =	shalt  }
0x83: {  	_ =	shalt  }
0x84: {  	_ =	shalt  }
0x85: {  	_ =	shalt  }
0x86: {  	_ =	shalt  }
0x87: {  	_ =	shalt  }
.Lfunc_end0:
.L_simem_size_0:
called_computation_lowered:
.L_overlay_start_0:
0x88: {  	s2 =	sld [smem:$0x3FD9]  }
0x89: {  	s3 =	sld [smem:$0x3FFE];
	_ =	sdelay $0x1  }
0x8a: {  	s1 =	srdreg.scid  }
0x8b: {  	s0 =	sand.u32 $0x1, s1  }
0x8c: {  	s16 =	sshll.u32 s0, $0xA;
	s2 =	sadd.s32 s3, s2  }
0x8d: {  	s2 =	sadd.s32 s2, s16  }
0x8e: {  	[smem:$0x3FC4] =	sst s2  }
0x8f: {  	_ = 	snop  }
0x90: {  	(tm) =	ssettm $0x1  }
0x91: {  	s17 =	sld [smem:$0x3FFB];
	_ =	sdelay $0x3  }
0x92: {  	_ =	strace s17  }
0x93: {  	s2 =	sld [smem:$0x3FFC];
	_ =	sdelay $0x3  }
0x94: {  	_ =	strace s2  }
0x95: {  	s2 =	sld [smem:$0x3FFD];
	_ =	sdelay $0x3  }
0x96: {  	_ =	strace s2  }
0x97: {  	_ =	strace $0x8FFFFFFF  }
0x98: {  	s18 =	sld [smem:$0x3FDB];
	_ =	sdelay $0x1  }
0x99: {  	s19 =	simm.s32 $_scs_section_size  }
0x9a: {  	s4 =	simm.s32 $_size__tile_overlayer_lowered;
	s5 =	simm.s32 $_tile_overlayer_lowered  }
0x9b: {  	s22 =	simm.s32 $0x1BFF;
	s21 =	sshll.u32 s5, $0x1;
	s2 =	sadd.s32 s19, s18  }
0x9c: {  	s6 =	simm.s32 $0x0;
	s20 =	sshll.u32 s4, $0x1;
	s4 =	sadd.s32 s21, s2  }
0x9d: {  	[timem:s6], [sflag:s22] =	dma.local [hbm:s4], s20  }
0x9e: {  	_ =	swait.ge [sflag:s22], s20  }
0x9f: {  	s3 =	ssub.s32 $0x0, s20;
	[sflag:s22] =	ssyncset.done $0x0  }
0xa0: {  	[sflag:s22] =	ssyncadd.s32 s3;
	_ =	sdelay $0x1  }
0xa1: {  	s23 =	simm.s32 $0x1B8B  }
0xa2: {  	_ =	swait.ge [sflag:s23], $0x1  }
0xa3: {  	[sflag:s23] =	ssyncset.done $0x0  }
0xa4: {  	s25 =	simm.s32 $0x1B8E;
	s24 =	sld [smem:$0x3FFE];
	[sflag:s23] =	ssyncadd.s32 $0xFFFFFFFF  }
0xa5: {  	s26 =	simm.s32 $execute0_lowered;
	[smem:$0x3FD2] =	sst s25  }
0xa6: {  	s4 =	sshll.u32 s26, $0x1;
	_ =	strace $0x80000046;
	[dreg:$0x1] =	wrdreg $0xFFFFFFFF  }
0xa7: {  	s28 =	simm.s32 $_size_execute0_lowered;
	s2 =	sadd.s32 s2, s4;
	[dreg:$0x0] =	wrdreg $0x0  }
0xa8: {  	s4 =	sshll.u32 s28, $0x1;
	[dreg:$0x2] =	wrdreg s2  }
0xa9: {  	[dreg:$0x3] =	wrdreg s4  }
0xaa: {  	[dreg:$0x4] =	wrdreg $0xC0  }
0xab: {  	_ =	task [dreg:s6], $0x5FFFF  }
0xac: {  	[dreg:$0x1] =	wrdreg $0xFFFFFFFF  }
0xad: {  	[dreg:$0x0] =	wrdreg $0x60  }
0xae: {  	[dreg:$0x2] =	wrdreg s24  }
0xaf: {  	[dreg:$0x3] =	wrdreg $0x9  }
0xb0: {  	_ =	task.clear_ibuf [dreg:s6], $0x4FFFF;
	_ =	strace $0x90000046  }
0xb1: {  	s29 =	simm.s32 $0x9;
	_ =	strace $0x80000048  }
0xb2: {  	_ =	swait.ge [sflag:s29], $0x1  }
0xb3: {  	[sflag:s29] =	ssyncadd.s32 $0xFFFFFFFF  }
0xb4: {  	_ =	strace $0x90000048  }
0xb5: {  	_ =	sfence  }
0xb6: {  	s30 =	sld [smem:$0x0];
	_ =	sdelay $0x2  }
0xb7: {  	s31 =	sshll.u32 s1, $0xD;
	s1 =	sshrl.u32 s1, $0x2  }
0xb8: {  	s3 =	sand.u32 $0x4000, s31;
	s1 =	sadd.s32 s1, s30  }
0xb9: {  	s0 =	sor.u32 s3, s0;
	s1 =	sshll.u32 s1, $0x11  }
0xba: {  	s0 =	sor.u32 s1, s0  }
0xbb: {  	s0 =	sadd.s32 $0x8F2B, s0  }
0xbc: {  	[sflag:s0] =	ssyncadd.remote.s32 $0x1  }
0xbd: {  	_ =	sfence.sel $0xFFFF  }
0xbe: {  	[dreg:$0x0] =	wrdreg $0xFFFFFFFF;
	(pc) =	sbr.abs _section_cstart, $3  }
0xbf: {  	[dreg:$0x1] =	wrdreg $0xFFFFFFFF  }
0xc0: {  	_ =	task.clear_ibuf [dreg:s6], $0x2FFFF;
	_ =	strace $0x9FFFFFFF  }
0xc1: {  	(tm) =	ssettm $0x7FFFFFFF  }
tec
execute0_lowered:
.L_overlay_start_1:
0x0: {  	(tag) =	ssettag $0x1  }
0x1: {  	s0 =	srdreg.scid  }
0x2: {  	s2 =	stileid.u32;
	s1 =	rddreg [dreg:$0x0];
	s7 =	simm.s32 $0x80  }
0x3: {  	s9 =	simm.s32 $0x9;
	s10 =	simm.s32 $0x6400;
	s11 =	simm.s32 $0x6C00  }
0x4: {  	s13 =	simm.s32 $0x7400;
	s15 =	simm.s32 $0x7C00;
	s16 =	simm.s32 $0x200  }
0x5: {  	s17 =	simm.s32 $0x8400;
	s18 =	simm.s32 $0x280;
	s19 =	simm.s32 $0x8C00  }
0x6: {  	s20 =	simm.s32 $0x1;
	s21 =	simm.s32 $0x9400;
	s22 =	simm.s32 $0x2  }
0x7: {  	s23 =	simm.s32 $0x9C00;
	s24 =	simm.s32 $0x3;
	s25 =	simm.s32 $0x4  }
0x8: {  	s26 =	simm.s32 $0x5;
	s28 =	simm.s32 $0x6;
	s29 =	simm.s32 $0x7  }
0x9: {  	s30 =	simm.s32 $0x8;
	s31 =	simm.s32 $0xA400;
	s0 =	sand.u32 $0x1, s0  }
0xa: {  	s3 =	sshll.u32 s2, $0x8;
	s2 =	simm.s32 $0x0;
	s4 =	sshll.u32 s0, $0x7  }
0xb: {  	[smem:$0x7FF] =	sst s2;
	s0 =	ssub.s32 $0x2, s0;
	s4 =	sor.u32 s4, s3  }
0xc: {  	_ =	strace $0x80000047;
	s6 =	sshrl.u32 s0, $0x1;
	s3 =	sshrl.u32 s4, $0x3  }
0xd: {  	s4 =	sshll.u32 s4, $0x1;
	s0 =	ssub.s32 s0, s6;
	s5 =	sadd.s32 s3, s1  }
0xe: {  	s3 =	sadd.s32 $0x19400, s1;
	s1 =	sadd.s32 s4, s1;
	s6 =	smax.u32 s0, $0x1  }
0xf: {  	v0 =	vimm.f32 $0.0e+00;
	s4 =	sadd.s32 $0x400, s5;
	s5 =	sadd.s32 $0x209400, s1;
	s1 =	simm.s32 $0x0  }
.LBB2_1:
0x10: {  	s0 =	simm.s32 $0x1000  }
0x11: {  	[tilespmem:s2], [sflag:$0x9] =	stream.strided.gather [hbm4b:s4+s7], $0x6400, s0, s7, $0x38;
	[tilespmem:$0xAC00] =	vst v63  }
0x12: {  	_ =	swait.ge [sflag:s9], $0x6400  }
0x13: {  	[sflag:s9] =	ssyncset.done $0x0  }
0x14: {  	s8 =	simm.s32 $0x100;
	s0 =	simm.s32 $0x0;
	[sflag:s9] =	ssyncadd.s32 $0xFFFF9C00  }
.LBB2_2:
0x15: {  	p0 =	sne.s32 s8, $0x1F00;
	[tilespmem:s0+$0xA430] =	vst v0;
	s12 =	smov.u32 s8;
	s8 =	sadd.s32 $0x100, s8  }
.Ltmp0:
0x16: {  	[tilespmem:s0+$0xA420] =	vst v0;
	(pc) =	sbr.rel @p0 .LBB2_2-.Ltmp0, $3  }
0x17: {  	[tilespmem:s0+$0xA400] =	vst v0  }
0x18: {  	[tilespmem:s0+$0xA410] =	vst v0;
	_ =	sdelay $0x1  }
0x19: {  	s0 =	sshra.s32 s12, $0x2  }
0x1a: {  	[tilespmem:s0+$0xA430] =	vst v0  }
0x1b: {  	[tilespmem:s0+$0xA420] =	vst v0  }
0x1c: {  	[tilespmem:s0+$0xA400] =	vst v0  }
0x1d: {  	[tilespmem:s0+$0xA410] =	vst v0  }
0x1e: {  	v1 =	vld [tilespmem:$0x0]  }
0x1f: {  	v2 =	vld [tilespmem:$0x10]  }
0x20: {  	v3 =	vld [tilespmem:$0x20]  }
0x21: {  	v6 =	vld [tilespmem:$0x30]  }
0x22: {  	v7 =	vld [tilespmem:$0x40]  }
0x23: {  	v28 =	vld [tilespmem:$0x50];
	v4 =	vshll.u32 v1, $0x3  }
0x24: {  	v9 =	vld [tilespmem:$0x60];
	v5 =	vand.u32 $0xFFFF8000, v1;
	v1 =	vshrl.u32 v1, $0xC;
	v25 =	vshll.u32 v2, $0x3  }
0x25: {  	v10 =	vld [tilespmem:$0x70];
	v26 =	vand.u32 $0xFFFF8000, v2;
	v2 =	vshrl.u32 v2, $0xC;
	v27 =	vshll.u32 v3, $0x3  }
0x26: {  	v8 =	vand.u32 $0xFFFF8000, v3;
	v3 =	vshrl.u32 v3, $0xC;
	v29 =	vshll.u32 v6, $0x3  }
0x27: {  	v30 =	vand.u32 $0xFFFF8000, v6;
	v6 =	vshrl.u32 v6, $0xC;
	v32 =	vshll.u32 v7, $0x3  }
0x28: {  	v33 =	vand.u32 $0xFFFF8000, v7;
	v34 =	vshrl.u32 v7, $0xC;
	v35 =	vshll.u32 v28, $0x3  }
0x29: {  	v11 =	vand.u32 $0xFFFF8000, v28;
	v38 =	vshll.u32 v9, $0x3;
	v39 =	vshrl.u32 v9, $0xC  }
0x2a: {  	v41 =	vshll.u32 v10, $0x3;
	v42 =	vshrl.u32 v10, $0xC;
	v4 =	vand.u32 $0x7FF8, v4  }
0x2b: {  	v1 =	vand.u32 $0x7, v1;
	v2 =	vand.u32 $0x7, v2;
	v3 =	vand.u32 $0x7, v3  }
0x2c: {  	v31 =	vand.u32 $0x7, v6;
	v6 =	vand.u32 $0x7FF8, v32;
	v7 =	vand.u32 $0x7FF8, v35  }
0x2d: {  	v40 =	vand.u32 $0x7, v39;
	v4 =	vor.u32 v5, v4;
	v5 =	vand.u32 $0x7FF8, v25  }
0x2e: {  	v1 =	vor.u32 v1, v4;
	v4 =	vor.u32 v26, v5;
	v5 =	vand.u32 $0x7FF8, v27  }
0x2f: {  	v36 =	vor.u32 v11, v7;
	v5 =	vor.u32 v8, v5;
	v2 =	vor.u32 v2, v4  }
0x30: {  	v4 =	vand.u32 $0x7FF8, v29;
	v8 =	vshrl.u32 v28, $0xC;
	[tilespmem:$0x0] =	vst v1;
	v1 =	vand.u32 $0x7, v34  }
0x31: {  	v3 =	vor.u32 v3, v5;
	v4 =	vor.u32 v30, v4;
	v5 =	vor.u32 v33, v6;
	[tilespmem:$0x10] =	vst v2  }
0x32: {  	v37 =	vand.u32 $0x7, v8;
	v4 =	vor.u32 v31, v4;
	v1 =	vor.u32 v1, v5;
	[tilespmem:$0x20] =	vst v3  }
0x33: {  	v2 =	vor.u32 v37, v36;
	v3 =	vand.u32 $0xFFFF8000, v9;
	v5 =	vand.u32 $0x7FF8, v38;
	[tilespmem:$0x30] =	vst v4  }
0x34: {  	v3 =	vor.u32 v3, v5;
	[tilespmem:$0x40] =	vst v1;
	v1 =	vand.u32 $0xFFFF8000, v10;
	v5 =	vand.u32 $0x7FF8, v41  }
0x35: {  	[tilespmem:$0x50] =	vst v2;
	v2 =	vor.u32 v40, v3;
	v1 =	vor.u32 v1, v5;
	v3 =	vand.u32 $0x7, v42  }
0x36: {  	[tilespmem:$0x60] =	vst v2;
	v1 =	vor.u32 v3, v1  }
0x37: {  	s0 =	simm.s32 $0x0;
	[tilespmem:$0x70] =	vst v1  }
0x38: {  	[tilespmem:s10], [sflag:$0x1] =	stream.indirect.gather [hbm4b:s3+s7], $0x10, s0, s7, $0xb8;
	[tilespmem:$0xAC00] =	vst v63  }
0x39: {  	v1 =	vld [tilespmem:$0x80]  }
0x3a: {  	v2 =	vld [tilespmem:$0x90]  }
0x3b: {  	v3 =	vld [tilespmem:$0xA0]  }
0x3c: {  	v46 =	vld [tilespmem:$0xB0]  }
0x3d: {  	v49 =	vld [tilespmem:$0xC0]  }
0x3e: {  	v51 =	vld [tilespmem:$0xD0];
	v43 =	vshll.u32 v1, $0x3  }
0x3f: {  	v56 =	vld [tilespmem:$0xE0];
	v44 =	vand.u32 $0xFFFF8000, v1;
	v1 =	vshrl.u32 v1, $0xC;
	v45 =	vshll.u32 v2, $0x3  }
0x40: {  	v60 =	vld [tilespmem:$0xF0];
	v47 =	vand.u32 $0xFFFF8000, v2;
	v2 =	vshrl.u32 v2, $0xC;
	v48 =	vshll.u32 v3, $0x3  }
0x41: {  	v50 =	vand.u32 $0xFFFF8000, v3;
	v3 =	vshrl.u32 v3, $0xC;
	v52 =	vshll.u32 v46, $0x3  }
0x42: {  	v53 =	vand.u32 $0xFFFF8000, v46;
	v6 =	vshrl.u32 v46, $0xC;
	v55 =	vshll.u32 v49, $0x3  }
0x43: {  	v57 =	vand.u32 $0xFFFF8000, v49;
	v58 =	vshrl.u32 v49, $0xC;
	v59 =	vshll.u32 v51, $0x3  }
0x44: {  	v61 =	vand.u32 $0xFFFF8000, v51;
	v8 =	vshrl.u32 v51, $0xC;
	v11 =	vshrl.u32 v56, $0xC  }
0x45: {  	v13 =	vshll.u32 v60, $0x3;
	v14 =	vshrl.u32 v60, $0xC;
	v4 =	vand.u32 $0x7FF8, v43  }
0x46: {  	v1 =	vand.u32 $0x7, v1;
	v5 =	vand.u32 $0x7FF8, v45;
	v2 =	vand.u32 $0x7, v2  }
0x47: {  	v3 =	vand.u32 $0x7, v3;
	v54 =	vand.u32 $0x7, v6;
	v6 =	vand.u32 $0x7FF8, v55  }
0x48: {  	v7 =	vand.u32 $0x7FF8, v59;
	v63 =	vand.u32 $0x7, v8;
	v8 =	vshll.u32 v56, $0x3  }
0x49: {  	v12 =	vand.u32 $0x7, v11;
	v4 =	vor.u32 v44, v4;
	v62 =	vor.u32 v61, v7  }
0x4a: {  	v1 =	vor.u32 v1, v4;
	v4 =	vor.u32 v47, v5;
	v5 =	vand.u32 $0x7FF8, v48  }
0x4b: {  	v5 =	vor.u32 v50, v5;
	v2 =	vor.u32 v2, v4;
	v4 =	vand.u32 $0x7FF8, v52;
	[tilespmem:$0x80] =	vst v1  }
0x4c: {  	v1 =	vand.u32 $0x7, v58;
	v3 =	vor.u32 v3, v5;
	v4 =	vor.u32 v53, v4;
	[tilespmem:$0x90] =	vst v2  }
0x4d: {  	v5 =	vor.u32 v57, v6;
	v2 =	vor.u32 v63, v62;
	v4 =	vor.u32 v54, v4;
	[tilespmem:$0xA0] =	vst v3  }
0x4e: {  	v1 =	vor.u32 v1, v5;
	v3 =	vand.u32 $0xFFFF8000, v56;
	v5 =	vand.u32 $0x7FF8, v8;
	[tilespmem:$0xD0] =	vst v2  }
0x4f: {  	v3 =	vor.u32 v3, v5;
	[tilespmem:$0xC0] =	vst v1;
	v1 =	vand.u32 $0xFFFF8000, v60;
	v5 =	vand.u32 $0x7FF8, v13  }
0x50: {  	[tilespmem:$0xB0] =	vst v4;
	v2 =	vor.u32 v12, v3;
	v1 =	vor.u32 v1, v5;
	v3 =	vand.u32 $0x7, v14  }
0x51: {  	[tilespmem:$0xE0] =	vst v2;
	v1 =	vor.u32 v3, v1  }
0x52: {  	[tilespmem:$0xF0] =	vst v1  }
0x53: {  	[tilespmem:s11], [sflag:$0x2] =	stream.indirect.gather [hbm4b:s3+s7], $0x10, s7, s7, $0xb8;
	[tilespmem:$0xAC00] =	vst v63  }
0x54: {  	v1 =	vld [tilespmem:$0x100]  }
0x55: {  	v2 =	vld [tilespmem:$0x110]  }
0x56: {  	v3 =	vld [tilespmem:$0x120]  }
0x57: {  	v18 =	vld [tilespmem:$0x130]  }
0x58: {  	v21 =	vld [tilespmem:$0x140]  }
0x59: {  	v23 =	vld [tilespmem:$0x150];
	v15 =	vshll.u32 v1, $0x3  }
0x5a: {  	v28 =	vld [tilespmem:$0x160];
	v16 =	vand.u32 $0xFFFF8000, v1;
	v1 =	vshrl.u32 v1, $0xC;
	v17 =	vshll.u32 v2, $0x3  }
0x5b: {  	v32 =	vld [tilespmem:$0x170];
	v19 =	vand.u32 $0xFFFF8000, v2;
	v2 =	vshrl.u32 v2, $0xC;
	v20 =	vshll.u32 v3, $0x3  }
0x5c: {  	v22 =	vand.u32 $0xFFFF8000, v3;
	v3 =	vshrl.u32 v3, $0xC;
	v24 =	vshll.u32 v18, $0x3  }
0x5d: {  	v25 =	vand.u32 $0xFFFF8000, v18;
	v6 =	vshrl.u32 v18, $0xC;
	v27 =	vshll.u32 v21, $0x3  }
0x5e: {  	v29 =	vand.u32 $0xFFFF8000, v21;
	v30 =	vshrl.u32 v21, $0xC;
	v31 =	vshll.u32 v23, $0x3  }
0x5f: {  	v33 =	vand.u32 $0xFFFF8000, v23;
	v8 =	vshrl.u32 v23, $0xC;
	v36 =	vshll.u32 v28, $0x3  }
0x60: {  	v37 =	vshrl.u32 v28, $0xC;
	v39 =	vshll.u32 v32, $0x3;
	v40 =	vshrl.u32 v32, $0xC  }
0x61: {  	v4 =	vand.u32 $0x7FF8, v15;
	v1 =	vand.u32 $0x7, v1;
	v5 =	vand.u32 $0x7FF8, v17  }
0x62: {  	v2 =	vand.u32 $0x7, v2;
	v3 =	vand.u32 $0x7, v3;
	v26 =	vand.u32 $0x7, v6  }
0x63: {  	v6 =	vand.u32 $0x7FF8, v27;
	v7 =	vand.u32 $0x7FF8, v31;
	v35 =	vand.u32 $0x7, v8  }
0x64: {  	v38 =	vand.u32 $0x7, v37;
	v4 =	vor.u32 v16, v4;
	v34 =	vor.u32 v33, v7  }
0x65: {  	v1 =	vor.u32 v1, v4;
	v4 =	vor.u32 v19, v5;
	v5 =	vand.u32 $0x7FF8, v20  }
0x66: {  	v5 =	vor.u32 v22, v5;
	v2 =	vor.u32 v2, v4;
	v4 =	vand.u32 $0x7FF8, v24;
	[tilespmem:$0x100] =	vst v1  }
0x67: {  	v1 =	vand.u32 $0x7, v30;
	v3 =	vor.u32 v3, v5;
	v4 =	vor.u32 v25, v4;
	[tilespmem:$0x110] =	vst v2  }
0x68: {  	v5 =	vor.u32 v29, v6;
	v2 =	vor.u32 v35, v34;
	v4 =	vor.u32 v26, v4;
	[tilespmem:$0x120] =	vst v3  }
0x69: {  	v1 =	vor.u32 v1, v5;
	v3 =	vand.u32 $0xFFFF8000, v28;
	v5 =	vand.u32 $0x7FF8, v36;
	[tilespmem:$0x150] =	vst v2  }
0x6a: {  	v3 =	vor.u32 v3, v5;
	[tilespmem:$0x140] =	vst v1;
	v1 =	vand.u32 $0xFFFF8000, v32;
	v5 =	vand.u32 $0x7FF8, v39  }
0x6b: {  	[tilespmem:$0x130] =	vst v4;
	v2 =	vor.u32 v38, v3;
	v1 =	vor.u32 v1, v5;
	v3 =	vand.u32 $0x7, v40  }
0x6c: {  	[tilespmem:$0x160] =	vst v2;
	v1 =	vor.u32 v3, v1  }
0x6d: {  	s8 =	simm.s32 $0x100;
	[tilespmem:$0x170] =	vst v1  }
0x6e: {  	[tilespmem:s13], [sflag:$0x3] =	stream.indirect.gather [hbm4b:s3+s7], $0x10, s8, s7, $0xb8;
	[tilespmem:$0xAC00] =	vst v63  }
0x6f: {  	v1 =	vld [tilespmem:$0x180]  }
0x70: {  	v2 =	vld [tilespmem:$0x190]  }
0x71: {  	v3 =	vld [tilespmem:$0x1A0]  }
0x72: {  	v44 =	vld [tilespmem:$0x1B0]  }
0x73: {  	v47 =	vld [tilespmem:$0x1C0]  }
0x74: {  	v49 =	vld [tilespmem:$0x1D0];
	v41 =	vshll.u32 v1, $0x3  }
0x75: {  	v54 =	vld [tilespmem:$0x1E0];
	v42 =	vand.u32 $0xFFFF8000, v1;
	v1 =	vshrl.u32 v1, $0xC;
	v43 =	vshll.u32 v2, $0x3  }
0x76: {  	v58 =	vld [tilespmem:$0x1F0];
	v45 =	vand.u32 $0xFFFF8000, v2;
	v2 =	vshrl.u32 v2, $0xC;
	v46 =	vshll.u32 v3, $0x3  }
0x77: {  	v48 =	vand.u32 $0xFFFF8000, v3;
	v3 =	vshrl.u32 v3, $0xC;
	v50 =	vshll.u32 v44, $0x3  }
0x78: {  	v51 =	vand.u32 $0xFFFF8000, v44;
	v6 =	vshrl.u32 v44, $0xC;
	v53 =	vshll.u32 v47, $0x3  }
0x79: {  	v55 =	vand.u32 $0xFFFF8000, v47;
	v56 =	vshrl.u32 v47, $0xC;
	v57 =	vshll.u32 v49, $0x3  }
0x7a: {  	v59 =	vand.u32 $0xFFFF8000, v49;
	v8 =	vshrl.u32 v49, $0xC;
	v62 =	vshll.u32 v54, $0x3  }
0x7b: {  	v63 =	vshrl.u32 v54, $0xC;
	v11 =	vshll.u32 v58, $0x3;
	v12 =	vshrl.u32 v58, $0xC  }
0x7c: {  	v4 =	vand.u32 $0x7FF8, v41;
	v1 =	vand.u32 $0x7, v1;
	v5 =	vand.u32 $0x7FF8, v43  }
0x7d: {  	v2 =	vand.u32 $0x7, v2;
	v3 =	vand.u32 $0x7, v3;
	v52 =	vand.u32 $0x7, v6  }
0x7e: {  	v6 =	vand.u32 $0x7FF8, v53;
	v7 =	vand.u32 $0x7FF8, v57;
	v61 =	vand.u32 $0x7, v8  }
0x7f: {  	v9 =	vand.u32 $0x7, v63;
	v4 =	vor.u32 v42, v4;
	v60 =	vor.u32 v59, v7  }
0x80: {  	v1 =	vor.u32 v1, v4;
	v4 =	vor.u32 v45, v5;
	v5 =	vand.u32 $0x7FF8, v46  }
0x81: {  	v5 =	vor.u32 v48, v5;
	v2 =	vor.u32 v2, v4;
	v4 =	vand.u32 $0x7FF8, v50;
	[tilespmem:$0x180] =	vst v1  }
0x82: {  	v1 =	vand.u32 $0x7, v56;
	v3 =	vor.u32 v3, v5;
	v4 =	vor.u32 v51, v4;
	[tilespmem:$0x190] =	vst v2  }
0x83: {  	v5 =	vor.u32 v55, v6;
	v2 =	vor.u32 v61, v60;
	v4 =	vor.u32 v52, v4;
	[tilespmem:$0x1A0] =	vst v3  }
0x84: {  	v1 =	vor.u32 v1, v5;
	v3 =	vand.u32 $0xFFFF8000, v54;
	v5 =	vand.u32 $0x7FF8, v62;
	[tilespmem:$0x1D0] =	vst v2  }
0x85: {  	v3 =	vor.u32 v3, v5;
	[tilespmem:$0x1C0] =	vst v1;
	v1 =	vand.u32 $0xFFFF8000, v58;
	v5 =	vand.u32 $0x7FF8, v11  }
0x86: {  	[tilespmem:$0x1B0] =	vst v4;
	v2 =	vor.u32 v9, v3;
	v1 =	vor.u32 v1, v5;
	v3 =	vand.u32 $0x7, v12  }
0x87: {  	[tilespmem:$0x1E0] =	vst v2;
	v1 =	vor.u32 v3, v1  }
0x88: {  	s14 =	simm.s32 $0x180;
	[tilespmem:$0x1F0] =	vst v1  }
0x89: {  	[tilespmem:s15], [sflag:$0x4] =	stream.indirect.gather [hbm4b:s3+s7], $0x10, s14, s7, $0xb8;
	[tilespmem:$0xAC00] =	vst v63  }
0x8a: {  	v1 =	vld [tilespmem:$0x200]  }
0x8b: {  	v2 =	vld [tilespmem:$0x210]  }
0x8c: {  	v3 =	vld [tilespmem:$0x220]  }
0x8d: {  	v16 =	vld [tilespmem:$0x230]  }
0x8e: {  	v19 =	vld [tilespmem:$0x240]  }
0x8f: {  	v21 =	vld [tilespmem:$0x250];
	v13 =	vshll.u32 v1, $0x3  }
0x90: {  	v26 =	vld [tilespmem:$0x260];
	v14 =	vand.u32 $0xFFFF8000, v1;
	v1 =	vshrl.u32 v1, $0xC;
	v15 =	vshll.u32 v2, $0x3  }
0x91: {  	v30 =	vld [tilespmem:$0x270];
	v17 =	vand.u32 $0xFFFF8000, v2;
	v2 =	vshrl.u32 v2, $0xC;
	v18 =	vshll.u32 v3, $0x3  }
0x92: {  	v20 =	vand.u32 $0xFFFF8000, v3;
	v3 =	vshrl.u32 v3, $0xC;
	v22 =	vshll.u32 v16, $0x3  }
0x93: {  	v23 =	vand.u32 $0xFFFF8000, v16;
	v6 =	vshrl.u32 v16, $0xC;
	v25 =	vshll.u32 v19, $0x3  }
0x94: {  	v27 =	vand.u32 $0xFFFF8000, v19;
	v28 =	vshrl.u32 v19, $0xC;
	v29 =	vshll.u32 v21, $0x3  }
0x95: {  	v31 =	vand.u32 $0xFFFF8000, v21;
	v8 =	vshrl.u32 v21, $0xC;
	v34 =	vshll.u32 v26, $0x3  }
0x96: {  	v35 =	vshrl.u32 v26, $0xC;
	v37 =	vshll.u32 v30, $0x3;
	v38 =	vshrl.u32 v30, $0xC  }
0x97: {  	v4 =	vand.u32 $0x7FF8, v13;
	v1 =	vand.u32 $0x7, v1;
	v5 =	vand.u32 $0x7FF8, v15  }
0x98: {  	v2 =	vand.u32 $0x7, v2;
	v3 =	vand.u32 $0x7, v3;
	v24 =	vand.u32 $0x7, v6  }
0x99: {  	v6 =	vand.u32 $0x7FF8, v25;
	v7 =	vand.u32 $0x7FF8, v29;
	v33 =	vand.u32 $0x7, v8  }
0x9a: {  	v36 =	vand.u32 $0x7, v35;
	v4 =	vor.u32 v14, v4;
	v32 =	vor.u32 v31, v7  }
0x9b: {  	v1 =	vor.u32 v1, v4;
	v4 =	vor.u32 v17, v5;
	v5 =	vand.u32 $0x7FF8, v18  }
0x9c: {  	v5 =	vor.u32 v20, v5;
	v2 =	vor.u32 v2, v4;
	v4 =	vand.u32 $0x7FF8, v22;
	[tilespmem:$0x200] =	vst v1  }
0x9d: {  	v1 =	vand.u32 $0x7, v28;
	v3 =	vor.u32 v3, v5;
	v4 =	vor.u32 v23, v4;
	[tilespmem:$0x210] =	vst v2  }
0x9e: {  	v5 =	vor.u32 v27, v6;
	v2 =	vor.u32 v33, v32;
	v4 =	vor.u32 v24, v4;
	[tilespmem:$0x220] =	vst v3  }
0x9f: {  	v1 =	vor.u32 v1, v5;
	v3 =	vand.u32 $0xFFFF8000, v26;
	v5 =	vand.u32 $0x7FF8, v34;
	[tilespmem:$0x250] =	vst v2  }
0xa0: {  	v3 =	vor.u32 v3, v5;
	[tilespmem:$0x240] =	vst v1;
	v1 =	vand.u32 $0xFFFF8000, v30;
	v5 =	vand.u32 $0x7FF8, v37  }
0xa1: {  	[tilespmem:$0x230] =	vst v4;
	v2 =	vor.u32 v36, v3;
	v1 =	vor.u32 v1, v5;
	v3 =	vand.u32 $0x7, v38  }
0xa2: {  	[tilespmem:$0x260] =	vst v2;
	v1 =	vor.u32 v3, v1  }
0xa3: {  	[tilespmem:$0x270] =	vst v1  }
0xa4: {  	[tilespmem:s17], [sflag:$0x5] =	stream.indirect.gather [hbm4b:s3+s7], $0x10, s16, s7, $0xb8;
	[tilespmem:$0xAC00] =	vst v63  }
0xa5: {  	v1 =	vld [tilespmem:$0x280]  }
0xa6: {  	v2 =	vld [tilespmem:$0x290]  }
0xa7: {  	v3 =	vld [tilespmem:$0x2A0]  }
0xa8: {  	v42 =	vld [tilespmem:$0x2B0]  }
0xa9: {  	v45 =	vld [tilespmem:$0x2C0]  }
0xaa: {  	v47 =	vld [tilespmem:$0x2D0];
	v39 =	vshll.u32 v1, $0x3  }
0xab: {  	v52 =	vld [tilespmem:$0x2E0];
	v40 =	vand.u32 $0xFFFF8000, v1;
	v1 =	vshrl.u32 v1, $0xC;
	v41 =	vshll.u32 v2, $0x3  }
0xac: {  	v56 =	vld [tilespmem:$0x2F0];
	v43 =	vand.u32 $0xFFFF8000, v2;
	v2 =	vshrl.u32 v2, $0xC;
	v44 =	vshll.u32 v3, $0x3  }
0xad: {  	v46 =	vand.u32 $0xFFFF8000, v3;
	v3 =	vshrl.u32 v3, $0xC;
	v48 =	vshll.u32 v42, $0x3  }
0xae: {  	v49 =	vand.u32 $0xFFFF8000, v42;
	v6 =	vshrl.u32 v42, $0xC;
	v51 =	vshll.u32 v45, $0x3  }
0xaf: {  	v53 =	vand.u32 $0xFFFF8000, v45;
	v54 =	vshrl.u32 v45, $0xC;
	v55 =	vshll.u32 v47, $0x3  }
0xb0: {  	v57 =	vand.u32 $0xFFFF8000, v47;
	v8 =	vshrl.u32 v47, $0xC;
	v59 =	vshll.u32 v52, $0x3  }
0xb1: {  	v60 =	vshrl.u32 v52, $0xC;
	v62 =	vshll.u32 v56, $0x3;
	v63 =	vshrl.u32 v56, $0xC  }
0xb2: {  	v4 =	vand.u32 $0x7FF8, v39;
	v1 =	vand.u32 $0x7, v1;
	v5 =	vand.u32 $0x7FF8, v41  }
0xb3: {  	v2 =	vand.u32 $0x7, v2;
	v3 =	vand.u32 $0x7, v3;
	v50 =	vand.u32 $0x7, v6  }
0xb4: {  	v6 =	vand.u32 $0x7FF8, v51;
	v7 =	vand.u32 $0x7FF8, v55;
	v4 =	vor.u32 v40, v4  }
0xb5: {  	v1 =	vor.u32 v1, v4;
	v4 =	vor.u32 v43, v5;
	v5 =	vand.u32 $0x7FF8, v44  }
0xb6: {  	v58 =	vand.u32 $0x7, v8;
	v61 =	vand.u32 $0x7, v60;
	v5 =	vor.u32 v46, v5  }
0xb7: {  	v2 =	vor.u32 v2, v4;
	v4 =	vand.u32 $0x7FF8, v48;
	[tilespmem:$0x280] =	vst v1;
	v1 =	vor.u32 v57, v7  }
0xb8: {  	v3 =	vor.u32 v3, v5;
	v4 =	vor.u32 v49, v4;
	v5 =	vor.u32 v53, v6;
	[tilespmem:$0x290] =	vst v2  }
0xb9: {  	v6 =	vand.u32 $0x7, v54;
	v1 =	vor.u32 v58, v1;
	v4 =	vor.u32 v50, v4;
	[tilespmem:$0x2A0] =	vst v3  }
0xba: {  	v2 =	vor.u32 v6, v5;
	v3 =	vand.u32 $0xFFFF8000, v52;
	v5 =	vand.u32 $0x7FF8, v59;
	[tilespmem:$0x2D0] =	vst v1  }
0xbb: {  	v3 =	vor.u32 v3, v5;
	[tilespmem:$0x2C0] =	vst v2;
	v2 =	vand.u32 $0xFFFF8000, v56;
	v5 =	vand.u32 $0x7FF8, v62  }
0xbc: {  	[tilespmem:$0x2B0] =	vst v4;
	v1 =	vor.u32 v61, v3;
	v2 =	vor.u32 v2, v5;
	v3 =	vand.u32 $0x7, v63  }
0xbd: {  	[tilespmem:$0x2E0] =	vst v1;
	v1 =	vor.u32 v3, v2  }
0xbe: {  	[tilespmem:$0x2F0] =	vst v1  }
0xbf: {  	[tilespmem:s19], [sflag:$0x6] =	stream.indirect.gather [hbm4b:s3+s7], $0x10, s18, s7, $0xb8;
	[tilespmem:$0xAC00] =	vst v63  }
.LBB2_4:
0xc0: {  	_ =	swait.ge [sflag:s20], $0x800  }
0xc1: {  	s8 =	sshll.u32 s0, $0xC;
	[sflag:s20] =	ssyncset.done $0x0  }
0xc2: {  	s8 =	sshra.s32 s8, $0x2;
	[sflag:s20] =	ssyncadd.s32 $0xFFFFF800  }
0xc3: {  	v1 =	vld [tilespmem:s8+$0x300]  }
0xc4: {  	v2 =	vld [tilespmem:s8+$0x310]  }
0xc5: {  	v3 =	vld [tilespmem:s8+$0x320]  }
0xc6: {  	v6 =	vld [tilespmem:s8+$0x330]  }
0xc7: {  	v7 =	vld [tilespmem:s8+$0x340]  }
0xc8: {  	v50 =	vld [tilespmem:s8+$0x350];
	v4 =	vshll.u32 v1, $0x3  }
0xc9: {  	v9 =	vld [tilespmem:s8+$0x360];
	v5 =	vand.u32 $0xFFFF8000, v1;
	v1 =	vshrl.u32 v1, $0xC;
	v47 =	vshll.u32 v2, $0x3  }
0xca: {  	v10 =	vld [tilespmem:s8+$0x370];
	v48 =	vand.u32 $0xFFFF8000, v2;
	v2 =	vshrl.u32 v2, $0xC;
	v49 =	vshll.u32 v3, $0x3  }
0xcb: {  	v8 =	vand.u32 $0xFFFF8000, v3;
	v3 =	vshrl.u32 v3, $0xC;
	v51 =	vshll.u32 v6, $0x3  }
0xcc: {  	v52 =	vand.u32 $0xFFFF8000, v6;
	v6 =	vshrl.u32 v6, $0xC;
	v54 =	vshll.u32 v7, $0x3  }
0xcd: {  	v55 =	vand.u32 $0xFFFF8000, v7;
	v56 =	vshrl.u32 v7, $0xC;
	v57 =	vshll.u32 v50, $0x3  }
0xce: {  	v11 =	vand.u32 $0xFFFF8000, v50;
	v59 =	vshll.u32 v9, $0x3;
	v60 =	vshrl.u32 v9, $0xC  }
0xcf: {  	v62 =	vshll.u32 v10, $0x3;
	v63 =	vshrl.u32 v10, $0xC;
	v4 =	vand.u32 $0x7FF8, v4  }
0xd0: {  	v1 =	vand.u32 $0x7, v1;
	v2 =	vand.u32 $0x7, v2;
	v3 =	vand.u32 $0x7, v3  }
0xd1: {  	v53 =	vand.u32 $0x7, v6;
	v6 =	vand.u32 $0x7FF8, v54;
	v7 =	vand.u32 $0x7FF8, v57  }
0xd2: {  	v61 =	vand.u32 $0x7, v60;
	v4 =	vor.u32 v5, v4;
	v5 =	vand.u32 $0x7FF8, v47  }
0xd3: {  	v1 =	vor.u32 v1, v4;
	v4 =	vor.u32 v48, v5;
	v5 =	vand.u32 $0x7FF8, v49  }
0xd4: {  	v5 =	vor.u32 v8, v5;
	v2 =	vor.u32 v2, v4;
	v4 =	vand.u32 $0x7FF8, v51  }
0xd5: {  	v8 =	vshrl.u32 v50, $0xC;
	[tilespmem:s8+$0x300] =	vst v1;
	v1 =	vor.u32 v11, v7;
	v3 =	vor.u32 v3, v5  }
0xd6: {  	v4 =	vor.u32 v52, v4;
	v5 =	vor.u32 v55, v6;
	v6 =	vand.u32 $0x7, v56;
	[tilespmem:s8+$0x310] =	vst v2  }
0xd7: {  	v58 =	vand.u32 $0x7, v8;
	v4 =	vor.u32 v53, v4;
	v2 =	vor.u32 v6, v5;
	[tilespmem:s8+$0x320] =	vst v3  }
0xd8: {  	v1 =	vor.u32 v58, v1;
	v3 =	vand.u32 $0xFFFF8000, v9;
	v5 =	vand.u32 $0x7FF8, v59;
	[tilespmem:s8+$0x330] =	vst v4  }
0xd9: {  	v3 =	vor.u32 v3, v5;
	[tilespmem:s8+$0x340] =	vst v2;
	v2 =	vand.u32 $0xFFFF8000, v10;
	v5 =	vand.u32 $0x7FF8, v62  }
0xda: {  	[tilespmem:s8+$0x350] =	vst v1;
	v1 =	vor.u32 v61, v3;
	v2 =	vor.u32 v2, v5;
	v3 =	vand.u32 $0x7, v63  }
0xdb: {  	[tilespmem:s8+$0x360] =	vst v1;
	v1 =	vor.u32 v3, v2  }
0xdc: {  	s12 =	sor.u32 $0x300, s8;
	[tilespmem:s8+$0x370] =	vst v1  }
0xdd: {  	[tilespmem:s21], [sflag:$0x7] =	stream.indirect.gather [hbm4b:s3+s7], $0x10, s12, s7, $0xb8;
	[tilespmem:$0xAC00] =	vst v63  }
0xde: {  	s14 =	simm.s32 $0x200;
	s12 =	simm.s32 $0x0  }
.LBB2_5:
0xdf: {  	p0 =	sne.s32 s14, $0x1E00;
	v1 =	vld [tilespmem:s12+$0x6470]  }
0xe0: {  	v2 =	vld [tilespmem:s12+$0x6400]  }
0xe1: {  	v3 =	vld [tilespmem:s12+$0x6410]  }
0xe2: {  	v4 =	vld [tilespmem:s12+$0x6420]  }
0xe3: {  	v5 =	vld [tilespmem:s12+$0x6430]  }
0xe4: {  	[tilespmem:s12+$0xA470] =	vst.add.f32.msk $0xffff, v1  }
0xe5: {  	v1 =	vld [tilespmem:s12+$0x6440]  }
0xe6: {  	v6 =	vld [tilespmem:s12+$0x6450]  }
0xe7: {  	v7 =	vld [tilespmem:s12+$0x6460]  }
0xe8: {  	[tilespmem:s12+$0xA400] =	vst.add.f32.msk $0xffff, v2  }
0xe9: {  	[tilespmem:s12+$0xA410] =	vst.add.f32.msk $0xffff, v3  }
.Ltmp1:
0xea: {  	[tilespmem:s12+$0xA420] =	vst.add.f32.msk $0xffff, v4;
	(pc) =	sbr.rel @p0 .LBB2_5-.Ltmp1, $4  }
0xeb: {  	[tilespmem:s12+$0xA430] =	vst.add.f32.msk $0xffff, v5  }
0xec: {  	[tilespmem:s12+$0xA440] =	vst.add.f32.msk $0xffff, v1  }
0xed: {  	[tilespmem:s12+$0xA450] =	vst.add.f32.msk $0xffff, v6  }
0xee: {  	[tilespmem:s12+$0xA460] =	vst.add.f32.msk $0xffff, v7;
	s12 =	sshra.s32 s14, $0x2;
	s14 =	sadd.s32 $0x200, s14  }
0xef: {  	v1 =	vld [tilespmem:s12+$0x6470]  }
0xf0: {  	v2 =	vld [tilespmem:s12+$0x6400]  }
0xf1: {  	v3 =	vld [tilespmem:s12+$0x6410]  }
0xf2: {  	v4 =	vld [tilespmem:s12+$0x6420]  }
0xf3: {  	v5 =	vld [tilespmem:s12+$0x6430]  }
0xf4: {  	v6 =	vld [tilespmem:s12+$0x6450]  }
0xf5: {  	v7 =	vld [tilespmem:s12+$0x6460]  }
0xf6: {  	[tilespmem:s12+$0xA470] =	vst.add.f32.msk $0xffff, v1  }
0xf7: {  	v1 =	vld [tilespmem:s12+$0x6440]  }
0xf8: {  	[tilespmem:s12+$0xA400] =	vst.add.f32.msk $0xffff, v2  }
0xf9: {  	[tilespmem:s12+$0xA410] =	vst.add.f32.msk $0xffff, v3  }
0xfa: {  	[tilespmem:s12+$0xA420] =	vst.add.f32.msk $0xffff, v4  }
0xfb: {  	[tilespmem:s12+$0xA430] =	vst.add.f32.msk $0xffff, v5  }
0xfc: {  	[tilespmem:s12+$0xA450] =	vst.add.f32.msk $0xffff, v6  }
0xfd: {  	[tilespmem:s12+$0xA460] =	vst.add.f32.msk $0xffff, v7  }
0xfe: {  	[tilespmem:s12+$0xA440] =	vst.add.f32.msk $0xffff, v1  }
0xff: {  	_ =	swait.ge [sflag:s22], $0x800  }
0x100: {  	[sflag:s22] =	ssyncset.done $0x0  }
0x101: {  	[sflag:s22] =	ssyncadd.s32 $0xFFFFF800  }
0x102: {  	v1 =	vld [tilespmem:s8+$0x380]  }
0x103: {  	v2 =	vld [tilespmem:s8+$0x390]  }
0x104: {  	v3 =	vld [tilespmem:s8+$0x3A0]  }
0x105: {  	v46 =	vld [tilespmem:s8+$0x3B0]  }
0x106: {  	v49 =	vld [tilespmem:s8+$0x3C0]  }
0x107: {  	v50 =	vld [tilespmem:s8+$0x3D0];
	v43 =	vshll.u32 v1, $0x3  }
0x108: {  	v9 =	vld [tilespmem:s8+$0x3E0];
	v44 =	vand.u32 $0xFFFF8000, v1;
	v1 =	vshrl.u32 v1, $0xC;
	v45 =	vshll.u32 v2, $0x3  }
0x109: {  	v10 =	vld [tilespmem:s8+$0x3F0];
	v47 =	vand.u32 $0xFFFF8000, v2;
	v2 =	vshrl.u32 v2, $0xC;
	v48 =	vshll.u32 v3, $0x3  }
0x10a: {  	v8 =	vand.u32 $0xFFFF8000, v3;
	v3 =	vshrl.u32 v3, $0xC;
	v51 =	vshll.u32 v46, $0x3  }
0x10b: {  	v52 =	vand.u32 $0xFFFF8000, v46;
	v6 =	vshrl.u32 v46, $0xC;
	v54 =	vshll.u32 v49, $0x3  }
0x10c: {  	v55 =	vand.u32 $0xFFFF8000, v49;
	v56 =	vshrl.u32 v49, $0xC;
	v57 =	vshll.u32 v50, $0x3  }
0x10d: {  	v11 =	vand.u32 $0xFFFF8000, v50;
	v59 =	vshll.u32 v9, $0x3;
	v60 =	vshrl.u32 v9, $0xC  }
0x10e: {  	v62 =	vshll.u32 v10, $0x3;
	v63 =	vshrl.u32 v10, $0xC;
	v4 =	vand.u32 $0x7FF8, v43  }
0x10f: {  	v1 =	vand.u32 $0x7, v1;
	v5 =	vand.u32 $0x7FF8, v45;
	v2 =	vand.u32 $0x7, v2  }
0x110: {  	v3 =	vand.u32 $0x7, v3;
	v53 =	vand.u32 $0x7, v6;
	v6 =	vand.u32 $0x7FF8, v54  }
0x111: {  	v7 =	vand.u32 $0x7FF8, v57;
	v61 =	vand.u32 $0x7, v60;
	v4 =	vor.u32 v44, v4  }
0x112: {  	v1 =	vor.u32 v1, v4;
	v4 =	vor.u32 v47, v5;
	v5 =	vand.u32 $0x7FF8, v48  }
0x113: {  	v5 =	vor.u32 v8, v5;
	v2 =	vor.u32 v2, v4;
	v4 =	vand.u32 $0x7FF8, v51  }
0x114: {  	v8 =	vshrl.u32 v50, $0xC;
	[tilespmem:s8+$0x380] =	vst v1;
	v1 =	vor.u32 v11, v7;
	v3 =	vor.u32 v3, v5  }
0x115: {  	v4 =	vor.u32 v52, v4;
	v5 =	vor.u32 v55, v6;
	v6 =	vand.u32 $0x7, v56;
	[tilespmem:s8+$0x390] =	vst v2  }
0x116: {  	v58 =	vand.u32 $0x7, v8;
	v4 =	vor.u32 v53, v4;
	v2 =	vor.u32 v6, v5;
	[tilespmem:s8+$0x3A0] =	vst v3  }
0x117: {  	v1 =	vor.u32 v58, v1;
	v3 =	vand.u32 $0xFFFF8000, v9;
	v5 =	vand.u32 $0x7FF8, v59;
	[tilespmem:s8+$0x3B0] =	vst v4  }
0x118: {  	v3 =	vor.u32 v3, v5;
	[tilespmem:s8+$0x3C0] =	vst v2;
	v2 =	vand.u32 $0xFFFF8000, v10;
	v5 =	vand.u32 $0x7FF8, v62  }
0x119: {  	[tilespmem:s8+$0x3D0] =	vst v1;
	v1 =	vor.u32 v61, v3;
	v2 =	vor.u32 v2, v5;
	v3 =	vand.u32 $0x7, v63  }
0x11a: {  	[tilespmem:s8+$0x3E0] =	vst v1;
	v1 =	vor.u32 v3, v2  }
0x11b: {  	s14 =	sadd.s32 $0x380, s8;
	[tilespmem:s8+$0x3F0] =	vst v1  }
0x11c: {  	[tilespmem:s23], [sflag:$0x8] =	stream.indirect.gather [hbm4b:s3+s7], $0x10, s14, s7, $0xb8;
	[tilespmem:$0xAC00] =	vst v63  }
0x11d: {  	s12 =	simm.s32 $0x0;
	s14 =	simm.s32 $0x200  }
.LBB2_7:
0x11e: {  	p0 =	sne.s32 s14, $0x1E00;
	v1 =	vld [tilespmem:s12+$0x6C70]  }
0x11f: {  	v2 =	vld [tilespmem:s12+$0x6C00]  }
0x120: {  	v3 =	vld [tilespmem:s12+$0x6C10]  }
0x121: {  	v4 =	vld [tilespmem:s12+$0x6C20]  }
0x122: {  	v5 =	vld [tilespmem:s12+$0x6C30]  }
0x123: {  	[tilespmem:s12+$0xA470] =	vst.add.f32.msk $0xffff, v1  }
0x124: {  	v1 =	vld [tilespmem:s12+$0x6C40]  }
0x125: {  	v6 =	vld [tilespmem:s12+$0x6C50]  }
0x126: {  	v7 =	vld [tilespmem:s12+$0x6C60]  }
0x127: {  	[tilespmem:s12+$0xA400] =	vst.add.f32.msk $0xffff, v2  }
0x128: {  	[tilespmem:s12+$0xA410] =	vst.add.f32.msk $0xffff, v3  }
.Ltmp2:
0x129: {  	[tilespmem:s12+$0xA420] =	vst.add.f32.msk $0xffff, v4;
	(pc) =	sbr.rel @p0 .LBB2_7-.Ltmp2, $4  }
0x12a: {  	[tilespmem:s12+$0xA430] =	vst.add.f32.msk $0xffff, v5  }
0x12b: {  	[tilespmem:s12+$0xA440] =	vst.add.f32.msk $0xffff, v1  }
0x12c: {  	[tilespmem:s12+$0xA450] =	vst.add.f32.msk $0xffff, v6  }
0x12d: {  	[tilespmem:s12+$0xA460] =	vst.add.f32.msk $0xffff, v7;
	s12 =	sshra.s32 s14, $0x2;
	s14 =	sadd.s32 $0x200, s14  }
0x12e: {  	v1 =	vld [tilespmem:s12+$0x6C70]  }
0x12f: {  	v2 =	vld [tilespmem:s12+$0x6C00]  }
0x130: {  	v3 =	vld [tilespmem:s12+$0x6C10]  }
0x131: {  	v4 =	vld [tilespmem:s12+$0x6C20]  }
0x132: {  	v5 =	vld [tilespmem:s12+$0x6C30]  }
0x133: {  	v6 =	vld [tilespmem:s12+$0x6C50]  }
0x134: {  	v7 =	vld [tilespmem:s12+$0x6C60]  }
0x135: {  	[tilespmem:s12+$0xA470] =	vst.add.f32.msk $0xffff, v1  }
0x136: {  	v1 =	vld [tilespmem:s12+$0x6C40]  }
0x137: {  	[tilespmem:s12+$0xA400] =	vst.add.f32.msk $0xffff, v2  }
0x138: {  	[tilespmem:s12+$0xA410] =	vst.add.f32.msk $0xffff, v3  }
0x139: {  	[tilespmem:s12+$0xA420] =	vst.add.f32.msk $0xffff, v4  }
0x13a: {  	[tilespmem:s12+$0xA430] =	vst.add.f32.msk $0xffff, v5  }
0x13b: {  	p0 =	seq.s32 s0, $0x18;
	[tilespmem:s12+$0xA450] =	vst.add.f32.msk $0xffff, v6  }
.Ltmp3:
0x13c: {  	[tilespmem:s12+$0xA460] =	vst.add.f32.msk $0xffff, v7;
	(pc) =	sbr.rel @p0 .LBB2_10-.Ltmp3, $4  }
0x13d: {  	[tilespmem:s12+$0xA440] =	vst.add.f32.msk $0xffff, v1  }
0x13e: {  	_ =	swait.ge [sflag:s24], $0x800  }
0x13f: {  	[sflag:s24] =	ssyncset.done $0x0  }
0x140: {  	[sflag:s24] =	ssyncadd.s32 $0xFFFFF800  }
0x141: {  	v1 =	vld [tilespmem:s8+$0x400]  }
0x142: {  	v2 =	vld [tilespmem:s8+$0x410]  }
0x143: {  	v3 =	vld [tilespmem:s8+$0x420]  }
0x144: {  	v6 =	vld [tilespmem:s8+$0x430]  }
0x145: {  	v7 =	vld [tilespmem:s8+$0x440]  }
0x146: {  	v50 =	vld [tilespmem:s8+$0x450];
	v4 =	vshll.u32 v1, $0x3  }
0x147: {  	v9 =	vld [tilespmem:s8+$0x460];
	v5 =	vand.u32 $0xFFFF8000, v1;
	v1 =	vshrl.u32 v1, $0xC;
	v47 =	vshll.u32 v2, $0x3  }
0x148: {  	v10 =	vld [tilespmem:s8+$0x470];
	v48 =	vand.u32 $0xFFFF8000, v2;
	v2 =	vshrl.u32 v2, $0xC;
	v49 =	vshll.u32 v3, $0x3  }
0x149: {  	v8 =	vand.u32 $0xFFFF8000, v3;
	v3 =	vshrl.u32 v3, $0xC;
	v51 =	vshll.u32 v6, $0x3  }
0x14a: {  	v52 =	vand.u32 $0xFFFF8000, v6;
	v6 =	vshrl.u32 v6, $0xC;
	v54 =	vshll.u32 v7, $0x3  }
0x14b: {  	v55 =	vand.u32 $0xFFFF8000, v7;
	v56 =	vshrl.u32 v7, $0xC;
	v57 =	vshll.u32 v50, $0x3  }
0x14c: {  	v11 =	vand.u32 $0xFFFF8000, v50;
	v59 =	vshll.u32 v9, $0x3;
	v60 =	vshrl.u32 v9, $0xC  }
0x14d: {  	v62 =	vshll.u32 v10, $0x3;
	v63 =	vshrl.u32 v10, $0xC;
	v4 =	vand.u32 $0x7FF8, v4  }
0x14e: {  	v1 =	vand.u32 $0x7, v1;
	v2 =	vand.u32 $0x7, v2;
	v3 =	vand.u32 $0x7, v3  }
0x14f: {  	v53 =	vand.u32 $0x7, v6;
	v6 =	vand.u32 $0x7FF8, v54;
	v7 =	vand.u32 $0x7FF8, v57  }
0x150: {  	v61 =	vand.u32 $0x7, v60;
	v4 =	vor.u32 v5, v4;
	v5 =	vand.u32 $0x7FF8, v47  }
0x151: {  	v1 =	vor.u32 v1, v4;
	v4 =	vor.u32 v48, v5;
	v5 =	vand.u32 $0x7FF8, v49  }
0x152: {  	v5 =	vor.u32 v8, v5;
	v2 =	vor.u32 v2, v4;
	v4 =	vand.u32 $0x7FF8, v51  }
0x153: {  	v8 =	vshrl.u32 v50, $0xC;
	[tilespmem:s8+$0x400] =	vst v1;
	v1 =	vor.u32 v11, v7;
	v3 =	vor.u32 v3, v5  }
0x154: {  	v4 =	vor.u32 v52, v4;
	v5 =	vor.u32 v55, v6;
	v6 =	vand.u32 $0x7, v56;
	[tilespmem:s8+$0x410] =	vst v2  }
0x155: {  	v58 =	vand.u32 $0x7, v8;
	v4 =	vor.u32 v53, v4;
	v2 =	vor.u32 v6, v5;
	[tilespmem:s8+$0x420] =	vst v3  }
0x156: {  	v1 =	vor.u32 v58, v1;
	v3 =	vand.u32 $0xFFFF8000, v9;
	v5 =	vand.u32 $0x7FF8, v59;
	[tilespmem:s8+$0x430] =	vst v4  }
0x157: {  	v3 =	vor.u32 v3, v5;
	[tilespmem:s8+$0x440] =	vst v2;
	v2 =	vand.u32 $0xFFFF8000, v10;
	v5 =	vand.u32 $0x7FF8, v62  }
0x158: {  	[tilespmem:s8+$0x450] =	vst v1;
	v1 =	vor.u32 v61, v3;
	v2 =	vor.u32 v2, v5;
	v3 =	vand.u32 $0x7, v63  }
0x159: {  	[tilespmem:s8+$0x460] =	vst v1;
	v1 =	vor.u32 v3, v2  }
0x15a: {  	s12 =	sadd.s32 $0x400, s8;
	[tilespmem:s8+$0x470] =	vst v1  }
0x15b: {  	[tilespmem:s10], [sflag:$0x1] =	stream.indirect.gather [hbm4b:s3+s7], $0x10, s12, s7, $0xb8;
	[tilespmem:$0xAC00] =	vst v63  }
.LBB2_10:
0x15c: {  	s12 =	simm.s32 $0x0;
	s14 =	simm.s32 $0x200  }
.LBB2_11:
0x15d: {  	p1 =	sne.s32 s14, $0x1E00;
	v1 =	vld [tilespmem:s12+$0x7470]  }
0x15e: {  	v2 =	vld [tilespmem:s12+$0x7400]  }
0x15f: {  	v3 =	vld [tilespmem:s12+$0x7410]  }
0x160: {  	v4 =	vld [tilespmem:s12+$0x7420]  }
0x161: {  	v5 =	vld [tilespmem:s12+$0x7430]  }
0x162: {  	[tilespmem:s12+$0xA470] =	vst.add.f32.msk $0xffff, v1  }
0x163: {  	v1 =	vld [tilespmem:s12+$0x7440]  }
0x164: {  	v6 =	vld [tilespmem:s12+$0x7450]  }
0x165: {  	v7 =	vld [tilespmem:s12+$0x7460]  }
0x166: {  	[tilespmem:s12+$0xA400] =	vst.add.f32.msk $0xffff, v2  }
0x167: {  	[tilespmem:s12+$0xA410] =	vst.add.f32.msk $0xffff, v3  }
.Ltmp4:
0x168: {  	[tilespmem:s12+$0xA420] =	vst.add.f32.msk $0xffff, v4;
	(pc) =	sbr.rel @p1 .LBB2_11-.Ltmp4, $4  }
0x169: {  	[tilespmem:s12+$0xA430] =	vst.add.f32.msk $0xffff, v5  }
0x16a: {  	[tilespmem:s12+$0xA440] =	vst.add.f32.msk $0xffff, v1  }
0x16b: {  	[tilespmem:s12+$0xA450] =	vst.add.f32.msk $0xffff, v6  }
0x16c: {  	[tilespmem:s12+$0xA460] =	vst.add.f32.msk $0xffff, v7;
	s12 =	sshra.s32 s14, $0x2;
	s14 =	sadd.s32 $0x200, s14  }
0x16d: {  	v1 =	vld [tilespmem:s12+$0x7470]  }
0x16e: {  	v2 =	vld [tilespmem:s12+$0x7400]  }
0x16f: {  	v3 =	vld [tilespmem:s12+$0x7410]  }
0x170: {  	v4 =	vld [tilespmem:s12+$0x7420]  }
0x171: {  	v5 =	vld [tilespmem:s12+$0x7430]  }
0x172: {  	v6 =	vld [tilespmem:s12+$0x7450]  }
0x173: {  	v7 =	vld [tilespmem:s12+$0x7460]  }
0x174: {  	[tilespmem:s12+$0xA470] =	vst.add.f32.msk $0xffff, v1  }
0x175: {  	v1 =	vld [tilespmem:s12+$0x7440]  }
0x176: {  	[tilespmem:s12+$0xA400] =	vst.add.f32.msk $0xffff, v2  }
0x177: {  	[tilespmem:s12+$0xA410] =	vst.add.f32.msk $0xffff, v3  }
0x178: {  	[tilespmem:s12+$0xA420] =	vst.add.f32.msk $0xffff, v4  }
0x179: {  	[tilespmem:s12+$0xA430] =	vst.add.f32.msk $0xffff, v5  }
0x17a: {  	[tilespmem:s12+$0xA450] =	vst.add.f32.msk $0xffff, v6  }
.Ltmp5:
0x17b: {  	[tilespmem:s12+$0xA460] =	vst.add.f32.msk $0xffff, v7;
	(pc) =	sbr.rel @p0 .LBB2_14-.Ltmp5, $4  }
0x17c: {  	[tilespmem:s12+$0xA440] =	vst.add.f32.msk $0xffff, v1  }
0x17d: {  	_ =	swait.ge [sflag:s25], $0x800  }
0x17e: {  	[sflag:s25] =	ssyncset.done $0x0  }
0x17f: {  	[sflag:s25] =	ssyncadd.s32 $0xFFFFF800  }
0x180: {  	v1 =	vld [tilespmem:s8+$0x480]  }
0x181: {  	v2 =	vld [tilespmem:s8+$0x490]  }
0x182: {  	v3 =	vld [tilespmem:s8+$0x4A0]  }
0x183: {  	v6 =	vld [tilespmem:s8+$0x4B0]  }
0x184: {  	v7 =	vld [tilespmem:s8+$0x4C0]  }
0x185: {  	v50 =	vld [tilespmem:s8+$0x4D0];
	v4 =	vshll.u32 v1, $0x3  }
0x186: {  	v9 =	vld [tilespmem:s8+$0x4E0];
	v5 =	vand.u32 $0xFFFF8000, v1;
	v1 =	vshrl.u32 v1, $0xC;
	v47 =	vshll.u32 v2, $0x3  }
0x187: {  	v10 =	vld [tilespmem:s8+$0x4F0];
	v48 =	vand.u32 $0xFFFF8000, v2;
	v2 =	vshrl.u32 v2, $0xC;
	v49 =	vshll.u32 v3, $0x3  }
0x188: {  	v8 =	vand.u32 $0xFFFF8000, v3;
	v3 =	vshrl.u32 v3, $0xC;
	v51 =	vshll.u32 v6, $0x3  }
0x189: {  	v52 =	vand.u32 $0xFFFF8000, v6;
	v6 =	vshrl.u32 v6, $0xC;
	v54 =	vshll.u32 v7, $0x3  }
0x18a: {  	v55 =	vand.u32 $0xFFFF8000, v7;
	v56 =	vshrl.u32 v7, $0xC;
	v57 =	vshll.u32 v50, $0x3  }
0x18b: {  	v11 =	vand.u32 $0xFFFF8000, v50;
	v59 =	vshll.u32 v9, $0x3;
	v60 =	vshrl.u32 v9, $0xC  }
0x18c: {  	v62 =	vshll.u32 v10, $0x3;
	v63 =	vshrl.u32 v10, $0xC;
	v4 =	vand.u32 $0x7FF8, v4  }
0x18d: {  	v1 =	vand.u32 $0x7, v1;
	v2 =	vand.u32 $0x7, v2;
	v3 =	vand.u32 $0x7, v3  }
0x18e: {  	v53 =	vand.u32 $0x7, v6;
	v6 =	vand.u32 $0x7FF8, v54;
	v7 =	vand.u32 $0x7FF8, v57  }
0x18f: {  	v61 =	vand.u32 $0x7, v60;
	v4 =	vor.u32 v5, v4;
	v5 =	vand.u32 $0x7FF8, v47  }
0x190: {  	v1 =	vor.u32 v1, v4;
	v4 =	vor.u32 v48, v5;
	v5 =	vand.u32 $0x7FF8, v49  }
0x191: {  	v5 =	vor.u32 v8, v5;
	v2 =	vor.u32 v2, v4;
	v4 =	vand.u32 $0x7FF8, v51  }
0x192: {  	v8 =	vshrl.u32 v50, $0xC;
	[tilespmem:s8+$0x480] =	vst v1;
	v1 =	vor.u32 v11, v7;
	v3 =	vor.u32 v3, v5  }
0x193: {  	v4 =	vor.u32 v52, v4;
	v5 =	vor.u32 v55, v6;
	v6 =	vand.u32 $0x7, v56;
	[tilespmem:s8+$0x490] =	vst v2  }
0x194: {  	v58 =	vand.u32 $0x7, v8;
	v4 =	vor.u32 v53, v4;
	v2 =	vor.u32 v6, v5;
	[tilespmem:s8+$0x4A0] =	vst v3  }
0x195: {  	v1 =	vor.u32 v58, v1;
	v3 =	vand.u32 $0xFFFF8000, v9;
	v5 =	vand.u32 $0x7FF8, v59;
	[tilespmem:s8+$0x4B0] =	vst v4  }
0x196: {  	v3 =	vor.u32 v3, v5;
	[tilespmem:s8+$0x4C0] =	vst v2;
	v2 =	vand.u32 $0xFFFF8000, v10;
	v5 =	vand.u32 $0x7FF8, v62  }
0x197: {  	[tilespmem:s8+$0x4D0] =	vst v1;
	v1 =	vor.u32 v61, v3;
	v2 =	vor.u32 v2, v5;
	v3 =	vand.u32 $0x7, v63  }
0x198: {  	[tilespmem:s8+$0x4E0] =	vst v1;
	v1 =	vor.u32 v3, v2  }
0x199: {  	s12 =	sadd.s32 $0x480, s8;
	[tilespmem:s8+$0x4F0] =	vst v1  }
0x19a: {  	[tilespmem:s11], [sflag:$0x2] =	stream.indirect.gather [hbm4b:s3+s7], $0x10, s12, s7, $0xb8;
	[tilespmem:$0xAC00] =	vst v63  }
.LBB2_14:
0x19b: {  	s12 =	simm.s32 $0x0;
	s14 =	simm.s32 $0x200  }
.LBB2_15:
0x19c: {  	p1 =	sne.s32 s14, $0x1E00;
	v1 =	vld [tilespmem:s12+$0x7C70]  }
0x19d: {  	v2 =	vld [tilespmem:s12+$0x7C00]  }
0x19e: {  	v3 =	vld [tilespmem:s12+$0x7C10]  }
0x19f: {  	v4 =	vld [tilespmem:s12+$0x7C20]  }
0x1a0: {  	v5 =	vld [tilespmem:s12+$0x7C30]  }
0x1a1: {  	[tilespmem:s12+$0xA470] =	vst.add.f32.msk $0xffff, v1  }
0x1a2: {  	v1 =	vld [tilespmem:s12+$0x7C40]  }
0x1a3: {  	v6 =	vld [tilespmem:s12+$0x7C50]  }
0x1a4: {  	v7 =	vld [tilespmem:s12+$0x7C60]  }
0x1a5: {  	[tilespmem:s12+$0xA400] =	vst.add.f32.msk $0xffff, v2  }
0x1a6: {  	[tilespmem:s12+$0xA410] =	vst.add.f32.msk $0xffff, v3  }
.Ltmp6:
0x1a7: {  	[tilespmem:s12+$0xA420] =	vst.add.f32.msk $0xffff, v4;
	(pc) =	sbr.rel @p1 .LBB2_15-.Ltmp6, $4  }
0x1a8: {  	[tilespmem:s12+$0xA430] =	vst.add.f32.msk $0xffff, v5  }
0x1a9: {  	[tilespmem:s12+$0xA440] =	vst.add.f32.msk $0xffff, v1  }
0x1aa: {  	[tilespmem:s12+$0xA450] =	vst.add.f32.msk $0xffff, v6  }
0x1ab: {  	[tilespmem:s12+$0xA460] =	vst.add.f32.msk $0xffff, v7;
	s12 =	sshra.s32 s14, $0x2;
	s14 =	sadd.s32 $0x200, s14  }
0x1ac: {  	v1 =	vld [tilespmem:s12+$0x7C70]  }
0x1ad: {  	v2 =	vld [tilespmem:s12+$0x7C00]  }
0x1ae: {  	v3 =	vld [tilespmem:s12+$0x7C10]  }
0x1af: {  	v4 =	vld [tilespmem:s12+$0x7C20]  }
0x1b0: {  	v5 =	vld [tilespmem:s12+$0x7C30]  }
0x1b1: {  	v6 =	vld [tilespmem:s12+$0x7C50]  }
0x1b2: {  	v7 =	vld [tilespmem:s12+$0x7C60]  }
0x1b3: {  	[tilespmem:s12+$0xA470] =	vst.add.f32.msk $0xffff, v1  }
0x1b4: {  	v1 =	vld [tilespmem:s12+$0x7C40]  }
0x1b5: {  	[tilespmem:s12+$0xA400] =	vst.add.f32.msk $0xffff, v2  }
0x1b6: {  	[tilespmem:s12+$0xA410] =	vst.add.f32.msk $0xffff, v3  }
0x1b7: {  	[tilespmem:s12+$0xA420] =	vst.add.f32.msk $0xffff, v4  }
0x1b8: {  	[tilespmem:s12+$0xA430] =	vst.add.f32.msk $0xffff, v5  }
0x1b9: {  	[tilespmem:s12+$0xA450] =	vst.add.f32.msk $0xffff, v6  }
.Ltmp7:
0x1ba: {  	[tilespmem:s12+$0xA460] =	vst.add.f32.msk $0xffff, v7;
	(pc) =	sbr.rel @p0 .LBB2_18-.Ltmp7, $4  }
0x1bb: {  	[tilespmem:s12+$0xA440] =	vst.add.f32.msk $0xffff, v1  }
0x1bc: {  	_ =	swait.ge [sflag:s26], $0x800  }
0x1bd: {  	[sflag:s26] =	ssyncset.done $0x0  }
0x1be: {  	[sflag:s26] =	ssyncadd.s32 $0xFFFFF800  }
0x1bf: {  	v1 =	vld [tilespmem:s8+$0x500]  }
0x1c0: {  	v2 =	vld [tilespmem:s8+$0x510]  }
0x1c1: {  	v3 =	vld [tilespmem:s8+$0x520]  }
0x1c2: {  	v6 =	vld [tilespmem:s8+$0x530]  }
0x1c3: {  	v7 =	vld [tilespmem:s8+$0x540]  }
0x1c4: {  	v50 =	vld [tilespmem:s8+$0x550];
	v4 =	vshll.u32 v1, $0x3  }
0x1c5: {  	v9 =	vld [tilespmem:s8+$0x560];
	v5 =	vand.u32 $0xFFFF8000, v1;
	v1 =	vshrl.u32 v1, $0xC;
	v47 =	vshll.u32 v2, $0x3  }
0x1c6: {  	v10 =	vld [tilespmem:s8+$0x570];
	v48 =	vand.u32 $0xFFFF8000, v2;
	v2 =	vshrl.u32 v2, $0xC;
	v49 =	vshll.u32 v3, $0x3  }
0x1c7: {  	v8 =	vand.u32 $0xFFFF8000, v3;
	v3 =	vshrl.u32 v3, $0xC;
	v51 =	vshll.u32 v6, $0x3  }
0x1c8: {  	v52 =	vand.u32 $0xFFFF8000, v6;
	v6 =	vshrl.u32 v6, $0xC;
	v54 =	vshll.u32 v7, $0x3  }
0x1c9: {  	v55 =	vand.u32 $0xFFFF8000, v7;
	v56 =	vshrl.u32 v7, $0xC;
	v57 =	vshll.u32 v50, $0x3  }
0x1ca: {  	v11 =	vand.u32 $0xFFFF8000, v50;
	v59 =	vshll.u32 v9, $0x3;
	v60 =	vshrl.u32 v9, $0xC  }
0x1cb: {  	v62 =	vshll.u32 v10, $0x3;
	v63 =	vshrl.u32 v10, $0xC;
	v4 =	vand.u32 $0x7FF8, v4  }
0x1cc: {  	v1 =	vand.u32 $0x7, v1;
	v2 =	vand.u32 $0x7, v2;
	v3 =	vand.u32 $0x7, v3  }
0x1cd: {  	v53 =	vand.u32 $0x7, v6;
	v6 =	vand.u32 $0x7FF8, v54;
	v7 =	vand.u32 $0x7FF8, v57  }
0x1ce: {  	v61 =	vand.u32 $0x7, v60;
	v4 =	vor.u32 v5, v4;
	v5 =	vand.u32 $0x7FF8, v47  }
0x1cf: {  	v1 =	vor.u32 v1, v4;
	v4 =	vor.u32 v48, v5;
	v5 =	vand.u32 $0x7FF8, v49  }
0x1d0: {  	v5 =	vor.u32 v8, v5;
	v2 =	vor.u32 v2, v4;
	v4 =	vand.u32 $0x7FF8, v51  }
0x1d1: {  	v8 =	vshrl.u32 v50, $0xC;
	[tilespmem:s8+$0x500] =	vst v1;
	v1 =	vor.u32 v11, v7;
	v3 =	vor.u32 v3, v5  }
0x1d2: {  	v4 =	vor.u32 v52, v4;
	v5 =	vor.u32 v55, v6;
	v6 =	vand.u32 $0x7, v56;
	[tilespmem:s8+$0x510] =	vst v2  }
0x1d3: {  	v58 =	vand.u32 $0x7, v8;
	v4 =	vor.u32 v53, v4;
	v2 =	vor.u32 v6, v5;
	[tilespmem:s8+$0x520] =	vst v3  }
0x1d4: {  	v1 =	vor.u32 v58, v1;
	v3 =	vand.u32 $0xFFFF8000, v9;
	v5 =	vand.u32 $0x7FF8, v59;
	[tilespmem:s8+$0x530] =	vst v4  }
0x1d5: {  	v3 =	vor.u32 v3, v5;
	[tilespmem:s8+$0x540] =	vst v2;
	v2 =	vand.u32 $0xFFFF8000, v10;
	v5 =	vand.u32 $0x7FF8, v62  }
0x1d6: {  	[tilespmem:s8+$0x550] =	vst v1;
	v1 =	vor.u32 v61, v3;
	v2 =	vor.u32 v2, v5;
	v3 =	vand.u32 $0x7, v63  }
0x1d7: {  	[tilespmem:s8+$0x560] =	vst v1;
	v1 =	vor.u32 v3, v2  }
0x1d8: {  	s12 =	sadd.s32 $0x500, s8;
	[tilespmem:s8+$0x570] =	vst v1  }
0x1d9: {  	[tilespmem:s13], [sflag:$0x3] =	stream.indirect.gather [hbm4b:s3+s7], $0x10, s12, s7, $0xb8;
	[tilespmem:$0xAC00] =	vst v63  }
.LBB2_18:
0x1da: {  	s12 =	simm.s32 $0x0;
	s14 =	simm.s32 $0x200  }
.LBB2_19:
0x1db: {  	p1 =	sne.s32 s14, $0x1E00;
	v1 =	vld [tilespmem:s12+$0x8470]  }
0x1dc: {  	v2 =	vld [tilespmem:s12+$0x8400]  }
0x1dd: {  	v3 =	vld [tilespmem:s12+$0x8410]  }
0x1de: {  	v4 =	vld [tilespmem:s12+$0x8420]  }
0x1df: {  	v5 =	vld [tilespmem:s12+$0x8430]  }
0x1e0: {  	[tilespmem:s12+$0xA470] =	vst.add.f32.msk $0xffff, v1  }
0x1e1: {  	v1 =	vld [tilespmem:s12+$0x8440]  }
0x1e2: {  	v6 =	vld [tilespmem:s12+$0x8450]  }
0x1e3: {  	v7 =	vld [tilespmem:s12+$0x8460]  }
0x1e4: {  	[tilespmem:s12+$0xA400] =	vst.add.f32.msk $0xffff, v2  }
0x1e5: {  	[tilespmem:s12+$0xA410] =	vst.add.f32.msk $0xffff, v3  }
.Ltmp8:
0x1e6: {  	[tilespmem:s12+$0xA420] =	vst.add.f32.msk $0xffff, v4;
	(pc) =	sbr.rel @p1 .LBB2_19-.Ltmp8, $4  }
0x1e7: {  	[tilespmem:s12+$0xA430] =	vst.add.f32.msk $0xffff, v5  }
0x1e8: {  	[tilespmem:s12+$0xA440] =	vst.add.f32.msk $0xffff, v1  }
0x1e9: {  	[tilespmem:s12+$0xA450] =	vst.add.f32.msk $0xffff, v6  }
0x1ea: {  	[tilespmem:s12+$0xA460] =	vst.add.f32.msk $0xffff, v7;
	s12 =	sshra.s32 s14, $0x2;
	s14 =	sadd.s32 $0x200, s14  }
0x1eb: {  	v1 =	vld [tilespmem:s12+$0x8470]  }
0x1ec: {  	v2 =	vld [tilespmem:s12+$0x8400]  }
0x1ed: {  	v3 =	vld [tilespmem:s12+$0x8410]  }
0x1ee: {  	v4 =	vld [tilespmem:s12+$0x8420]  }
0x1ef: {  	v5 =	vld [tilespmem:s12+$0x8430]  }
0x1f0: {  	v6 =	vld [tilespmem:s12+$0x8450]  }
0x1f1: {  	v7 =	vld [tilespmem:s12+$0x8460]  }
0x1f2: {  	[tilespmem:s12+$0xA470] =	vst.add.f32.msk $0xffff, v1  }
0x1f3: {  	v1 =	vld [tilespmem:s12+$0x8440]  }
0x1f4: {  	[tilespmem:s12+$0xA400] =	vst.add.f32.msk $0xffff, v2  }
0x1f5: {  	[tilespmem:s12+$0xA410] =	vst.add.f32.msk $0xffff, v3  }
0x1f6: {  	[tilespmem:s12+$0xA420] =	vst.add.f32.msk $0xffff, v4  }
0x1f7: {  	[tilespmem:s12+$0xA430] =	vst.add.f32.msk $0xffff, v5  }
0x1f8: {  	[tilespmem:s12+$0xA450] =	vst.add.f32.msk $0xffff, v6  }
.Ltmp9:
0x1f9: {  	[tilespmem:s12+$0xA460] =	vst.add.f32.msk $0xffff, v7;
	(pc) =	sbr.rel @p0 .LBB2_22-.Ltmp9, $4  }
0x1fa: {  	[tilespmem:s12+$0xA440] =	vst.add.f32.msk $0xffff, v1  }
0x1fb: {  	_ =	swait.ge [sflag:s28], $0x800  }
0x1fc: {  	[sflag:s28] =	ssyncset.done $0x0  }
0x1fd: {  	[sflag:s28] =	ssyncadd.s32 $0xFFFFF800  }
0x1fe: {  	v1 =	vld [tilespmem:s8+$0x580]  }
0x1ff: {  	v2 =	vld [tilespmem:s8+$0x590]  }
0x200: {  	v3 =	vld [tilespmem:s8+$0x5A0]  }
0x201: {  	v6 =	vld [tilespmem:s8+$0x5B0]  }
0x202: {  	v7 =	vld [tilespmem:s8+$0x5C0]  }
0x203: {  	v50 =	vld [tilespmem:s8+$0x5D0];
	v4 =	vshll.u32 v1, $0x3  }
0x204: {  	v9 =	vld [tilespmem:s8+$0x5E0];
	v5 =	vand.u32 $0xFFFF8000, v1;
	v1 =	vshrl.u32 v1, $0xC;
	v47 =	vshll.u32 v2, $0x3  }
0x205: {  	v10 =	vld [tilespmem:s8+$0x5F0];
	v48 =	vand.u32 $0xFFFF8000, v2;
	v2 =	vshrl.u32 v2, $0xC;
	v49 =	vshll.u32 v3, $0x3  }
0x206: {  	v8 =	vand.u32 $0xFFFF8000, v3;
	v3 =	vshrl.u32 v3, $0xC;
	v51 =	vshll.u32 v6, $0x3  }
0x207: {  	v52 =	vand.u32 $0xFFFF8000, v6;
	v6 =	vshrl.u32 v6, $0xC;
	v54 =	vshll.u32 v7, $0x3  }
0x208: {  	v55 =	vand.u32 $0xFFFF8000, v7;
	v56 =	vshrl.u32 v7, $0xC;
	v57 =	vshll.u32 v50, $0x3  }
0x209: {  	v11 =	vand.u32 $0xFFFF8000, v50;
	v59 =	vshll.u32 v9, $0x3;
	v60 =	vshrl.u32 v9, $0xC  }
0x20a: {  	v62 =	vshll.u32 v10, $0x3;
	v63 =	vshrl.u32 v10, $0xC;
	v4 =	vand.u32 $0x7FF8, v4  }
0x20b: {  	v1 =	vand.u32 $0x7, v1;
	v2 =	vand.u32 $0x7, v2;
	v3 =	vand.u32 $0x7, v3  }
0x20c: {  	v53 =	vand.u32 $0x7, v6;
	v6 =	vand.u32 $0x7FF8, v54;
	v7 =	vand.u32 $0x7FF8, v57  }
0x20d: {  	v61 =	vand.u32 $0x7, v60;
	v4 =	vor.u32 v5, v4;
	v5 =	vand.u32 $0x7FF8, v47  }
0x20e: {  	v1 =	vor.u32 v1, v4;
	v4 =	vor.u32 v48, v5;
	v5 =	vand.u32 $0x7FF8, v49  }
0x20f: {  	v5 =	vor.u32 v8, v5;
	v2 =	vor.u32 v2, v4;
	v4 =	vand.u32 $0x7FF8, v51  }
0x210: {  	v8 =	vshrl.u32 v50, $0xC;
	[tilespmem:s8+$0x580] =	vst v1;
	v1 =	vor.u32 v11, v7;
	v3 =	vor.u32 v3, v5  }
0x211: {  	v4 =	vor.u32 v52, v4;
	v5 =	vor.u32 v55, v6;
	v6 =	vand.u32 $0x7, v56;
	[tilespmem:s8+$0x590] =	vst v2  }
0x212: {  	v58 =	vand.u32 $0x7, v8;
	v4 =	vor.u32 v53, v4;
	v2 =	vor.u32 v6, v5;
	[tilespmem:s8+$0x5A0] =	vst v3  }
0x213: {  	v1 =	vor.u32 v58, v1;
	v3 =	vand.u32 $0xFFFF8000, v9;
	v5 =	vand.u32 $0x7FF8, v59;
	[tilespmem:s8+$0x5B0] =	vst v4  }
0x214: {  	v3 =	vor.u32 v3, v5;
	[tilespmem:s8+$0x5C0] =	vst v2;
	v2 =	vand.u32 $0xFFFF8000, v10;
	v5 =	vand.u32 $0x7FF8, v62  }
0x215: {  	[tilespmem:s8+$0x5D0] =	vst v1;
	v1 =	vor.u32 v61, v3;
	v2 =	vor.u32 v2, v5;
	v3 =	vand.u32 $0x7, v63  }
0x216: {  	[tilespmem:s8+$0x5E0] =	vst v1;
	v1 =	vor.u32 v3, v2  }
0x217: {  	s12 =	sadd.s32 $0x580, s8;
	[tilespmem:s8+$0x5F0] =	vst v1  }
0x218: {  	[tilespmem:s15], [sflag:$0x4] =	stream.indirect.gather [hbm4b:s3+s7], $0x10, s12, s7, $0xb8;
	[tilespmem:$0xAC00] =	vst v63  }
.LBB2_22:
0x219: {  	s12 =	simm.s32 $0x0;
	s14 =	simm.s32 $0x200  }
.LBB2_23:
0x21a: {  	p1 =	sne.s32 s14, $0x1E00;
	v1 =	vld [tilespmem:s12+$0x8C70]  }
0x21b: {  	v2 =	vld [tilespmem:s12+$0x8C00]  }
0x21c: {  	v3 =	vld [tilespmem:s12+$0x8C10]  }
0x21d: {  	v4 =	vld [tilespmem:s12+$0x8C20]  }
0x21e: {  	v5 =	vld [tilespmem:s12+$0x8C30]  }
0x21f: {  	[tilespmem:s12+$0xA470] =	vst.add.f32.msk $0xffff, v1  }
0x220: {  	v1 =	vld [tilespmem:s12+$0x8C40]  }
0x221: {  	v6 =	vld [tilespmem:s12+$0x8C50]  }
0x222: {  	v7 =	vld [tilespmem:s12+$0x8C60]  }
0x223: {  	[tilespmem:s12+$0xA400] =	vst.add.f32.msk $0xffff, v2  }
0x224: {  	[tilespmem:s12+$0xA410] =	vst.add.f32.msk $0xffff, v3  }
.Ltmp10:
0x225: {  	[tilespmem:s12+$0xA420] =	vst.add.f32.msk $0xffff, v4;
	(pc) =	sbr.rel @p1 .LBB2_23-.Ltmp10, $4  }
0x226: {  	[tilespmem:s12+$0xA430] =	vst.add.f32.msk $0xffff, v5  }
0x227: {  	[tilespmem:s12+$0xA440] =	vst.add.f32.msk $0xffff, v1  }
0x228: {  	[tilespmem:s12+$0xA450] =	vst.add.f32.msk $0xffff, v6  }
0x229: {  	[tilespmem:s12+$0xA460] =	vst.add.f32.msk $0xffff, v7;
	s12 =	sshra.s32 s14, $0x2;
	s14 =	sadd.s32 $0x200, s14  }
0x22a: {  	v1 =	vld [tilespmem:s12+$0x8C70]  }
0x22b: {  	v2 =	vld [tilespmem:s12+$0x8C00]  }
0x22c: {  	v3 =	vld [tilespmem:s12+$0x8C10]  }
0x22d: {  	v4 =	vld [tilespmem:s12+$0x8C20]  }
0x22e: {  	v5 =	vld [tilespmem:s12+$0x8C30]  }
0x22f: {  	v6 =	vld [tilespmem:s12+$0x8C50]  }
0x230: {  	v7 =	vld [tilespmem:s12+$0x8C60]  }
0x231: {  	[tilespmem:s12+$0xA470] =	vst.add.f32.msk $0xffff, v1  }
0x232: {  	v1 =	vld [tilespmem:s12+$0x8C40]  }
0x233: {  	[tilespmem:s12+$0xA400] =	vst.add.f32.msk $0xffff, v2  }
0x234: {  	[tilespmem:s12+$0xA410] =	vst.add.f32.msk $0xffff, v3  }
0x235: {  	[tilespmem:s12+$0xA420] =	vst.add.f32.msk $0xffff, v4  }
0x236: {  	[tilespmem:s12+$0xA430] =	vst.add.f32.msk $0xffff, v5  }
0x237: {  	[tilespmem:s12+$0xA450] =	vst.add.f32.msk $0xffff, v6  }
.Ltmp11:
0x238: {  	[tilespmem:s12+$0xA460] =	vst.add.f32.msk $0xffff, v7;
	(pc) =	sbr.rel @p0 .LBB2_26-.Ltmp11, $4  }
0x239: {  	[tilespmem:s12+$0xA440] =	vst.add.f32.msk $0xffff, v1  }
0x23a: {  	_ =	swait.ge [sflag:s29], $0x800  }
0x23b: {  	[sflag:s29] =	ssyncset.done $0x0  }
0x23c: {  	[sflag:s29] =	ssyncadd.s32 $0xFFFFF800  }
0x23d: {  	v1 =	vld [tilespmem:s8+$0x600]  }
0x23e: {  	v2 =	vld [tilespmem:s8+$0x610]  }
0x23f: {  	v3 =	vld [tilespmem:s8+$0x620]  }
0x240: {  	v6 =	vld [tilespmem:s8+$0x630]  }
0x241: {  	v7 =	vld [tilespmem:s8+$0x640]  }
0x242: {  	v50 =	vld [tilespmem:s8+$0x650];
	v4 =	vshll.u32 v1, $0x3  }
0x243: {  	v9 =	vld [tilespmem:s8+$0x660];
	v5 =	vand.u32 $0xFFFF8000, v1;
	v1 =	vshrl.u32 v1, $0xC;
	v47 =	vshll.u32 v2, $0x3  }
0x244: {  	v10 =	vld [tilespmem:s8+$0x670];
	v48 =	vand.u32 $0xFFFF8000, v2;
	v2 =	vshrl.u32 v2, $0xC;
	v49 =	vshll.u32 v3, $0x3  }
0x245: {  	v8 =	vand.u32 $0xFFFF8000, v3;
	v3 =	vshrl.u32 v3, $0xC;
	v51 =	vshll.u32 v6, $0x3  }
0x246: {  	v52 =	vand.u32 $0xFFFF8000, v6;
	v6 =	vshrl.u32 v6, $0xC;
	v54 =	vshll.u32 v7, $0x3  }
0x247: {  	v55 =	vand.u32 $0xFFFF8000, v7;
	v56 =	vshrl.u32 v7, $0xC;
	v57 =	vshll.u32 v50, $0x3  }
0x248: {  	v11 =	vand.u32 $0xFFFF8000, v50;
	v59 =	vshll.u32 v9, $0x3;
	v60 =	vshrl.u32 v9, $0xC  }
0x249: {  	v62 =	vshll.u32 v10, $0x3;
	v63 =	vshrl.u32 v10, $0xC;
	v4 =	vand.u32 $0x7FF8, v4  }
0x24a: {  	v1 =	vand.u32 $0x7, v1;
	v2 =	vand.u32 $0x7, v2;
	v3 =	vand.u32 $0x7, v3  }
0x24b: {  	v53 =	vand.u32 $0x7, v6;
	v6 =	vand.u32 $0x7FF8, v54;
	v7 =	vand.u32 $0x7FF8, v57  }
0x24c: {  	v61 =	vand.u32 $0x7, v60;
	v4 =	vor.u32 v5, v4;
	v5 =	vand.u32 $0x7FF8, v47  }
0x24d: {  	v1 =	vor.u32 v1, v4;
	v4 =	vor.u32 v48, v5;
	v5 =	vand.u32 $0x7FF8, v49  }
0x24e: {  	v5 =	vor.u32 v8, v5;
	v2 =	vor.u32 v2, v4;
	v4 =	vand.u32 $0x7FF8, v51  }
0x24f: {  	v8 =	vshrl.u32 v50, $0xC;
	[tilespmem:s8+$0x600] =	vst v1;
	v1 =	vor.u32 v11, v7;
	v3 =	vor.u32 v3, v5  }
0x250: {  	v4 =	vor.u32 v52, v4;
	v5 =	vor.u32 v55, v6;
	v6 =	vand.u32 $0x7, v56;
	[tilespmem:s8+$0x610] =	vst v2  }
0x251: {  	v58 =	vand.u32 $0x7, v8;
	v4 =	vor.u32 v53, v4;
	v2 =	vor.u32 v6, v5;
	[tilespmem:s8+$0x620] =	vst v3  }
0x252: {  	v1 =	vor.u32 v58, v1;
	v3 =	vand.u32 $0xFFFF8000, v9;
	v5 =	vand.u32 $0x7FF8, v59;
	[tilespmem:s8+$0x630] =	vst v4  }
0x253: {  	v3 =	vor.u32 v3, v5;
	[tilespmem:s8+$0x640] =	vst v2;
	v2 =	vand.u32 $0xFFFF8000, v10;
	v5 =	vand.u32 $0x7FF8, v62  }
0x254: {  	[tilespmem:s8+$0x650] =	vst v1;
	v1 =	vor.u32 v61, v3;
	v2 =	vor.u32 v2, v5;
	v3 =	vand.u32 $0x7, v63  }
0x255: {  	[tilespmem:s8+$0x660] =	vst v1;
	v1 =	vor.u32 v3, v2  }
0x256: {  	s12 =	sadd.s32 $0x600, s8;
	[tilespmem:s8+$0x670] =	vst v1  }
0x257: {  	[tilespmem:s17], [sflag:$0x5] =	stream.indirect.gather [hbm4b:s3+s7], $0x10, s12, s7, $0xb8;
	[tilespmem:$0xAC00] =	vst v63  }
.LBB2_26:
0x258: {  	s12 =	simm.s32 $0x0;
	s14 =	simm.s32 $0x200  }
.LBB2_27:
0x259: {  	p1 =	sne.s32 s14, $0x1E00;
	v1 =	vld [tilespmem:s12+$0x9470]  }
0x25a: {  	v2 =	vld [tilespmem:s12+$0x9400]  }
0x25b: {  	v3 =	vld [tilespmem:s12+$0x9410]  }
0x25c: {  	v4 =	vld [tilespmem:s12+$0x9420]  }
0x25d: {  	v5 =	vld [tilespmem:s12+$0x9430]  }
0x25e: {  	[tilespmem:s12+$0xA470] =	vst.add.f32.msk $0xffff, v1  }
0x25f: {  	v1 =	vld [tilespmem:s12+$0x9440]  }
0x260: {  	v6 =	vld [tilespmem:s12+$0x9450]  }
0x261: {  	v7 =	vld [tilespmem:s12+$0x9460]  }
0x262: {  	[tilespmem:s12+$0xA400] =	vst.add.f32.msk $0xffff, v2  }
0x263: {  	[tilespmem:s12+$0xA410] =	vst.add.f32.msk $0xffff, v3  }
.Ltmp12:
0x264: {  	[tilespmem:s12+$0xA420] =	vst.add.f32.msk $0xffff, v4;
	(pc) =	sbr.rel @p1 .LBB2_27-.Ltmp12, $4  }
0x265: {  	[tilespmem:s12+$0xA430] =	vst.add.f32.msk $0xffff, v5  }
0x266: {  	[tilespmem:s12+$0xA440] =	vst.add.f32.msk $0xffff, v1  }
0x267: {  	[tilespmem:s12+$0xA450] =	vst.add.f32.msk $0xffff, v6  }
0x268: {  	[tilespmem:s12+$0xA460] =	vst.add.f32.msk $0xffff, v7;
	s12 =	sshra.s32 s14, $0x2;
	s14 =	sadd.s32 $0x200, s14  }
0x269: {  	v1 =	vld [tilespmem:s12+$0x9470]  }
0x26a: {  	v2 =	vld [tilespmem:s12+$0x9400]  }
0x26b: {  	v3 =	vld [tilespmem:s12+$0x9410]  }
0x26c: {  	v4 =	vld [tilespmem:s12+$0x9420]  }
0x26d: {  	v5 =	vld [tilespmem:s12+$0x9430]  }
0x26e: {  	v6 =	vld [tilespmem:s12+$0x9450]  }
0x26f: {  	v7 =	vld [tilespmem:s12+$0x9460]  }
0x270: {  	[tilespmem:s12+$0xA470] =	vst.add.f32.msk $0xffff, v1  }
0x271: {  	v1 =	vld [tilespmem:s12+$0x9440]  }
0x272: {  	[tilespmem:s12+$0xA400] =	vst.add.f32.msk $0xffff, v2  }
0x273: {  	[tilespmem:s12+$0xA410] =	vst.add.f32.msk $0xffff, v3  }
0x274: {  	[tilespmem:s12+$0xA420] =	vst.add.f32.msk $0xffff, v4  }
0x275: {  	[tilespmem:s12+$0xA430] =	vst.add.f32.msk $0xffff, v5  }
0x276: {  	[tilespmem:s12+$0xA450] =	vst.add.f32.msk $0xffff, v6  }
.Ltmp13:
0x277: {  	[tilespmem:s12+$0xA460] =	vst.add.f32.msk $0xffff, v7;
	(pc) =	sbr.rel @p0 .LBB2_30-.Ltmp13, $4  }
0x278: {  	[tilespmem:s12+$0xA440] =	vst.add.f32.msk $0xffff, v1  }
0x279: {  	_ =	swait.ge [sflag:s30], $0x800  }
0x27a: {  	[sflag:s30] =	ssyncset.done $0x0  }
0x27b: {  	[sflag:s30] =	ssyncadd.s32 $0xFFFFF800  }
0x27c: {  	v1 =	vld [tilespmem:s8+$0x680]  }
0x27d: {  	v2 =	vld [tilespmem:s8+$0x690]  }
0x27e: {  	v3 =	vld [tilespmem:s8+$0x6A0]  }
0x27f: {  	v6 =	vld [tilespmem:s8+$0x6B0]  }
0x280: {  	v7 =	vld [tilespmem:s8+$0x6C0]  }
0x281: {  	v50 =	vld [tilespmem:s8+$0x6D0];
	v4 =	vshll.u32 v1, $0x3  }
0x282: {  	v9 =	vld [tilespmem:s8+$0x6E0];
	v5 =	vand.u32 $0xFFFF8000, v1;
	v1 =	vshrl.u32 v1, $0xC;
	v47 =	vshll.u32 v2, $0x3  }
0x283: {  	v10 =	vld [tilespmem:s8+$0x6F0];
	v48 =	vand.u32 $0xFFFF8000, v2;
	v2 =	vshrl.u32 v2, $0xC;
	v49 =	vshll.u32 v3, $0x3  }
0x284: {  	v8 =	vand.u32 $0xFFFF8000, v3;
	v3 =	vshrl.u32 v3, $0xC;
	v51 =	vshll.u32 v6, $0x3  }
0x285: {  	v52 =	vand.u32 $0xFFFF8000, v6;
	v6 =	vshrl.u32 v6, $0xC;
	v54 =	vshll.u32 v7, $0x3  }
0x286: {  	v55 =	vand.u32 $0xFFFF8000, v7;
	v56 =	vshrl.u32 v7, $0xC;
	v57 =	vshll.u32 v50, $0x3  }
0x287: {  	v11 =	vand.u32 $0xFFFF8000, v50;
	v59 =	vshll.u32 v9, $0x3;
	v60 =	vshrl.u32 v9, $0xC  }
0x288: {  	v62 =	vshll.u32 v10, $0x3;
	v63 =	vshrl.u32 v10, $0xC;
	v4 =	vand.u32 $0x7FF8, v4  }
0x289: {  	v1 =	vand.u32 $0x7, v1;
	v2 =	vand.u32 $0x7, v2;
	v3 =	vand.u32 $0x7, v3  }
0x28a: {  	v53 =	vand.u32 $0x7, v6;
	v6 =	vand.u32 $0x7FF8, v54;
	v7 =	vand.u32 $0x7FF8, v57  }
0x28b: {  	v61 =	vand.u32 $0x7, v60;
	v4 =	vor.u32 v5, v4;
	v5 =	vand.u32 $0x7FF8, v47  }
0x28c: {  	v1 =	vor.u32 v1, v4;
	v4 =	vor.u32 v48, v5;
	v5 =	vand.u32 $0x7FF8, v49  }
0x28d: {  	v5 =	vor.u32 v8, v5;
	v2 =	vor.u32 v2, v4;
	v4 =	vand.u32 $0x7FF8, v51  }
0x28e: {  	v8 =	vshrl.u32 v50, $0xC;
	[tilespmem:s8+$0x680] =	vst v1;
	v1 =	vor.u32 v11, v7;
	v3 =	vor.u32 v3, v5  }
0x28f: {  	v4 =	vor.u32 v52, v4;
	v5 =	vor.u32 v55, v6;
	v6 =	vand.u32 $0x7, v56;
	[tilespmem:s8+$0x690] =	vst v2  }
0x290: {  	v58 =	vand.u32 $0x7, v8;
	v4 =	vor.u32 v53, v4;
	v2 =	vor.u32 v6, v5;
	[tilespmem:s8+$0x6A0] =	vst v3  }
0x291: {  	v1 =	vor.u32 v58, v1;
	v3 =	vand.u32 $0xFFFF8000, v9;
	v5 =	vand.u32 $0x7FF8, v59;
	[tilespmem:s8+$0x6B0] =	vst v4  }
0x292: {  	v3 =	vor.u32 v3, v5;
	[tilespmem:s8+$0x6C0] =	vst v2;
	v2 =	vand.u32 $0xFFFF8000, v10;
	v5 =	vand.u32 $0x7FF8, v62  }
0x293: {  	[tilespmem:s8+$0x6D0] =	vst v1;
	v1 =	vor.u32 v61, v3;
	v2 =	vor.u32 v2, v5;
	v3 =	vand.u32 $0x7, v63  }
0x294: {  	[tilespmem:s8+$0x6E0] =	vst v1;
	v1 =	vor.u32 v3, v2  }
0x295: {  	s12 =	sadd.s32 $0x680, s8;
	[tilespmem:s8+$0x6F0] =	vst v1  }
0x296: {  	[tilespmem:s19], [sflag:$0x6] =	stream.indirect.gather [hbm4b:s3+s7], $0x10, s12, s7, $0xb8;
	[tilespmem:$0xAC00] =	vst v63  }
.LBB2_30:
0x297: {  	s8 =	simm.s32 $0x0;
	s12 =	simm.s32 $0x200  }
.LBB2_31:
0x298: {  	p0 =	sne.s32 s12, $0x1E00;
	v1 =	vld [tilespmem:s8+$0x9C70]  }
0x299: {  	v2 =	vld [tilespmem:s8+$0x9C00]  }
0x29a: {  	v3 =	vld [tilespmem:s8+$0x9C10]  }
0x29b: {  	v4 =	vld [tilespmem:s8+$0x9C20]  }
0x29c: {  	v5 =	vld [tilespmem:s8+$0x9C30]  }
0x29d: {  	[tilespmem:s8+$0xA470] =	vst.add.f32.msk $0xffff, v1  }
0x29e: {  	v1 =	vld [tilespmem:s8+$0x9C40]  }
0x29f: {  	v6 =	vld [tilespmem:s8+$0x9C50]  }
0x2a0: {  	v7 =	vld [tilespmem:s8+$0x9C60]  }
0x2a1: {  	[tilespmem:s8+$0xA400] =	vst.add.f32.msk $0xffff, v2  }
0x2a2: {  	[tilespmem:s8+$0xA410] =	vst.add.f32.msk $0xffff, v3  }
.Ltmp14:
0x2a3: {  	[tilespmem:s8+$0xA420] =	vst.add.f32.msk $0xffff, v4;
	(pc) =	sbr.rel @p0 .LBB2_31-.Ltmp14, $4  }
0x2a4: {  	[tilespmem:s8+$0xA430] =	vst.add.f32.msk $0xffff, v5  }
0x2a5: {  	[tilespmem:s8+$0xA440] =	vst.add.f32.msk $0xffff, v1  }
0x2a6: {  	[tilespmem:s8+$0xA450] =	vst.add.f32.msk $0xffff, v6  }
0x2a7: {  	[tilespmem:s8+$0xA460] =	vst.add.f32.msk $0xffff, v7;
	s8 =	sshra.s32 s12, $0x2;
	s12 =	sadd.s32 $0x200, s12  }
0x2a8: {  	v1 =	vld [tilespmem:s8+$0x9C70]  }
0x2a9: {  	v2 =	vld [tilespmem:s8+$0x9C00]  }
0x2aa: {  	v3 =	vld [tilespmem:s8+$0x9C10]  }
0x2ab: {  	v4 =	vld [tilespmem:s8+$0x9C20]  }
0x2ac: {  	v5 =	vld [tilespmem:s8+$0x9C30]  }
0x2ad: {  	v6 =	vld [tilespmem:s8+$0x9C50]  }
0x2ae: {  	v7 =	vld [tilespmem:s8+$0x9C60]  }
0x2af: {  	[tilespmem:s8+$0xA470] =	vst.add.f32.msk $0xffff, v1  }
0x2b0: {  	v1 =	vld [tilespmem:s8+$0x9C40]  }
0x2b1: {  	s0 =	sadd.s32 $0x1, s0;
	[tilespmem:s8+$0xA400] =	vst.add.f32.msk $0xffff, v2  }
0x2b2: {  	p0 =	sne.s32 s0, $0x19;
	[tilespmem:s8+$0xA410] =	vst.add.f32.msk $0xffff, v3  }
.Ltmp15:
0x2b3: {  	[tilespmem:s8+$0xA420] =	vst.add.f32.msk $0xffff, v4;
	(pc) =	sbr.rel @p0 .LBB2_4-.Ltmp15, $4  }
0x2b4: {  	[tilespmem:s8+$0xA430] =	vst.add.f32.msk $0xffff, v5  }
0x2b5: {  	[tilespmem:s8+$0xA450] =	vst.add.f32.msk $0xffff, v6  }
0x2b6: {  	[tilespmem:s8+$0xA460] =	vst.add.f32.msk $0xffff, v7  }
0x2b7: {  	[tilespmem:s8+$0xA440] =	vst.add.f32.msk $0xffff, v1  }
0x2b8: {  	s1 =	sadd.s32 $0x1, s1  }
0x2b9: {  	p0 =	sne.s32 s1, s6  }
.Ltmp16:
0x2ba: {  	_ = 	snop;
	(pc) =	sbr.rel @p0 .LBB2_1-.Ltmp16, $4  }
0x2bb: {  	[hbm4b:s5+s2] =	stream.linear.scatter [tilespmem:s31], [sflag:$0x9], $0x800, $0x38;
	[tilespmem:$0xAC00] =	vst v63  }
0x2bc: {  	_ =	swait.ge [sflag:s9], $0x800  }
0x2bd: {  	[sflag:s9] =	ssyncset.done $0x0  }
0x2be: {  	[sflag:s9] =	ssyncadd.s32 $0xFFFFF800  }
0x2bf: {  	_ =	sfence.sel $0x180000  }
0x2c0: {  	[bflag:$0x0] =	sbarrier.arrive $0xFFFF  }
0x2c1: {  	_ =	strace $0x90000047  }
0x2c2: {  	s0 =	stileid.u32;
	[bflag:$0x2] =	sbarrier.arrive $0xFFFF  }
0x2c3: {  	p0 =	sne.s32 s0, $0x0;
	s0 =	rddreg [dreg:$0x1]  }
0x2c4: {  	s0 =	sadd.s32 @!p0 $0x100000, s0  }
0x2c5: {  	[sflag:s0] =	ssyncadd.tile.s32 @!p0 $0x1;
	_ =	shalt  }
.Lfunc_end2:
_tile_overlayer_lowered:
.L_overlay_start_2:
0x2c6: {  	(tag) =	ssettag $0x2  }
0x2c7: {  	s0 =	rddreg [dreg:$0x0];
	s2 =	stileid.u32  }
0x2c8: {  	s1 =	rddreg [dreg:$0x1];
	p0 =	sne.s32 s2, $0x0  }
0x2c9: {  	s3 =	rddreg [dreg:$0x2];
	[bflag:$0x3] =	sbarrier.arrive $0xFFFF;
	s2 =	simm.s32 @!p0 $0x1C09  }
0x2ca: {  	[timem:s3], [sflag:s2] =	dma.local @!p0 [hbm:s0], s1  }
0x2cb: {  	s0 =	simm.s32 @!p0 $0x9  }
0x2cc: {  	_ =	swait.ge @!p0 [sflag:s0], s1  }
0x2cd: {  	s1 =	ssub.s32 @!p0 $0x0, s1;
	[sflag:s0] =	ssyncset.done @!p0 $0x0  }
0x2ce: {  	[sflag:s0] =	ssyncadd.s32 @!p0 s1  }
0x2cf: {  	[bflag:$0x3] =	sbarrier.arrive $0xFFFF  }
0x2d0: {  	_ =	shalt  }

</sc_bundles>
